<compile_context>
chip_gen: v7x
topology: tpu7x:2x2x1
jax: 0.10.2.dev20260603
libtpu: 0.0.44.dev20260713+nightly
codegen_flags: <defaults>
</compile_context>

<pallas_src>
import jax
import jax.numpy as jnp
from jax import lax
from jax.experimental import pallas as pl
from jax.experimental.pallas import tpu as pltpu
from jax.experimental.pallas import tpu_sc as plsc

N_NODES = 10000
NP = 10240
D = 256
HF = 128
E = 160000
N_TILES = 16
ROWS_PER_TILE = NP // N_TILES
RB = 1024
GRID = NP // RB

CONV_CH = 64
CONV_GRP = 40
CONV_NGRP = 4
CONV_K = 4
EPAD_TILE = CONV_CH * CONV_GRP * CONV_NGRP
EPAD = N_TILES * EPAD_TILE

_F32 = jnp.float32
_HIGH = lax.Precision.DEFAULT



DEG_CH = 40
DEG_NCH = 125
DEG_K = 5
DEG_NIT = DEG_NCH // DEG_K


def _deg_body(d1, d2, d3, o, acc, idx_v, one1_v, one2_v, one3_v, stage_v,
              s0, s1, s2, s3, s4):
    sems = (s0, s1, s2, s3, s4)
    c = lax.axis_index("c")
    s = lax.axis_index("s")
    w = s * 2 + c
    z = jnp.zeros((16,), _F32)
    one = jnp.ones((16,), _F32)

    def fill_stage(k, carry):
        def fcol(j, inner):
            stage_v[k, pl.ds(j * 16, 16)] = z
            return inner
        return lax.fori_loop(0, 3, fcol, carry)
    lax.fori_loop(0, 80, fill_stage, 0)

    for kset, buf in enumerate((one1_v, one2_v, one3_v)):
        def fill_ones(k, carry):
            for j in range(3):
                buf[k, pl.ds(j * 16, 16)] = one if j == kset else z
            return carry
        lax.fori_loop(0, DEG_CH, fill_ones, 0)

    for k in range(ROWS_PER_TILE // 80):
        r0 = pl.multiple_of(s * ROWS_PER_TILE + k * 80, 8)
        pltpu.sync_copy(stage_v, acc.at[pl.ds(r0, 80)])
    plsc.subcore_barrier()

    for d, buf in ((d1, one1_v), (d2, one2_v), (d3, one3_v)):
        pltpu.sync_copy(d.at[w], idx_v)

        def scat(i, carry):
            cps = []
            for j in range(DEG_K):
                g = i * DEG_K + j
                cps.append(pltpu.async_copy(
                    buf, acc.at[idx_v.at[g]], sems[j], add=True))
            for cp in cps:
                cp.wait()
            return carry
        lax.fori_loop(0, DEG_NIT, scat, 0)

    plsc.subcore_barrier()
    r0 = pl.multiple_of(s * ROWS_PER_TILE, 8)
    pltpu.sync_copy(acc.at[pl.ds(r0, ROWS_PER_TILE)],
                    o.at[c, pl.ds(r0, ROWS_PER_TILE)])


_deg_call = pl.kernel(
    _deg_body,
    out_type=jax.ShapeDtypeStruct((2, NP, 48), _F32),
    mesh=plsc.VectorSubcoreMesh(core_axis_name="c", subcore_axis_name="s"),
    scratch_types=[
        pltpu.VMEM_SHARED((NP, 48), _F32),
        pltpu.VMEM((DEG_NCH, DEG_CH), jnp.int32),
        pltpu.VMEM((DEG_CH, 48), _F32),
        pltpu.VMEM((DEG_CH, 48), _F32),
        pltpu.VMEM((DEG_CH, 48), _F32),
        pltpu.VMEM((80, 48), _F32),
        pltpu.SemaphoreType.DMA,
        pltpu.SemaphoreType.DMA,
        pltpu.SemaphoreType.DMA,
        pltpu.SemaphoreType.DMA,
        pltpu.SemaphoreType.DMA,
    ],
)



def _conv_body(tbl, src_hbm, dst_hbm, out, acc, sidx, didx, rows,
               g0, g1, g2, g3, t0, t1, t2, t3):
    gsem = (g0, g1, g2, g3)
    ssem = (t0, t1, t2, t3)
    c = lax.axis_index("c")
    s = lax.axis_index("s")
    z = jnp.zeros((16,), _F32)

    def zrow(r, carry):
        def zcol(j, inner):
            rows[0, r, pl.ds(j * 16, 16)] = z
            return inner
        return lax.fori_loop(0, HF // 16, zcol, carry)
    lax.fori_loop(0, CONV_CH, zrow, 0)
    for k in range(ROWS_PER_TILE // CONV_CH):
        r0 = pl.multiple_of(s * ROWS_PER_TILE + k * CONV_CH, 8)
        pltpu.sync_copy(rows.at[0], acc.at[pl.ds(r0, CONV_CH)])
    plsc.subcore_barrier()

    def gather_desc(q, j):
        return pltpu.make_async_copy(tbl.at[sidx.at[q]], rows.at[j], gsem[j])

    def scatter_desc(q, j):
        return pltpu.make_async_copy(rows.at[j], acc.at[didx.at[q]], ssem[j])

    def group(gi, carry):
        pltpu.sync_copy(src_hbm.at[c * N_TILES + s, gi], sidx)
        pltpu.sync_copy(dst_hbm.at[s, gi], didx)

        for j in range(CONV_K):
            gather_desc(j, j).start()

        def steady(it, carry2):
            for j in range(CONV_K):
                q = it * CONV_K + j
                gather_desc(q, j).wait()
                scatter_desc(q, j).start(add=True)
            for j in range(CONV_K):
                q = it * CONV_K + j
                scatter_desc(q, j).wait()
                gather_desc((it + 1) * CONV_K + j, j).start()
            return carry2
        lax.fori_loop(0, CONV_GRP // CONV_K - 1, steady, 0)

        last = CONV_GRP - CONV_K
        for j in range(CONV_K):
            gather_desc(last + j, j).wait()
            scatter_desc(last + j, j).start(add=True)
        for j in range(CONV_K):
            scatter_desc(last + j, j).wait()
        return carry
    lax.fori_loop(0, CONV_NGRP, group, 0)

    plsc.subcore_barrier()
    r0 = pl.multiple_of(s * ROWS_PER_TILE, 8)
    pltpu.sync_copy(acc.at[pl.ds(r0, ROWS_PER_TILE)],
                    out.at[c, pl.ds(r0, ROWS_PER_TILE)])


_conv_call = pl.kernel(
    _conv_body,
    out_type=jax.ShapeDtypeStruct((2, NP, HF), _F32),
    mesh=plsc.VectorSubcoreMesh(core_axis_name="c", subcore_axis_name="s"),
    scratch_types=[
        pltpu.VMEM_SHARED((NP, HF), _F32),
        pltpu.VMEM((CONV_GRP, CONV_CH), jnp.int32),
        pltpu.VMEM((CONV_GRP, CONV_CH), jnp.int32),
        pltpu.VMEM((CONV_K, CONV_CH, HF), _F32),
        pltpu.SemaphoreType.DMA,
        pltpu.SemaphoreType.DMA,
        pltpu.SemaphoreType.DMA,
        pltpu.SemaphoreType.DMA,
        pltpu.SemaphoreType.DMA,
        pltpu.SemaphoreType.DMA,
        pltpu.SemaphoreType.DMA,
        pltpu.SemaphoreType.DMA,
    ],
)



def _dinv_from(dp, kset):
    lo = 16 * kset
    deg = 1.0 + dp[0, :, lo:lo + 1] + dp[1, :, lo:lo + 1]
    return deg, lax.rsqrt(deg)


_DP_SPEC = pl.BlockSpec((2, RB, 48), lambda i: (0, i, 0))
_HS_SPEC = pl.BlockSpec((2, RB, HF), lambda i: (0, i, 0))
_ROW_SPEC = pl.BlockSpec((RB, D), lambda i: (i, 0))
_HS_SHAPE = jax.ShapeDtypeStruct((2, NP, HF), _F32)
_ROW_SHAPE = jax.ShapeDtypeStruct((NP, D), _F32)


def _tc1a_body(x_ref, w_ref, out_ref):
    out_ref[...] = jnp.dot(x_ref[...], w_ref[...], precision=_HIGH,
                           preferred_element_type=_F32)


_tc1a = pl.pallas_call(
    _tc1a_body,
    grid=(GRID,),
    in_specs=[
        pl.BlockSpec((RB, D), lambda i: (i, 0)),
        pl.BlockSpec((D, D), lambda i: (0, 0)),
    ],
    out_specs=_ROW_SPEC,
    out_shape=_ROW_SHAPE,
)


def _tc1b_body(hm_ref, b_ref, dp_ref, hs_ref, base_ref):
    Hm = hm_ref[...]
    deg, dinv = _dinv_from(dp_ref[...], 0)
    hs = Hm * dinv
    hs_ref[0] = hs[:, :HF]
    hs_ref[1] = hs[:, HF:]
    base_ref[...] = Hm * (1.0 / deg) + b_ref[...]


_tc1b = pl.pallas_call(
    _tc1b_body,
    grid=(GRID,),
    in_specs=[
        _ROW_SPEC,
        pl.BlockSpec((1, D), lambda i: (0, 0)),
        _DP_SPEC,
    ],
    out_specs=[_HS_SPEC, _ROW_SPEC],
    out_shape=[_HS_SHAPE, _ROW_SHAPE],
)


def _make_tcmid(kprev, kcur):
    def body(acc_ref, bin_ref, dp_ref, w_ref, b_ref, hs_ref, base_ref):
        dp = dp_ref[...]
        _, dinvp = _dinv_from(dp, kprev)
        a = acc_ref[...]
        bi = bin_ref[...]
        Xa = a[0] * dinvp + bi[:, :HF]
        Xb = a[1] * dinvp + bi[:, HF:]
        W = w_ref[...]
        Hm = (jnp.dot(Xa, W[:HF, :], precision=_HIGH,
                      preferred_element_type=_F32)
              + jnp.dot(Xb, W[HF:, :], precision=_HIGH,
                        preferred_element_type=_F32))
        deg, dinv = _dinv_from(dp, kcur)
        hs = Hm * dinv
        hs_ref[0] = hs[:, :HF]
        hs_ref[1] = hs[:, HF:]
        base_ref[...] = Hm * (1.0 / deg) + b_ref[...]

    return pl.pallas_call(
        body,
        grid=(GRID,),
        in_specs=[
            _HS_SPEC,
            _ROW_SPEC,
            _DP_SPEC,
            pl.BlockSpec((D, D), lambda i: (0, 0)),
            pl.BlockSpec((1, D), lambda i: (0, 0)),
        ],
        out_specs=[_HS_SPEC, _ROW_SPEC],
        out_shape=[_HS_SHAPE, _ROW_SHAPE],
    )


_tcmid01 = _make_tcmid(0, 1)
_tcmid12 = _make_tcmid(1, 2)


def _tcf_body(acc_ref, bin_ref, dp_ref, out_ref):
    _, dinvp = _dinv_from(dp_ref[...], 2)
    a = acc_ref[...]
    bi = bin_ref[...]
    Xa = a[0] * dinvp + bi[:, :HF]
    Xb = a[1] * dinvp + bi[:, HF:]
    out_ref[...] = jnp.concatenate([Xa, Xb], axis=1)


_tcf = pl.pallas_call(
    _tcf_body,
    grid=(GRID,),
    in_specs=[_HS_SPEC, _ROW_SPEC, _DP_SPEC],
    out_specs=pl.BlockSpec((RB, D), lambda i: (i, 0)),
    out_shape=jax.ShapeDtypeStruct((NP, D), _F32),
)



def kernel(embedding, down2up_path, same_level_edge_index, up2down_edge_index,
           W1, b1, W2, b2, W3, b3):
    edges = (down2up_path, same_level_edge_index, up2down_edge_index)
    srcs = [e[0].astype(jnp.int32) for e in edges]
    dsts = [e[1].astype(jnp.int32) for e in edges]

    npad = EPAD - E
    fake_src = (jnp.arange(npad, dtype=jnp.int32) * 37) % NP
    fake_dst = N_NODES + jnp.arange(npad, dtype=jnp.int32) % (NP - N_NODES)
    src_conv = []
    for sv in srcs:
        sp = jnp.concatenate([sv, fake_src])
        src_conv.append(jnp.stack([sp, sp + NP]).reshape(
            2 * N_TILES, CONV_NGRP, CONV_GRP, CONV_CH))
    dst_conv = [
        jnp.concatenate([dv, fake_dst]).reshape(
            N_TILES, CONV_NGRP, CONV_GRP, CONV_CH)
        for dv in dsts
    ]

    x = jnp.pad(embedding, ((0, NP - N_NODES), (0, 0)))
    b1r = b1.reshape(1, D)
    b2r = b2.reshape(1, D)
    b3r = b3.reshape(1, D)

    dst_deg = [d.reshape(2 * N_TILES, DEG_NCH, DEG_CH) for d in dsts]
    hm1 = _tc1a(x, W1)
    dp = _deg_call(*dst_deg)
    hs1, base1 = _tc1b(hm1, b1r, dp)
    acc1 = _conv_call(hs1.reshape(2 * NP, HF), src_conv[0], dst_conv[0])
    hs2, base2 = _tcmid01(acc1, base1, dp, W2, b2r)
    acc2 = _conv_call(hs2.reshape(2 * NP, HF), src_conv[1], dst_conv[1])
    hs3, base3 = _tcmid12(acc2, base2, dp, W3, b3r)
    acc3 = _conv_call(hs3.reshape(2 * NP, HF), src_conv[2], dst_conv[2])
    out = _tcf(acc3, base3, dp)
    return out[:N_NODES]

# --- scband reference (transcript-rebuilt; emitter-appended) ---
"""Pipeline reference for scband-hcgnn-layer-82669530513965 (READ-ONLY COPY).

The authoritative reference and input builder live on the scoring server;
editing this copy changes nothing except your own understanding.
"""

import jax, jax.numpy as jnp
import numpy as np

N_NODES = 10000
N_EDGES = 160000
D = 256


def gcn_conv(x, edge_index, W, b):
    # Faithful to torch_geometric GCNConv: lin -> add self loops -> sym-normalized scatter-add -> bias
    N = x.shape[0]
    src = edge_index[0]
    dst = edge_index[1]
    loop = jnp.arange(N, dtype=src.dtype)
    src = jnp.concatenate([src, loop])
    dst = jnp.concatenate([dst, loop])
    x = x @ W
    ones = jnp.ones(src.shape[0], dtype=x.dtype)
    deg = jax.ops.segment_sum(ones, dst, num_segments=N)
    dinv = jnp.where(deg > 0, jax.lax.rsqrt(deg), 0.0)
    norm = dinv[src] * dinv[dst]
    msg = x[src] * norm[:, None]
    out = jax.ops.segment_sum(msg, dst, num_segments=N)
    return out + b


def setup_inputs(seed: int = 0) -> dict:
    key = jax.random.key(seed)
    k0, k1, k2, k3, k4, k5, k6 = jax.random.split(key, 7)
    embedding = jax.random.normal(k0, (N_NODES, D), dtype=jnp.float32)
    down2up_path = jax.random.randint(k1, (2, N_EDGES), 0, N_NODES, dtype=jnp.int64)
    same_level_edge_index = jax.random.randint(k2, (2, N_EDGES), 0, N_NODES, dtype=jnp.int64)
    up2down_edge_index = jax.random.randint(k3, (2, N_EDGES), 0, N_NODES, dtype=jnp.int64)
    s = 1.0 / np.sqrt(D)
    W1 = jax.random.uniform(k4, (D, D), dtype=jnp.float32, minval=-s, maxval=s)
    W2 = jax.random.uniform(k5, (D, D), dtype=jnp.float32, minval=-s, maxval=s)
    W3 = jax.random.uniform(k6, (D, D), dtype=jnp.float32, minval=-s, maxval=s)
    b1 = jnp.zeros((D,), dtype=jnp.float32)
    b2 = jnp.zeros((D,), dtype=jnp.float32)
    b3 = jnp.zeros((D,), dtype=jnp.float32)
    return {"embedding": embedding, "down2up_path": down2up_path,
            "same_level_edge_index": same_level_edge_index,
            "up2down_edge_index": up2down_edge_index,
            "W1": W1, "b1": b1, "W2": W2, "b2": b2, "W3": W3, "b3": b3}


def reference(embedding, down2up_path, same_level_edge_index, up2down_edge_index,
              W1, b1, W2, b2, W3, b3):
    # HCGNN_layer.forward with config.down2up_gnn='GCN', gnn_type='GCN', config.up2down_gnn='GCN'
    h = gcn_conv(embedding, down2up_path, W1, b1)          # Down2Up_layer (GCNConv)
    h = gcn_conv(h, same_level_edge_index, W2, b2)          # same-level GCNConv
    h = gcn_conv(h, up2down_edge_index, W3, b3)             # Up2Down_layer (GCNConv)
    return h

if __name__ == "__main__":
    import jax
    _d = setup_inputs()
    print(jax.jit(kernel)(*tuple(_d.values())))

</pallas_src>

<mosaic_0001>
#map = affine_map<(d0, d1) -> (0, 0)>
#map1 = affine_map<(d0, d1) -> (0, 0, 0, 0)>
#map2 = affine_map<(d0, d1) -> (0, 0, 0)>
module attributes {stable_mosaic.version = 14 : i64} {
  func.func @_conv_body(%arg0: i32, %arg1: i32, %arg2: memref<20480x128xf32, #tpu.memory_space<hbm>>, %arg3: memref<32x4x40x64xi32, #tpu.memory_space<hbm>>, %arg4: memref<16x4x40x64xi32, #tpu.memory_space<hbm>>, %arg5: memref<2x10240x128xf32, #tpu.memory_space<hbm>>, %arg6: memref<10240x128xf32, #tpu.memory_space<vmem_shared>>, %arg7: memref<40x64xi32, #tpu.memory_space<vmem>>, %arg8: memref<40x64xi32, #tpu.memory_space<vmem>>, %arg9: memref<4x64x128xf32, #tpu.memory_space<vmem>>, %arg10: memref<!tpu.dma_semaphore, #tpu.memory_space<semaphore_mem>>, %arg11: memref<!tpu.dma_semaphore, #tpu.memory_space<semaphore_mem>>, %arg12: memref<!tpu.dma_semaphore, #tpu.memory_space<semaphore_mem>>, %arg13: memref<!tpu.dma_semaphore, #tpu.memory_space<semaphore_mem>>, %arg14: memref<!tpu.dma_semaphore, #tpu.memory_space<semaphore_mem>>, %arg15: memref<!tpu.dma_semaphore, #tpu.memory_space<semaphore_mem>>, %arg16: memref<!tpu.dma_semaphore, #tpu.memory_space<semaphore_mem>>, %arg17: memref<!tpu.dma_semaphore, #tpu.memory_space<semaphore_mem>>) attributes {dimension_semantics = [#tpu.dimension_semantics<core_parallel>, #tpu.dimension_semantics<subcore_parallel>], iteration_bounds = array<i64: 2, 16>, scalar_prefetch = 0 : i64, scratch_operands = 12 : i64, tpu.core_type = #tpu.core_type<sc_vector_subcore>, window_params = [{transform_indices = #map}, {transform_indices = #map1}, {transform_indices = #map1}, {transform_indices = #map2}]} {
    %broadcast_in_dim3A = arith.constant 0.000000e+00 : f32
    %broadcast_in_dim3A_0 = vector.broadcast %broadcast_in_dim3A : f32 to vector<16xf32>
    %scan3A = arith.constant 0 : i32
    %scan3A_1 = arith.constant 0 : i32
    %scan3A_2 = arith.constant 64 : i32
    %scan3A_3 = arith.addi %scan3A_1, %scan3A_2 : i32
    %scan3A_4 = arith.constant 1 : i32
    scf.for %scan3A_72 = %scan3A_1 to %scan3A_3 step %scan3A_4  : i32 {
      %scan3A_73 = arith.constant 0 : i32
      %scan3A_74 = arith.constant 8 : i32
      %scan3A_75 = arith.addi %scan3A_73, %scan3A_74 : i32
      %scan3A_76 = arith.constant 1 : i32
      scf.for %scan3A_78 = %scan3A_73 to %scan3A_75 step %scan3A_76  : i32 {
        %mul3A_79 = arith.constant 16 : i32
        %mul3A_80 = arith.muli %scan3A_78, %mul3A_79 : i32
        %swap3A = arith.constant 0 : i32
        %swap3A_81 = arith.index_cast %swap3A : i32 to index
        %swap3A_82 = arith.index_cast %scan3A_72 : i32 to index
        %swap3A_83 = arith.index_cast %mul3A_80 : i32 to index
        %swap3A_84 = tpu.vector_load %arg9[%swap3A_81, %swap3A_82, %swap3A_83] {strides = array<i32>} : memref<4x64x128xf32, #tpu.memory_space<vmem>>, vector<1x1x16xf32>,
        %swap3A_85 = vector.shape_cast %swap3A_84 : vector<1x1x16xf32> to vector<16xf32>
        %swap3A_86 = vector.shape_cast %broadcast_in_dim3A_0 : vector<16xf32> to vector<1x1x16xf32>
        tpu.vector_store %arg9[%swap3A_81, %swap3A_82, %swap3A_83], %swap3A_86 {strides = array<i32>} : memref<4x64x128xf32, #tpu.memory_space<vmem>>, vector<1x1x16xf32>,
      }
      %scan3A_77 = arith.constant 8 : i32
    }
    %scan3A_5 = arith.constant 64 : i32
    %mul3A = arith.constant 640 : i32
    %mul3A_6 = arith.muli %arg1, %mul3A : i32
    %add3A = arith.constant 0 : i32
    %add3A_7 = arith.addi %mul3A_6, %add3A : i32
    %multiple_of3A = tpu.assume_multiple %add3A_7, 8 : i32
    %run_scoped3A = arith.constant 0 : i32
    "tpu.region"() ({
      %run_scoped3A_72 = tpu.sem_alloc : memref<!tpu.dma_semaphore, #tpu.memory_space<semaphore_mem>>
      %dma_start3A = arith.constant 0 : i32
      %dma_start3A_73 = arith.constant 0 : i32
      %dma_start3A_74 = tpu.memref_slice %arg9[%run_scoped3A, %dma_start3A, %dma_start3A_73] : memref<4x64x128xf32, #tpu.memory_space<vmem>> -> memref<1x64x128xf32, #tpu.memory_space<vmem>>
      %dma_start3A_75 = tpu.memref_squeeze %dma_start3A_74 : memref<1x64x128xf32, #tpu.memory_space<vmem>> -> memref<64x128xf32, #tpu.memory_space<vmem>>
      %dma_start3A_76 = arith.constant 0 : i32
      %dma_start3A_77 = tpu.memref_slice %arg6[%multiple_of3A, %dma_start3A_76] : memref<10240x128xf32, #tpu.memory_space<vmem_shared>> -> memref<64x128xf32, #tpu.memory_space<vmem_shared>>
      %dma_start3A_78 = arith.constant 0 : i32
      %dma_start3A_79 = tpu.memref_slice %arg6[%multiple_of3A, %dma_start3A_78] : memref<10240x128xf32, #tpu.memory_space<vmem_shared>> -> memref<64x128xf32, #tpu.memory_space<vmem_shared>>
      %dma_start3A_80 = arith.constant 0 : i32
      %dma_start3A_81 = arith.constant 0 : i32
      %dma_start3A_82 = tpu.memref_slice %arg9[%run_scoped3A, %dma_start3A_80, %dma_start3A_81] : memref<4x64x128xf32, #tpu.memory_space<vmem>> -> memref<1x64x128xf32, #tpu.memory_space<vmem>>
      %dma_start3A_83 = tpu.memref_squeeze %dma_start3A_82 : memref<1x64x128xf32, #tpu.memory_space<vmem>> -> memref<64x128xf32, #tpu.memory_space<vmem>>
      tpu.enqueue_dma source(%dma_start3A_83 : memref<64x128xf32, #tpu.memory_space<vmem>>) target(%dma_start3A_79 : memref<64x128xf32, #tpu.memory_space<vmem_shared>>) target_semaphore(%run_scoped3A_72 : memref<!tpu.dma_semaphore, #tpu.memory_space<semaphore_mem>>)
      %dma_wait3A = arith.constant 0 : i32
      %dma_wait3A_84 = arith.constant 0 : i32
      %dma_wait3A_85 = tpu.memref_slice %arg9[%run_scoped3A, %dma_wait3A, %dma_wait3A_84] : memref<4x64x128xf32, #tpu.memory_space<vmem>> -> memref<1x64x128xf32, #tpu.memory_space<vmem>>
      %dma_wait3A_86 = tpu.memref_squeeze %dma_wait3A_85 : memref<1x64x128xf32, #tpu.memory_space<vmem>> -> memref<64x128xf32, #tpu.memory_space<vmem>>
      %dma_wait3A_87 = arith.constant 0 : i32
      %dma_wait3A_88 = tpu.memref_slice %arg6[%multiple_of3A, %dma_wait3A_87] : memref<10240x128xf32, #tpu.memory_space<vmem_shared>> -> memref<64x128xf32, #tpu.memory_space<vmem_shared>>
      %dma_wait3A_89 = arith.constant 0 : i32
      %dma_wait3A_90 = tpu.memref_slice %arg6[%multiple_of3A, %dma_wait3A_89] : memref<10240x128xf32, #tpu.memory_space<vmem_shared>> -> memref<64x128xf32, #tpu.memory_space<vmem_shared>>
      %dma_wait3A_91 = arith.constant 0 : i32
      %dma_wait3A_92 = arith.constant 0 : i32
      %dma_wait3A_93 = tpu.memref_slice %arg9[%run_scoped3A, %dma_wait3A_91, %dma_wait3A_92] : memref<4x64x128xf32, #tpu.memory_space<vmem>> -> memref<1x64x128xf32, #tpu.memory_space<vmem>>
      %dma_wait3A_94 = tpu.memref_squeeze %dma_wait3A_93 : memref<1x64x128xf32, #tpu.memory_space<vmem>> -> memref<64x128xf32, #tpu.memory_space<vmem>>
      tpu.wait_dma2 semaphore(%run_scoped3A_72 : memref<!tpu.dma_semaphore, #tpu.memory_space<semaphore_mem>>) src(%dma_wait3A_94 : memref<64x128xf32, #tpu.memory_space<vmem>>) dst(%dma_wait3A_90 : memref<64x128xf32, #tpu.memory_space<vmem_shared>>)
      tpu.yield
    }) : () -> ()
    %mul3A_8 = arith.constant 640 : i32
    %mul3A_9 = arith.muli %arg1, %mul3A_8 : i32
    %add3A_10 = arith.constant 64 : i32
    %add3A_11 = arith.addi %mul3A_9, %add3A_10 : i32
    %multiple_of3A_12 = tpu.assume_multiple %add3A_11, 8 : i32
    %run_scoped3A_13 = arith.constant 0 : i32
    "tpu.region"() ({
      %run_scoped3A_72 = tpu.sem_alloc : memref<!tpu.dma_semaphore, #tpu.memory_space<semaphore_mem>>
      %dma_start3A = arith.constant 0 : i32
      %dma_start3A_73 = arith.constant 0 : i32
      %dma_start3A_74 = tpu.memref_slice %arg9[%run_scoped3A_13, %dma_start3A, %dma_start3A_73] : memref<4x64x128xf32, #tpu.memory_space<vmem>> -> memref<1x64x128xf32, #tpu.memory_space<vmem>>
      %dma_start3A_75 = tpu.memref_squeeze %dma_start3A_74 : memref<1x64x128xf32, #tpu.memory_space<vmem>> -> memref<64x128xf32, #tpu.memory_space<vmem>>
      %dma_start3A_76 = arith.constant 0 : i32
      %dma_start3A_77 = tpu.memref_slice %arg6[%multiple_of3A_12, %dma_start3A_76] : memref<10240x128xf32, #tpu.memory_space<vmem_shared>> -> memref<64x128xf32, #tpu.memory_space<vmem_shared>>
      %dma_start3A_78 = arith.constant 0 : i32
      %dma_start3A_79 = tpu.memref_slice %arg6[%multiple_of3A_12, %dma_start3A_78] : memref<10240x128xf32, #tpu.memory_space<vmem_shared>> -> memref<64x128xf32, #tpu.memory_space<vmem_shared>>
      %dma_start3A_80 = arith.constant 0 : i32
      %dma_start3A_81 = arith.constant 0 : i32
      %dma_start3A_82 = tpu.memref_slice %arg9[%run_scoped3A_13, %dma_start3A_80, %dma_start3A_81] : memref<4x64x128xf32, #tpu.memory_space<vmem>> -> memref<1x64x128xf32, #tpu.memory_space<vmem>>
      %dma_start3A_83 = tpu.memref_squeeze %dma_start3A_82 : memref<1x64x128xf32, #tpu.memory_space<vmem>> -> memref<64x128xf32, #tpu.memory_space<vmem>>
      tpu.enqueue_dma source(%dma_start3A_83 : memref<64x128xf32, #tpu.memory_space<vmem>>) target(%dma_start3A_79 : memref<64x128xf32, #tpu.memory_space<vmem_shared>>) target_semaphore(%run_scoped3A_72 : memref<!tpu.dma_semaphore, #tpu.memory_space<semaphore_mem>>)
      %dma_wait3A = arith.constant 0 : i32
      %dma_wait3A_84 = arith.constant 0 : i32
      %dma_wait3A_85 = tpu.memref_slice %arg9[%run_scoped3A_13, %dma_wait3A, %dma_wait3A_84] : memref<4x64x128xf32, #tpu.memory_space<vmem>> -> memref<1x64x128xf32, #tpu.memory_space<vmem>>
      %dma_wait3A_86 = tpu.memref_squeeze %dma_wait3A_85 : memref<1x64x128xf32, #tpu.memory_space<vmem>> -> memref<64x128xf32, #tpu.memory_space<vmem>>
      %dma_wait3A_87 = arith.constant 0 : i32
      %dma_wait3A_88 = tpu.memref_slice %arg6[%multiple_of3A_12, %dma_wait3A_87] : memref<10240x128xf32, #tpu.memory_space<vmem_shared>> -> memref<64x128xf32, #tpu.memory_space<vmem_shared>>
      %dma_wait3A_89 = arith.constant 0 : i32
      %dma_wait3A_90 = tpu.memref_slice %arg6[%multiple_of3A_12, %dma_wait3A_89] : memref<10240x128xf32, #tpu.memory_space<vmem_shared>> -> memref<64x128xf32, #tpu.memory_space<vmem_shared>>
      %dma_wait3A_91 = arith.constant 0 : i32
      %dma_wait3A_92 = arith.constant 0 : i32
      %dma_wait3A_93 = tpu.memref_slice %arg9[%run_scoped3A_13, %dma_wait3A_91, %dma_wait3A_92] : memref<4x64x128xf32, #tpu.memory_space<vmem>> -> memref<1x64x128xf32, #tpu.memory_space<vmem>>
      %dma_wait3A_94 = tpu.memref_squeeze %dma_wait3A_93 : memref<1x64x128xf32, #tpu.memory_space<vmem>> -> memref<64x128xf32, #tpu.memory_space<vmem>>
      tpu.wait_dma2 semaphore(%run_scoped3A_72 : memref<!tpu.dma_semaphore, #tpu.memory_space<semaphore_mem>>) src(%dma_wait3A_94 : memref<64x128xf32, #tpu.memory_space<vmem>>) dst(%dma_wait3A_90 : memref<64x128xf32, #tpu.memory_space<vmem_shared>>)
      tpu.yield
    }) : () -> ()
    %mul3A_14 = arith.constant 640 : i32
    %mul3A_15 = arith.muli %arg1, %mul3A_14 : i32
    %add3A_16 = arith.constant 128 : i32
    %add3A_17 = arith.addi %mul3A_15, %add3A_16 : i32
    %multiple_of3A_18 = tpu.assume_multiple %add3A_17, 8 : i32
    %run_scoped3A_19 = arith.constant 0 : i32
    "tpu.region"() ({
      %run_scoped3A_72 = tpu.sem_alloc : memref<!tpu.dma_semaphore, #tpu.memory_space<semaphore_mem>>
      %dma_start3A = arith.constant 0 : i32
      %dma_start3A_73 = arith.constant 0 : i32
      %dma_start3A_74 = tpu.memref_slice %arg9[%run_scoped3A_19, %dma_start3A, %dma_start3A_73] : memref<4x64x128xf32, #tpu.memory_space<vmem>> -> memref<1x64x128xf32, #tpu.memory_space<vmem>>
      %dma_start3A_75 = tpu.memref_squeeze %dma_start3A_74 : memref<1x64x128xf32, #tpu.memory_space<vmem>> -> memref<64x128xf32, #tpu.memory_space<vmem>>
      %dma_start3A_76 = arith.constant 0 : i32
      %dma_start3A_77 = tpu.memref_slice %arg6[%multiple_of3A_18, %dma_start3A_76] : memref<10240x128xf32, #tpu.memory_space<vmem_shared>> -> memref<64x128xf32, #tpu.memory_space<vmem_shared>>
      %dma_start3A_78 = arith.constant 0 : i32
      %dma_start3A_79 = tpu.memref_slice %arg6[%multiple_of3A_18, %dma_start3A_78] : memref<10240x128xf32, #tpu.memory_space<vmem_shared>> -> memref<64x128xf32, #tpu.memory_space<vmem_shared>>
      %dma_start3A_80 = arith.constant 0 : i32
      %dma_start3A_81 = arith.constant 0 : i32
      %dma_start3A_82 = tpu.memref_slice %arg9[%run_scoped3A_19, %dma_start3A_80, %dma_start3A_81] : memref<4x64x128xf32, #tpu.memory_space<vmem>> -> memref<1x64x128xf32, #tpu.memory_space<vmem>>
      %dma_start3A_83 = tpu.memref_squeeze %dma_start3A_82 : memref<1x64x128xf32, #tpu.memory_space<vmem>> -> memref<64x128xf32, #tpu.memory_space<vmem>>
      tpu.enqueue_dma source(%dma_start3A_83 : memref<64x128xf32, #tpu.memory_space<vmem>>) target(%dma_start3A_79 : memref<64x128xf32, #tpu.memory_space<vmem_shared>>) target_semaphore(%run_scoped3A_72 : memref<!tpu.dma_semaphore, #tpu.memory_space<semaphore_mem>>)
      %dma_wait3A = arith.constant 0 : i32
      %dma_wait3A_84 = arith.constant 0 : i32
      %dma_wait3A_85 = tpu.memref_slice %arg9[%run_scoped3A_19, %dma_wait3A, %dma_wait3A_84] : memref<4x64x128xf32, #tpu.memory_space<vmem>> -> memref<1x64x128xf32, #tpu.memory_space<vmem>>
      %dma_wait3A_86 = tpu.memref_squeeze %dma_wait3A_85 : memref<1x64x128xf32, #tpu.memory_space<vmem>> -> memref<64x128xf32, #tpu.memory_space<vmem>>
      %dma_wait3A_87 = arith.constant 0 : i32
      %dma_wait3A_88 = tpu.memref_slice %arg6[%multiple_of3A_18, %dma_wait3A_87] : memref<10240x128xf32, #tpu.memory_space<vmem_shared>> -> memref<64x128xf32, #tpu.memory_space<vmem_shared>>
      %dma_wait3A_89 = arith.constant 0 : i32
      %dma_wait3A_90 = tpu.memref_slice %arg6[%multiple_of3A_18, %dma_wait3A_89] : memref<10240x128xf32, #tpu.memory_space<vmem_shared>> -> memref<64x128xf32, #tpu.memory_space<vmem_shared>>
      %dma_wait3A_91 = arith.constant 0 : i32
      %dma_wait3A_92 = arith.constant 0 : i32
      %dma_wait3A_93 = tpu.memref_slice %arg9[%run_scoped3A_19, %dma_wait3A_91, %dma_wait3A_92] : memref<4x64x128xf32, #tpu.memory_space<vmem>> -> memref<1x64x128xf32, #tpu.memory_space<vmem>>
      %dma_wait3A_94 = tpu.memref_squeeze %dma_wait3A_93 : memref<1x64x128xf32, #tpu.memory_space<vmem>> -> memref<64x128xf32, #tpu.memory_space<vmem>>
      tpu.wait_dma2 semaphore(%run_scoped3A_72 : memref<!tpu.dma_semaphore, #tpu.memory_space<semaphore_mem>>) src(%dma_wait3A_94 : memref<64x128xf32, #tpu.memory_space<vmem>>) dst(%dma_wait3A_90 : memref<64x128xf32, #tpu.memory_space<vmem_shared>>)
      tpu.yield
    }) : () -> ()
    %mul3A_20 = arith.constant 640 : i32
    %mul3A_21 = arith.muli %arg1, %mul3A_20 : i32
    %add3A_22 = arith.constant 192 : i32
    %add3A_23 = arith.addi %mul3A_21, %add3A_22 : i32
    %multiple_of3A_24 = tpu.assume_multiple %add3A_23, 8 : i32
    %run_scoped3A_25 = arith.constant 0 : i32
    "tpu.region"() ({
      %run_scoped3A_72 = tpu.sem_alloc : memref<!tpu.dma_semaphore, #tpu.memory_space<semaphore_mem>>
      %dma_start3A = arith.constant 0 : i32
      %dma_start3A_73 = arith.constant 0 : i32
      %dma_start3A_74 = tpu.memref_slice %arg9[%run_scoped3A_25, %dma_start3A, %dma_start3A_73] : memref<4x64x128xf32, #tpu.memory_space<vmem>> -> memref<1x64x128xf32, #tpu.memory_space<vmem>>
      %dma_start3A_75 = tpu.memref_squeeze %dma_start3A_74 : memref<1x64x128xf32, #tpu.memory_space<vmem>> -> memref<64x128xf32, #tpu.memory_space<vmem>>
      %dma_start3A_76 = arith.constant 0 : i32
      %dma_start3A_77 = tpu.memref_slice %arg6[%multiple_of3A_24, %dma_start3A_76] : memref<10240x128xf32, #tpu.memory_space<vmem_shared>> -> memref<64x128xf32, #tpu.memory_space<vmem_shared>>
      %dma_start3A_78 = arith.constant 0 : i32
      %dma_start3A_79 = tpu.memref_slice %arg6[%multiple_of3A_24, %dma_start3A_78] : memref<10240x128xf32, #tpu.memory_space<vmem_shared>> -> memref<64x128xf32, #tpu.memory_space<vmem_shared>>
      %dma_start3A_80 = arith.constant 0 : i32
      %dma_start3A_81 = arith.constant 0 : i32
      %dma_start3A_82 = tpu.memref_slice %arg9[%run_scoped3A_25, %dma_start3A_80, %dma_start3A_81] : memref<4x64x128xf32, #tpu.memory_space<vmem>> -> memref<1x64x128xf32, #tpu.memory_space<vmem>>
      %dma_start3A_83 = tpu.memref_squeeze %dma_start3A_82 : memref<1x64x128xf32, #tpu.memory_space<vmem>> -> memref<64x128xf32, #tpu.memory_space<vmem>>
      tpu.enqueue_dma source(%dma_start3A_83 : memref<64x128xf32, #tpu.memory_space<vmem>>) target(%dma_start3A_79 : memref<64x128xf32, #tpu.memory_space<vmem_shared>>) target_semaphore(%run_scoped3A_72 : memref<!tpu.dma_semaphore, #tpu.memory_space<semaphore_mem>>)
      %dma_wait3A = arith.constant 0 : i32
      %dma_wait3A_84 = arith.constant 0 : i32
      %dma_wait3A_85 = tpu.memref_slice %arg9[%run_scoped3A_25, %dma_wait3A, %dma_wait3A_84] : memref<4x64x128xf32, #tpu.memory_space<vmem>> -> memref<1x64x128xf32, #tpu.memory_space<vmem>>
      %dma_wait3A_86 = tpu.memref_squeeze %dma_wait3A_85 : memref<1x64x128xf32, #tpu.memory_space<vmem>> -> memref<64x128xf32, #tpu.memory_space<vmem>>
      %dma_wait3A_87 = arith.constant 0 : i32
      %dma_wait3A_88 = tpu.memref_slice %arg6[%multiple_of3A_24, %dma_wait3A_87] : memref<10240x128xf32, #tpu.memory_space<vmem_shared>> -> memref<64x128xf32, #tpu.memory_space<vmem_shared>>
      %dma_wait3A_89 = arith.constant 0 : i32
      %dma_wait3A_90 = tpu.memref_slice %arg6[%multiple_of3A_24, %dma_wait3A_89] : memref<10240x128xf32, #tpu.memory_space<vmem_shared>> -> memref<64x128xf32, #tpu.memory_space<vmem_shared>>
      %dma_wait3A_91 = arith.constant 0 : i32
      %dma_wait3A_92 = arith.constant 0 : i32
      %dma_wait3A_93 = tpu.memref_slice %arg9[%run_scoped3A_25, %dma_wait3A_91, %dma_wait3A_92] : memref<4x64x128xf32, #tpu.memory_space<vmem>> -> memref<1x64x128xf32, #tpu.memory_space<vmem>>
      %dma_wait3A_94 = tpu.memref_squeeze %dma_wait3A_93 : memref<1x64x128xf32, #tpu.memory_space<vmem>> -> memref<64x128xf32, #tpu.memory_space<vmem>>
      tpu.wait_dma2 semaphore(%run_scoped3A_72 : memref<!tpu.dma_semaphore, #tpu.memory_space<semaphore_mem>>) src(%dma_wait3A_94 : memref<64x128xf32, #tpu.memory_space<vmem>>) dst(%dma_wait3A_90 : memref<64x128xf32, #tpu.memory_space<vmem_shared>>)
      tpu.yield
    }) : () -> ()
    %mul3A_26 = arith.constant 640 : i32
    %mul3A_27 = arith.muli %arg1, %mul3A_26 : i32
    %add3A_28 = arith.constant 256 : i32
    %add3A_29 = arith.addi %mul3A_27, %add3A_28 : i32
    %multiple_of3A_30 = tpu.assume_multiple %add3A_29, 8 : i32
    %run_scoped3A_31 = arith.constant 0 : i32
    "tpu.region"() ({
      %run_scoped3A_72 = tpu.sem_alloc : memref<!tpu.dma_semaphore, #tpu.memory_space<semaphore_mem>>
      %dma_start3A = arith.constant 0 : i32
      %dma_start3A_73 = arith.constant 0 : i32
      %dma_start3A_74 = tpu.memref_slice %arg9[%run_scoped3A_31, %dma_start3A, %dma_start3A_73] : memref<4x64x128xf32, #tpu.memory_space<vmem>> -> memref<1x64x128xf32, #tpu.memory_space<vmem>>
      %dma_start3A_75 = tpu.memref_squeeze %dma_start3A_74 : memref<1x64x128xf32, #tpu.memory_space<vmem>> -> memref<64x128xf32, #tpu.memory_space<vmem>>
      %dma_start3A_76 = arith.constant 0 : i32
      %dma_start3A_77 = tpu.memref_slice %arg6[%multiple_of3A_30, %dma_start3A_76] : memref<10240x128xf32, #tpu.memory_space<vmem_shared>> -> memref<64x128xf32, #tpu.memory_space<vmem_shared>>
      %dma_start3A_78 = arith.constant 0 : i32
      %dma_start3A_79 = tpu.memref_slice %arg6[%multiple_of3A_30, %dma_start3A_78] : memref<10240x128xf32, #tpu.memory_space<vmem_shared>> -> memref<64x128xf32, #tpu.memory_space<vmem_shared>>
      %dma_start3A_80 = arith.constant 0 : i32
      %dma_start3A_81 = arith.constant 0 : i32
      %dma_start3A_82 = tpu.memref_slice %arg9[%run_scoped3A_31, %dma_start3A_80, %dma_start3A_81] : memref<4x64x128xf32, #tpu.memory_space<vmem>> -> memref<1x64x128xf32, #tpu.memory_space<vmem>>
      %dma_start3A_83 = tpu.memref_squeeze %dma_start3A_82 : memref<1x64x128xf32, #tpu.memory_space<vmem>> -> memref<64x128xf32, #tpu.memory_space<vmem>>
      tpu.enqueue_dma source(%dma_start3A_83 : memref<64x128xf32, #tpu.memory_space<vmem>>) target(%dma_start3A_79 : memref<64x128xf32, #tpu.memory_space<vmem_shared>>) target_semaphore(%run_scoped3A_72 : memref<!tpu.dma_semaphore, #tpu.memory_space<semaphore_mem>>)
      %dma_wait3A = arith.constant 0 : i32
      %dma_wait3A_84 = arith.constant 0 : i32
      %dma_wait3A_85 = tpu.memref_slice %arg9[%run_scoped3A_31, %dma_wait3A, %dma_wait3A_84] : memref<4x64x128xf32, #tpu.memory_space<vmem>> -> memref<1x64x128xf32, #tpu.memory_space<vmem>>
      %dma_wait3A_86 = tpu.memref_squeeze %dma_wait3A_85 : memref<1x64x128xf32, #tpu.memory_space<vmem>> -> memref<64x128xf32, #tpu.memory_space<vmem>>
      %dma_wait3A_87 = arith.constant 0 : i32
      %dma_wait3A_88 = tpu.memref_slice %arg6[%multiple_of3A_30, %dma_wait3A_87] : memref<10240x128xf32, #tpu.memory_space<vmem_shared>> -> memref<64x128xf32, #tpu.memory_space<vmem_shared>>
      %dma_wait3A_89 = arith.constant 0 : i32
      %dma_wait3A_90 = tpu.memref_slice %arg6[%multiple_of3A_30, %dma_wait3A_89] : memref<10240x128xf32, #tpu.memory_space<vmem_shared>> -> memref<64x128xf32, #tpu.memory_space<vmem_shared>>
      %dma_wait3A_91 = arith.constant 0 : i32
      %dma_wait3A_92 = arith.constant 0 : i32
      %dma_wait3A_93 = tpu.memref_slice %arg9[%run_scoped3A_31, %dma_wait3A_91, %dma_wait3A_92] : memref<4x64x128xf32, #tpu.memory_space<vmem>> -> memref<1x64x128xf32, #tpu.memory_space<vmem>>
      %dma_wait3A_94 = tpu.memref_squeeze %dma_wait3A_93 : memref<1x64x128xf32, #tpu.memory_space<vmem>> -> memref<64x128xf32, #tpu.memory_space<vmem>>
      tpu.wait_dma2 semaphore(%run_scoped3A_72 : memref<!tpu.dma_semaphore, #tpu.memory_space<semaphore_mem>>) src(%dma_wait3A_94 : memref<64x128xf32, #tpu.memory_space<vmem>>) dst(%dma_wait3A_90 : memref<64x128xf32, #tpu.memory_space<vmem_shared>>)
      tpu.yield
    }) : () -> ()
    %mul3A_32 = arith.constant 640 : i32
    %mul3A_33 = arith.muli %arg1, %mul3A_32 : i32
    %add3A_34 = arith.constant 320 : i32
    %add3A_35 = arith.addi %mul3A_33, %add3A_34 : i32
    %multiple_of3A_36 = tpu.assume_multiple %add3A_35, 8 : i32
    %run_scoped3A_37 = arith.constant 0 : i32
    "tpu.region"() ({
      %run_scoped3A_72 = tpu.sem_alloc : memref<!tpu.dma_semaphore, #tpu.memory_space<semaphore_mem>>
      %dma_start3A = arith.constant 0 : i32
      %dma_start3A_73 = arith.constant 0 : i32
      %dma_start3A_74 = tpu.memref_slice %arg9[%run_scoped3A_37, %dma_start3A, %dma_start3A_73] : memref<4x64x128xf32, #tpu.memory_space<vmem>> -> memref<1x64x128xf32, #tpu.memory_space<vmem>>
      %dma_start3A_75 = tpu.memref_squeeze %dma_start3A_74 : memref<1x64x128xf32, #tpu.memory_space<vmem>> -> memref<64x128xf32, #tpu.memory_space<vmem>>
      %dma_start3A_76 = arith.constant 0 : i32
      %dma_start3A_77 = tpu.memref_slice %arg6[%multiple_of3A_36, %dma_start3A_76] : memref<10240x128xf32, #tpu.memory_space<vmem_shared>> -> memref<64x128xf32, #tpu.memory_space<vmem_shared>>
      %dma_start3A_78 = arith.constant 0 : i32
      %dma_start3A_79 = tpu.memref_slice %arg6[%multiple_of3A_36, %dma_start3A_78] : memref<10240x128xf32, #tpu.memory_space<vmem_shared>> -> memref<64x128xf32, #tpu.memory_space<vmem_shared>>
      %dma_start3A_80 = arith.constant 0 : i32
      %dma_start3A_81 = arith.constant 0 : i32
      %dma_start3A_82 = tpu.memref_slice %arg9[%run_scoped3A_37, %dma_start3A_80, %dma_start3A_81] : memref<4x64x128xf32, #tpu.memory_space<vmem>> -> memref<1x64x128xf32, #tpu.memory_space<vmem>>
      %dma_start3A_83 = tpu.memref_squeeze %dma_start3A_82 : memref<1x64x128xf32, #tpu.memory_space<vmem>> -> memref<64x128xf32, #tpu.memory_space<vmem>>
      tpu.enqueue_dma source(%dma_start3A_83 : memref<64x128xf32, #tpu.memory_space<vmem>>) target(%dma_start3A_79 : memref<64x128xf32, #tpu.memory_space<vmem_shared>>) target_semaphore(%run_scoped3A_72 : memref<!tpu.dma_semaphore, #tpu.memory_space<semaphore_mem>>)
      %dma_wait3A = arith.constant 0 : i32
      %dma_wait3A_84 = arith.constant 0 : i32
      %dma_wait3A_85 = tpu.memref_slice %arg9[%run_scoped3A_37, %dma_wait3A, %dma_wait3A_84] : memref<4x64x128xf32, #tpu.memory_space<vmem>> -> memref<1x64x128xf32, #tpu.memory_space<vmem>>
      %dma_wait3A_86 = tpu.memref_squeeze %dma_wait3A_85 : memref<1x64x128xf32, #tpu.memory_space<vmem>> -> memref<64x128xf32, #tpu.memory_space<vmem>>
      %dma_wait3A_87 = arith.constant 0 : i32
      %dma_wait3A_88 = tpu.memref_slice %arg6[%multiple_of3A_36, %dma_wait3A_87] : memref<10240x128xf32, #tpu.memory_space<vmem_shared>> -> memref<64x128xf32, #tpu.memory_space<vmem_shared>>
      %dma_wait3A_89 = arith.constant 0 : i32
      %dma_wait3A_90 = tpu.memref_slice %arg6[%multiple_of3A_36, %dma_wait3A_89] : memref<10240x128xf32, #tpu.memory_space<vmem_shared>> -> memref<64x128xf32, #tpu.memory_space<vmem_shared>>
      %dma_wait3A_91 = arith.constant 0 : i32
      %dma_wait3A_92 = arith.constant 0 : i32
      %dma_wait3A_93 = tpu.memref_slice %arg9[%run_scoped3A_37, %dma_wait3A_91, %dma_wait3A_92] : memref<4x64x128xf32, #tpu.memory_space<vmem>> -> memref<1x64x128xf32, #tpu.memory_space<vmem>>
      %dma_wait3A_94 = tpu.memref_squeeze %dma_wait3A_93 : memref<1x64x128xf32, #tpu.memory_space<vmem>> -> memref<64x128xf32, #tpu.memory_space<vmem>>
      tpu.wait_dma2 semaphore(%run_scoped3A_72 : memref<!tpu.dma_semaphore, #tpu.memory_space<semaphore_mem>>) src(%dma_wait3A_94 : memref<64x128xf32, #tpu.memory_space<vmem>>) dst(%dma_wait3A_90 : memref<64x128xf32, #tpu.memory_space<vmem_shared>>)
      tpu.yield
    }) : () -> ()
    %mul3A_38 = arith.constant 640 : i32
    %mul3A_39 = arith.muli %arg1, %mul3A_38 : i32
    %add3A_40 = arith.constant 384 : i32
    %add3A_41 = arith.addi %mul3A_39, %add3A_40 : i32
    %multiple_of3A_42 = tpu.assume_multiple %add3A_41, 8 : i32
    %run_scoped3A_43 = arith.constant 0 : i32
    "tpu.region"() ({
      %run_scoped3A_72 = tpu.sem_alloc : memref<!tpu.dma_semaphore, #tpu.memory_space<semaphore_mem>>
      %dma_start3A = arith.constant 0 : i32
      %dma_start3A_73 = arith.constant 0 : i32
      %dma_start3A_74 = tpu.memref_slice %arg9[%run_scoped3A_43, %dma_start3A, %dma_start3A_73] : memref<4x64x128xf32, #tpu.memory_space<vmem>> -> memref<1x64x128xf32, #tpu.memory_space<vmem>>
      %dma_start3A_75 = tpu.memref_squeeze %dma_start3A_74 : memref<1x64x128xf32, #tpu.memory_space<vmem>> -> memref<64x128xf32, #tpu.memory_space<vmem>>
      %dma_start3A_76 = arith.constant 0 : i32
      %dma_start3A_77 = tpu.memref_slice %arg6[%multiple_of3A_42, %dma_start3A_76] : memref<10240x128xf32, #tpu.memory_space<vmem_shared>> -> memref<64x128xf32, #tpu.memory_space<vmem_shared>>
      %dma_start3A_78 = arith.constant 0 : i32
      %dma_start3A_79 = tpu.memref_slice %arg6[%multiple_of3A_42, %dma_start3A_78] : memref<10240x128xf32, #tpu.memory_space<vmem_shared>> -> memref<64x128xf32, #tpu.memory_space<vmem_shared>>
      %dma_start3A_80 = arith.constant 0 : i32
      %dma_start3A_81 = arith.constant 0 : i32
      %dma_start3A_82 = tpu.memref_slice %arg9[%run_scoped3A_43, %dma_start3A_80, %dma_start3A_81] : memref<4x64x128xf32, #tpu.memory_space<vmem>> -> memref<1x64x128xf32, #tpu.memory_space<vmem>>
      %dma_start3A_83 = tpu.memref_squeeze %dma_start3A_82 : memref<1x64x128xf32, #tpu.memory_space<vmem>> -> memref<64x128xf32, #tpu.memory_space<vmem>>
      tpu.enqueue_dma source(%dma_start3A_83 : memref<64x128xf32, #tpu.memory_space<vmem>>) target(%dma_start3A_79 : memref<64x128xf32, #tpu.memory_space<vmem_shared>>) target_semaphore(%run_scoped3A_72 : memref<!tpu.dma_semaphore, #tpu.memory_space<semaphore_mem>>)
      %dma_wait3A = arith.constant 0 : i32
      %dma_wait3A_84 = arith.constant 0 : i32
      %dma_wait3A_85 = tpu.memref_slice %arg9[%run_scoped3A_43, %dma_wait3A, %dma_wait3A_84] : memref<4x64x128xf32, #tpu.memory_space<vmem>> -> memref<1x64x128xf32, #tpu.memory_space<vmem>>
      %dma_wait3A_86 = tpu.memref_squeeze %dma_wait3A_85 : memref<1x64x128xf32, #tpu.memory_space<vmem>> -> memref<64x128xf32, #tpu.memory_space<vmem>>
      %dma_wait3A_87 = arith.constant 0 : i32
      %dma_wait3A_88 = tpu.memref_slice %arg6[%multiple_of3A_42, %dma_wait3A_87] : memref<10240x128xf32, #tpu.memory_space<vmem_shared>> -> memref<64x128xf32, #tpu.memory_space<vmem_shared>>
      %dma_wait3A_89 = arith.constant 0 : i32
      %dma_wait3A_90 = tpu.memref_slice %arg6[%multiple_of3A_42, %dma_wait3A_89] : memref<10240x128xf32, #tpu.memory_space<vmem_shared>> -> memref<64x128xf32, #tpu.memory_space<vmem_shared>>
      %dma_wait3A_91 = arith.constant 0 : i32
      %dma_wait3A_92 = arith.constant 0 : i32
      %dma_wait3A_93 = tpu.memref_slice %arg9[%run_scoped3A_43, %dma_wait3A_91, %dma_wait3A_92] : memref<4x64x128xf32, #tpu.memory_space<vmem>> -> memref<1x64x128xf32, #tpu.memory_space<vmem>>
      %dma_wait3A_94 = tpu.memref_squeeze %dma_wait3A_93 : memref<1x64x128xf32, #tpu.memory_space<vmem>> -> memref<64x128xf32, #tpu.memory_space<vmem>>
      tpu.wait_dma2 semaphore(%run_scoped3A_72 : memref<!tpu.dma_semaphore, #tpu.memory_space<semaphore_mem>>) src(%dma_wait3A_94 : memref<64x128xf32, #tpu.memory_space<vmem>>) dst(%dma_wait3A_90 : memref<64x128xf32, #tpu.memory_space<vmem_shared>>)
      tpu.yield
    }) : () -> ()
    %mul3A_44 = arith.constant 640 : i32
    %mul3A_45 = arith.muli %arg1, %mul3A_44 : i32
    %add3A_46 = arith.constant 448 : i32
    %add3A_47 = arith.addi %mul3A_45, %add3A_46 : i32
    %multiple_of3A_48 = tpu.assume_multiple %add3A_47, 8 : i32
    %run_scoped3A_49 = arith.constant 0 : i32
    "tpu.region"() ({
      %run_scoped3A_72 = tpu.sem_alloc : memref<!tpu.dma_semaphore, #tpu.memory_space<semaphore_mem>>
      %dma_start3A = arith.constant 0 : i32
      %dma_start3A_73 = arith.constant 0 : i32
      %dma_start3A_74 = tpu.memref_slice %arg9[%run_scoped3A_49, %dma_start3A, %dma_start3A_73] : memref<4x64x128xf32, #tpu.memory_space<vmem>> -> memref<1x64x128xf32, #tpu.memory_space<vmem>>
      %dma_start3A_75 = tpu.memref_squeeze %dma_start3A_74 : memref<1x64x128xf32, #tpu.memory_space<vmem>> -> memref<64x128xf32, #tpu.memory_space<vmem>>
      %dma_start3A_76 = arith.constant 0 : i32
      %dma_start3A_77 = tpu.memref_slice %arg6[%multiple_of3A_48, %dma_start3A_76] : memref<10240x128xf32, #tpu.memory_space<vmem_shared>> -> memref<64x128xf32, #tpu.memory_space<vmem_shared>>
      %dma_start3A_78 = arith.constant 0 : i32
      %dma_start3A_79 = tpu.memref_slice %arg6[%multiple_of3A_48, %dma_start3A_78] : memref<10240x128xf32, #tpu.memory_space<vmem_shared>> -> memref<64x128xf32, #tpu.memory_space<vmem_shared>>
      %dma_start3A_80 = arith.constant 0 : i32
      %dma_start3A_81 = arith.constant 0 : i32
      %dma_start3A_82 = tpu.memref_slice %arg9[%run_scoped3A_49, %dma_start3A_80, %dma_start3A_81] : memref<4x64x128xf32, #tpu.memory_space<vmem>> -> memref<1x64x128xf32, #tpu.memory_space<vmem>>
      %dma_start3A_83 = tpu.memref_squeeze %dma_start3A_82 : memref<1x64x128xf32, #tpu.memory_space<vmem>> -> memref<64x128xf32, #tpu.memory_space<vmem>>
      tpu.enqueue_dma source(%dma_start3A_83 : memref<64x128xf32, #tpu.memory_space<vmem>>) target(%dma_start3A_79 : memref<64x128xf32, #tpu.memory_space<vmem_shared>>) target_semaphore(%run_scoped3A_72 : memref<!tpu.dma_semaphore, #tpu.memory_space<semaphore_mem>>)
      %dma_wait3A = arith.constant 0 : i32
      %dma_wait3A_84 = arith.constant 0 : i32
      %dma_wait3A_85 = tpu.memref_slice %arg9[%run_scoped3A_49, %dma_wait3A, %dma_wait3A_84] : memref<4x64x128xf32, #tpu.memory_space<vmem>> -> memref<1x64x128xf32, #tpu.memory_space<vmem>>
      %dma_wait3A_86 = tpu.memref_squeeze %dma_wait3A_85 : memref<1x64x128xf32, #tpu.memory_space<vmem>> -> memref<64x128xf32, #tpu.memory_space<vmem>>
      %dma_wait3A_87 = arith.constant 0 : i32
      %dma_wait3A_88 = tpu.memref_slice %arg6[%multiple_of3A_48, %dma_wait3A_87] : memref<10240x128xf32, #tpu.memory_space<vmem_shared>> -> memref<64x128xf32, #tpu.memory_space<vmem_shared>>
      %dma_wait3A_89 = arith.constant 0 : i32
      %dma_wait3A_90 = tpu.memref_slice %arg6[%multiple_of3A_48, %dma_wait3A_89] : memref<10240x128xf32, #tpu.memory_space<vmem_shared>> -> memref<64x128xf32, #tpu.memory_space<vmem_shared>>
      %dma_wait3A_91 = arith.constant 0 : i32
      %dma_wait3A_92 = arith.constant 0 : i32
      %dma_wait3A_93 = tpu.memref_slice %arg9[%run_scoped3A_49, %dma_wait3A_91, %dma_wait3A_92] : memref<4x64x128xf32, #tpu.memory_space<vmem>> -> memref<1x64x128xf32, #tpu.memory_space<vmem>>
      %dma_wait3A_94 = tpu.memref_squeeze %dma_wait3A_93 : memref<1x64x128xf32, #tpu.memory_space<vmem>> -> memref<64x128xf32, #tpu.memory_space<vmem>>
      tpu.wait_dma2 semaphore(%run_scoped3A_72 : memref<!tpu.dma_semaphore, #tpu.memory_space<semaphore_mem>>) src(%dma_wait3A_94 : memref<64x128xf32, #tpu.memory_space<vmem>>) dst(%dma_wait3A_90 : memref<64x128xf32, #tpu.memory_space<vmem_shared>>)
      tpu.yield
    }) : () -> ()
    %mul3A_50 = arith.constant 640 : i32
    %mul3A_51 = arith.muli %arg1, %mul3A_50 : i32
    %add3A_52 = arith.constant 512 : i32
    %add3A_53 = arith.addi %mul3A_51, %add3A_52 : i32
    %multiple_of3A_54 = tpu.assume_multiple %add3A_53, 8 : i32
    %run_scoped3A_55 = arith.constant 0 : i32
    "tpu.region"() ({
      %run_scoped3A_72 = tpu.sem_alloc : memref<!tpu.dma_semaphore, #tpu.memory_space<semaphore_mem>>
      %dma_start3A = arith.constant 0 : i32
      %dma_start3A_73 = arith.constant 0 : i32
      %dma_start3A_74 = tpu.memref_slice %arg9[%run_scoped3A_55, %dma_start3A, %dma_start3A_73] : memref<4x64x128xf32, #tpu.memory_space<vmem>> -> memref<1x64x128xf32, #tpu.memory_space<vmem>>
      %dma_start3A_75 = tpu.memref_squeeze %dma_start3A_74 : memref<1x64x128xf32, #tpu.memory_space<vmem>> -> memref<64x128xf32, #tpu.memory_space<vmem>>
      %dma_start3A_76 = arith.constant 0 : i32
      %dma_start3A_77 = tpu.memref_slice %arg6[%multiple_of3A_54, %dma_start3A_76] : memref<10240x128xf32, #tpu.memory_space<vmem_shared>> -> memref<64x128xf32, #tpu.memory_space<vmem_shared>>
      %dma_start3A_78 = arith.constant 0 : i32
      %dma_start3A_79 = tpu.memref_slice %arg6[%multiple_of3A_54, %dma_start3A_78] : memref<10240x128xf32, #tpu.memory_space<vmem_shared>> -> memref<64x128xf32, #tpu.memory_space<vmem_shared>>
      %dma_start3A_80 = arith.constant 0 : i32
      %dma_start3A_81 = arith.constant 0 : i32
      %dma_start3A_82 = tpu.memref_slice %arg9[%run_scoped3A_55, %dma_start3A_80, %dma_start3A_81] : memref<4x64x128xf32, #tpu.memory_space<vmem>> -> memref<1x64x128xf32, #tpu.memory_space<vmem>>
      %dma_start3A_83 = tpu.memref_squeeze %dma_start3A_82 : memref<1x64x128xf32, #tpu.memory_space<vmem>> -> memref<64x128xf32, #tpu.memory_space<vmem>>
      tpu.enqueue_dma source(%dma_start3A_83 : memref<64x128xf32, #tpu.memory_space<vmem>>) target(%dma_start3A_79 : memref<64x128xf32, #tpu.memory_space<vmem_shared>>) target_semaphore(%run_scoped3A_72 : memref<!tpu.dma_semaphore, #tpu.memory_space<semaphore_mem>>)
      %dma_wait3A = arith.constant 0 : i32
      %dma_wait3A_84 = arith.constant 0 : i32
      %dma_wait3A_85 = tpu.memref_slice %arg9[%run_scoped3A_55, %dma_wait3A, %dma_wait3A_84] : memref<4x64x128xf32, #tpu.memory_space<vmem>> -> memref<1x64x128xf32, #tpu.memory_space<vmem>>
      %dma_wait3A_86 = tpu.memref_squeeze %dma_wait3A_85 : memref<1x64x128xf32, #tpu.memory_space<vmem>> -> memref<64x128xf32, #tpu.memory_space<vmem>>
      %dma_wait3A_87 = arith.constant 0 : i32
      %dma_wait3A_88 = tpu.memref_slice %arg6[%multiple_of3A_54, %dma_wait3A_87] : memref<10240x128xf32, #tpu.memory_space<vmem_shared>> -> memref<64x128xf32, #tpu.memory_space<vmem_shared>>
      %dma_wait3A_89 = arith.constant 0 : i32
      %dma_wait3A_90 = tpu.memref_slice %arg6[%multiple_of3A_54, %dma_wait3A_89] : memref<10240x128xf32, #tpu.memory_space<vmem_shared>> -> memref<64x128xf32, #tpu.memory_space<vmem_shared>>
      %dma_wait3A_91 = arith.constant 0 : i32
      %dma_wait3A_92 = arith.constant 0 : i32
      %dma_wait3A_93 = tpu.memref_slice %arg9[%run_scoped3A_55, %dma_wait3A_91, %dma_wait3A_92] : memref<4x64x128xf32, #tpu.memory_space<vmem>> -> memref<1x64x128xf32, #tpu.memory_space<vmem>>
      %dma_wait3A_94 = tpu.memref_squeeze %dma_wait3A_93 : memref<1x64x128xf32, #tpu.memory_space<vmem>> -> memref<64x128xf32, #tpu.memory_space<vmem>>
      tpu.wait_dma2 semaphore(%run_scoped3A_72 : memref<!tpu.dma_semaphore, #tpu.memory_space<semaphore_mem>>) src(%dma_wait3A_94 : memref<64x128xf32, #tpu.memory_space<vmem>>) dst(%dma_wait3A_90 : memref<64x128xf32, #tpu.memory_space<vmem_shared>>)
      tpu.yield
    }) : () -> ()
    %mul3A_56 = arith.constant 640 : i32
    %mul3A_57 = arith.muli %arg1, %mul3A_56 : i32
    %add3A_58 = arith.constant 576 : i32
    %add3A_59 = arith.addi %mul3A_57, %add3A_58 : i32
    %multiple_of3A_60 = tpu.assume_multiple %add3A_59, 8 : i32
    %run_scoped3A_61 = arith.constant 0 : i32
    "tpu.region"() ({
      %run_scoped3A_72 = tpu.sem_alloc : memref<!tpu.dma_semaphore, #tpu.memory_space<semaphore_mem>>
      %dma_start3A = arith.constant 0 : i32
      %dma_start3A_73 = arith.constant 0 : i32
      %dma_start3A_74 = tpu.memref_slice %arg9[%run_scoped3A_61, %dma_start3A, %dma_start3A_73] : memref<4x64x128xf32, #tpu.memory_space<vmem>> -> memref<1x64x128xf32, #tpu.memory_space<vmem>>
      %dma_start3A_75 = tpu.memref_squeeze %dma_start3A_74 : memref<1x64x128xf32, #tpu.memory_space<vmem>> -> memref<64x128xf32, #tpu.memory_space<vmem>>
      %dma_start3A_76 = arith.constant 0 : i32
      %dma_start3A_77 = tpu.memref_slice %arg6[%multiple_of3A_60, %dma_start3A_76] : memref<10240x128xf32, #tpu.memory_space<vmem_shared>> -> memref<64x128xf32, #tpu.memory_space<vmem_shared>>
      %dma_start3A_78 = arith.constant 0 : i32
      %dma_start3A_79 = tpu.memref_slice %arg6[%multiple_of3A_60, %dma_start3A_78] : memref<10240x128xf32, #tpu.memory_space<vmem_shared>> -> memref<64x128xf32, #tpu.memory_space<vmem_shared>>
      %dma_start3A_80 = arith.constant 0 : i32
      %dma_start3A_81 = arith.constant 0 : i32
      %dma_start3A_82 = tpu.memref_slice %arg9[%run_scoped3A_61, %dma_start3A_80, %dma_start3A_81] : memref<4x64x128xf32, #tpu.memory_space<vmem>> -> memref<1x64x128xf32, #tpu.memory_space<vmem>>
      %dma_start3A_83 = tpu.memref_squeeze %dma_start3A_82 : memref<1x64x128xf32, #tpu.memory_space<vmem>> -> memref<64x128xf32, #tpu.memory_space<vmem>>
      tpu.enqueue_dma source(%dma_start3A_83 : memref<64x128xf32, #tpu.memory_space<vmem>>) target(%dma_start3A_79 : memref<64x128xf32, #tpu.memory_space<vmem_shared>>) target_semaphore(%run_scoped3A_72 : memref<!tpu.dma_semaphore, #tpu.memory_space<semaphore_mem>>)
      %dma_wait3A = arith.constant 0 : i32
      %dma_wait3A_84 = arith.constant 0 : i32
      %dma_wait3A_85 = tpu.memref_slice %arg9[%run_scoped3A_61, %dma_wait3A, %dma_wait3A_84] : memref<4x64x128xf32, #tpu.memory_space<vmem>> -> memref<1x64x128xf32, #tpu.memory_space<vmem>>
      %dma_wait3A_86 = tpu.memref_squeeze %dma_wait3A_85 : memref<1x64x128xf32, #tpu.memory_space<vmem>> -> memref<64x128xf32, #tpu.memory_space<vmem>>
      %dma_wait3A_87 = arith.constant 0 : i32
      %dma_wait3A_88 = tpu.memref_slice %arg6[%multiple_of3A_60, %dma_wait3A_87] : memref<10240x128xf32, #tpu.memory_space<vmem_shared>> -> memref<64x128xf32, #tpu.memory_space<vmem_shared>>
      %dma_wait3A_89 = arith.constant 0 : i32
      %dma_wait3A_90 = tpu.memref_slice %arg6[%multiple_of3A_60, %dma_wait3A_89] : memref<10240x128xf32, #tpu.memory_space<vmem_shared>> -> memref<64x128xf32, #tpu.memory_space<vmem_shared>>
      %dma_wait3A_91 = arith.constant 0 : i32
      %dma_wait3A_92 = arith.constant 0 : i32
      %dma_wait3A_93 = tpu.memref_slice %arg9[%run_scoped3A_61, %dma_wait3A_91, %dma_wait3A_92] : memref<4x64x128xf32, #tpu.memory_space<vmem>> -> memref<1x64x128xf32, #tpu.memory_space<vmem>>
      %dma_wait3A_94 = tpu.memref_squeeze %dma_wait3A_93 : memref<1x64x128xf32, #tpu.memory_space<vmem>> -> memref<64x128xf32, #tpu.memory_space<vmem>>
      tpu.wait_dma2 semaphore(%run_scoped3A_72 : memref<!tpu.dma_semaphore, #tpu.memory_space<semaphore_mem>>) src(%dma_wait3A_94 : memref<64x128xf32, #tpu.memory_space<vmem>>) dst(%dma_wait3A_90 : memref<64x128xf32, #tpu.memory_space<vmem_shared>>)
      tpu.yield
    }) : () -> ()
    %barrier3A = arith.constant 0 : index
    tpu.barrier barrier_id(%barrier3A)
    %scan3A_62 = arith.constant 0 : i32
    %scan3A_63 = arith.constant 0 : i32
    %scan3A_64 = arith.constant 4 : i32
    %scan3A_65 = arith.addi %scan3A_63, %scan3A_64 : i32
    %scan3A_66 = arith.constant 1 : i32
    scf.for %scan3A_72 = %scan3A_63 to %scan3A_65 step %scan3A_66  : i32 {
      %mul3A_73 = arith.constant 16 : i32
      %mul3A_74 = arith.muli %arg0, %mul3A_73 : i32
      %add3A_75 = arith.addi %mul3A_74, %arg1 : i32
      "tpu.region"() ({
        %run_scoped3A_272 = tpu.sem_alloc : memref<!tpu.dma_semaphore, #tpu.memory_space<semaphore_mem>>
        %dma_start3A_273 = arith.constant 0 : i32
        %dma_start3A_274 = arith.constant 0 : i32
        %dma_start3A_275 = tpu.memref_slice %arg3[%add3A_75, %scan3A_72, %dma_start3A_273, %dma_start3A_274] : memref<32x4x40x64xi32, #tpu.memory_space<hbm>> -> memref<1x1x40x64xi32, #tpu.memory_space<hbm>>
        %dma_start3A_276 = tpu.memref_squeeze %dma_start3A_275 : memref<1x1x40x64xi32, #tpu.memory_space<hbm>> -> memref<40x64xi32, #tpu.memory_space<hbm>>
        %dma_start3A_277 = arith.constant 0 : i32
        %dma_start3A_278 = arith.constant 0 : i32
        %dma_start3A_279 = tpu.memref_slice %arg3[%add3A_75, %scan3A_72, %dma_start3A_277, %dma_start3A_278] : memref<32x4x40x64xi32, #tpu.memory_space<hbm>> -> memref<1x1x40x64xi32, #tpu.memory_space<hbm>>
        %dma_start3A_280 = tpu.memref_squeeze %dma_start3A_279 : memref<1x1x40x64xi32, #tpu.memory_space<hbm>> -> memref<40x64xi32, #tpu.memory_space<hbm>>
        tpu.enqueue_dma source(%dma_start3A_280 : memref<40x64xi32, #tpu.memory_space<hbm>>) target(%arg7 : memref<40x64xi32, #tpu.memory_space<vmem>>) target_semaphore(%run_scoped3A_272 : memref<!tpu.dma_semaphore, #tpu.memory_space<semaphore_mem>>)
        %dma_wait3A_281 = arith.constant 0 : i32
        %dma_wait3A_282 = arith.constant 0 : i32
        %dma_wait3A_283 = tpu.memref_slice %arg3[%add3A_75, %scan3A_72, %dma_wait3A_281, %dma_wait3A_282] : memref<32x4x40x64xi32, #tpu.memory_space<hbm>> -> memref<1x1x40x64xi32, #tpu.memory_space<hbm>>
        %dma_wait3A_284 = tpu.memref_squeeze %dma_wait3A_283 : memref<1x1x40x64xi32, #tpu.memory_space<hbm>> -> memref<40x64xi32, #tpu.memory_space<hbm>>
        %dma_wait3A_285 = arith.constant 0 : i32
        %dma_wait3A_286 = arith.constant 0 : i32
        %dma_wait3A_287 = tpu.memref_slice %arg3[%add3A_75, %scan3A_72, %dma_wait3A_285, %dma_wait3A_286] : memref<32x4x40x64xi32, #tpu.memory_space<hbm>> -> memref<1x1x40x64xi32, #tpu.memory_space<hbm>>
        %dma_wait3A_288 = tpu.memref_squeeze %dma_wait3A_287 : memref<1x1x40x64xi32, #tpu.memory_space<hbm>> -> memref<40x64xi32, #tpu.memory_space<hbm>>
        tpu.wait_dma2 semaphore(%run_scoped3A_272 : memref<!tpu.dma_semaphore, #tpu.memory_space<semaphore_mem>>) src(%dma_wait3A_288 : memref<40x64xi32, #tpu.memory_space<hbm>>) dst(%arg7 : memref<40x64xi32, #tpu.memory_space<vmem>>)
        tpu.yield
      }) : () -> ()
      "tpu.region"() ({
        %run_scoped3A_272 = tpu.sem_alloc : memref<!tpu.dma_semaphore, #tpu.memory_space<semaphore_mem>>
        %dma_start3A_273 = arith.constant 0 : i32
        %dma_start3A_274 = arith.constant 0 : i32
        %dma_start3A_275 = tpu.memref_slice %arg4[%arg1, %scan3A_72, %dma_start3A_273, %dma_start3A_274] : memref<16x4x40x64xi32, #tpu.memory_space<hbm>> -> memref<1x1x40x64xi32, #tpu.memory_space<hbm>>
        %dma_start3A_276 = tpu.memref_squeeze %dma_start3A_275 : memref<1x1x40x64xi32, #tpu.memory_space<hbm>> -> memref<40x64xi32, #tpu.memory_space<hbm>>
        %dma_start3A_277 = arith.constant 0 : i32
        %dma_start3A_278 = arith.constant 0 : i32
        %dma_start3A_279 = tpu.memref_slice %arg4[%arg1, %scan3A_72, %dma_start3A_277, %dma_start3A_278] : memref<16x4x40x64xi32, #tpu.memory_space<hbm>> -> memref<1x1x40x64xi32, #tpu.memory_space<hbm>>
        %dma_start3A_280 = tpu.memref_squeeze %dma_start3A_279 : memref<1x1x40x64xi32, #tpu.memory_space<hbm>> -> memref<40x64xi32, #tpu.memory_space<hbm>>
        tpu.enqueue_dma source(%dma_start3A_280 : memref<40x64xi32, #tpu.memory_space<hbm>>) target(%arg8 : memref<40x64xi32, #tpu.memory_space<vmem>>) target_semaphore(%run_scoped3A_272 : memref<!tpu.dma_semaphore, #tpu.memory_space<semaphore_mem>>)
        %dma_wait3A_281 = arith.constant 0 : i32
        %dma_wait3A_282 = arith.constant 0 : i32
        %dma_wait3A_283 = tpu.memref_slice %arg4[%arg1, %scan3A_72, %dma_wait3A_281, %dma_wait3A_282] : memref<16x4x40x64xi32, #tpu.memory_space<hbm>> -> memref<1x1x40x64xi32, #tpu.memory_space<hbm>>
        %dma_wait3A_284 = tpu.memref_squeeze %dma_wait3A_283 : memref<1x1x40x64xi32, #tpu.memory_space<hbm>> -> memref<40x64xi32, #tpu.memory_space<hbm>>
        %dma_wait3A_285 = arith.constant 0 : i32
        %dma_wait3A_286 = arith.constant 0 : i32
        %dma_wait3A_287 = tpu.memref_slice %arg4[%arg1, %scan3A_72, %dma_wait3A_285, %dma_wait3A_286] : memref<16x4x40x64xi32, #tpu.memory_space<hbm>> -> memref<1x1x40x64xi32, #tpu.memory_space<hbm>>
        %dma_wait3A_288 = tpu.memref_squeeze %dma_wait3A_287 : memref<1x1x40x64xi32, #tpu.memory_space<hbm>> -> memref<40x64xi32, #tpu.memory_space<hbm>>
        tpu.wait_dma2 semaphore(%run_scoped3A_272 : memref<!tpu.dma_semaphore, #tpu.memory_space<semaphore_mem>>) src(%dma_wait3A_288 : memref<40x64xi32, #tpu.memory_space<hbm>>) dst(%arg8 : memref<40x64xi32, #tpu.memory_space<vmem>>)
        tpu.yield
      }) : () -> ()
      %dma_start3A = arith.constant 0 : i32
      %dma_start3A_76 = arith.constant 0 : i32
      %dma_start3A_77 = arith.constant 0 : i32
      %dma_start3A_78 = arith.constant 0 : i32
      %dma_start3A_79 = tpu.memref_slice %arg9[%dma_start3A_76, %dma_start3A_77, %dma_start3A_78] : memref<4x64x128xf32, #tpu.memory_space<vmem>> -> memref<1x64x128xf32, #tpu.memory_space<vmem>>
      %dma_start3A_80 = tpu.memref_squeeze %dma_start3A_79 : memref<1x64x128xf32, #tpu.memory_space<vmem>> -> memref<64x128xf32, #tpu.memory_space<vmem>>
      %dma_start3A_81 = arith.constant 0 : i32
      %dma_start3A_82 = tpu.memref_slice %arg7[%dma_start3A, %dma_start3A_81] : memref<40x64xi32, #tpu.memory_space<vmem>> -> memref<1x64xi32, #tpu.memory_space<vmem>>
      %dma_start3A_83 = tpu.memref_squeeze %dma_start3A_82 : memref<1x64xi32, #tpu.memory_space<vmem>> -> memref<64xi32, #tpu.memory_space<vmem>>
      %dma_start3A_84 = arith.constant 0 : i32
      %dma_start3A_85 = arith.constant 0 : i32
      %dma_start3A_86 = tpu.memref_slice %arg2[%dma_start3A_84, %dma_start3A_85] : memref<20480x128xf32, #tpu.memory_space<hbm>> -> memref<20480x128xf32, #tpu.memory_space<hbm>>
      tpu.enqueue_indirect_dma source(%dma_start3A_86 : memref<20480x128xf32, #tpu.memory_space<hbm>>) target(%dma_start3A_80 : memref<64x128xf32, #tpu.memory_space<vmem>>) offsets(%dma_start3A_83 : memref<64xi32, #tpu.memory_space<vmem>>) semaphore(%arg10 : memref<!tpu.dma_semaphore, #tpu.memory_space<semaphore_mem>>)
      %dma_start3A_87 = arith.constant 1 : i32
      %dma_start3A_88 = arith.constant 1 : i32
      %dma_start3A_89 = arith.constant 0 : i32
      %dma_start3A_90 = arith.constant 0 : i32
      %dma_start3A_91 = tpu.memref_slice %arg9[%dma_start3A_88, %dma_start3A_89, %dma_start3A_90] : memref<4x64x128xf32, #tpu.memory_space<vmem>> -> memref<1x64x128xf32, #tpu.memory_space<vmem>>
      %dma_start3A_92 = tpu.memref_squeeze %dma_start3A_91 : memref<1x64x128xf32, #tpu.memory_space<vmem>> -> memref<64x128xf32, #tpu.memory_space<vmem>>
      %dma_start3A_93 = arith.constant 0 : i32
      %dma_start3A_94 = tpu.memref_slice %arg7[%dma_start3A_87, %dma_start3A_93] : memref<40x64xi32, #tpu.memory_space<vmem>> -> memref<1x64xi32, #tpu.memory_space<vmem>>
      %dma_start3A_95 = tpu.memref_squeeze %dma_start3A_94 : memref<1x64xi32, #tpu.memory_space<vmem>> -> memref<64xi32, #tpu.memory_space<vmem>>
      %dma_start3A_96 = arith.constant 0 : i32
      %dma_start3A_97 = arith.constant 0 : i32
      %dma_start3A_98 = tpu.memref_slice %arg2[%dma_start3A_96, %dma_start3A_97] : memref<20480x128xf32, #tpu.memory_space<hbm>> -> memref<20480x128xf32, #tpu.memory_space<hbm>>
      tpu.enqueue_indirect_dma source(%dma_start3A_98 : memref<20480x128xf32, #tpu.memory_space<hbm>>) target(%dma_start3A_92 : memref<64x128xf32, #tpu.memory_space<vmem>>) offsets(%dma_start3A_95 : memref<64xi32, #tpu.memory_space<vmem>>) semaphore(%arg11 : memref<!tpu.dma_semaphore, #tpu.memory_space<semaphore_mem>>)
      %dma_start3A_99 = arith.constant 2 : i32
      %dma_start3A_100 = arith.constant 2 : i32
      %dma_start3A_101 = arith.constant 0 : i32
      %dma_start3A_102 = arith.constant 0 : i32
      %dma_start3A_103 = tpu.memref_slice %arg9[%dma_start3A_100, %dma_start3A_101, %dma_start3A_102] : memref<4x64x128xf32, #tpu.memory_space<vmem>> -> memref<1x64x128xf32, #tpu.memory_space<vmem>>
      %dma_start3A_104 = tpu.memref_squeeze %dma_start3A_103 : memref<1x64x128xf32, #tpu.memory_space<vmem>> -> memref<64x128xf32, #tpu.memory_space<vmem>>
      %dma_start3A_105 = arith.constant 0 : i32
      %dma_start3A_106 = tpu.memref_slice %arg7[%dma_start3A_99, %dma_start3A_105] : memref<40x64xi32, #tpu.memory_space<vmem>> -> memref<1x64xi32, #tpu.memory_space<vmem>>
      %dma_start3A_107 = tpu.memref_squeeze %dma_start3A_106 : memref<1x64xi32, #tpu.memory_space<vmem>> -> memref<64xi32, #tpu.memory_space<vmem>>
      %dma_start3A_108 = arith.constant 0 : i32
      %dma_start3A_109 = arith.constant 0 : i32
      %dma_start3A_110 = tpu.memref_slice %arg2[%dma_start3A_108, %dma_start3A_109] : memref<20480x128xf32, #tpu.memory_space<hbm>> -> memref<20480x128xf32, #tpu.memory_space<hbm>>
      tpu.enqueue_indirect_dma source(%dma_start3A_110 : memref<20480x128xf32, #tpu.memory_space<hbm>>) target(%dma_start3A_104 : memref<64x128xf32, #tpu.memory_space<vmem>>) offsets(%dma_start3A_107 : memref<64xi32, #tpu.memory_space<vmem>>) semaphore(%arg12 : memref<!tpu.dma_semaphore, #tpu.memory_space<semaphore_mem>>)
      %dma_start3A_111 = arith.constant 3 : i32
      %dma_start3A_112 = arith.constant 3 : i32
      %dma_start3A_113 = arith.constant 0 : i32
      %dma_start3A_114 = arith.constant 0 : i32
      %dma_start3A_115 = tpu.memref_slice %arg9[%dma_start3A_112, %dma_start3A_113, %dma_start3A_114] : memref<4x64x128xf32, #tpu.memory_space<vmem>> -> memref<1x64x128xf32, #tpu.memory_space<vmem>>
      %dma_start3A_116 = tpu.memref_squeeze %dma_start3A_115 : memref<1x64x128xf32, #tpu.memory_space<vmem>> -> memref<64x128xf32, #tpu.memory_space<vmem>>
      %dma_start3A_117 = arith.constant 0 : i32
      %dma_start3A_118 = tpu.memref_slice %arg7[%dma_start3A_111, %dma_start3A_117] : memref<40x64xi32, #tpu.memory_space<vmem>> -> memref<1x64xi32, #tpu.memory_space<vmem>>
      %dma_start3A_119 = tpu.memref_squeeze %dma_start3A_118 : memref<1x64xi32, #tpu.memory_space<vmem>> -> memref<64xi32, #tpu.memory_space<vmem>>
      %dma_start3A_120 = arith.constant 0 : i32
      %dma_start3A_121 = arith.constant 0 : i32
      %dma_start3A_122 = tpu.memref_slice %arg2[%dma_start3A_120, %dma_start3A_121] : memref<20480x128xf32, #tpu.memory_space<hbm>> -> memref<20480x128xf32, #tpu.memory_space<hbm>>
      tpu.enqueue_indirect_dma source(%dma_start3A_122 : memref<20480x128xf32, #tpu.memory_space<hbm>>) target(%dma_start3A_116 : memref<64x128xf32, #tpu.memory_space<vmem>>) offsets(%dma_start3A_119 : memref<64xi32, #tpu.memory_space<vmem>>) semaphore(%arg13 : memref<!tpu.dma_semaphore, #tpu.memory_space<semaphore_mem>>)
      %scan3A_123 = arith.constant 0 : i32
      %scan3A_124 = arith.constant 0 : i32
      %scan3A_125 = arith.constant 9 : i32
      %scan3A_126 = arith.addi %scan3A_124, %scan3A_125 : i32
      %scan3A_127 = arith.constant 1 : i32
      scf.for %scan3A_272 = %scan3A_124 to %scan3A_126 step %scan3A_127  : i32 {
        %mul3A_273 = arith.constant 4 : i32
        %mul3A_274 = arith.muli %scan3A_272, %mul3A_273 : i32
        %add3A_275 = arith.constant 0 : i32
        %add3A_276 = arith.addi %mul3A_274, %add3A_275 : i32
        %dma_wait3A_277 = arith.constant 0 : i32
        %dma_wait3A_278 = arith.constant 0 : i32
        %dma_wait3A_279 = arith.constant 0 : i32
        %dma_wait3A_280 = tpu.memref_slice %arg9[%dma_wait3A_277, %dma_wait3A_278, %dma_wait3A_279] : memref<4x64x128xf32, #tpu.memory_space<vmem>> -> memref<1x64x128xf32, #tpu.memory_space<vmem>>
        %dma_wait3A_281 = tpu.memref_squeeze %dma_wait3A_280 : memref<1x64x128xf32, #tpu.memory_space<vmem>> -> memref<64x128xf32, #tpu.memory_space<vmem>>
        %dma_wait3A_282 = arith.constant 0 : i32
        %dma_wait3A_283 = tpu.memref_slice %arg7[%add3A_276, %dma_wait3A_282] : memref<40x64xi32, #tpu.memory_space<vmem>> -> memref<1x64xi32, #tpu.memory_space<vmem>>
        %dma_wait3A_284 = tpu.memref_squeeze %dma_wait3A_283 : memref<1x64xi32, #tpu.memory_space<vmem>> -> memref<64xi32, #tpu.memory_space<vmem>>
        %dma_wait3A_285 = arith.constant 0 : i32
        %dma_wait3A_286 = arith.constant 0 : i32
        %dma_wait3A_287 = tpu.memref_slice %arg2[%dma_wait3A_285, %dma_wait3A_286] : memref<20480x128xf32, #tpu.memory_space<hbm>> -> memref<20480x128xf32, #tpu.memory_space<hbm>>
        tpu.wait_indirect_dma semaphore(%arg10 : memref<!tpu.dma_semaphore, #tpu.memory_space<semaphore_mem>>) src(%dma_wait3A_287 : memref<20480x128xf32, #tpu.memory_space<hbm>>) dst(%dma_wait3A_281 : memref<64x128xf32, #tpu.memory_space<vmem>>)
        %dma_start3A_288 = arith.constant 0 : i32
        %dma_start3A_289 = arith.constant 0 : i32
        %dma_start3A_290 = arith.constant 0 : i32
        %dma_start3A_291 = tpu.memref_slice %arg9[%dma_start3A_288, %dma_start3A_289, %dma_start3A_290] : memref<4x64x128xf32, #tpu.memory_space<vmem>> -> memref<1x64x128xf32, #tpu.memory_space<vmem>>
        %dma_start3A_292 = tpu.memref_squeeze %dma_start3A_291 : memref<1x64x128xf32, #tpu.memory_space<vmem>> -> memref<64x128xf32, #tpu.memory_space<vmem>>
        %dma_start3A_293 = arith.constant 0 : i32
        %dma_start3A_294 = tpu.memref_slice %arg8[%add3A_276, %dma_start3A_293] : memref<40x64xi32, #tpu.memory_space<vmem>> -> memref<1x64xi32, #tpu.memory_space<vmem>>
        %dma_start3A_295 = tpu.memref_squeeze %dma_start3A_294 : memref<1x64xi32, #tpu.memory_space<vmem>> -> memref<64xi32, #tpu.memory_space<vmem>>
        %dma_start3A_296 = arith.constant 0 : i32
        %dma_start3A_297 = arith.constant 0 : i32
        %dma_start3A_298 = tpu.memref_slice %arg6[%dma_start3A_296, %dma_start3A_297] : memref<10240x128xf32, #tpu.memory_space<vmem_shared>> -> memref<10240x128xf32, #tpu.memory_space<vmem_shared>>
        tpu.enqueue_indirect_dma source(%dma_start3A_292 : memref<64x128xf32, #tpu.memory_space<vmem>>) target(%dma_start3A_298 : memref<10240x128xf32, #tpu.memory_space<vmem_shared>>) offsets(%dma_start3A_295 : memref<64xi32, #tpu.memory_space<vmem>>) semaphore(%arg14 : memref<!tpu.dma_semaphore, #tpu.memory_space<semaphore_mem>>) {add = true}
        %mul3A_299 = arith.constant 4 : i32
        %mul3A_300 = arith.muli %scan3A_272, %mul3A_299 : i32
        %add3A_301 = arith.constant 1 : i32
        %add3A_302 = arith.addi %mul3A_300, %add3A_301 : i32
        %dma_wait3A_303 = arith.constant 1 : i32
        %dma_wait3A_304 = arith.constant 0 : i32
        %dma_wait3A_305 = arith.constant 0 : i32
        %dma_wait3A_306 = tpu.memref_slice %arg9[%dma_wait3A_303, %dma_wait3A_304, %dma_wait3A_305] : memref<4x64x128xf32, #tpu.memory_space<vmem>> -> memref<1x64x128xf32, #tpu.memory_space<vmem>>
        %dma_wait3A_307 = tpu.memref_squeeze %dma_wait3A_306 : memref<1x64x128xf32, #tpu.memory_space<vmem>> -> memref<64x128xf32, #tpu.memory_space<vmem>>
        %dma_wait3A_308 = arith.constant 0 : i32
        %dma_wait3A_309 = tpu.memref_slice %arg7[%add3A_302, %dma_wait3A_308] : memref<40x64xi32, #tpu.memory_space<vmem>> -> memref<1x64xi32, #tpu.memory_space<vmem>>
        %dma_wait3A_310 = tpu.memref_squeeze %dma_wait3A_309 : memref<1x64xi32, #tpu.memory_space<vmem>> -> memref<64xi32, #tpu.memory_space<vmem>>
        %dma_wait3A_311 = arith.constant 0 : i32
        %dma_wait3A_312 = arith.constant 0 : i32
        %dma_wait3A_313 = tpu.memref_slice %arg2[%dma_wait3A_311, %dma_wait3A_312] : memref<20480x128xf32, #tpu.memory_space<hbm>> -> memref<20480x128xf32, #tpu.memory_space<hbm>>
        tpu.wait_indirect_dma semaphore(%arg11 : memref<!tpu.dma_semaphore, #tpu.memory_space<semaphore_mem>>) src(%dma_wait3A_313 : memref<20480x128xf32, #tpu.memory_space<hbm>>) dst(%dma_wait3A_307 : memref<64x128xf32, #tpu.memory_space<vmem>>)
        %dma_start3A_314 = arith.constant 1 : i32
        %dma_start3A_315 = arith.constant 0 : i32
        %dma_start3A_316 = arith.constant 0 : i32
        %dma_start3A_317 = tpu.memref_slice %arg9[%dma_start3A_314, %dma_start3A_315, %dma_start3A_316] : memref<4x64x128xf32, #tpu.memory_space<vmem>> -> memref<1x64x128xf32, #tpu.memory_space<vmem>>
        %dma_start3A_318 = tpu.memref_squeeze %dma_start3A_317 : memref<1x64x128xf32, #tpu.memory_space<vmem>> -> memref<64x128xf32, #tpu.memory_space<vmem>>
        %dma_start3A_319 = arith.constant 0 : i32
        %dma_start3A_320 = tpu.memref_slice %arg8[%add3A_302, %dma_start3A_319] : memref<40x64xi32, #tpu.memory_space<vmem>> -> memref<1x64xi32, #tpu.memory_space<vmem>>
        %dma_start3A_321 = tpu.memref_squeeze %dma_start3A_320 : memref<1x64xi32, #tpu.memory_space<vmem>> -> memref<64xi32, #tpu.memory_space<vmem>>
        %dma_start3A_322 = arith.constant 0 : i32
        %dma_start3A_323 = arith.constant 0 : i32
        %dma_start3A_324 = tpu.memref_slice %arg6[%dma_start3A_322, %dma_start3A_323] : memref<10240x128xf32, #tpu.memory_space<vmem_shared>> -> memref<10240x128xf32, #tpu.memory_space<vmem_shared>>
        tpu.enqueue_indirect_dma source(%dma_start3A_318 : memref<64x128xf32, #tpu.memory_space<vmem>>) target(%dma_start3A_324 : memref<10240x128xf32, #tpu.memory_space<vmem_shared>>) offsets(%dma_start3A_321 : memref<64xi32, #tpu.memory_space<vmem>>) semaphore(%arg15 : memref<!tpu.dma_semaphore, #tpu.memory_space<semaphore_mem>>) {add = true}
        %mul3A_325 = arith.constant 4 : i32
        %mul3A_326 = arith.muli %scan3A_272, %mul3A_325 : i32
        %add3A_327 = arith.constant 2 : i32
        %add3A_328 = arith.addi %mul3A_326, %add3A_327 : i32
        %dma_wait3A_329 = arith.constant 2 : i32
        %dma_wait3A_330 = arith.constant 0 : i32
        %dma_wait3A_331 = arith.constant 0 : i32
        %dma_wait3A_332 = tpu.memref_slice %arg9[%dma_wait3A_329, %dma_wait3A_330, %dma_wait3A_331] : memref<4x64x128xf32, #tpu.memory_space<vmem>> -> memref<1x64x128xf32, #tpu.memory_space<vmem>>
        %dma_wait3A_333 = tpu.memref_squeeze %dma_wait3A_332 : memref<1x64x128xf32, #tpu.memory_space<vmem>> -> memref<64x128xf32, #tpu.memory_space<vmem>>
        %dma_wait3A_334 = arith.constant 0 : i32
        %dma_wait3A_335 = tpu.memref_slice %arg7[%add3A_328, %dma_wait3A_334] : memref<40x64xi32, #tpu.memory_space<vmem>> -> memref<1x64xi32, #tpu.memory_space<vmem>>
        %dma_wait3A_336 = tpu.memref_squeeze %dma_wait3A_335 : memref<1x64xi32, #tpu.memory_space<vmem>> -> memref<64xi32, #tpu.memory_space<vmem>>
        %dma_wait3A_337 = arith.constant 0 : i32
        %dma_wait3A_338 = arith.constant 0 : i32
        %dma_wait3A_339 = tpu.memref_slice %arg2[%dma_wait3A_337, %dma_wait3A_338] : memref<20480x128xf32, #tpu.memory_space<hbm>> -> memref<20480x128xf32, #tpu.memory_space<hbm>>
        tpu.wait_indirect_dma semaphore(%arg12 : memref<!tpu.dma_semaphore, #tpu.memory_space<semaphore_mem>>) src(%dma_wait3A_339 : memref<20480x128xf32, #tpu.memory_space<hbm>>) dst(%dma_wait3A_333 : memref<64x128xf32, #tpu.memory_space<vmem>>)
        %dma_start3A_340 = arith.constant 2 : i32
        %dma_start3A_341 = arith.constant 0 : i32
        %dma_start3A_342 = arith.constant 0 : i32
        %dma_start3A_343 = tpu.memref_slice %arg9[%dma_start3A_340, %dma_start3A_341, %dma_start3A_342] : memref<4x64x128xf32, #tpu.memory_space<vmem>> -> memref<1x64x128xf32, #tpu.memory_space<vmem>>
        %dma_start3A_344 = tpu.memref_squeeze %dma_start3A_343 : memref<1x64x128xf32, #tpu.memory_space<vmem>> -> memref<64x128xf32, #tpu.memory_space<vmem>>
        %dma_start3A_345 = arith.constant 0 : i32
        %dma_start3A_346 = tpu.memref_slice %arg8[%add3A_328, %dma_start3A_345] : memref<40x64xi32, #tpu.memory_space<vmem>> -> memref<1x64xi32, #tpu.memory_space<vmem>>
        %dma_start3A_347 = tpu.memref_squeeze %dma_start3A_346 : memref<1x64xi32, #tpu.memory_space<vmem>> -> memref<64xi32, #tpu.memory_space<vmem>>
        %dma_start3A_348 = arith.constant 0 : i32
        %dma_start3A_349 = arith.constant 0 : i32
        %dma_start3A_350 = tpu.memref_slice %arg6[%dma_start3A_348, %dma_start3A_349] : memref<10240x128xf32, #tpu.memory_space<vmem_shared>> -> memref<10240x128xf32, #tpu.memory_space<vmem_shared>>
        tpu.enqueue_indirect_dma source(%dma_start3A_344 : memref<64x128xf32, #tpu.memory_space<vmem>>) target(%dma_start3A_350 : memref<10240x128xf32, #tpu.memory_space<vmem_shared>>) offsets(%dma_start3A_347 : memref<64xi32, #tpu.memory_space<vmem>>) semaphore(%arg16 : memref<!tpu.dma_semaphore, #tpu.memory_space<semaphore_mem>>) {add = true}
        %mul3A_351 = arith.constant 4 : i32
        %mul3A_352 = arith.muli %scan3A_272, %mul3A_351 : i32
        %add3A_353 = arith.constant 3 : i32
        %add3A_354 = arith.addi %mul3A_352, %add3A_353 : i32
        %dma_wait3A_355 = arith.constant 3 : i32
        %dma_wait3A_356 = arith.constant 0 : i32
        %dma_wait3A_357 = arith.constant 0 : i32
        %dma_wait3A_358 = tpu.memref_slice %arg9[%dma_wait3A_355, %dma_wait3A_356, %dma_wait3A_357] : memref<4x64x128xf32, #tpu.memory_space<vmem>> -> memref<1x64x128xf32, #tpu.memory_space<vmem>>
        %dma_wait3A_359 = tpu.memref_squeeze %dma_wait3A_358 : memref<1x64x128xf32, #tpu.memory_space<vmem>> -> memref<64x128xf32, #tpu.memory_space<vmem>>
        %dma_wait3A_360 = arith.constant 0 : i32
        %dma_wait3A_361 = tpu.memref_slice %arg7[%add3A_354, %dma_wait3A_360] : memref<40x64xi32, #tpu.memory_space<vmem>> -> memref<1x64xi32, #tpu.memory_space<vmem>>
        %dma_wait3A_362 = tpu.memref_squeeze %dma_wait3A_361 : memref<1x64xi32, #tpu.memory_space<vmem>> -> memref<64xi32, #tpu.memory_space<vmem>>
        %dma_wait3A_363 = arith.constant 0 : i32
        %dma_wait3A_364 = arith.constant 0 : i32
        %dma_wait3A_365 = tpu.memref_slice %arg2[%dma_wait3A_363, %dma_wait3A_364] : memref<20480x128xf32, #tpu.memory_space<hbm>> -> memref<20480x128xf32, #tpu.memory_space<hbm>>
        tpu.wait_indirect_dma semaphore(%arg13 : memref<!tpu.dma_semaphore, #tpu.memory_space<semaphore_mem>>) src(%dma_wait3A_365 : memref<20480x128xf32, #tpu.memory_space<hbm>>) dst(%dma_wait3A_359 : memref<64x128xf32, #tpu.memory_space<vmem>>)
        %dma_start3A_366 = arith.constant 3 : i32
        %dma_start3A_367 = arith.constant 0 : i32
        %dma_start3A_368 = arith.constant 0 : i32
        %dma_start3A_369 = tpu.memref_slice %arg9[%dma_start3A_366, %dma_start3A_367, %dma_start3A_368] : memref<4x64x128xf32, #tpu.memory_space<vmem>> -> memref<1x64x128xf32, #tpu.memory_space<vmem>>
        %dma_start3A_370 = tpu.memref_squeeze %dma_start3A_369 : memref<1x64x128xf32, #tpu.memory_space<vmem>> -> memref<64x128xf32, #tpu.memory_space<vmem>>
        %dma_start3A_371 = arith.constant 0 : i32
        %dma_start3A_372 = tpu.memref_slice %arg8[%add3A_354, %dma_start3A_371] : memref<40x64xi32, #tpu.memory_space<vmem>> -> memref<1x64xi32, #tpu.memory_space<vmem>>
        %dma_start3A_373 = tpu.memref_squeeze %dma_start3A_372 : memref<1x64xi32, #tpu.memory_space<vmem>> -> memref<64xi32, #tpu.memory_space<vmem>>
        %dma_start3A_374 = arith.constant 0 : i32
        %dma_start3A_375 = arith.constant 0 : i32
        %dma_start3A_376 = tpu.memref_slice %arg6[%dma_start3A_374, %dma_start3A_375] : memref<10240x128xf32, #tpu.memory_space<vmem_shared>> -> memref<10240x128xf32, #tpu.memory_space<vmem_shared>>
        tpu.enqueue_indirect_dma source(%dma_start3A_370 : memref<64x128xf32, #tpu.memory_space<vmem>>) target(%dma_start3A_376 : memref<10240x128xf32, #tpu.memory_space<vmem_shared>>) offsets(%dma_start3A_373 : memref<64xi32, #tpu.memory_space<vmem>>) semaphore(%arg17 : memref<!tpu.dma_semaphore, #tpu.memory_space<semaphore_mem>>) {add = true}
        %mul3A_377 = arith.constant 4 : i32
        %mul3A_378 = arith.muli %scan3A_272, %mul3A_377 : i32
        %add3A_379 = arith.constant 0 : i32
        %add3A_380 = arith.addi %mul3A_378, %add3A_379 : i32
        %dma_wait3A_381 = arith.constant 0 : i32
        %dma_wait3A_382 = arith.constant 0 : i32
        %dma_wait3A_383 = arith.constant 0 : i32
        %dma_wait3A_384 = tpu.memref_slice %arg9[%dma_wait3A_381, %dma_wait3A_382, %dma_wait3A_383] : memref<4x64x128xf32, #tpu.memory_space<vmem>> -> memref<1x64x128xf32, #tpu.memory_space<vmem>>
        %dma_wait3A_385 = tpu.memref_squeeze %dma_wait3A_384 : memref<1x64x128xf32, #tpu.memory_space<vmem>> -> memref<64x128xf32, #tpu.memory_space<vmem>>
        %dma_wait3A_386 = arith.constant 0 : i32
        %dma_wait3A_387 = tpu.memref_slice %arg8[%add3A_380, %dma_wait3A_386] : memref<40x64xi32, #tpu.memory_space<vmem>> -> memref<1x64xi32, #tpu.memory_space<vmem>>
        %dma_wait3A_388 = tpu.memref_squeeze %dma_wait3A_387 : memref<1x64xi32, #tpu.memory_space<vmem>> -> memref<64xi32, #tpu.memory_space<vmem>>
        %dma_wait3A_389 = arith.constant 0 : i32
        %dma_wait3A_390 = arith.constant 0 : i32
        %dma_wait3A_391 = tpu.memref_slice %arg6[%dma_wait3A_389, %dma_wait3A_390] : memref<10240x128xf32, #tpu.memory_space<vmem_shared>> -> memref<10240x128xf32, #tpu.memory_space<vmem_shared>>
        tpu.wait_indirect_dma semaphore(%arg14 : memref<!tpu.dma_semaphore, #tpu.memory_space<semaphore_mem>>) src(%dma_wait3A_385 : memref<64x128xf32, #tpu.memory_space<vmem>>) dst(%dma_wait3A_391 : memref<10240x128xf32, #tpu.memory_space<vmem_shared>>)
        %add3A_392 = arith.constant 1 : i32
        %add3A_393 = arith.addi %scan3A_272, %add3A_392 : i32
        %mul3A_394 = arith.constant 4 : i32
        %mul3A_395 = arith.muli %add3A_393, %mul3A_394 : i32
        %add3A_396 = arith.constant 0 : i32
        %add3A_397 = arith.addi %mul3A_395, %add3A_396 : i32
        %dma_start3A_398 = arith.constant 0 : i32
        %dma_start3A_399 = arith.constant 0 : i32
        %dma_start3A_400 = arith.constant 0 : i32
        %dma_start3A_401 = tpu.memref_slice %arg9[%dma_start3A_398, %dma_start3A_399, %dma_start3A_400] : memref<4x64x128xf32, #tpu.memory_space<vmem>> -> memref<1x64x128xf32, #tpu.memory_space<vmem>>
        %dma_start3A_402 = tpu.memref_squeeze %dma_start3A_401 : memref<1x64x128xf32, #tpu.memory_space<vmem>> -> memref<64x128xf32, #tpu.memory_space<vmem>>
        %dma_start3A_403 = arith.constant 0 : i32
        %dma_start3A_404 = tpu.memref_slice %arg7[%add3A_397, %dma_start3A_403] : memref<40x64xi32, #tpu.memory_space<vmem>> -> memref<1x64xi32, #tpu.memory_space<vmem>>
        %dma_start3A_405 = tpu.memref_squeeze %dma_start3A_404 : memref<1x64xi32, #tpu.memory_space<vmem>> -> memref<64xi32, #tpu.memory_space<vmem>>
        %dma_start3A_406 = arith.constant 0 : i32
        %dma_start3A_407 = arith.constant 0 : i32
        %dma_start3A_408 = tpu.memref_slice %arg2[%dma_start3A_406, %dma_start3A_407] : memref<20480x128xf32, #tpu.memory_space<hbm>> -> memref<20480x128xf32, #tpu.memory_space<hbm>>
        tpu.enqueue_indirect_dma source(%dma_start3A_408 : memref<20480x128xf32, #tpu.memory_space<hbm>>) target(%dma_start3A_402 : memref<64x128xf32, #tpu.memory_space<vmem>>) offsets(%dma_start3A_405 : memref<64xi32, #tpu.memory_space<vmem>>) semaphore(%arg10 : memref<!tpu.dma_semaphore, #tpu.memory_space<semaphore_mem>>)
        %mul3A_409 = arith.constant 4 : i32
        %mul3A_410 = arith.muli %scan3A_272, %mul3A_409 : i32
        %add3A_411 = arith.constant 1 : i32
        %add3A_412 = arith.addi %mul3A_410, %add3A_411 : i32
        %dma_wait3A_413 = arith.constant 1 : i32
        %dma_wait3A_414 = arith.constant 0 : i32
        %dma_wait3A_415 = arith.constant 0 : i32
        %dma_wait3A_416 = tpu.memref_slice %arg9[%dma_wait3A_413, %dma_wait3A_414, %dma_wait3A_415] : memref<4x64x128xf32, #tpu.memory_space<vmem>> -> memref<1x64x128xf32, #tpu.memory_space<vmem>>
        %dma_wait3A_417 = tpu.memref_squeeze %dma_wait3A_416 : memref<1x64x128xf32, #tpu.memory_space<vmem>> -> memref<64x128xf32, #tpu.memory_space<vmem>>
        %dma_wait3A_418 = arith.constant 0 : i32
        %dma_wait3A_419 = tpu.memref_slice %arg8[%add3A_412, %dma_wait3A_418] : memref<40x64xi32, #tpu.memory_space<vmem>> -> memref<1x64xi32, #tpu.memory_space<vmem>>
        %dma_wait3A_420 = tpu.memref_squeeze %dma_wait3A_419 : memref<1x64xi32, #tpu.memory_space<vmem>> -> memref<64xi32, #tpu.memory_space<vmem>>
        %dma_wait3A_421 = arith.constant 0 : i32
        %dma_wait3A_422 = arith.constant 0 : i32
        %dma_wait3A_423 = tpu.memref_slice %arg6[%dma_wait3A_421, %dma_wait3A_422] : memref<10240x128xf32, #tpu.memory_space<vmem_shared>> -> memref<10240x128xf32, #tpu.memory_space<vmem_shared>>
        tpu.wait_indirect_dma semaphore(%arg15 : memref<!tpu.dma_semaphore, #tpu.memory_space<semaphore_mem>>) src(%dma_wait3A_417 : memref<64x128xf32, #tpu.memory_space<vmem>>) dst(%dma_wait3A_423 : memref<10240x128xf32, #tpu.memory_space<vmem_shared>>)
        %add3A_424 = arith.constant 1 : i32
        %add3A_425 = arith.addi %scan3A_272, %add3A_424 : i32
        %mul3A_426 = arith.constant 4 : i32
        %mul3A_427 = arith.muli %add3A_425, %mul3A_426 : i32
        %add3A_428 = arith.constant 1 : i32
        %add3A_429 = arith.addi %mul3A_427, %add3A_428 : i32
        %dma_start3A_430 = arith.constant 1 : i32
        %dma_start3A_431 = arith.constant 0 : i32
        %dma_start3A_432 = arith.constant 0 : i32
        %dma_start3A_433 = tpu.memref_slice %arg9[%dma_start3A_430, %dma_start3A_431, %dma_start3A_432] : memref<4x64x128xf32, #tpu.memory_space<vmem>> -> memref<1x64x128xf32, #tpu.memory_space<vmem>>
        %dma_start3A_434 = tpu.memref_squeeze %dma_start3A_433 : memref<1x64x128xf32, #tpu.memory_space<vmem>> -> memref<64x128xf32, #tpu.memory_space<vmem>>
        %dma_start3A_435 = arith.constant 0 : i32
        %dma_start3A_436 = tpu.memref_slice %arg7[%add3A_429, %dma_start3A_435] : memref<40x64xi32, #tpu.memory_space<vmem>> -> memref<1x64xi32, #tpu.memory_space<vmem>>
        %dma_start3A_437 = tpu.memref_squeeze %dma_start3A_436 : memref<1x64xi32, #tpu.memory_space<vmem>> -> memref<64xi32, #tpu.memory_space<vmem>>
        %dma_start3A_438 = arith.constant 0 : i32
        %dma_start3A_439 = arith.constant 0 : i32
        %dma_start3A_440 = tpu.memref_slice %arg2[%dma_start3A_438, %dma_start3A_439] : memref<20480x128xf32, #tpu.memory_space<hbm>> -> memref<20480x128xf32, #tpu.memory_space<hbm>>
        tpu.enqueue_indirect_dma source(%dma_start3A_440 : memref<20480x128xf32, #tpu.memory_space<hbm>>) target(%dma_start3A_434 : memref<64x128xf32, #tpu.memory_space<vmem>>) offsets(%dma_start3A_437 : memref<64xi32, #tpu.memory_space<vmem>>) semaphore(%arg11 : memref<!tpu.dma_semaphore, #tpu.memory_space<semaphore_mem>>)
        %mul3A_441 = arith.constant 4 : i32
        %mul3A_442 = arith.muli %scan3A_272, %mul3A_441 : i32
        %add3A_443 = arith.constant 2 : i32
        %add3A_444 = arith.addi %mul3A_442, %add3A_443 : i32
        %dma_wait3A_445 = arith.constant 2 : i32
        %dma_wait3A_446 = arith.constant 0 : i32
        %dma_wait3A_447 = arith.constant 0 : i32
        %dma_wait3A_448 = tpu.memref_slice %arg9[%dma_wait3A_445, %dma_wait3A_446, %dma_wait3A_447] : memref<4x64x128xf32, #tpu.memory_space<vmem>> -> memref<1x64x128xf32, #tpu.memory_space<vmem>>
        %dma_wait3A_449 = tpu.memref_squeeze %dma_wait3A_448 : memref<1x64x128xf32, #tpu.memory_space<vmem>> -> memref<64x128xf32, #tpu.memory_space<vmem>>
        %dma_wait3A_450 = arith.constant 0 : i32
        %dma_wait3A_451 = tpu.memref_slice %arg8[%add3A_444, %dma_wait3A_450] : memref<40x64xi32, #tpu.memory_space<vmem>> -> memref<1x64xi32, #tpu.memory_space<vmem>>
        %dma_wait3A_452 = tpu.memref_squeeze %dma_wait3A_451 : memref<1x64xi32, #tpu.memory_space<vmem>> -> memref<64xi32, #tpu.memory_space<vmem>>
        %dma_wait3A_453 = arith.constant 0 : i32
        %dma_wait3A_454 = arith.constant 0 : i32
        %dma_wait3A_455 = tpu.memref_slice %arg6[%dma_wait3A_453, %dma_wait3A_454] : memref<10240x128xf32, #tpu.memory_space<vmem_shared>> -> memref<10240x128xf32, #tpu.memory_space<vmem_shared>>
        tpu.wait_indirect_dma semaphore(%arg16 : memref<!tpu.dma_semaphore, #tpu.memory_space<semaphore_mem>>) src(%dma_wait3A_449 : memref<64x128xf32, #tpu.memory_space<vmem>>) dst(%dma_wait3A_455 : memref<10240x128xf32, #tpu.memory_space<vmem_shared>>)
        %add3A_456 = arith.constant 1 : i32
        %add3A_457 = arith.addi %scan3A_272, %add3A_456 : i32
        %mul3A_458 = arith.constant 4 : i32
        %mul3A_459 = arith.muli %add3A_457, %mul3A_458 : i32
        %add3A_460 = arith.constant 2 : i32
        %add3A_461 = arith.addi %mul3A_459, %add3A_460 : i32
        %dma_start3A_462 = arith.constant 2 : i32
        %dma_start3A_463 = arith.constant 0 : i32
        %dma_start3A_464 = arith.constant 0 : i32
        %dma_start3A_465 = tpu.memref_slice %arg9[%dma_start3A_462, %dma_start3A_463, %dma_start3A_464] : memref<4x64x128xf32, #tpu.memory_space<vmem>> -> memref<1x64x128xf32, #tpu.memory_space<vmem>>
        %dma_start3A_466 = tpu.memref_squeeze %dma_start3A_465 : memref<1x64x128xf32, #tpu.memory_space<vmem>> -> memref<64x128xf32, #tpu.memory_space<vmem>>
        %dma_start3A_467 = arith.constant 0 : i32
        %dma_start3A_468 = tpu.memref_slice %arg7[%add3A_461, %dma_start3A_467] : memref<40x64xi32, #tpu.memory_space<vmem>> -> memref<1x64xi32, #tpu.memory_space<vmem>>
        %dma_start3A_469 = tpu.memref_squeeze %dma_start3A_468 : memref<1x64xi32, #tpu.memory_space<vmem>> -> memref<64xi32, #tpu.memory_space<vmem>>
        %dma_start3A_470 = arith.constant 0 : i32
        %dma_start3A_471 = arith.constant 0 : i32
        %dma_start3A_472 = tpu.memref_slice %arg2[%dma_start3A_470, %dma_start3A_471] : memref<20480x128xf32, #tpu.memory_space<hbm>> -> memref<20480x128xf32, #tpu.memory_space<hbm>>
        tpu.enqueue_indirect_dma source(%dma_start3A_472 : memref<20480x128xf32, #tpu.memory_space<hbm>>) target(%dma_start3A_466 : memref<64x128xf32, #tpu.memory_space<vmem>>) offsets(%dma_start3A_469 : memref<64xi32, #tpu.memory_space<vmem>>) semaphore(%arg12 : memref<!tpu.dma_semaphore, #tpu.memory_space<semaphore_mem>>)
        %mul3A_473 = arith.constant 4 : i32
        %mul3A_474 = arith.muli %scan3A_272, %mul3A_473 : i32
        %add3A_475 = arith.constant 3 : i32
        %add3A_476 = arith.addi %mul3A_474, %add3A_475 : i32
        %dma_wait3A_477 = arith.constant 3 : i32
        %dma_wait3A_478 = arith.constant 0 : i32
        %dma_wait3A_479 = arith.constant 0 : i32
        %dma_wait3A_480 = tpu.memref_slice %arg9[%dma_wait3A_477, %dma_wait3A_478, %dma_wait3A_479] : memref<4x64x128xf32, #tpu.memory_space<vmem>> -> memref<1x64x128xf32, #tpu.memory_space<vmem>>
        %dma_wait3A_481 = tpu.memref_squeeze %dma_wait3A_480 : memref<1x64x128xf32, #tpu.memory_space<vmem>> -> memref<64x128xf32, #tpu.memory_space<vmem>>
        %dma_wait3A_482 = arith.constant 0 : i32
        %dma_wait3A_483 = tpu.memref_slice %arg8[%add3A_476, %dma_wait3A_482] : memref<40x64xi32, #tpu.memory_space<vmem>> -> memref<1x64xi32, #tpu.memory_space<vmem>>
        %dma_wait3A_484 = tpu.memref_squeeze %dma_wait3A_483 : memref<1x64xi32, #tpu.memory_space<vmem>> -> memref<64xi32, #tpu.memory_space<vmem>>
        %dma_wait3A_485 = arith.constant 0 : i32
        %dma_wait3A_486 = arith.constant 0 : i32
        %dma_wait3A_487 = tpu.memref_slice %arg6[%dma_wait3A_485, %dma_wait3A_486] : memref<10240x128xf32, #tpu.memory_space<vmem_shared>> -> memref<10240x128xf32, #tpu.memory_space<vmem_shared>>
        tpu.wait_indirect_dma semaphore(%arg17 : memref<!tpu.dma_semaphore, #tpu.memory_space<semaphore_mem>>) src(%dma_wait3A_481 : memref<64x128xf32, #tpu.memory_space<vmem>>) dst(%dma_wait3A_487 : memref<10240x128xf32, #tpu.memory_space<vmem_shared>>)
        %add3A_488 = arith.constant 1 : i32
        %add3A_489 = arith.addi %scan3A_272, %add3A_488 : i32
        %mul3A_490 = arith.constant 4 : i32
        %mul3A_491 = arith.muli %add3A_489, %mul3A_490 : i32
        %add3A_492 = arith.constant 3 : i32
        %add3A_493 = arith.addi %mul3A_491, %add3A_492 : i32
        %dma_start3A_494 = arith.constant 3 : i32
        %dma_start3A_495 = arith.constant 0 : i32
        %dma_start3A_496 = arith.constant 0 : i32
        %dma_start3A_497 = tpu.memref_slice %arg9[%dma_start3A_494, %dma_start3A_495, %dma_start3A_496] : memref<4x64x128xf32, #tpu.memory_space<vmem>> -> memref<1x64x128xf32, #tpu.memory_space<vmem>>
        %dma_start3A_498 = tpu.memref_squeeze %dma_start3A_497 : memref<1x64x128xf32, #tpu.memory_space<vmem>> -> memref<64x128xf32, #tpu.memory_space<vmem>>
        %dma_start3A_499 = arith.constant 0 : i32
        %dma_start3A_500 = tpu.memref_slice %arg7[%add3A_493, %dma_start3A_499] : memref<40x64xi32, #tpu.memory_space<vmem>> -> memref<1x64xi32, #tpu.memory_space<vmem>>
        %dma_start3A_501 = tpu.memref_squeeze %dma_start3A_500 : memref<1x64xi32, #tpu.memory_space<vmem>> -> memref<64xi32, #tpu.memory_space<vmem>>
        %dma_start3A_502 = arith.constant 0 : i32
        %dma_start3A_503 = arith.constant 0 : i32
        %dma_start3A_504 = tpu.memref_slice %arg2[%dma_start3A_502, %dma_start3A_503] : memref<20480x128xf32, #tpu.memory_space<hbm>> -> memref<20480x128xf32, #tpu.memory_space<hbm>>
        tpu.enqueue_indirect_dma source(%dma_start3A_504 : memref<20480x128xf32, #tpu.memory_space<hbm>>) target(%dma_start3A_498 : memref<64x128xf32, #tpu.memory_space<vmem>>) offsets(%dma_start3A_501 : memref<64xi32, #tpu.memory_space<vmem>>) semaphore(%arg13 : memref<!tpu.dma_semaphore, #tpu.memory_space<semaphore_mem>>)
      }
      %scan3A_128 = arith.constant 9 : i32
      %dma_wait3A = arith.constant 36 : i32
      %dma_wait3A_129 = arith.constant 0 : i32
      %dma_wait3A_130 = arith.constant 0 : i32
      %dma_wait3A_131 = arith.constant 0 : i32
      %dma_wait3A_132 = tpu.memref_slice %arg9[%dma_wait3A_129, %dma_wait3A_130, %dma_wait3A_131] : memref<4x64x128xf32, #tpu.memory_space<vmem>> -> memref<1x64x128xf32, #tpu.memory_space<vmem>>
      %dma_wait3A_133 = tpu.memref_squeeze %dma_wait3A_132 : memref<1x64x128xf32, #tpu.memory_space<vmem>> -> memref<64x128xf32, #tpu.memory_space<vmem>>
      %dma_wait3A_134 = arith.constant 0 : i32
      %dma_wait3A_135 = tpu.memref_slice %arg7[%dma_wait3A, %dma_wait3A_134] : memref<40x64xi32, #tpu.memory_space<vmem>> -> memref<1x64xi32, #tpu.memory_space<vmem>>
      %dma_wait3A_136 = tpu.memref_squeeze %dma_wait3A_135 : memref<1x64xi32, #tpu.memory_space<vmem>> -> memref<64xi32, #tpu.memory_space<vmem>>
      %dma_wait3A_137 = arith.constant 0 : i32
      %dma_wait3A_138 = arith.constant 0 : i32
      %dma_wait3A_139 = tpu.memref_slice %arg2[%dma_wait3A_137, %dma_wait3A_138] : memref<20480x128xf32, #tpu.memory_space<hbm>> -> memref<20480x128xf32, #tpu.memory_space<hbm>>
      tpu.wait_indirect_dma semaphore(%arg10 : memref<!tpu.dma_semaphore, #tpu.memory_space<semaphore_mem>>) src(%dma_wait3A_139 : memref<20480x128xf32, #tpu.memory_space<hbm>>) dst(%dma_wait3A_133 : memref<64x128xf32, #tpu.memory_space<vmem>>)
      %dma_start3A_140 = arith.constant 0 : i32
      %dma_start3A_141 = arith.constant 36 : i32
      %dma_start3A_142 = arith.constant 0 : i32
      %dma_start3A_143 = arith.constant 0 : i32
      %dma_start3A_144 = tpu.memref_slice %arg9[%dma_start3A_140, %dma_start3A_142, %dma_start3A_143] : memref<4x64x128xf32, #tpu.memory_space<vmem>> -> memref<1x64x128xf32, #tpu.memory_space<vmem>>
      %dma_start3A_145 = tpu.memref_squeeze %dma_start3A_144 : memref<1x64x128xf32, #tpu.memory_space<vmem>> -> memref<64x128xf32, #tpu.memory_space<vmem>>
      %dma_start3A_146 = arith.constant 0 : i32
      %dma_start3A_147 = tpu.memref_slice %arg8[%dma_start3A_141, %dma_start3A_146] : memref<40x64xi32, #tpu.memory_space<vmem>> -> memref<1x64xi32, #tpu.memory_space<vmem>>
      %dma_start3A_148 = tpu.memref_squeeze %dma_start3A_147 : memref<1x64xi32, #tpu.memory_space<vmem>> -> memref<64xi32, #tpu.memory_space<vmem>>
      %dma_start3A_149 = arith.constant 0 : i32
      %dma_start3A_150 = arith.constant 0 : i32
      %dma_start3A_151 = tpu.memref_slice %arg6[%dma_start3A_149, %dma_start3A_150] : memref<10240x128xf32, #tpu.memory_space<vmem_shared>> -> memref<10240x128xf32, #tpu.memory_space<vmem_shared>>
      tpu.enqueue_indirect_dma source(%dma_start3A_145 : memref<64x128xf32, #tpu.memory_space<vmem>>) target(%dma_start3A_151 : memref<10240x128xf32, #tpu.memory_space<vmem_shared>>) offsets(%dma_start3A_148 : memref<64xi32, #tpu.memory_space<vmem>>) semaphore(%arg14 : memref<!tpu.dma_semaphore, #tpu.memory_space<semaphore_mem>>) {add = true}
      %dma_wait3A_152 = arith.constant 37 : i32
      %dma_wait3A_153 = arith.constant 1 : i32
      %dma_wait3A_154 = arith.constant 0 : i32
      %dma_wait3A_155 = arith.constant 0 : i32
      %dma_wait3A_156 = tpu.memref_slice %arg9[%dma_wait3A_153, %dma_wait3A_154, %dma_wait3A_155] : memref<4x64x128xf32, #tpu.memory_space<vmem>> -> memref<1x64x128xf32, #tpu.memory_space<vmem>>
      %dma_wait3A_157 = tpu.memref_squeeze %dma_wait3A_156 : memref<1x64x128xf32, #tpu.memory_space<vmem>> -> memref<64x128xf32, #tpu.memory_space<vmem>>
      %dma_wait3A_158 = arith.constant 0 : i32
      %dma_wait3A_159 = tpu.memref_slice %arg7[%dma_wait3A_152, %dma_wait3A_158] : memref<40x64xi32, #tpu.memory_space<vmem>> -> memref<1x64xi32, #tpu.memory_space<vmem>>
      %dma_wait3A_160 = tpu.memref_squeeze %dma_wait3A_159 : memref<1x64xi32, #tpu.memory_space<vmem>> -> memref<64xi32, #tpu.memory_space<vmem>>
      %dma_wait3A_161 = arith.constant 0 : i32
      %dma_wait3A_162 = arith.constant 0 : i32
      %dma_wait3A_163 = tpu.memref_slice %arg2[%dma_wait3A_161, %dma_wait3A_162] : memref<20480x128xf32, #tpu.memory_space<hbm>> -> memref<20480x128xf32, #tpu.memory_space<hbm>>
      tpu.wait_indirect_dma semaphore(%arg11 : memref<!tpu.dma_semaphore, #tpu.memory_space<semaphore_mem>>) src(%dma_wait3A_163 : memref<20480x128xf32, #tpu.memory_space<hbm>>) dst(%dma_wait3A_157 : memref<64x128xf32, #tpu.memory_space<vmem>>)
      %dma_start3A_164 = arith.constant 1 : i32
      %dma_start3A_165 = arith.constant 37 : i32
      %dma_start3A_166 = arith.constant 0 : i32
      %dma_start3A_167 = arith.constant 0 : i32
      %dma_start3A_168 = tpu.memref_slice %arg9[%dma_start3A_164, %dma_start3A_166, %dma_start3A_167] : memref<4x64x128xf32, #tpu.memory_space<vmem>> -> memref<1x64x128xf32, #tpu.memory_space<vmem>>
      %dma_start3A_169 = tpu.memref_squeeze %dma_start3A_168 : memref<1x64x128xf32, #tpu.memory_space<vmem>> -> memref<64x128xf32, #tpu.memory_space<vmem>>
      %dma_start3A_170 = arith.constant 0 : i32
      %dma_start3A_171 = tpu.memref_slice %arg8[%dma_start3A_165, %dma_start3A_170] : memref<40x64xi32, #tpu.memory_space<vmem>> -> memref<1x64xi32, #tpu.memory_space<vmem>>
      %dma_start3A_172 = tpu.memref_squeeze %dma_start3A_171 : memref<1x64xi32, #tpu.memory_space<vmem>> -> memref<64xi32, #tpu.memory_space<vmem>>
      %dma_start3A_173 = arith.constant 0 : i32
      %dma_start3A_174 = arith.constant 0 : i32
      %dma_start3A_175 = tpu.memref_slice %arg6[%dma_start3A_173, %dma_start3A_174] : memref<10240x128xf32, #tpu.memory_space<vmem_shared>> -> memref<10240x128xf32, #tpu.memory_space<vmem_shared>>
      tpu.enqueue_indirect_dma source(%dma_start3A_169 : memref<64x128xf32, #tpu.memory_space<vmem>>) target(%dma_start3A_175 : memref<10240x128xf32, #tpu.memory_space<vmem_shared>>) offsets(%dma_start3A_172 : memref<64xi32, #tpu.memory_space<vmem>>) semaphore(%arg15 : memref<!tpu.dma_semaphore, #tpu.memory_space<semaphore_mem>>) {add = true}
      %dma_wait3A_176 = arith.constant 38 : i32
      %dma_wait3A_177 = arith.constant 2 : i32
      %dma_wait3A_178 = arith.constant 0 : i32
      %dma_wait3A_179 = arith.constant 0 : i32
      %dma_wait3A_180 = tpu.memref_slice %arg9[%dma_wait3A_177, %dma_wait3A_178, %dma_wait3A_179] : memref<4x64x128xf32, #tpu.memory_space<vmem>> -> memref<1x64x128xf32, #tpu.memory_space<vmem>>
      %dma_wait3A_181 = tpu.memref_squeeze %dma_wait3A_180 : memref<1x64x128xf32, #tpu.memory_space<vmem>> -> memref<64x128xf32, #tpu.memory_space<vmem>>
      %dma_wait3A_182 = arith.constant 0 : i32
      %dma_wait3A_183 = tpu.memref_slice %arg7[%dma_wait3A_176, %dma_wait3A_182] : memref<40x64xi32, #tpu.memory_space<vmem>> -> memref<1x64xi32, #tpu.memory_space<vmem>>
      %dma_wait3A_184 = tpu.memref_squeeze %dma_wait3A_183 : memref<1x64xi32, #tpu.memory_space<vmem>> -> memref<64xi32, #tpu.memory_space<vmem>>
      %dma_wait3A_185 = arith.constant 0 : i32
      %dma_wait3A_186 = arith.constant 0 : i32
      %dma_wait3A_187 = tpu.memref_slice %arg2[%dma_wait3A_185, %dma_wait3A_186] : memref<20480x128xf32, #tpu.memory_space<hbm>> -> memref<20480x128xf32, #tpu.memory_space<hbm>>
      tpu.wait_indirect_dma semaphore(%arg12 : memref<!tpu.dma_semaphore, #tpu.memory_space<semaphore_mem>>) src(%dma_wait3A_187 : memref<20480x128xf32, #tpu.memory_space<hbm>>) dst(%dma_wait3A_181 : memref<64x128xf32, #tpu.memory_space<vmem>>)
      %dma_start3A_188 = arith.constant 2 : i32
      %dma_start3A_189 = arith.constant 38 : i32
      %dma_start3A_190 = arith.constant 0 : i32
      %dma_start3A_191 = arith.constant 0 : i32
      %dma_start3A_192 = tpu.memref_slice %arg9[%dma_start3A_188, %dma_start3A_190, %dma_start3A_191] : memref<4x64x128xf32, #tpu.memory_space<vmem>> -> memref<1x64x128xf32, #tpu.memory_space<vmem>>
      %dma_start3A_193 = tpu.memref_squeeze %dma_start3A_192 : memref<1x64x128xf32, #tpu.memory_space<vmem>> -> memref<64x128xf32, #tpu.memory_space<vmem>>
      %dma_start3A_194 = arith.constant 0 : i32
      %dma_start3A_195 = tpu.memref_slice %arg8[%dma_start3A_189, %dma_start3A_194] : memref<40x64xi32, #tpu.memory_space<vmem>> -> memref<1x64xi32, #tpu.memory_space<vmem>>
      %dma_start3A_196 = tpu.memref_squeeze %dma_start3A_195 : memref<1x64xi32, #tpu.memory_space<vmem>> -> memref<64xi32, #tpu.memory_space<vmem>>
      %dma_start3A_197 = arith.constant 0 : i32
      %dma_start3A_198 = arith.constant 0 : i32
      %dma_start3A_199 = tpu.memref_slice %arg6[%dma_start3A_197, %dma_start3A_198] : memref<10240x128xf32, #tpu.memory_space<vmem_shared>> -> memref<10240x128xf32, #tpu.memory_space<vmem_shared>>
      tpu.enqueue_indirect_dma source(%dma_start3A_193 : memref<64x128xf32, #tpu.memory_space<vmem>>) target(%dma_start3A_199 : memref<10240x128xf32, #tpu.memory_space<vmem_shared>>) offsets(%dma_start3A_196 : memref<64xi32, #tpu.memory_space<vmem>>) semaphore(%arg16 : memref<!tpu.dma_semaphore, #tpu.memory_space<semaphore_mem>>) {add = true}
      %dma_wait3A_200 = arith.constant 39 : i32
      %dma_wait3A_201 = arith.constant 3 : i32
      %dma_wait3A_202 = arith.constant 0 : i32
      %dma_wait3A_203 = arith.constant 0 : i32
      %dma_wait3A_204 = tpu.memref_slice %arg9[%dma_wait3A_201, %dma_wait3A_202, %dma_wait3A_203] : memref<4x64x128xf32, #tpu.memory_space<vmem>> -> memref<1x64x128xf32, #tpu.memory_space<vmem>>
      %dma_wait3A_205 = tpu.memref_squeeze %dma_wait3A_204 : memref<1x64x128xf32, #tpu.memory_space<vmem>> -> memref<64x128xf32, #tpu.memory_space<vmem>>
      %dma_wait3A_206 = arith.constant 0 : i32
      %dma_wait3A_207 = tpu.memref_slice %arg7[%dma_wait3A_200, %dma_wait3A_206] : memref<40x64xi32, #tpu.memory_space<vmem>> -> memref<1x64xi32, #tpu.memory_space<vmem>>
      %dma_wait3A_208 = tpu.memref_squeeze %dma_wait3A_207 : memref<1x64xi32, #tpu.memory_space<vmem>> -> memref<64xi32, #tpu.memory_space<vmem>>
      %dma_wait3A_209 = arith.constant 0 : i32
      %dma_wait3A_210 = arith.constant 0 : i32
      %dma_wait3A_211 = tpu.memref_slice %arg2[%dma_wait3A_209, %dma_wait3A_210] : memref<20480x128xf32, #tpu.memory_space<hbm>> -> memref<20480x128xf32, #tpu.memory_space<hbm>>
      tpu.wait_indirect_dma semaphore(%arg13 : memref<!tpu.dma_semaphore, #tpu.memory_space<semaphore_mem>>) src(%dma_wait3A_211 : memref<20480x128xf32, #tpu.memory_space<hbm>>) dst(%dma_wait3A_205 : memref<64x128xf32, #tpu.memory_space<vmem>>)
      %dma_start3A_212 = arith.constant 3 : i32
      %dma_start3A_213 = arith.constant 39 : i32
      %dma_start3A_214 = arith.constant 0 : i32
      %dma_start3A_215 = arith.constant 0 : i32
      %dma_start3A_216 = tpu.memref_slice %arg9[%dma_start3A_212, %dma_start3A_214, %dma_start3A_215] : memref<4x64x128xf32, #tpu.memory_space<vmem>> -> memref<1x64x128xf32, #tpu.memory_space<vmem>>
      %dma_start3A_217 = tpu.memref_squeeze %dma_start3A_216 : memref<1x64x128xf32, #tpu.memory_space<vmem>> -> memref<64x128xf32, #tpu.memory_space<vmem>>
      %dma_start3A_218 = arith.constant 0 : i32
      %dma_start3A_219 = tpu.memref_slice %arg8[%dma_start3A_213, %dma_start3A_218] : memref<40x64xi32, #tpu.memory_space<vmem>> -> memref<1x64xi32, #tpu.memory_space<vmem>>
      %dma_start3A_220 = tpu.memref_squeeze %dma_start3A_219 : memref<1x64xi32, #tpu.memory_space<vmem>> -> memref<64xi32, #tpu.memory_space<vmem>>
      %dma_start3A_221 = arith.constant 0 : i32
      %dma_start3A_222 = arith.constant 0 : i32
      %dma_start3A_223 = tpu.memref_slice %arg6[%dma_start3A_221, %dma_start3A_222] : memref<10240x128xf32, #tpu.memory_space<vmem_shared>> -> memref<10240x128xf32, #tpu.memory_space<vmem_shared>>
      tpu.enqueue_indirect_dma source(%dma_start3A_217 : memref<64x128xf32, #tpu.memory_space<vmem>>) target(%dma_start3A_223 : memref<10240x128xf32, #tpu.memory_space<vmem_shared>>) offsets(%dma_start3A_220 : memref<64xi32, #tpu.memory_space<vmem>>) semaphore(%arg17 : memref<!tpu.dma_semaphore, #tpu.memory_space<semaphore_mem>>) {add = true}
      %dma_wait3A_224 = arith.constant 0 : i32
      %dma_wait3A_225 = arith.constant 36 : i32
      %dma_wait3A_226 = arith.constant 0 : i32
      %dma_wait3A_227 = arith.constant 0 : i32
      %dma_wait3A_228 = tpu.memref_slice %arg9[%dma_wait3A_224, %dma_wait3A_226, %dma_wait3A_227] : memref<4x64x128xf32, #tpu.memory_space<vmem>> -> memref<1x64x128xf32, #tpu.memory_space<vmem>>
      %dma_wait3A_229 = tpu.memref_squeeze %dma_wait3A_228 : memref<1x64x128xf32, #tpu.memory_space<vmem>> -> memref<64x128xf32, #tpu.memory_space<vmem>>
      %dma_wait3A_230 = arith.constant 0 : i32
      %dma_wait3A_231 = tpu.memref_slice %arg8[%dma_wait3A_225, %dma_wait3A_230] : memref<40x64xi32, #tpu.memory_space<vmem>> -> memref<1x64xi32, #tpu.memory_space<vmem>>
      %dma_wait3A_232 = tpu.memref_squeeze %dma_wait3A_231 : memref<1x64xi32, #tpu.memory_space<vmem>> -> memref<64xi32, #tpu.memory_space<vmem>>
      %dma_wait3A_233 = arith.constant 0 : i32
      %dma_wait3A_234 = arith.constant 0 : i32
      %dma_wait3A_235 = tpu.memref_slice %arg6[%dma_wait3A_233, %dma_wait3A_234] : memref<10240x128xf32, #tpu.memory_space<vmem_shared>> -> memref<10240x128xf32, #tpu.memory_space<vmem_shared>>
      tpu.wait_indirect_dma semaphore(%arg14 : memref<!tpu.dma_semaphore, #tpu.memory_space<semaphore_mem>>) src(%dma_wait3A_229 : memref<64x128xf32, #tpu.memory_space<vmem>>) dst(%dma_wait3A_235 : memref<10240x128xf32, #tpu.memory_space<vmem_shared>>)
      %dma_wait3A_236 = arith.constant 1 : i32
      %dma_wait3A_237 = arith.constant 37 : i32
      %dma_wait3A_238 = arith.constant 0 : i32
      %dma_wait3A_239 = arith.constant 0 : i32
      %dma_wait3A_240 = tpu.memref_slice %arg9[%dma_wait3A_236, %dma_wait3A_238, %dma_wait3A_239] : memref<4x64x128xf32, #tpu.memory_space<vmem>> -> memref<1x64x128xf32, #tpu.memory_space<vmem>>
      %dma_wait3A_241 = tpu.memref_squeeze %dma_wait3A_240 : memref<1x64x128xf32, #tpu.memory_space<vmem>> -> memref<64x128xf32, #tpu.memory_space<vmem>>
      %dma_wait3A_242 = arith.constant 0 : i32
      %dma_wait3A_243 = tpu.memref_slice %arg8[%dma_wait3A_237, %dma_wait3A_242] : memref<40x64xi32, #tpu.memory_space<vmem>> -> memref<1x64xi32, #tpu.memory_space<vmem>>
      %dma_wait3A_244 = tpu.memref_squeeze %dma_wait3A_243 : memref<1x64xi32, #tpu.memory_space<vmem>> -> memref<64xi32, #tpu.memory_space<vmem>>
      %dma_wait3A_245 = arith.constant 0 : i32
      %dma_wait3A_246 = arith.constant 0 : i32
      %dma_wait3A_247 = tpu.memref_slice %arg6[%dma_wait3A_245, %dma_wait3A_246] : memref<10240x128xf32, #tpu.memory_space<vmem_shared>> -> memref<10240x128xf32, #tpu.memory_space<vmem_shared>>
      tpu.wait_indirect_dma semaphore(%arg15 : memref<!tpu.dma_semaphore, #tpu.memory_space<semaphore_mem>>) src(%dma_wait3A_241 : memref<64x128xf32, #tpu.memory_space<vmem>>) dst(%dma_wait3A_247 : memref<10240x128xf32, #tpu.memory_space<vmem_shared>>)
      %dma_wait3A_248 = arith.constant 2 : i32
      %dma_wait3A_249 = arith.constant 38 : i32
      %dma_wait3A_250 = arith.constant 0 : i32
      %dma_wait3A_251 = arith.constant 0 : i32
      %dma_wait3A_252 = tpu.memref_slice %arg9[%dma_wait3A_248, %dma_wait3A_250, %dma_wait3A_251] : memref<4x64x128xf32, #tpu.memory_space<vmem>> -> memref<1x64x128xf32, #tpu.memory_space<vmem>>
      %dma_wait3A_253 = tpu.memref_squeeze %dma_wait3A_252 : memref<1x64x128xf32, #tpu.memory_space<vmem>> -> memref<64x128xf32, #tpu.memory_space<vmem>>
      %dma_wait3A_254 = arith.constant 0 : i32
      %dma_wait3A_255 = tpu.memref_slice %arg8[%dma_wait3A_249, %dma_wait3A_254] : memref<40x64xi32, #tpu.memory_space<vmem>> -> memref<1x64xi32, #tpu.memory_space<vmem>>
      %dma_wait3A_256 = tpu.memref_squeeze %dma_wait3A_255 : memref<1x64xi32, #tpu.memory_space<vmem>> -> memref<64xi32, #tpu.memory_space<vmem>>
      %dma_wait3A_257 = arith.constant 0 : i32
      %dma_wait3A_258 = arith.constant 0 : i32
      %dma_wait3A_259 = tpu.memref_slice %arg6[%dma_wait3A_257, %dma_wait3A_258] : memref<10240x128xf32, #tpu.memory_space<vmem_shared>> -> memref<10240x128xf32, #tpu.memory_space<vmem_shared>>
      tpu.wait_indirect_dma semaphore(%arg16 : memref<!tpu.dma_semaphore, #tpu.memory_space<semaphore_mem>>) src(%dma_wait3A_253 : memref<64x128xf32, #tpu.memory_space<vmem>>) dst(%dma_wait3A_259 : memref<10240x128xf32, #tpu.memory_space<vmem_shared>>)
      %dma_wait3A_260 = arith.constant 3 : i32
      %dma_wait3A_261 = arith.constant 39 : i32
      %dma_wait3A_262 = arith.constant 0 : i32
      %dma_wait3A_263 = arith.constant 0 : i32
      %dma_wait3A_264 = tpu.memref_slice %arg9[%dma_wait3A_260, %dma_wait3A_262, %dma_wait3A_263] : memref<4x64x128xf32, #tpu.memory_space<vmem>> -> memref<1x64x128xf32, #tpu.memory_space<vmem>>
      %dma_wait3A_265 = tpu.memref_squeeze %dma_wait3A_264 : memref<1x64x128xf32, #tpu.memory_space<vmem>> -> memref<64x128xf32, #tpu.memory_space<vmem>>
      %dma_wait3A_266 = arith.constant 0 : i32
      %dma_wait3A_267 = tpu.memref_slice %arg8[%dma_wait3A_261, %dma_wait3A_266] : memref<40x64xi32, #tpu.memory_space<vmem>> -> memref<1x64xi32, #tpu.memory_space<vmem>>
      %dma_wait3A_268 = tpu.memref_squeeze %dma_wait3A_267 : memref<1x64xi32, #tpu.memory_space<vmem>> -> memref<64xi32, #tpu.memory_space<vmem>>
      %dma_wait3A_269 = arith.constant 0 : i32
      %dma_wait3A_270 = arith.constant 0 : i32
      %dma_wait3A_271 = tpu.memref_slice %arg6[%dma_wait3A_269, %dma_wait3A_270] : memref<10240x128xf32, #tpu.memory_space<vmem_shared>> -> memref<10240x128xf32, #tpu.memory_space<vmem_shared>>
      tpu.wait_indirect_dma semaphore(%arg17 : memref<!tpu.dma_semaphore, #tpu.memory_space<semaphore_mem>>) src(%dma_wait3A_265 : memref<64x128xf32, #tpu.memory_space<vmem>>) dst(%dma_wait3A_271 : memref<10240x128xf32, #tpu.memory_space<vmem_shared>>)
    }
    %scan3A_67 = arith.constant 4 : i32
    %barrier3A_68 = arith.constant 0 : index
    tpu.barrier barrier_id(%barrier3A_68)
    %mul3A_69 = arith.constant 640 : i32
    %mul3A_70 = arith.muli %arg1, %mul3A_69 : i32
    %multiple_of3A_71 = tpu.assume_multiple %mul3A_70, 8 : i32
    "tpu.region"() ({
      %run_scoped3A_72 = tpu.sem_alloc : memref<!tpu.dma_semaphore, #tpu.memory_space<semaphore_mem>>
      %dma_start3A = arith.constant 0 : i32
      %dma_start3A_73 = tpu.memref_slice %arg5[%arg0, %multiple_of3A_71, %dma_start3A] : memref<2x10240x128xf32, #tpu.memory_space<hbm>> -> memref<1x640x128xf32, #tpu.memory_space<hbm>>
      %dma_start3A_74 = tpu.memref_squeeze %dma_start3A_73 : memref<1x640x128xf32, #tpu.memory_space<hbm>> -> memref<640x128xf32, #tpu.memory_space<hbm>>
      %dma_start3A_75 = arith.constant 0 : i32
      %dma_start3A_76 = tpu.memref_slice %arg6[%multiple_of3A_71, %dma_start3A_75] : memref<10240x128xf32, #tpu.memory_space<vmem_shared>> -> memref<640x128xf32, #tpu.memory_space<vmem_shared>>
      tpu.enqueue_dma source(%dma_start3A_76 : memref<640x128xf32, #tpu.memory_space<vmem_shared>>) target(%dma_start3A_74 : memref<640x128xf32, #tpu.memory_space<hbm>>) target_semaphore(%run_scoped3A_72 : memref<!tpu.dma_semaphore, #tpu.memory_space<semaphore_mem>>)
      %dma_wait3A = arith.constant 0 : i32
      %dma_wait3A_77 = tpu.memref_slice %arg5[%arg0, %multiple_of3A_71, %dma_wait3A] : memref<2x10240x128xf32, #tpu.memory_space<hbm>> -> memref<1x640x128xf32, #tpu.memory_space<hbm>>
      %dma_wait3A_78 = tpu.memref_squeeze %dma_wait3A_77 : memref<1x640x128xf32, #tpu.memory_space<hbm>> -> memref<640x128xf32, #tpu.memory_space<hbm>>
      %dma_wait3A_79 = arith.constant 0 : i32
      %dma_wait3A_80 = tpu.memref_slice %arg6[%multiple_of3A_71, %dma_wait3A_79] : memref<10240x128xf32, #tpu.memory_space<vmem_shared>> -> memref<640x128xf32, #tpu.memory_space<vmem_shared>>
      tpu.wait_dma2 semaphore(%run_scoped3A_72 : memref<!tpu.dma_semaphore, #tpu.memory_space<semaphore_mem>>) src(%dma_wait3A_80 : memref<640x128xf32, #tpu.memory_space<vmem_shared>>) dst(%dma_wait3A_78 : memref<640x128xf32, #tpu.memory_space<hbm>>)
      tpu.yield
    }) : () -> ()
    return
  }
}

#map = affine_map<(d0, d1) -> (0, 0, 0)>
module attributes {stable_mosaic.version = 14 : i64} {
  func.func @_deg_body(%arg0: i32, %arg1: i32, %arg2: memref<32x125x40xi32, #tpu.memory_space<hbm>>, %arg3: memref<32x125x40xi32, #tpu.memory_space<hbm>>, %arg4: memref<32x125x40xi32, #tpu.memory_space<hbm>>, %arg5: memref<2x10240x48xf32, #tpu.memory_space<hbm>>, %arg6: memref<10240x48xf32, #tpu.memory_space<vmem_shared>>, %arg7: memref<125x40xi32, #tpu.memory_space<vmem>>, %arg8: memref<40x48xf32, #tpu.memory_space<vmem>>, %arg9: memref<40x48xf32, #tpu.memory_space<vmem>>, %arg10: memref<40x48xf32, #tpu.memory_space<vmem>>, %arg11: memref<80x48xf32, #tpu.memory_space<vmem>>, %arg12: memref<!tpu.dma_semaphore, #tpu.memory_space<semaphore_mem>>, %arg13: memref<!tpu.dma_semaphore, #tpu.memory_space<semaphore_mem>>, %arg14: memref<!tpu.dma_semaphore, #tpu.memory_space<semaphore_mem>>, %arg15: memref<!tpu.dma_semaphore, #tpu.memory_space<semaphore_mem>>, %arg16: memref<!tpu.dma_semaphore, #tpu.memory_space<semaphore_mem>>) attributes {dimension_semantics = [#tpu.dimension_semantics<core_parallel>, #tpu.dimension_semantics<subcore_parallel>], iteration_bounds = array<i64: 2, 16>, scalar_prefetch = 0 : i64, scratch_operands = 11 : i64, tpu.core_type = #tpu.core_type<sc_vector_subcore>, window_params = [{transform_indices = #map}, {transform_indices = #map}, {transform_indices = #map}, {transform_indices = #map}]} {
    %mul3A = arith.constant 2 : i32
    %mul3A_0 = arith.muli %arg1, %mul3A : i32
    %add3A = arith.addi %mul3A_0, %arg0 : i32
    %broadcast_in_dim3A = arith.constant 0.000000e+00 : f32
    %broadcast_in_dim3A_1 = vector.broadcast %broadcast_in_dim3A : f32 to vector<16xf32>
    %broadcast_in_dim3A_2 = arith.constant 1.000000e+00 : f32
    %broadcast_in_dim3A_3 = vector.broadcast %broadcast_in_dim3A_2 : f32 to vector<16xf32>
    %scan3A = arith.constant 0 : i32
    %scan3A_4 = arith.constant 0 : i32
    %scan3A_5 = arith.constant 80 : i32
    %scan3A_6 = arith.addi %scan3A_4, %scan3A_5 : i32
    %scan3A_7 = arith.constant 1 : i32
    scf.for %scan3A_88 = %scan3A_4 to %scan3A_6 step %scan3A_7  : i32 {
      %scan3A_89 = arith.constant 0 : i32
      %scan3A_90 = arith.constant 3 : i32
      %scan3A_91 = arith.addi %scan3A_89, %scan3A_90 : i32
      %scan3A_92 = arith.constant 1 : i32
      scf.for %scan3A_94 = %scan3A_89 to %scan3A_91 step %scan3A_92  : i32 {
        %mul3A_95 = arith.constant 16 : i32
        %mul3A_96 = arith.muli %scan3A_94, %mul3A_95 : i32
        %swap3A = arith.index_cast %scan3A_88 : i32 to index
        %swap3A_97 = arith.index_cast %mul3A_96 : i32 to index
        %swap3A_98 = tpu.vector_load %arg11[%swap3A, %swap3A_97] {strides = array<i32>} : memref<80x48xf32, #tpu.memory_space<vmem>>, vector<1x16xf32>,
        %swap3A_99 = vector.shape_cast %swap3A_98 : vector<1x16xf32> to vector<16xf32>
        %swap3A_100 = vector.shape_cast %broadcast_in_dim3A_1 : vector<16xf32> to vector<1x16xf32>
        tpu.vector_store %arg11[%swap3A, %swap3A_97], %swap3A_100 {strides = array<i32>} : memref<80x48xf32, #tpu.memory_space<vmem>>, vector<1x16xf32>,
      }
      %scan3A_93 = arith.constant 3 : i32
    }
    %scan3A_8 = arith.constant 80 : i32
    %scan3A_9 = arith.constant 0 : i32
    %scan3A_10 = arith.constant 0 : i32
    %scan3A_11 = arith.constant 40 : i32
    %scan3A_12 = arith.addi %scan3A_10, %scan3A_11 : i32
    %scan3A_13 = arith.constant 1 : i32
    scf.for %scan3A_88 = %scan3A_10 to %scan3A_12 step %scan3A_13  : i32 {
      %swap3A = arith.index_cast %scan3A_88 : i32 to index
      %swap3A_89 = arith.constant 0 : index
      %swap3A_90 = tpu.vector_load %arg8[%swap3A, %swap3A_89] {strides = array<i32>} : memref<40x48xf32, #tpu.memory_space<vmem>>, vector<1x16xf32>,
      %swap3A_91 = vector.shape_cast %swap3A_90 : vector<1x16xf32> to vector<16xf32>
      %swap3A_92 = vector.shape_cast %broadcast_in_dim3A_3 : vector<16xf32> to vector<1x16xf32>
      tpu.vector_store %arg8[%swap3A, %swap3A_89], %swap3A_92 {strides = array<i32>} : memref<40x48xf32, #tpu.memory_space<vmem>>, vector<1x16xf32>,
      %swap3A_93 = arith.index_cast %scan3A_88 : i32 to index
      %swap3A_94 = arith.constant 16 : index
      %swap3A_95 = tpu.vector_load %arg8[%swap3A_93, %swap3A_94] {strides = array<i32>} : memref<40x48xf32, #tpu.memory_space<vmem>>, vector<1x16xf32>,
      %swap3A_96 = vector.shape_cast %swap3A_95 : vector<1x16xf32> to vector<16xf32>
      %swap3A_97 = vector.shape_cast %broadcast_in_dim3A_1 : vector<16xf32> to vector<1x16xf32>
      tpu.vector_store %arg8[%swap3A_93, %swap3A_94], %swap3A_97 {strides = array<i32>} : memref<40x48xf32, #tpu.memory_space<vmem>>, vector<1x16xf32>,
      %swap3A_98 = arith.index_cast %scan3A_88 : i32 to index
      %swap3A_99 = arith.constant 32 : index
      %swap3A_100 = tpu.vector_load %arg8[%swap3A_98, %swap3A_99] {strides = array<i32>} : memref<40x48xf32, #tpu.memory_space<vmem>>, vector<1x16xf32>,
      %swap3A_101 = vector.shape_cast %swap3A_100 : vector<1x16xf32> to vector<16xf32>
      %swap3A_102 = vector.shape_cast %broadcast_in_dim3A_1 : vector<16xf32> to vector<1x16xf32>
      tpu.vector_store %arg8[%swap3A_98, %swap3A_99], %swap3A_102 {strides = array<i32>} : memref<40x48xf32, #tpu.memory_space<vmem>>, vector<1x16xf32>,
    }
    %scan3A_14 = arith.constant 40 : i32
    %scan3A_15 = arith.constant 0 : i32
    %scan3A_16 = arith.constant 0 : i32
    %scan3A_17 = arith.constant 40 : i32
    %scan3A_18 = arith.addi %scan3A_16, %scan3A_17 : i32
    %scan3A_19 = arith.constant 1 : i32
    scf.for %scan3A_88 = %scan3A_16 to %scan3A_18 step %scan3A_19  : i32 {
      %swap3A = arith.index_cast %scan3A_88 : i32 to index
      %swap3A_89 = arith.constant 0 : index
      %swap3A_90 = tpu.vector_load %arg9[%swap3A, %swap3A_89] {strides = array<i32>} : memref<40x48xf32, #tpu.memory_space<vmem>>, vector<1x16xf32>,
      %swap3A_91 = vector.shape_cast %swap3A_90 : vector<1x16xf32> to vector<16xf32>
      %swap3A_92 = vector.shape_cast %broadcast_in_dim3A_1 : vector<16xf32> to vector<1x16xf32>
      tpu.vector_store %arg9[%swap3A, %swap3A_89], %swap3A_92 {strides = array<i32>} : memref<40x48xf32, #tpu.memory_space<vmem>>, vector<1x16xf32>,
      %swap3A_93 = arith.index_cast %scan3A_88 : i32 to index
      %swap3A_94 = arith.constant 16 : index
      %swap3A_95 = tpu.vector_load %arg9[%swap3A_93, %swap3A_94] {strides = array<i32>} : memref<40x48xf32, #tpu.memory_space<vmem>>, vector<1x16xf32>,
      %swap3A_96 = vector.shape_cast %swap3A_95 : vector<1x16xf32> to vector<16xf32>
      %swap3A_97 = vector.shape_cast %broadcast_in_dim3A_3 : vector<16xf32> to vector<1x16xf32>
      tpu.vector_store %arg9[%swap3A_93, %swap3A_94], %swap3A_97 {strides = array<i32>} : memref<40x48xf32, #tpu.memory_space<vmem>>, vector<1x16xf32>,
      %swap3A_98 = arith.index_cast %scan3A_88 : i32 to index
      %swap3A_99 = arith.constant 32 : index
      %swap3A_100 = tpu.vector_load %arg9[%swap3A_98, %swap3A_99] {strides = array<i32>} : memref<40x48xf32, #tpu.memory_space<vmem>>, vector<1x16xf32>,
      %swap3A_101 = vector.shape_cast %swap3A_100 : vector<1x16xf32> to vector<16xf32>
      %swap3A_102 = vector.shape_cast %broadcast_in_dim3A_1 : vector<16xf32> to vector<1x16xf32>
      tpu.vector_store %arg9[%swap3A_98, %swap3A_99], %swap3A_102 {strides = array<i32>} : memref<40x48xf32, #tpu.memory_space<vmem>>, vector<1x16xf32>,
    }
    %scan3A_20 = arith.constant 40 : i32
    %scan3A_21 = arith.constant 0 : i32
    %scan3A_22 = arith.constant 0 : i32
    %scan3A_23 = arith.constant 40 : i32
    %scan3A_24 = arith.addi %scan3A_22, %scan3A_23 : i32
    %scan3A_25 = arith.constant 1 : i32
    scf.for %scan3A_88 = %scan3A_22 to %scan3A_24 step %scan3A_25  : i32 {
      %swap3A = arith.index_cast %scan3A_88 : i32 to index
      %swap3A_89 = arith.constant 0 : index
      %swap3A_90 = tpu.vector_load %arg10[%swap3A, %swap3A_89] {strides = array<i32>} : memref<40x48xf32, #tpu.memory_space<vmem>>, vector<1x16xf32>,
      %swap3A_91 = vector.shape_cast %swap3A_90 : vector<1x16xf32> to vector<16xf32>
      %swap3A_92 = vector.shape_cast %broadcast_in_dim3A_1 : vector<16xf32> to vector<1x16xf32>
      tpu.vector_store %arg10[%swap3A, %swap3A_89], %swap3A_92 {strides = array<i32>} : memref<40x48xf32, #tpu.memory_space<vmem>>, vector<1x16xf32>,
      %swap3A_93 = arith.index_cast %scan3A_88 : i32 to index
      %swap3A_94 = arith.constant 16 : index
      %swap3A_95 = tpu.vector_load %arg10[%swap3A_93, %swap3A_94] {strides = array<i32>} : memref<40x48xf32, #tpu.memory_space<vmem>>, vector<1x16xf32>,
      %swap3A_96 = vector.shape_cast %swap3A_95 : vector<1x16xf32> to vector<16xf32>
      %swap3A_97 = vector.shape_cast %broadcast_in_dim3A_1 : vector<16xf32> to vector<1x16xf32>
      tpu.vector_store %arg10[%swap3A_93, %swap3A_94], %swap3A_97 {strides = array<i32>} : memref<40x48xf32, #tpu.memory_space<vmem>>, vector<1x16xf32>,
      %swap3A_98 = arith.index_cast %scan3A_88 : i32 to index
      %swap3A_99 = arith.constant 32 : index
      %swap3A_100 = tpu.vector_load %arg10[%swap3A_98, %swap3A_99] {strides = array<i32>} : memref<40x48xf32, #tpu.memory_space<vmem>>, vector<1x16xf32>,
      %swap3A_101 = vector.shape_cast %swap3A_100 : vector<1x16xf32> to vector<16xf32>
      %swap3A_102 = vector.shape_cast %broadcast_in_dim3A_3 : vector<16xf32> to vector<1x16xf32>
      tpu.vector_store %arg10[%swap3A_98, %swap3A_99], %swap3A_102 {strides = array<i32>} : memref<40x48xf32, #tpu.memory_space<vmem>>, vector<1x16xf32>,
    }
    %scan3A_26 = arith.constant 40 : i32
    %mul3A_27 = arith.constant 640 : i32
    %mul3A_28 = arith.muli %arg1, %mul3A_27 : i32
    %add3A_29 = arith.constant 0 : i32
    %add3A_30 = arith.addi %mul3A_28, %add3A_29 : i32
    %multiple_of3A = tpu.assume_multiple %add3A_30, 8 : i32
    "tpu.region"() ({
      %run_scoped3A = tpu.sem_alloc : memref<!tpu.dma_semaphore, #tpu.memory_space<semaphore_mem>>
      %dma_start3A = arith.constant 0 : i32
      %dma_start3A_88 = tpu.memref_slice %arg6[%multiple_of3A, %dma_start3A] : memref<10240x48xf32, #tpu.memory_space<vmem_shared>> -> memref<80x48xf32, #tpu.memory_space<vmem_shared>>
      %dma_start3A_89 = arith.constant 0 : i32
      %dma_start3A_90 = tpu.memref_slice %arg6[%multiple_of3A, %dma_start3A_89] : memref<10240x48xf32, #tpu.memory_space<vmem_shared>> -> memref<80x48xf32, #tpu.memory_space<vmem_shared>>
      tpu.enqueue_dma source(%arg11 : memref<80x48xf32, #tpu.memory_space<vmem>>) target(%dma_start3A_90 : memref<80x48xf32, #tpu.memory_space<vmem_shared>>) target_semaphore(%run_scoped3A : memref<!tpu.dma_semaphore, #tpu.memory_space<semaphore_mem>>)
      %dma_wait3A = arith.constant 0 : i32
      %dma_wait3A_91 = tpu.memref_slice %arg6[%multiple_of3A, %dma_wait3A] : memref<10240x48xf32, #tpu.memory_space<vmem_shared>> -> memref<80x48xf32, #tpu.memory_space<vmem_shared>>
      %dma_wait3A_92 = arith.constant 0 : i32
      %dma_wait3A_93 = tpu.memref_slice %arg6[%multiple_of3A, %dma_wait3A_92] : memref<10240x48xf32, #tpu.memory_space<vmem_shared>> -> memref<80x48xf32, #tpu.memory_space<vmem_shared>>
      tpu.wait_dma2 semaphore(%run_scoped3A : memref<!tpu.dma_semaphore, #tpu.memory_space<semaphore_mem>>) src(%arg11 : memref<80x48xf32, #tpu.memory_space<vmem>>) dst(%dma_wait3A_93 : memref<80x48xf32, #tpu.memory_space<vmem_shared>>)
      tpu.yield
    }) : () -> ()
    %mul3A_31 = arith.constant 640 : i32
    %mul3A_32 = arith.muli %arg1, %mul3A_31 : i32
    %add3A_33 = arith.constant 80 : i32
    %add3A_34 = arith.addi %mul3A_32, %add3A_33 : i32
    %multiple_of3A_35 = tpu.assume_multiple %add3A_34, 8 : i32
    "tpu.region"() ({
      %run_scoped3A = tpu.sem_alloc : memref<!tpu.dma_semaphore, #tpu.memory_space<semaphore_mem>>
      %dma_start3A = arith.constant 0 : i32
      %dma_start3A_88 = tpu.memref_slice %arg6[%multiple_of3A_35, %dma_start3A] : memref<10240x48xf32, #tpu.memory_space<vmem_shared>> -> memref<80x48xf32, #tpu.memory_space<vmem_shared>>
      %dma_start3A_89 = arith.constant 0 : i32
      %dma_start3A_90 = tpu.memref_slice %arg6[%multiple_of3A_35, %dma_start3A_89] : memref<10240x48xf32, #tpu.memory_space<vmem_shared>> -> memref<80x48xf32, #tpu.memory_space<vmem_shared>>
      tpu.enqueue_dma source(%arg11 : memref<80x48xf32, #tpu.memory_space<vmem>>) target(%dma_start3A_90 : memref<80x48xf32, #tpu.memory_space<vmem_shared>>) target_semaphore(%run_scoped3A : memref<!tpu.dma_semaphore, #tpu.memory_space<semaphore_mem>>)
      %dma_wait3A = arith.constant 0 : i32
      %dma_wait3A_91 = tpu.memref_slice %arg6[%multiple_of3A_35, %dma_wait3A] : memref<10240x48xf32, #tpu.memory_space<vmem_shared>> -> memref<80x48xf32, #tpu.memory_space<vmem_shared>>
      %dma_wait3A_92 = arith.constant 0 : i32
      %dma_wait3A_93 = tpu.memref_slice %arg6[%multiple_of3A_35, %dma_wait3A_92] : memref<10240x48xf32, #tpu.memory_space<vmem_shared>> -> memref<80x48xf32, #tpu.memory_space<vmem_shared>>
      tpu.wait_dma2 semaphore(%run_scoped3A : memref<!tpu.dma_semaphore, #tpu.memory_space<semaphore_mem>>) src(%arg11 : memref<80x48xf32, #tpu.memory_space<vmem>>) dst(%dma_wait3A_93 : memref<80x48xf32, #tpu.memory_space<vmem_shared>>)
      tpu.yield
    }) : () -> ()
    %mul3A_36 = arith.constant 640 : i32
    %mul3A_37 = arith.muli %arg1, %mul3A_36 : i32
    %add3A_38 = arith.constant 160 : i32
    %add3A_39 = arith.addi %mul3A_37, %add3A_38 : i32
    %multiple_of3A_40 = tpu.assume_multiple %add3A_39, 8 : i32
    "tpu.region"() ({
      %run_scoped3A = tpu.sem_alloc : memref<!tpu.dma_semaphore, #tpu.memory_space<semaphore_mem>>
      %dma_start3A = arith.constant 0 : i32
      %dma_start3A_88 = tpu.memref_slice %arg6[%multiple_of3A_40, %dma_start3A] : memref<10240x48xf32, #tpu.memory_space<vmem_shared>> -> memref<80x48xf32, #tpu.memory_space<vmem_shared>>
      %dma_start3A_89 = arith.constant 0 : i32
      %dma_start3A_90 = tpu.memref_slice %arg6[%multiple_of3A_40, %dma_start3A_89] : memref<10240x48xf32, #tpu.memory_space<vmem_shared>> -> memref<80x48xf32, #tpu.memory_space<vmem_shared>>
      tpu.enqueue_dma source(%arg11 : memref<80x48xf32, #tpu.memory_space<vmem>>) target(%dma_start3A_90 : memref<80x48xf32, #tpu.memory_space<vmem_shared>>) target_semaphore(%run_scoped3A : memref<!tpu.dma_semaphore, #tpu.memory_space<semaphore_mem>>)
      %dma_wait3A = arith.constant 0 : i32
      %dma_wait3A_91 = tpu.memref_slice %arg6[%multiple_of3A_40, %dma_wait3A] : memref<10240x48xf32, #tpu.memory_space<vmem_shared>> -> memref<80x48xf32, #tpu.memory_space<vmem_shared>>
      %dma_wait3A_92 = arith.constant 0 : i32
      %dma_wait3A_93 = tpu.memref_slice %arg6[%multiple_of3A_40, %dma_wait3A_92] : memref<10240x48xf32, #tpu.memory_space<vmem_shared>> -> memref<80x48xf32, #tpu.memory_space<vmem_shared>>
      tpu.wait_dma2 semaphore(%run_scoped3A : memref<!tpu.dma_semaphore, #tpu.memory_space<semaphore_mem>>) src(%arg11 : memref<80x48xf32, #tpu.memory_space<vmem>>) dst(%dma_wait3A_93 : memref<80x48xf32, #tpu.memory_space<vmem_shared>>)
      tpu.yield
    }) : () -> ()
    %mul3A_41 = arith.constant 640 : i32
    %mul3A_42 = arith.muli %arg1, %mul3A_41 : i32
    %add3A_43 = arith.constant 240 : i32
    %add3A_44 = arith.addi %mul3A_42, %add3A_43 : i32
    %multiple_of3A_45 = tpu.assume_multiple %add3A_44, 8 : i32
    "tpu.region"() ({
      %run_scoped3A = tpu.sem_alloc : memref<!tpu.dma_semaphore, #tpu.memory_space<semaphore_mem>>
      %dma_start3A = arith.constant 0 : i32
      %dma_start3A_88 = tpu.memref_slice %arg6[%multiple_of3A_45, %dma_start3A] : memref<10240x48xf32, #tpu.memory_space<vmem_shared>> -> memref<80x48xf32, #tpu.memory_space<vmem_shared>>
      %dma_start3A_89 = arith.constant 0 : i32
      %dma_start3A_90 = tpu.memref_slice %arg6[%multiple_of3A_45, %dma_start3A_89] : memref<10240x48xf32, #tpu.memory_space<vmem_shared>> -> memref<80x48xf32, #tpu.memory_space<vmem_shared>>
      tpu.enqueue_dma source(%arg11 : memref<80x48xf32, #tpu.memory_space<vmem>>) target(%dma_start3A_90 : memref<80x48xf32, #tpu.memory_space<vmem_shared>>) target_semaphore(%run_scoped3A : memref<!tpu.dma_semaphore, #tpu.memory_space<semaphore_mem>>)
      %dma_wait3A = arith.constant 0 : i32
      %dma_wait3A_91 = tpu.memref_slice %arg6[%multiple_of3A_45, %dma_wait3A] : memref<10240x48xf32, #tpu.memory_space<vmem_shared>> -> memref<80x48xf32, #tpu.memory_space<vmem_shared>>
      %dma_wait3A_92 = arith.constant 0 : i32
      %dma_wait3A_93 = tpu.memref_slice %arg6[%multiple_of3A_45, %dma_wait3A_92] : memref<10240x48xf32, #tpu.memory_space<vmem_shared>> -> memref<80x48xf32, #tpu.memory_space<vmem_shared>>
      tpu.wait_dma2 semaphore(%run_scoped3A : memref<!tpu.dma_semaphore, #tpu.memory_space<semaphore_mem>>) src(%arg11 : memref<80x48xf32, #tpu.memory_space<vmem>>) dst(%dma_wait3A_93 : memref<80x48xf32, #tpu.memory_space<vmem_shared>>)
      tpu.yield
    }) : () -> ()
    %mul3A_46 = arith.constant 640 : i32
    %mul3A_47 = arith.muli %arg1, %mul3A_46 : i32
    %add3A_48 = arith.constant 320 : i32
    %add3A_49 = arith.addi %mul3A_47, %add3A_48 : i32
    %multiple_of3A_50 = tpu.assume_multiple %add3A_49, 8 : i32
    "tpu.region"() ({
      %run_scoped3A = tpu.sem_alloc : memref<!tpu.dma_semaphore, #tpu.memory_space<semaphore_mem>>
      %dma_start3A = arith.constant 0 : i32
      %dma_start3A_88 = tpu.memref_slice %arg6[%multiple_of3A_50, %dma_start3A] : memref<10240x48xf32, #tpu.memory_space<vmem_shared>> -> memref<80x48xf32, #tpu.memory_space<vmem_shared>>
      %dma_start3A_89 = arith.constant 0 : i32
      %dma_start3A_90 = tpu.memref_slice %arg6[%multiple_of3A_50, %dma_start3A_89] : memref<10240x48xf32, #tpu.memory_space<vmem_shared>> -> memref<80x48xf32, #tpu.memory_space<vmem_shared>>
      tpu.enqueue_dma source(%arg11 : memref<80x48xf32, #tpu.memory_space<vmem>>) target(%dma_start3A_90 : memref<80x48xf32, #tpu.memory_space<vmem_shared>>) target_semaphore(%run_scoped3A : memref<!tpu.dma_semaphore, #tpu.memory_space<semaphore_mem>>)
      %dma_wait3A = arith.constant 0 : i32
      %dma_wait3A_91 = tpu.memref_slice %arg6[%multiple_of3A_50, %dma_wait3A] : memref<10240x48xf32, #tpu.memory_space<vmem_shared>> -> memref<80x48xf32, #tpu.memory_space<vmem_shared>>
      %dma_wait3A_92 = arith.constant 0 : i32
      %dma_wait3A_93 = tpu.memref_slice %arg6[%multiple_of3A_50, %dma_wait3A_92] : memref<10240x48xf32, #tpu.memory_space<vmem_shared>> -> memref<80x48xf32, #tpu.memory_space<vmem_shared>>
      tpu.wait_dma2 semaphore(%run_scoped3A : memref<!tpu.dma_semaphore, #tpu.memory_space<semaphore_mem>>) src(%arg11 : memref<80x48xf32, #tpu.memory_space<vmem>>) dst(%dma_wait3A_93 : memref<80x48xf32, #tpu.memory_space<vmem_shared>>)
      tpu.yield
    }) : () -> ()
    %mul3A_51 = arith.constant 640 : i32
    %mul3A_52 = arith.muli %arg1, %mul3A_51 : i32
    %add3A_53 = arith.constant 400 : i32
    %add3A_54 = arith.addi %mul3A_52, %add3A_53 : i32
    %multiple_of3A_55 = tpu.assume_multiple %add3A_54, 8 : i32
    "tpu.region"() ({
      %run_scoped3A = tpu.sem_alloc : memref<!tpu.dma_semaphore, #tpu.memory_space<semaphore_mem>>
      %dma_start3A = arith.constant 0 : i32
      %dma_start3A_88 = tpu.memref_slice %arg6[%multiple_of3A_55, %dma_start3A] : memref<10240x48xf32, #tpu.memory_space<vmem_shared>> -> memref<80x48xf32, #tpu.memory_space<vmem_shared>>
      %dma_start3A_89 = arith.constant 0 : i32
      %dma_start3A_90 = tpu.memref_slice %arg6[%multiple_of3A_55, %dma_start3A_89] : memref<10240x48xf32, #tpu.memory_space<vmem_shared>> -> memref<80x48xf32, #tpu.memory_space<vmem_shared>>
      tpu.enqueue_dma source(%arg11 : memref<80x48xf32, #tpu.memory_space<vmem>>) target(%dma_start3A_90 : memref<80x48xf32, #tpu.memory_space<vmem_shared>>) target_semaphore(%run_scoped3A : memref<!tpu.dma_semaphore, #tpu.memory_space<semaphore_mem>>)
      %dma_wait3A = arith.constant 0 : i32
      %dma_wait3A_91 = tpu.memref_slice %arg6[%multiple_of3A_55, %dma_wait3A] : memref<10240x48xf32, #tpu.memory_space<vmem_shared>> -> memref<80x48xf32, #tpu.memory_space<vmem_shared>>
      %dma_wait3A_92 = arith.constant 0 : i32
      %dma_wait3A_93 = tpu.memref_slice %arg6[%multiple_of3A_55, %dma_wait3A_92] : memref<10240x48xf32, #tpu.memory_space<vmem_shared>> -> memref<80x48xf32, #tpu.memory_space<vmem_shared>>
      tpu.wait_dma2 semaphore(%run_scoped3A : memref<!tpu.dma_semaphore, #tpu.memory_space<semaphore_mem>>) src(%arg11 : memref<80x48xf32, #tpu.memory_space<vmem>>) dst(%dma_wait3A_93 : memref<80x48xf32, #tpu.memory_space<vmem_shared>>)
      tpu.yield
    }) : () -> ()
    %mul3A_56 = arith.constant 640 : i32
    %mul3A_57 = arith.muli %arg1, %mul3A_56 : i32
    %add3A_58 = arith.constant 480 : i32
    %add3A_59 = arith.addi %mul3A_57, %add3A_58 : i32
    %multiple_of3A_60 = tpu.assume_multiple %add3A_59, 8 : i32
    "tpu.region"() ({
      %run_scoped3A = tpu.sem_alloc : memref<!tpu.dma_semaphore, #tpu.memory_space<semaphore_mem>>
      %dma_start3A = arith.constant 0 : i32
      %dma_start3A_88 = tpu.memref_slice %arg6[%multiple_of3A_60, %dma_start3A] : memref<10240x48xf32, #tpu.memory_space<vmem_shared>> -> memref<80x48xf32, #tpu.memory_space<vmem_shared>>
      %dma_start3A_89 = arith.constant 0 : i32
      %dma_start3A_90 = tpu.memref_slice %arg6[%multiple_of3A_60, %dma_start3A_89] : memref<10240x48xf32, #tpu.memory_space<vmem_shared>> -> memref<80x48xf32, #tpu.memory_space<vmem_shared>>
      tpu.enqueue_dma source(%arg11 : memref<80x48xf32, #tpu.memory_space<vmem>>) target(%dma_start3A_90 : memref<80x48xf32, #tpu.memory_space<vmem_shared>>) target_semaphore(%run_scoped3A : memref<!tpu.dma_semaphore, #tpu.memory_space<semaphore_mem>>)
      %dma_wait3A = arith.constant 0 : i32
      %dma_wait3A_91 = tpu.memref_slice %arg6[%multiple_of3A_60, %dma_wait3A] : memref<10240x48xf32, #tpu.memory_space<vmem_shared>> -> memref<80x48xf32, #tpu.memory_space<vmem_shared>>
      %dma_wait3A_92 = arith.constant 0 : i32
      %dma_wait3A_93 = tpu.memref_slice %arg6[%multiple_of3A_60, %dma_wait3A_92] : memref<10240x48xf32, #tpu.memory_space<vmem_shared>> -> memref<80x48xf32, #tpu.memory_space<vmem_shared>>
      tpu.wait_dma2 semaphore(%run_scoped3A : memref<!tpu.dma_semaphore, #tpu.memory_space<semaphore_mem>>) src(%arg11 : memref<80x48xf32, #tpu.memory_space<vmem>>) dst(%dma_wait3A_93 : memref<80x48xf32, #tpu.memory_space<vmem_shared>>)
      tpu.yield
    }) : () -> ()
    %mul3A_61 = arith.constant 640 : i32
    %mul3A_62 = arith.muli %arg1, %mul3A_61 : i32
    %add3A_63 = arith.constant 560 : i32
    %add3A_64 = arith.addi %mul3A_62, %add3A_63 : i32
    %multiple_of3A_65 = tpu.assume_multiple %add3A_64, 8 : i32
    "tpu.region"() ({
      %run_scoped3A = tpu.sem_alloc : memref<!tpu.dma_semaphore, #tpu.memory_space<semaphore_mem>>
      %dma_start3A = arith.constant 0 : i32
      %dma_start3A_88 = tpu.memref_slice %arg6[%multiple_of3A_65, %dma_start3A] : memref<10240x48xf32, #tpu.memory_space<vmem_shared>> -> memref<80x48xf32, #tpu.memory_space<vmem_shared>>
      %dma_start3A_89 = arith.constant 0 : i32
      %dma_start3A_90 = tpu.memref_slice %arg6[%multiple_of3A_65, %dma_start3A_89] : memref<10240x48xf32, #tpu.memory_space<vmem_shared>> -> memref<80x48xf32, #tpu.memory_space<vmem_shared>>
      tpu.enqueue_dma source(%arg11 : memref<80x48xf32, #tpu.memory_space<vmem>>) target(%dma_start3A_90 : memref<80x48xf32, #tpu.memory_space<vmem_shared>>) target_semaphore(%run_scoped3A : memref<!tpu.dma_semaphore, #tpu.memory_space<semaphore_mem>>)
      %dma_wait3A = arith.constant 0 : i32
      %dma_wait3A_91 = tpu.memref_slice %arg6[%multiple_of3A_65, %dma_wait3A] : memref<10240x48xf32, #tpu.memory_space<vmem_shared>> -> memref<80x48xf32, #tpu.memory_space<vmem_shared>>
      %dma_wait3A_92 = arith.constant 0 : i32
      %dma_wait3A_93 = tpu.memref_slice %arg6[%multiple_of3A_65, %dma_wait3A_92] : memref<10240x48xf32, #tpu.memory_space<vmem_shared>> -> memref<80x48xf32, #tpu.memory_space<vmem_shared>>
      tpu.wait_dma2 semaphore(%run_scoped3A : memref<!tpu.dma_semaphore, #tpu.memory_space<semaphore_mem>>) src(%arg11 : memref<80x48xf32, #tpu.memory_space<vmem>>) dst(%dma_wait3A_93 : memref<80x48xf32, #tpu.memory_space<vmem_shared>>)
      tpu.yield
    }) : () -> ()
    %barrier3A = arith.constant 0 : index
    tpu.barrier barrier_id(%barrier3A)
    "tpu.region"() ({
      %run_scoped3A = tpu.sem_alloc : memref<!tpu.dma_semaphore, #tpu.memory_space<semaphore_mem>>
      %dma_start3A = arith.constant 0 : i32
      %dma_start3A_88 = arith.constant 0 : i32
      %dma_start3A_89 = tpu.memref_slice %arg2[%add3A, %dma_start3A, %dma_start3A_88] : memref<32x125x40xi32, #tpu.memory_space<hbm>> -> memref<1x125x40xi32, #tpu.memory_space<hbm>>
      %dma_start3A_90 = tpu.memref_squeeze %dma_start3A_89 : memref<1x125x40xi32, #tpu.memory_space<hbm>> -> memref<125x40xi32, #tpu.memory_space<hbm>>
      %dma_start3A_91 = arith.constant 0 : i32
      %dma_start3A_92 = arith.constant 0 : i32
      %dma_start3A_93 = tpu.memref_slice %arg2[%add3A, %dma_start3A_91, %dma_start3A_92] : memref<32x125x40xi32, #tpu.memory_space<hbm>> -> memref<1x125x40xi32, #tpu.memory_space<hbm>>
      %dma_start3A_94 = tpu.memref_squeeze %dma_start3A_93 : memref<1x125x40xi32, #tpu.memory_space<hbm>> -> memref<125x40xi32, #tpu.memory_space<hbm>>
      tpu.enqueue_dma source(%dma_start3A_94 : memref<125x40xi32, #tpu.memory_space<hbm>>) target(%arg7 : memref<125x40xi32, #tpu.memory_space<vmem>>) target_semaphore(%run_scoped3A : memref<!tpu.dma_semaphore, #tpu.memory_space<semaphore_mem>>)
      %dma_wait3A = arith.constant 0 : i32
      %dma_wait3A_95 = arith.constant 0 : i32
      %dma_wait3A_96 = tpu.memref_slice %arg2[%add3A, %dma_wait3A, %dma_wait3A_95] : memref<32x125x40xi32, #tpu.memory_space<hbm>> -> memref<1x125x40xi32, #tpu.memory_space<hbm>>
      %dma_wait3A_97 = tpu.memref_squeeze %dma_wait3A_96 : memref<1x125x40xi32, #tpu.memory_space<hbm>> -> memref<125x40xi32, #tpu.memory_space<hbm>>
      %dma_wait3A_98 = arith.constant 0 : i32
      %dma_wait3A_99 = arith.constant 0 : i32
      %dma_wait3A_100 = tpu.memref_slice %arg2[%add3A, %dma_wait3A_98, %dma_wait3A_99] : memref<32x125x40xi32, #tpu.memory_space<hbm>> -> memref<1x125x40xi32, #tpu.memory_space<hbm>>
      %dma_wait3A_101 = tpu.memref_squeeze %dma_wait3A_100 : memref<1x125x40xi32, #tpu.memory_space<hbm>> -> memref<125x40xi32, #tpu.memory_space<hbm>>
      tpu.wait_dma2 semaphore(%run_scoped3A : memref<!tpu.dma_semaphore, #tpu.memory_space<semaphore_mem>>) src(%dma_wait3A_101 : memref<125x40xi32, #tpu.memory_space<hbm>>) dst(%arg7 : memref<125x40xi32, #tpu.memory_space<vmem>>)
      tpu.yield
    }) : () -> ()
    %scan3A_66 = arith.constant 0 : i32
    %scan3A_67 = arith.constant 0 : i32
    %scan3A_68 = arith.constant 25 : i32
    %scan3A_69 = arith.addi %scan3A_67, %scan3A_68 : i32
    %scan3A_70 = arith.constant 1 : i32
    scf.for %scan3A_88 = %scan3A_67 to %scan3A_69 step %scan3A_70  : i32 {
      %mul3A_89 = arith.constant 5 : i32
      %mul3A_90 = arith.muli %scan3A_88, %mul3A_89 : i32
      %add3A_91 = arith.constant 0 : i32
      %add3A_92 = arith.addi %mul3A_90, %add3A_91 : i32
      %dma_start3A = arith.constant 0 : i32
      %dma_start3A_93 = tpu.memref_slice %arg7[%add3A_92, %dma_start3A] : memref<125x40xi32, #tpu.memory_space<vmem>> -> memref<1x40xi32, #tpu.memory_space<vmem>>
      %dma_start3A_94 = tpu.memref_squeeze %dma_start3A_93 : memref<1x40xi32, #tpu.memory_space<vmem>> -> memref<40xi32, #tpu.memory_space<vmem>>
      %dma_start3A_95 = arith.constant 0 : i32
      %dma_start3A_96 = arith.constant 0 : i32
      %dma_start3A_97 = tpu.memref_slice %arg6[%dma_start3A_95, %dma_start3A_96] : memref<10240x48xf32, #tpu.memory_space<vmem_shared>> -> memref<10240x48xf32, #tpu.memory_space<vmem_shared>>
      tpu.enqueue_indirect_dma source(%arg8 : memref<40x48xf32, #tpu.memory_space<vmem>>) target(%dma_start3A_97 : memref<10240x48xf32, #tpu.memory_space<vmem_shared>>) offsets(%dma_start3A_94 : memref<40xi32, #tpu.memory_space<vmem>>) semaphore(%arg12 : memref<!tpu.dma_semaphore, #tpu.memory_space<semaphore_mem>>) {add = true}
      %mul3A_98 = arith.constant 5 : i32
      %mul3A_99 = arith.muli %scan3A_88, %mul3A_98 : i32
      %add3A_100 = arith.constant 1 : i32
      %add3A_101 = arith.addi %mul3A_99, %add3A_100 : i32
      %dma_start3A_102 = arith.constant 0 : i32
      %dma_start3A_103 = tpu.memref_slice %arg7[%add3A_101, %dma_start3A_102] : memref<125x40xi32, #tpu.memory_space<vmem>> -> memref<1x40xi32, #tpu.memory_space<vmem>>
      %dma_start3A_104 = tpu.memref_squeeze %dma_start3A_103 : memref<1x40xi32, #tpu.memory_space<vmem>> -> memref<40xi32, #tpu.memory_space<vmem>>
      %dma_start3A_105 = arith.constant 0 : i32
      %dma_start3A_106 = arith.constant 0 : i32
      %dma_start3A_107 = tpu.memref_slice %arg6[%dma_start3A_105, %dma_start3A_106] : memref<10240x48xf32, #tpu.memory_space<vmem_shared>> -> memref<10240x48xf32, #tpu.memory_space<vmem_shared>>
      tpu.enqueue_indirect_dma source(%arg8 : memref<40x48xf32, #tpu.memory_space<vmem>>) target(%dma_start3A_107 : memref<10240x48xf32, #tpu.memory_space<vmem_shared>>) offsets(%dma_start3A_104 : memref<40xi32, #tpu.memory_space<vmem>>) semaphore(%arg13 : memref<!tpu.dma_semaphore, #tpu.memory_space<semaphore_mem>>) {add = true}
      %mul3A_108 = arith.constant 5 : i32
      %mul3A_109 = arith.muli %scan3A_88, %mul3A_108 : i32
      %add3A_110 = arith.constant 2 : i32
      %add3A_111 = arith.addi %mul3A_109, %add3A_110 : i32
      %dma_start3A_112 = arith.constant 0 : i32
      %dma_start3A_113 = tpu.memref_slice %arg7[%add3A_111, %dma_start3A_112] : memref<125x40xi32, #tpu.memory_space<vmem>> -> memref<1x40xi32, #tpu.memory_space<vmem>>
      %dma_start3A_114 = tpu.memref_squeeze %dma_start3A_113 : memref<1x40xi32, #tpu.memory_space<vmem>> -> memref<40xi32, #tpu.memory_space<vmem>>
      %dma_start3A_115 = arith.constant 0 : i32
      %dma_start3A_116 = arith.constant 0 : i32
      %dma_start3A_117 = tpu.memref_slice %arg6[%dma_start3A_115, %dma_start3A_116] : memref<10240x48xf32, #tpu.memory_space<vmem_shared>> -> memref<10240x48xf32, #tpu.memory_space<vmem_shared>>
      tpu.enqueue_indirect_dma source(%arg8 : memref<40x48xf32, #tpu.memory_space<vmem>>) target(%dma_start3A_117 : memref<10240x48xf32, #tpu.memory_space<vmem_shared>>) offsets(%dma_start3A_114 : memref<40xi32, #tpu.memory_space<vmem>>) semaphore(%arg14 : memref<!tpu.dma_semaphore, #tpu.memory_space<semaphore_mem>>) {add = true}
      %mul3A_118 = arith.constant 5 : i32
      %mul3A_119 = arith.muli %scan3A_88, %mul3A_118 : i32
      %add3A_120 = arith.constant 3 : i32
      %add3A_121 = arith.addi %mul3A_119, %add3A_120 : i32
      %dma_start3A_122 = arith.constant 0 : i32
      %dma_start3A_123 = tpu.memref_slice %arg7[%add3A_121, %dma_start3A_122] : memref<125x40xi32, #tpu.memory_space<vmem>> -> memref<1x40xi32, #tpu.memory_space<vmem>>
      %dma_start3A_124 = tpu.memref_squeeze %dma_start3A_123 : memref<1x40xi32, #tpu.memory_space<vmem>> -> memref<40xi32, #tpu.memory_space<vmem>>
      %dma_start3A_125 = arith.constant 0 : i32
      %dma_start3A_126 = arith.constant 0 : i32
      %dma_start3A_127 = tpu.memref_slice %arg6[%dma_start3A_125, %dma_start3A_126] : memref<10240x48xf32, #tpu.memory_space<vmem_shared>> -> memref<10240x48xf32, #tpu.memory_space<vmem_shared>>
      tpu.enqueue_indirect_dma source(%arg8 : memref<40x48xf32, #tpu.memory_space<vmem>>) target(%dma_start3A_127 : memref<10240x48xf32, #tpu.memory_space<vmem_shared>>) offsets(%dma_start3A_124 : memref<40xi32, #tpu.memory_space<vmem>>) semaphore(%arg15 : memref<!tpu.dma_semaphore, #tpu.memory_space<semaphore_mem>>) {add = true}
      %mul3A_128 = arith.constant 5 : i32
      %mul3A_129 = arith.muli %scan3A_88, %mul3A_128 : i32
      %add3A_130 = arith.constant 4 : i32
      %add3A_131 = arith.addi %mul3A_129, %add3A_130 : i32
      %dma_start3A_132 = arith.constant 0 : i32
      %dma_start3A_133 = tpu.memref_slice %arg7[%add3A_131, %dma_start3A_132] : memref<125x40xi32, #tpu.memory_space<vmem>> -> memref<1x40xi32, #tpu.memory_space<vmem>>
      %dma_start3A_134 = tpu.memref_squeeze %dma_start3A_133 : memref<1x40xi32, #tpu.memory_space<vmem>> -> memref<40xi32, #tpu.memory_space<vmem>>
      %dma_start3A_135 = arith.constant 0 : i32
      %dma_start3A_136 = arith.constant 0 : i32
      %dma_start3A_137 = tpu.memref_slice %arg6[%dma_start3A_135, %dma_start3A_136] : memref<10240x48xf32, #tpu.memory_space<vmem_shared>> -> memref<10240x48xf32, #tpu.memory_space<vmem_shared>>
      tpu.enqueue_indirect_dma source(%arg8 : memref<40x48xf32, #tpu.memory_space<vmem>>) target(%dma_start3A_137 : memref<10240x48xf32, #tpu.memory_space<vmem_shared>>) offsets(%dma_start3A_134 : memref<40xi32, #tpu.memory_space<vmem>>) semaphore(%arg16 : memref<!tpu.dma_semaphore, #tpu.memory_space<semaphore_mem>>) {add = true}
      %dma_wait3A = arith.constant 0 : i32
      %dma_wait3A_138 = tpu.memref_slice %arg7[%add3A_92, %dma_wait3A] : memref<125x40xi32, #tpu.memory_space<vmem>> -> memref<1x40xi32, #tpu.memory_space<vmem>>
      %dma_wait3A_139 = tpu.memref_squeeze %dma_wait3A_138 : memref<1x40xi32, #tpu.memory_space<vmem>> -> memref<40xi32, #tpu.memory_space<vmem>>
      %dma_wait3A_140 = arith.constant 0 : i32
      %dma_wait3A_141 = arith.constant 0 : i32
      %dma_wait3A_142 = tpu.memref_slice %arg6[%dma_wait3A_140, %dma_wait3A_141] : memref<10240x48xf32, #tpu.memory_space<vmem_shared>> -> memref<10240x48xf32, #tpu.memory_space<vmem_shared>>
      tpu.wait_indirect_dma semaphore(%arg12 : memref<!tpu.dma_semaphore, #tpu.memory_space<semaphore_mem>>) src(%arg8 : memref<40x48xf32, #tpu.memory_space<vmem>>) dst(%dma_wait3A_142 : memref<10240x48xf32, #tpu.memory_space<vmem_shared>>)
      %dma_wait3A_143 = arith.constant 0 : i32
      %dma_wait3A_144 = tpu.memref_slice %arg7[%add3A_101, %dma_wait3A_143] : memref<125x40xi32, #tpu.memory_space<vmem>> -> memref<1x40xi32, #tpu.memory_space<vmem>>
      %dma_wait3A_145 = tpu.memref_squeeze %dma_wait3A_144 : memref<1x40xi32, #tpu.memory_space<vmem>> -> memref<40xi32, #tpu.memory_space<vmem>>
      %dma_wait3A_146 = arith.constant 0 : i32
      %dma_wait3A_147 = arith.constant 0 : i32
      %dma_wait3A_148 = tpu.memref_slice %arg6[%dma_wait3A_146, %dma_wait3A_147] : memref<10240x48xf32, #tpu.memory_space<vmem_shared>> -> memref<10240x48xf32, #tpu.memory_space<vmem_shared>>
      tpu.wait_indirect_dma semaphore(%arg13 : memref<!tpu.dma_semaphore, #tpu.memory_space<semaphore_mem>>) src(%arg8 : memref<40x48xf32, #tpu.memory_space<vmem>>) dst(%dma_wait3A_148 : memref<10240x48xf32, #tpu.memory_space<vmem_shared>>)
      %dma_wait3A_149 = arith.constant 0 : i32
      %dma_wait3A_150 = tpu.memref_slice %arg7[%add3A_111, %dma_wait3A_149] : memref<125x40xi32, #tpu.memory_space<vmem>> -> memref<1x40xi32, #tpu.memory_space<vmem>>
      %dma_wait3A_151 = tpu.memref_squeeze %dma_wait3A_150 : memref<1x40xi32, #tpu.memory_space<vmem>> -> memref<40xi32, #tpu.memory_space<vmem>>
      %dma_wait3A_152 = arith.constant 0 : i32
      %dma_wait3A_153 = arith.constant 0 : i32
      %dma_wait3A_154 = tpu.memref_slice %arg6[%dma_wait3A_152, %dma_wait3A_153] : memref<10240x48xf32, #tpu.memory_space<vmem_shared>> -> memref<10240x48xf32, #tpu.memory_space<vmem_shared>>
      tpu.wait_indirect_dma semaphore(%arg14 : memref<!tpu.dma_semaphore, #tpu.memory_space<semaphore_mem>>) src(%arg8 : memref<40x48xf32, #tpu.memory_space<vmem>>) dst(%dma_wait3A_154 : memref<10240x48xf32, #tpu.memory_space<vmem_shared>>)
      %dma_wait3A_155 = arith.constant 0 : i32
      %dma_wait3A_156 = tpu.memref_slice %arg7[%add3A_121, %dma_wait3A_155] : memref<125x40xi32, #tpu.memory_space<vmem>> -> memref<1x40xi32, #tpu.memory_space<vmem>>
      %dma_wait3A_157 = tpu.memref_squeeze %dma_wait3A_156 : memref<1x40xi32, #tpu.memory_space<vmem>> -> memref<40xi32, #tpu.memory_space<vmem>>
      %dma_wait3A_158 = arith.constant 0 : i32
      %dma_wait3A_159 = arith.constant 0 : i32
      %dma_wait3A_160 = tpu.memref_slice %arg6[%dma_wait3A_158, %dma_wait3A_159] : memref<10240x48xf32, #tpu.memory_space<vmem_shared>> -> memref<10240x48xf32, #tpu.memory_space<vmem_shared>>
      tpu.wait_indirect_dma semaphore(%arg15 : memref<!tpu.dma_semaphore, #tpu.memory_space<semaphore_mem>>) src(%arg8 : memref<40x48xf32, #tpu.memory_space<vmem>>) dst(%dma_wait3A_160 : memref<10240x48xf32, #tpu.memory_space<vmem_shared>>)
      %dma_wait3A_161 = arith.constant 0 : i32
      %dma_wait3A_162 = tpu.memref_slice %arg7[%add3A_131, %dma_wait3A_161] : memref<125x40xi32, #tpu.memory_space<vmem>> -> memref<1x40xi32, #tpu.memory_space<vmem>>
      %dma_wait3A_163 = tpu.memref_squeeze %dma_wait3A_162 : memref<1x40xi32, #tpu.memory_space<vmem>> -> memref<40xi32, #tpu.memory_space<vmem>>
      %dma_wait3A_164 = arith.constant 0 : i32
      %dma_wait3A_165 = arith.constant 0 : i32
      %dma_wait3A_166 = tpu.memref_slice %arg6[%dma_wait3A_164, %dma_wait3A_165] : memref<10240x48xf32, #tpu.memory_space<vmem_shared>> -> memref<10240x48xf32, #tpu.memory_space<vmem_shared>>
      tpu.wait_indirect_dma semaphore(%arg16 : memref<!tpu.dma_semaphore, #tpu.memory_space<semaphore_mem>>) src(%arg8 : memref<40x48xf32, #tpu.memory_space<vmem>>) dst(%dma_wait3A_166 : memref<10240x48xf32, #tpu.memory_space<vmem_shared>>)
    }
    %scan3A_71 = arith.constant 25 : i32
    "tpu.region"() ({
      %run_scoped3A = tpu.sem_alloc : memref<!tpu.dma_semaphore, #tpu.memory_space<semaphore_mem>>
      %dma_start3A = arith.constant 0 : i32
      %dma_start3A_88 = arith.constant 0 : i32
      %dma_start3A_89 = tpu.memref_slice %arg3[%add3A, %dma_start3A, %dma_start3A_88] : memref<32x125x40xi32, #tpu.memory_space<hbm>> -> memref<1x125x40xi32, #tpu.memory_space<hbm>>
      %dma_start3A_90 = tpu.memref_squeeze %dma_start3A_89 : memref<1x125x40xi32, #tpu.memory_space<hbm>> -> memref<125x40xi32, #tpu.memory_space<hbm>>
      %dma_start3A_91 = arith.constant 0 : i32
      %dma_start3A_92 = arith.constant 0 : i32
      %dma_start3A_93 = tpu.memref_slice %arg3[%add3A, %dma_start3A_91, %dma_start3A_92] : memref<32x125x40xi32, #tpu.memory_space<hbm>> -> memref<1x125x40xi32, #tpu.memory_space<hbm>>
      %dma_start3A_94 = tpu.memref_squeeze %dma_start3A_93 : memref<1x125x40xi32, #tpu.memory_space<hbm>> -> memref<125x40xi32, #tpu.memory_space<hbm>>
      tpu.enqueue_dma source(%dma_start3A_94 : memref<125x40xi32, #tpu.memory_space<hbm>>) target(%arg7 : memref<125x40xi32, #tpu.memory_space<vmem>>) target_semaphore(%run_scoped3A : memref<!tpu.dma_semaphore, #tpu.memory_space<semaphore_mem>>)
      %dma_wait3A = arith.constant 0 : i32
      %dma_wait3A_95 = arith.constant 0 : i32
      %dma_wait3A_96 = tpu.memref_slice %arg3[%add3A, %dma_wait3A, %dma_wait3A_95] : memref<32x125x40xi32, #tpu.memory_space<hbm>> -> memref<1x125x40xi32, #tpu.memory_space<hbm>>
      %dma_wait3A_97 = tpu.memref_squeeze %dma_wait3A_96 : memref<1x125x40xi32, #tpu.memory_space<hbm>> -> memref<125x40xi32, #tpu.memory_space<hbm>>
      %dma_wait3A_98 = arith.constant 0 : i32
      %dma_wait3A_99 = arith.constant 0 : i32
      %dma_wait3A_100 = tpu.memref_slice %arg3[%add3A, %dma_wait3A_98, %dma_wait3A_99] : memref<32x125x40xi32, #tpu.memory_space<hbm>> -> memref<1x125x40xi32, #tpu.memory_space<hbm>>
      %dma_wait3A_101 = tpu.memref_squeeze %dma_wait3A_100 : memref<1x125x40xi32, #tpu.memory_space<hbm>> -> memref<125x40xi32, #tpu.memory_space<hbm>>
      tpu.wait_dma2 semaphore(%run_scoped3A : memref<!tpu.dma_semaphore, #tpu.memory_space<semaphore_mem>>) src(%dma_wait3A_101 : memref<125x40xi32, #tpu.memory_space<hbm>>) dst(%arg7 : memref<125x40xi32, #tpu.memory_space<vmem>>)
      tpu.yield
    }) : () -> ()
    %scan3A_72 = arith.constant 0 : i32
    %scan3A_73 = arith.constant 0 : i32
    %scan3A_74 = arith.constant 25 : i32
    %scan3A_75 = arith.addi %scan3A_73, %scan3A_74 : i32
    %scan3A_76 = arith.constant 1 : i32
    scf.for %scan3A_88 = %scan3A_73 to %scan3A_75 step %scan3A_76  : i32 {
      %mul3A_89 = arith.constant 5 : i32
      %mul3A_90 = arith.muli %scan3A_88, %mul3A_89 : i32
      %add3A_91 = arith.constant 0 : i32
      %add3A_92 = arith.addi %mul3A_90, %add3A_91 : i32
      %dma_start3A = arith.constant 0 : i32
      %dma_start3A_93 = tpu.memref_slice %arg7[%add3A_92, %dma_start3A] : memref<125x40xi32, #tpu.memory_space<vmem>> -> memref<1x40xi32, #tpu.memory_space<vmem>>
      %dma_start3A_94 = tpu.memref_squeeze %dma_start3A_93 : memref<1x40xi32, #tpu.memory_space<vmem>> -> memref<40xi32, #tpu.memory_space<vmem>>
      %dma_start3A_95 = arith.constant 0 : i32
      %dma_start3A_96 = arith.constant 0 : i32
      %dma_start3A_97 = tpu.memref_slice %arg6[%dma_start3A_95, %dma_start3A_96] : memref<10240x48xf32, #tpu.memory_space<vmem_shared>> -> memref<10240x48xf32, #tpu.memory_space<vmem_shared>>
      tpu.enqueue_indirect_dma source(%arg9 : memref<40x48xf32, #tpu.memory_space<vmem>>) target(%dma_start3A_97 : memref<10240x48xf32, #tpu.memory_space<vmem_shared>>) offsets(%dma_start3A_94 : memref<40xi32, #tpu.memory_space<vmem>>) semaphore(%arg12 : memref<!tpu.dma_semaphore, #tpu.memory_space<semaphore_mem>>) {add = true}
      %mul3A_98 = arith.constant 5 : i32
      %mul3A_99 = arith.muli %scan3A_88, %mul3A_98 : i32
      %add3A_100 = arith.constant 1 : i32
      %add3A_101 = arith.addi %mul3A_99, %add3A_100 : i32
      %dma_start3A_102 = arith.constant 0 : i32
      %dma_start3A_103 = tpu.memref_slice %arg7[%add3A_101, %dma_start3A_102] : memref<125x40xi32, #tpu.memory_space<vmem>> -> memref<1x40xi32, #tpu.memory_space<vmem>>
      %dma_start3A_104 = tpu.memref_squeeze %dma_start3A_103 : memref<1x40xi32, #tpu.memory_space<vmem>> -> memref<40xi32, #tpu.memory_space<vmem>>
      %dma_start3A_105 = arith.constant 0 : i32
      %dma_start3A_106 = arith.constant 0 : i32
      %dma_start3A_107 = tpu.memref_slice %arg6[%dma_start3A_105, %dma_start3A_106] : memref<10240x48xf32, #tpu.memory_space<vmem_shared>> -> memref<10240x48xf32, #tpu.memory_space<vmem_shared>>
      tpu.enqueue_indirect_dma source(%arg9 : memref<40x48xf32, #tpu.memory_space<vmem>>) target(%dma_start3A_107 : memref<10240x48xf32, #tpu.memory_space<vmem_shared>>) offsets(%dma_start3A_104 : memref<40xi32, #tpu.memory_space<vmem>>) semaphore(%arg13 : memref<!tpu.dma_semaphore, #tpu.memory_space<semaphore_mem>>) {add = true}
      %mul3A_108 = arith.constant 5 : i32
      %mul3A_109 = arith.muli %scan3A_88, %mul3A_108 : i32
      %add3A_110 = arith.constant 2 : i32
      %add3A_111 = arith.addi %mul3A_109, %add3A_110 : i32
      %dma_start3A_112 = arith.constant 0 : i32
      %dma_start3A_113 = tpu.memref_slice %arg7[%add3A_111, %dma_start3A_112] : memref<125x40xi32, #tpu.memory_space<vmem>> -> memref<1x40xi32, #tpu.memory_space<vmem>>
      %dma_start3A_114 = tpu.memref_squeeze %dma_start3A_113 : memref<1x40xi32, #tpu.memory_space<vmem>> -> memref<40xi32, #tpu.memory_space<vmem>>
      %dma_start3A_115 = arith.constant 0 : i32
      %dma_start3A_116 = arith.constant 0 : i32
      %dma_start3A_117 = tpu.memref_slice %arg6[%dma_start3A_115, %dma_start3A_116] : memref<10240x48xf32, #tpu.memory_space<vmem_shared>> -> memref<10240x48xf32, #tpu.memory_space<vmem_shared>>
      tpu.enqueue_indirect_dma source(%arg9 : memref<40x48xf32, #tpu.memory_space<vmem>>) target(%dma_start3A_117 : memref<10240x48xf32, #tpu.memory_space<vmem_shared>>) offsets(%dma_start3A_114 : memref<40xi32, #tpu.memory_space<vmem>>) semaphore(%arg14 : memref<!tpu.dma_semaphore, #tpu.memory_space<semaphore_mem>>) {add = true}
      %mul3A_118 = arith.constant 5 : i32
      %mul3A_119 = arith.muli %scan3A_88, %mul3A_118 : i32
      %add3A_120 = arith.constant 3 : i32
      %add3A_121 = arith.addi %mul3A_119, %add3A_120 : i32
      %dma_start3A_122 = arith.constant 0 : i32
      %dma_start3A_123 = tpu.memref_slice %arg7[%add3A_121, %dma_start3A_122] : memref<125x40xi32, #tpu.memory_space<vmem>> -> memref<1x40xi32, #tpu.memory_space<vmem>>
      %dma_start3A_124 = tpu.memref_squeeze %dma_start3A_123 : memref<1x40xi32, #tpu.memory_space<vmem>> -> memref<40xi32, #tpu.memory_space<vmem>>
      %dma_start3A_125 = arith.constant 0 : i32
      %dma_start3A_126 = arith.constant 0 : i32
      %dma_start3A_127 = tpu.memref_slice %arg6[%dma_start3A_125, %dma_start3A_126] : memref<10240x48xf32, #tpu.memory_space<vmem_shared>> -> memref<10240x48xf32, #tpu.memory_space<vmem_shared>>
      tpu.enqueue_indirect_dma source(%arg9 : memref<40x48xf32, #tpu.memory_space<vmem>>) target(%dma_start3A_127 : memref<10240x48xf32, #tpu.memory_space<vmem_shared>>) offsets(%dma_start3A_124 : memref<40xi32, #tpu.memory_space<vmem>>) semaphore(%arg15 : memref<!tpu.dma_semaphore, #tpu.memory_space<semaphore_mem>>) {add = true}
      %mul3A_128 = arith.constant 5 : i32
      %mul3A_129 = arith.muli %scan3A_88, %mul3A_128 : i32
      %add3A_130 = arith.constant 4 : i32
      %add3A_131 = arith.addi %mul3A_129, %add3A_130 : i32
      %dma_start3A_132 = arith.constant 0 : i32
      %dma_start3A_133 = tpu.memref_slice %arg7[%add3A_131, %dma_start3A_132] : memref<125x40xi32, #tpu.memory_space<vmem>> -> memref<1x40xi32, #tpu.memory_space<vmem>>
      %dma_start3A_134 = tpu.memref_squeeze %dma_start3A_133 : memref<1x40xi32, #tpu.memory_space<vmem>> -> memref<40xi32, #tpu.memory_space<vmem>>
      %dma_start3A_135 = arith.constant 0 : i32
      %dma_start3A_136 = arith.constant 0 : i32
      %dma_start3A_137 = tpu.memref_slice %arg6[%dma_start3A_135, %dma_start3A_136] : memref<10240x48xf32, #tpu.memory_space<vmem_shared>> -> memref<10240x48xf32, #tpu.memory_space<vmem_shared>>
      tpu.enqueue_indirect_dma source(%arg9 : memref<40x48xf32, #tpu.memory_space<vmem>>) target(%dma_start3A_137 : memref<10240x48xf32, #tpu.memory_space<vmem_shared>>) offsets(%dma_start3A_134 : memref<40xi32, #tpu.memory_space<vmem>>) semaphore(%arg16 : memref<!tpu.dma_semaphore, #tpu.memory_space<semaphore_mem>>) {add = true}
      %dma_wait3A = arith.constant 0 : i32
      %dma_wait3A_138 = tpu.memref_slice %arg7[%add3A_92, %dma_wait3A] : memref<125x40xi32, #tpu.memory_space<vmem>> -> memref<1x40xi32, #tpu.memory_space<vmem>>
      %dma_wait3A_139 = tpu.memref_squeeze %dma_wait3A_138 : memref<1x40xi32, #tpu.memory_space<vmem>> -> memref<40xi32, #tpu.memory_space<vmem>>
      %dma_wait3A_140 = arith.constant 0 : i32
      %dma_wait3A_141 = arith.constant 0 : i32
      %dma_wait3A_142 = tpu.memref_slice %arg6[%dma_wait3A_140, %dma_wait3A_141] : memref<10240x48xf32, #tpu.memory_space<vmem_shared>> -> memref<10240x48xf32, #tpu.memory_space<vmem_shared>>
      tpu.wait_indirect_dma semaphore(%arg12 : memref<!tpu.dma_semaphore, #tpu.memory_space<semaphore_mem>>) src(%arg9 : memref<40x48xf32, #tpu.memory_space<vmem>>) dst(%dma_wait3A_142 : memref<10240x48xf32, #tpu.memory_space<vmem_shared>>)
      %dma_wait3A_143 = arith.constant 0 : i32
      %dma_wait3A_144 = tpu.memref_slice %arg7[%add3A_101, %dma_wait3A_143] : memref<125x40xi32, #tpu.memory_space<vmem>> -> memref<1x40xi32, #tpu.memory_space<vmem>>
      %dma_wait3A_145 = tpu.memref_squeeze %dma_wait3A_144 : memref<1x40xi32, #tpu.memory_space<vmem>> -> memref<40xi32, #tpu.memory_space<vmem>>
      %dma_wait3A_146 = arith.constant 0 : i32
      %dma_wait3A_147 = arith.constant 0 : i32
      %dma_wait3A_148 = tpu.memref_slice %arg6[%dma_wait3A_146, %dma_wait3A_147] : memref<10240x48xf32, #tpu.memory_space<vmem_shared>> -> memref<10240x48xf32, #tpu.memory_space<vmem_shared>>
      tpu.wait_indirect_dma semaphore(%arg13 : memref<!tpu.dma_semaphore, #tpu.memory_space<semaphore_mem>>) src(%arg9 : memref<40x48xf32, #tpu.memory_space<vmem>>) dst(%dma_wait3A_148 : memref<10240x48xf32, #tpu.memory_space<vmem_shared>>)
      %dma_wait3A_149 = arith.constant 0 : i32
      %dma_wait3A_150 = tpu.memref_slice %arg7[%add3A_111, %dma_wait3A_149] : memref<125x40xi32, #tpu.memory_space<vmem>> -> memref<1x40xi32, #tpu.memory_space<vmem>>
      %dma_wait3A_151 = tpu.memref_squeeze %dma_wait3A_150 : memref<1x40xi32, #tpu.memory_space<vmem>> -> memref<40xi32, #tpu.memory_space<vmem>>
      %dma_wait3A_152 = arith.constant 0 : i32
      %dma_wait3A_153 = arith.constant 0 : i32
      %dma_wait3A_154 = tpu.memref_slice %arg6[%dma_wait3A_152, %dma_wait3A_153] : memref<10240x48xf32, #tpu.memory_space<vmem_shared>> -> memref<10240x48xf32, #tpu.memory_space<vmem_shared>>
      tpu.wait_indirect_dma semaphore(%arg14 : memref<!tpu.dma_semaphore, #tpu.memory_space<semaphore_mem>>) src(%arg9 : memref<40x48xf32, #tpu.memory_space<vmem>>) dst(%dma_wait3A_154 : memref<10240x48xf32, #tpu.memory_space<vmem_shared>>)
      %dma_wait3A_155 = arith.constant 0 : i32
      %dma_wait3A_156 = tpu.memref_slice %arg7[%add3A_121, %dma_wait3A_155] : memref<125x40xi32, #tpu.memory_space<vmem>> -> memref<1x40xi32, #tpu.memory_space<vmem>>
      %dma_wait3A_157 = tpu.memref_squeeze %dma_wait3A_156 : memref<1x40xi32, #tpu.memory_space<vmem>> -> memref<40xi32, #tpu.memory_space<vmem>>
      %dma_wait3A_158 = arith.constant 0 : i32
      %dma_wait3A_159 = arith.constant 0 : i32
      %dma_wait3A_160 = tpu.memref_slice %arg6[%dma_wait3A_158, %dma_wait3A_159] : memref<10240x48xf32, #tpu.memory_space<vmem_shared>> -> memref<10240x48xf32, #tpu.memory_space<vmem_shared>>
      tpu.wait_indirect_dma semaphore(%arg15 : memref<!tpu.dma_semaphore, #tpu.memory_space<semaphore_mem>>) src(%arg9 : memref<40x48xf32, #tpu.memory_space<vmem>>) dst(%dma_wait3A_160 : memref<10240x48xf32, #tpu.memory_space<vmem_shared>>)
      %dma_wait3A_161 = arith.constant 0 : i32
      %dma_wait3A_162 = tpu.memref_slice %arg7[%add3A_131, %dma_wait3A_161] : memref<125x40xi32, #tpu.memory_space<vmem>> -> memref<1x40xi32, #tpu.memory_space<vmem>>
      %dma_wait3A_163 = tpu.memref_squeeze %dma_wait3A_162 : memref<1x40xi32, #tpu.memory_space<vmem>> -> memref<40xi32, #tpu.memory_space<vmem>>
      %dma_wait3A_164 = arith.constant 0 : i32
      %dma_wait3A_165 = arith.constant 0 : i32
      %dma_wait3A_166 = tpu.memref_slice %arg6[%dma_wait3A_164, %dma_wait3A_165] : memref<10240x48xf32, #tpu.memory_space<vmem_shared>> -> memref<10240x48xf32, #tpu.memory_space<vmem_shared>>
      tpu.wait_indirect_dma semaphore(%arg16 : memref<!tpu.dma_semaphore, #tpu.memory_space<semaphore_mem>>) src(%arg9 : memref<40x48xf32, #tpu.memory_space<vmem>>) dst(%dma_wait3A_166 : memref<10240x48xf32, #tpu.memory_space<vmem_shared>>)
    }
    %scan3A_77 = arith.constant 25 : i32
    "tpu.region"() ({
      %run_scoped3A = tpu.sem_alloc : memref<!tpu.dma_semaphore, #tpu.memory_space<semaphore_mem>>
      %dma_start3A = arith.constant 0 : i32
      %dma_start3A_88 = arith.constant 0 : i32
      %dma_start3A_89 = tpu.memref_slice %arg4[%add3A, %dma_start3A, %dma_start3A_88] : memref<32x125x40xi32, #tpu.memory_space<hbm>> -> memref<1x125x40xi32, #tpu.memory_space<hbm>>
      %dma_start3A_90 = tpu.memref_squeeze %dma_start3A_89 : memref<1x125x40xi32, #tpu.memory_space<hbm>> -> memref<125x40xi32, #tpu.memory_space<hbm>>
      %dma_start3A_91 = arith.constant 0 : i32
      %dma_start3A_92 = arith.constant 0 : i32
      %dma_start3A_93 = tpu.memref_slice %arg4[%add3A, %dma_start3A_91, %dma_start3A_92] : memref<32x125x40xi32, #tpu.memory_space<hbm>> -> memref<1x125x40xi32, #tpu.memory_space<hbm>>
      %dma_start3A_94 = tpu.memref_squeeze %dma_start3A_93 : memref<1x125x40xi32, #tpu.memory_space<hbm>> -> memref<125x40xi32, #tpu.memory_space<hbm>>
      tpu.enqueue_dma source(%dma_start3A_94 : memref<125x40xi32, #tpu.memory_space<hbm>>) target(%arg7 : memref<125x40xi32, #tpu.memory_space<vmem>>) target_semaphore(%run_scoped3A : memref<!tpu.dma_semaphore, #tpu.memory_space<semaphore_mem>>)
      %dma_wait3A = arith.constant 0 : i32
      %dma_wait3A_95 = arith.constant 0 : i32
      %dma_wait3A_96 = tpu.memref_slice %arg4[%add3A, %dma_wait3A, %dma_wait3A_95] : memref<32x125x40xi32, #tpu.memory_space<hbm>> -> memref<1x125x40xi32, #tpu.memory_space<hbm>>
      %dma_wait3A_97 = tpu.memref_squeeze %dma_wait3A_96 : memref<1x125x40xi32, #tpu.memory_space<hbm>> -> memref<125x40xi32, #tpu.memory_space<hbm>>
      %dma_wait3A_98 = arith.constant 0 : i32
      %dma_wait3A_99 = arith.constant 0 : i32
      %dma_wait3A_100 = tpu.memref_slice %arg4[%add3A, %dma_wait3A_98, %dma_wait3A_99] : memref<32x125x40xi32, #tpu.memory_space<hbm>> -> memref<1x125x40xi32, #tpu.memory_space<hbm>>
      %dma_wait3A_101 = tpu.memref_squeeze %dma_wait3A_100 : memref<1x125x40xi32, #tpu.memory_space<hbm>> -> memref<125x40xi32, #tpu.memory_space<hbm>>
      tpu.wait_dma2 semaphore(%run_scoped3A : memref<!tpu.dma_semaphore, #tpu.memory_space<semaphore_mem>>) src(%dma_wait3A_101 : memref<125x40xi32, #tpu.memory_space<hbm>>) dst(%arg7 : memref<125x40xi32, #tpu.memory_space<vmem>>)
      tpu.yield
    }) : () -> ()
    %scan3A_78 = arith.constant 0 : i32
    %scan3A_79 = arith.constant 0 : i32
    %scan3A_80 = arith.constant 25 : i32
    %scan3A_81 = arith.addi %scan3A_79, %scan3A_80 : i32
    %scan3A_82 = arith.constant 1 : i32
    scf.for %scan3A_88 = %scan3A_79 to %scan3A_81 step %scan3A_82  : i32 {
      %mul3A_89 = arith.constant 5 : i32
      %mul3A_90 = arith.muli %scan3A_88, %mul3A_89 : i32
      %add3A_91 = arith.constant 0 : i32
      %add3A_92 = arith.addi %mul3A_90, %add3A_91 : i32
      %dma_start3A = arith.constant 0 : i32
      %dma_start3A_93 = tpu.memref_slice %arg7[%add3A_92, %dma_start3A] : memref<125x40xi32, #tpu.memory_space<vmem>> -> memref<1x40xi32, #tpu.memory_space<vmem>>
      %dma_start3A_94 = tpu.memref_squeeze %dma_start3A_93 : memref<1x40xi32, #tpu.memory_space<vmem>> -> memref<40xi32, #tpu.memory_space<vmem>>
      %dma_start3A_95 = arith.constant 0 : i32
      %dma_start3A_96 = arith.constant 0 : i32
      %dma_start3A_97 = tpu.memref_slice %arg6[%dma_start3A_95, %dma_start3A_96] : memref<10240x48xf32, #tpu.memory_space<vmem_shared>> -> memref<10240x48xf32, #tpu.memory_space<vmem_shared>>
      tpu.enqueue_indirect_dma source(%arg10 : memref<40x48xf32, #tpu.memory_space<vmem>>) target(%dma_start3A_97 : memref<10240x48xf32, #tpu.memory_space<vmem_shared>>) offsets(%dma_start3A_94 : memref<40xi32, #tpu.memory_space<vmem>>) semaphore(%arg12 : memref<!tpu.dma_semaphore, #tpu.memory_space<semaphore_mem>>) {add = true}
      %mul3A_98 = arith.constant 5 : i32
      %mul3A_99 = arith.muli %scan3A_88, %mul3A_98 : i32
      %add3A_100 = arith.constant 1 : i32
      %add3A_101 = arith.addi %mul3A_99, %add3A_100 : i32
      %dma_start3A_102 = arith.constant 0 : i32
      %dma_start3A_103 = tpu.memref_slice %arg7[%add3A_101, %dma_start3A_102] : memref<125x40xi32, #tpu.memory_space<vmem>> -> memref<1x40xi32, #tpu.memory_space<vmem>>
      %dma_start3A_104 = tpu.memref_squeeze %dma_start3A_103 : memref<1x40xi32, #tpu.memory_space<vmem>> -> memref<40xi32, #tpu.memory_space<vmem>>
      %dma_start3A_105 = arith.constant 0 : i32
      %dma_start3A_106 = arith.constant 0 : i32
      %dma_start3A_107 = tpu.memref_slice %arg6[%dma_start3A_105, %dma_start3A_106] : memref<10240x48xf32, #tpu.memory_space<vmem_shared>> -> memref<10240x48xf32, #tpu.memory_space<vmem_shared>>
      tpu.enqueue_indirect_dma source(%arg10 : memref<40x48xf32, #tpu.memory_space<vmem>>) target(%dma_start3A_107 : memref<10240x48xf32, #tpu.memory_space<vmem_shared>>) offsets(%dma_start3A_104 : memref<40xi32, #tpu.memory_space<vmem>>) semaphore(%arg13 : memref<!tpu.dma_semaphore, #tpu.memory_space<semaphore_mem>>) {add = true}
      %mul3A_108 = arith.constant 5 : i32
      %mul3A_109 = arith.muli %scan3A_88, %mul3A_108 : i32
      %add3A_110 = arith.constant 2 : i32
      %add3A_111 = arith.addi %mul3A_109, %add3A_110 : i32
      %dma_start3A_112 = arith.constant 0 : i32
      %dma_start3A_113 = tpu.memref_slice %arg7[%add3A_111, %dma_start3A_112] : memref<125x40xi32, #tpu.memory_space<vmem>> -> memref<1x40xi32, #tpu.memory_space<vmem>>
      %dma_start3A_114 = tpu.memref_squeeze %dma_start3A_113 : memref<1x40xi32, #tpu.memory_space<vmem>> -> memref<40xi32, #tpu.memory_space<vmem>>
      %dma_start3A_115 = arith.constant 0 : i32
      %dma_start3A_116 = arith.constant 0 : i32
      %dma_start3A_117 = tpu.memref_slice %arg6[%dma_start3A_115, %dma_start3A_116] : memref<10240x48xf32, #tpu.memory_space<vmem_shared>> -> memref<10240x48xf32, #tpu.memory_space<vmem_shared>>
      tpu.enqueue_indirect_dma source(%arg10 : memref<40x48xf32, #tpu.memory_space<vmem>>) target(%dma_start3A_117 : memref<10240x48xf32, #tpu.memory_space<vmem_shared>>) offsets(%dma_start3A_114 : memref<40xi32, #tpu.memory_space<vmem>>) semaphore(%arg14 : memref<!tpu.dma_semaphore, #tpu.memory_space<semaphore_mem>>) {add = true}
      %mul3A_118 = arith.constant 5 : i32
      %mul3A_119 = arith.muli %scan3A_88, %mul3A_118 : i32
      %add3A_120 = arith.constant 3 : i32
      %add3A_121 = arith.addi %mul3A_119, %add3A_120 : i32
      %dma_start3A_122 = arith.constant 0 : i32
      %dma_start3A_123 = tpu.memref_slice %arg7[%add3A_121, %dma_start3A_122] : memref<125x40xi32, #tpu.memory_space<vmem>> -> memref<1x40xi32, #tpu.memory_space<vmem>>
      %dma_start3A_124 = tpu.memref_squeeze %dma_start3A_123 : memref<1x40xi32, #tpu.memory_space<vmem>> -> memref<40xi32, #tpu.memory_space<vmem>>
      %dma_start3A_125 = arith.constant 0 : i32
      %dma_start3A_126 = arith.constant 0 : i32
      %dma_start3A_127 = tpu.memref_slice %arg6[%dma_start3A_125, %dma_start3A_126] : memref<10240x48xf32, #tpu.memory_space<vmem_shared>> -> memref<10240x48xf32, #tpu.memory_space<vmem_shared>>
      tpu.enqueue_indirect_dma source(%arg10 : memref<40x48xf32, #tpu.memory_space<vmem>>) target(%dma_start3A_127 : memref<10240x48xf32, #tpu.memory_space<vmem_shared>>) offsets(%dma_start3A_124 : memref<40xi32, #tpu.memory_space<vmem>>) semaphore(%arg15 : memref<!tpu.dma_semaphore, #tpu.memory_space<semaphore_mem>>) {add = true}
      %mul3A_128 = arith.constant 5 : i32
      %mul3A_129 = arith.muli %scan3A_88, %mul3A_128 : i32
      %add3A_130 = arith.constant 4 : i32
      %add3A_131 = arith.addi %mul3A_129, %add3A_130 : i32
      %dma_start3A_132 = arith.constant 0 : i32
      %dma_start3A_133 = tpu.memref_slice %arg7[%add3A_131, %dma_start3A_132] : memref<125x40xi32, #tpu.memory_space<vmem>> -> memref<1x40xi32, #tpu.memory_space<vmem>>
      %dma_start3A_134 = tpu.memref_squeeze %dma_start3A_133 : memref<1x40xi32, #tpu.memory_space<vmem>> -> memref<40xi32, #tpu.memory_space<vmem>>
      %dma_start3A_135 = arith.constant 0 : i32
      %dma_start3A_136 = arith.constant 0 : i32
      %dma_start3A_137 = tpu.memref_slice %arg6[%dma_start3A_135, %dma_start3A_136] : memref<10240x48xf32, #tpu.memory_space<vmem_shared>> -> memref<10240x48xf32, #tpu.memory_space<vmem_shared>>
      tpu.enqueue_indirect_dma source(%arg10 : memref<40x48xf32, #tpu.memory_space<vmem>>) target(%dma_start3A_137 : memref<10240x48xf32, #tpu.memory_space<vmem_shared>>) offsets(%dma_start3A_134 : memref<40xi32, #tpu.memory_space<vmem>>) semaphore(%arg16 : memref<!tpu.dma_semaphore, #tpu.memory_space<semaphore_mem>>) {add = true}
      %dma_wait3A = arith.constant 0 : i32
      %dma_wait3A_138 = tpu.memref_slice %arg7[%add3A_92, %dma_wait3A] : memref<125x40xi32, #tpu.memory_space<vmem>> -> memref<1x40xi32, #tpu.memory_space<vmem>>
      %dma_wait3A_139 = tpu.memref_squeeze %dma_wait3A_138 : memref<1x40xi32, #tpu.memory_space<vmem>> -> memref<40xi32, #tpu.memory_space<vmem>>
      %dma_wait3A_140 = arith.constant 0 : i32
      %dma_wait3A_141 = arith.constant 0 : i32
      %dma_wait3A_142 = tpu.memref_slice %arg6[%dma_wait3A_140, %dma_wait3A_141] : memref<10240x48xf32, #tpu.memory_space<vmem_shared>> -> memref<10240x48xf32, #tpu.memory_space<vmem_shared>>
      tpu.wait_indirect_dma semaphore(%arg12 : memref<!tpu.dma_semaphore, #tpu.memory_space<semaphore_mem>>) src(%arg10 : memref<40x48xf32, #tpu.memory_space<vmem>>) dst(%dma_wait3A_142 : memref<10240x48xf32, #tpu.memory_space<vmem_shared>>)
      %dma_wait3A_143 = arith.constant 0 : i32
      %dma_wait3A_144 = tpu.memref_slice %arg7[%add3A_101, %dma_wait3A_143] : memref<125x40xi32, #tpu.memory_space<vmem>> -> memref<1x40xi32, #tpu.memory_space<vmem>>
      %dma_wait3A_145 = tpu.memref_squeeze %dma_wait3A_144 : memref<1x40xi32, #tpu.memory_space<vmem>> -> memref<40xi32, #tpu.memory_space<vmem>>
      %dma_wait3A_146 = arith.constant 0 : i32
      %dma_wait3A_147 = arith.constant 0 : i32
      %dma_wait3A_148 = tpu.memref_slice %arg6[%dma_wait3A_146, %dma_wait3A_147] : memref<10240x48xf32, #tpu.memory_space<vmem_shared>> -> memref<10240x48xf32, #tpu.memory_space<vmem_shared>>
      tpu.wait_indirect_dma semaphore(%arg13 : memref<!tpu.dma_semaphore, #tpu.memory_space<semaphore_mem>>) src(%arg10 : memref<40x48xf32, #tpu.memory_space<vmem>>) dst(%dma_wait3A_148 : memref<10240x48xf32, #tpu.memory_space<vmem_shared>>)
      %dma_wait3A_149 = arith.constant 0 : i32
      %dma_wait3A_150 = tpu.memref_slice %arg7[%add3A_111, %dma_wait3A_149] : memref<125x40xi32, #tpu.memory_space<vmem>> -> memref<1x40xi32, #tpu.memory_space<vmem>>
      %dma_wait3A_151 = tpu.memref_squeeze %dma_wait3A_150 : memref<1x40xi32, #tpu.memory_space<vmem>> -> memref<40xi32, #tpu.memory_space<vmem>>
      %dma_wait3A_152 = arith.constant 0 : i32
      %dma_wait3A_153 = arith.constant 0 : i32
      %dma_wait3A_154 = tpu.memref_slice %arg6[%dma_wait3A_152, %dma_wait3A_153] : memref<10240x48xf32, #tpu.memory_space<vmem_shared>> -> memref<10240x48xf32, #tpu.memory_space<vmem_shared>>
      tpu.wait_indirect_dma semaphore(%arg14 : memref<!tpu.dma_semaphore, #tpu.memory_space<semaphore_mem>>) src(%arg10 : memref<40x48xf32, #tpu.memory_space<vmem>>) dst(%dma_wait3A_154 : memref<10240x48xf32, #tpu.memory_space<vmem_shared>>)
      %dma_wait3A_155 = arith.constant 0 : i32
      %dma_wait3A_156 = tpu.memref_slice %arg7[%add3A_121, %dma_wait3A_155] : memref<125x40xi32, #tpu.memory_space<vmem>> -> memref<1x40xi32, #tpu.memory_space<vmem>>
      %dma_wait3A_157 = tpu.memref_squeeze %dma_wait3A_156 : memref<1x40xi32, #tpu.memory_space<vmem>> -> memref<40xi32, #tpu.memory_space<vmem>>
      %dma_wait3A_158 = arith.constant 0 : i32
      %dma_wait3A_159 = arith.constant 0 : i32
      %dma_wait3A_160 = tpu.memref_slice %arg6[%dma_wait3A_158, %dma_wait3A_159] : memref<10240x48xf32, #tpu.memory_space<vmem_shared>> -> memref<10240x48xf32, #tpu.memory_space<vmem_shared>>
      tpu.wait_indirect_dma semaphore(%arg15 : memref<!tpu.dma_semaphore, #tpu.memory_space<semaphore_mem>>) src(%arg10 : memref<40x48xf32, #tpu.memory_space<vmem>>) dst(%dma_wait3A_160 : memref<10240x48xf32, #tpu.memory_space<vmem_shared>>)
      %dma_wait3A_161 = arith.constant 0 : i32
      %dma_wait3A_162 = tpu.memref_slice %arg7[%add3A_131, %dma_wait3A_161] : memref<125x40xi32, #tpu.memory_space<vmem>> -> memref<1x40xi32, #tpu.memory_space<vmem>>
      %dma_wait3A_163 = tpu.memref_squeeze %dma_wait3A_162 : memref<1x40xi32, #tpu.memory_space<vmem>> -> memref<40xi32, #tpu.memory_space<vmem>>
      %dma_wait3A_164 = arith.constant 0 : i32
      %dma_wait3A_165 = arith.constant 0 : i32
      %dma_wait3A_166 = tpu.memref_slice %arg6[%dma_wait3A_164, %dma_wait3A_165] : memref<10240x48xf32, #tpu.memory_space<vmem_shared>> -> memref<10240x48xf32, #tpu.memory_space<vmem_shared>>
      tpu.wait_indirect_dma semaphore(%arg16 : memref<!tpu.dma_semaphore, #tpu.memory_space<semaphore_mem>>) src(%arg10 : memref<40x48xf32, #tpu.memory_space<vmem>>) dst(%dma_wait3A_166 : memref<10240x48xf32, #tpu.memory_space<vmem_shared>>)
    }
    %scan3A_83 = arith.constant 25 : i32
    %barrier3A_84 = arith.constant 0 : index
    tpu.barrier barrier_id(%barrier3A_84)
    %mul3A_85 = arith.constant 640 : i32
    %mul3A_86 = arith.muli %arg1, %mul3A_85 : i32
    %multiple_of3A_87 = tpu.assume_multiple %mul3A_86, 8 : i32
    "tpu.region"() ({
      %run_scoped3A = tpu.sem_alloc : memref<!tpu.dma_semaphore, #tpu.memory_space<semaphore_mem>>
      %dma_start3A = arith.constant 0 : i32
      %dma_start3A_88 = tpu.memref_slice %arg5[%arg0, %multiple_of3A_87, %dma_start3A] : memref<2x10240x48xf32, #tpu.memory_space<hbm>> -> memref<1x640x48xf32, #tpu.memory_space<hbm>>
      %dma_start3A_89 = tpu.memref_squeeze %dma_start3A_88 : memref<1x640x48xf32, #tpu.memory_space<hbm>> -> memref<640x48xf32, #tpu.memory_space<hbm>>
      %dma_start3A_90 = arith.constant 0 : i32
      %dma_start3A_91 = tpu.memref_slice %arg6[%multiple_of3A_87, %dma_start3A_90] : memref<10240x48xf32, #tpu.memory_space<vmem_shared>> -> memref<640x48xf32, #tpu.memory_space<vmem_shared>>
      tpu.enqueue_dma source(%dma_start3A_91 : memref<640x48xf32, #tpu.memory_space<vmem_shared>>) target(%dma_start3A_89 : memref<640x48xf32, #tpu.memory_space<hbm>>) target_semaphore(%run_scoped3A : memref<!tpu.dma_semaphore, #tpu.memory_space<semaphore_mem>>)
      %dma_wait3A = arith.constant 0 : i32
      %dma_wait3A_92 = tpu.memref_slice %arg5[%arg0, %multiple_of3A_87, %dma_wait3A] : memref<2x10240x48xf32, #tpu.memory_space<hbm>> -> memref<1x640x48xf32, #tpu.memory_space<hbm>>
      %dma_wait3A_93 = tpu.memref_squeeze %dma_wait3A_92 : memref<1x640x48xf32, #tpu.memory_space<hbm>> -> memref<640x48xf32, #tpu.memory_space<hbm>>
      %dma_wait3A_94 = arith.constant 0 : i32
      %dma_wait3A_95 = tpu.memref_slice %arg6[%multiple_of3A_87, %dma_wait3A_94] : memref<10240x48xf32, #tpu.memory_space<vmem_shared>> -> memref<640x48xf32, #tpu.memory_space<vmem_shared>>
      tpu.wait_dma2 semaphore(%run_scoped3A : memref<!tpu.dma_semaphore, #tpu.memory_space<semaphore_mem>>) src(%dma_wait3A_95 : memref<640x48xf32, #tpu.memory_space<vmem_shared>>) dst(%dma_wait3A_93 : memref<640x48xf32, #tpu.memory_space<hbm>>)
      tpu.yield
    }) : () -> ()
    return
  }
}

#map = affine_map<(d0, d1) -> (0, 0)>
#map1 = affine_map<(d0, d1) -> (0, 0, 0, 0)>
#map2 = affine_map<(d0, d1) -> (0, 0, 0)>
module attributes {stable_mosaic.version = 14 : i64} {
  func.func @_conv_body(%arg0: i32, %arg1: i32, %arg2: memref<20480x128xf32, #tpu.memory_space<hbm>>, %arg3: memref<32x4x40x64xi32, #tpu.memory_space<hbm>>, %arg4: memref<16x4x40x64xi32, #tpu.memory_space<hbm>>, %arg5: memref<2x10240x128xf32, #tpu.memory_space<hbm>>, %arg6: memref<10240x128xf32, #tpu.memory_space<vmem_shared>>, %arg7: memref<40x64xi32, #tpu.memory_space<vmem>>, %arg8: memref<40x64xi32, #tpu.memory_space<vmem>>, %arg9: memref<4x64x128xf32, #tpu.memory_space<vmem>>, %arg10: memref<!tpu.dma_semaphore, #tpu.memory_space<semaphore_mem>>, %arg11: memref<!tpu.dma_semaphore, #tpu.memory_space<semaphore_mem>>, %arg12: memref<!tpu.dma_semaphore, #tpu.memory_space<semaphore_mem>>, %arg13: memref<!tpu.dma_semaphore, #tpu.memory_space<semaphore_mem>>, %arg14: memref<!tpu.dma_semaphore, #tpu.memory_space<semaphore_mem>>, %arg15: memref<!tpu.dma_semaphore, #tpu.memory_space<semaphore_mem>>, %arg16: memref<!tpu.dma_semaphore, #tpu.memory_space<semaphore_mem>>, %arg17: memref<!tpu.dma_semaphore, #tpu.memory_space<semaphore_mem>>) attributes {dimension_semantics = [#tpu.dimension_semantics<core_parallel>, #tpu.dimension_semantics<subcore_parallel>], iteration_bounds = array<i64: 2, 16>, scalar_prefetch = 0 : i64, scratch_operands = 12 : i64, tpu.core_type = #tpu.core_type<sc_vector_subcore>, window_params = [{transform_indices = #map}, {transform_indices = #map1}, {transform_indices = #map1}, {transform_indices = #map2}]} {
    %broadcast_in_dim3A = arith.constant 0.000000e+00 : f32
    %broadcast_in_dim3A_0 = vector.broadcast %broadcast_in_dim3A : f32 to vector<16xf32>
    %scan3A = arith.constant 0 : i32
    %scan3A_1 = arith.constant 0 : i32
    %scan3A_2 = arith.constant 64 : i32
    %scan3A_3 = arith.addi %scan3A_1, %scan3A_2 : i32
    %scan3A_4 = arith.constant 1 : i32
    scf.for %scan3A_72 = %scan3A_1 to %scan3A_3 step %scan3A_4  : i32 {
      %scan3A_73 = arith.constant 0 : i32
      %scan3A_74 = arith.constant 8 : i32
      %scan3A_75 = arith.addi %scan3A_73, %scan3A_74 : i32
      %scan3A_76 = arith.constant 1 : i32
      scf.for %scan3A_78 = %scan3A_73 to %scan3A_75 step %scan3A_76  : i32 {
        %mul3A_79 = arith.constant 16 : i32
        %mul3A_80 = arith.muli %scan3A_78, %mul3A_79 : i32
        %swap3A = arith.constant 0 : i32
        %swap3A_81 = arith.index_cast %swap3A : i32 to index
        %swap3A_82 = arith.index_cast %scan3A_72 : i32 to index
        %swap3A_83 = arith.index_cast %mul3A_80 : i32 to index
        %swap3A_84 = tpu.vector_load %arg9[%swap3A_81, %swap3A_82, %swap3A_83] {strides = array<i32>} : memref<4x64x128xf32, #tpu.memory_space<vmem>>, vector<1x1x16xf32>,
        %swap3A_85 = vector.shape_cast %swap3A_84 : vector<1x1x16xf32> to vector<16xf32>
        %swap3A_86 = vector.shape_cast %broadcast_in_dim3A_0 : vector<16xf32> to vector<1x1x16xf32>
        tpu.vector_store %arg9[%swap3A_81, %swap3A_82, %swap3A_83], %swap3A_86 {strides = array<i32>} : memref<4x64x128xf32, #tpu.memory_space<vmem>>, vector<1x1x16xf32>,
      }
      %scan3A_77 = arith.constant 8 : i32
    }
    %scan3A_5 = arith.constant 64 : i32
    %mul3A = arith.constant 640 : i32
    %mul3A_6 = arith.muli %arg1, %mul3A : i32
    %add3A = arith.constant 0 : i32
    %add3A_7 = arith.addi %mul3A_6, %add3A : i32
    %multiple_of3A = tpu.assume_multiple %add3A_7, 8 : i32
    %run_scoped3A = arith.constant 0 : i32
    "tpu.region"() ({
      %run_scoped3A_72 = tpu.sem_alloc : memref<!tpu.dma_semaphore, #tpu.memory_space<semaphore_mem>>
      %dma_start3A = arith.constant 0 : i32
      %dma_start3A_73 = arith.constant 0 : i32
      %dma_start3A_74 = tpu.memref_slice %arg9[%run_scoped3A, %dma_start3A, %dma_start3A_73] : memref<4x64x128xf32, #tpu.memory_space<vmem>> -> memref<1x64x128xf32, #tpu.memory_space<vmem>>
      %dma_start3A_75 = tpu.memref_squeeze %dma_start3A_74 : memref<1x64x128xf32, #tpu.memory_space<vmem>> -> memref<64x128xf32, #tpu.memory_space<vmem>>
      %dma_start3A_76 = arith.constant 0 : i32
      %dma_start3A_77 = tpu.memref_slice %arg6[%multiple_of3A, %dma_start3A_76] : memref<10240x128xf32, #tpu.memory_space<vmem_shared>> -> memref<64x128xf32, #tpu.memory_space<vmem_shared>>
      %dma_start3A_78 = arith.constant 0 : i32
      %dma_start3A_79 = tpu.memref_slice %arg6[%multiple_of3A, %dma_start3A_78] : memref<10240x128xf32, #tpu.memory_space<vmem_shared>> -> memref<64x128xf32, #tpu.memory_space<vmem_shared>>
      %dma_start3A_80 = arith.constant 0 : i32
      %dma_start3A_81 = arith.constant 0 : i32
      %dma_start3A_82 = tpu.memref_slice %arg9[%run_scoped3A, %dma_start3A_80, %dma_start3A_81] : memref<4x64x128xf32, #tpu.memory_space<vmem>> -> memref<1x64x128xf32, #tpu.memory_space<vmem>>
      %dma_start3A_83 = tpu.memref_squeeze %dma_start3A_82 : memref<1x64x128xf32, #tpu.memory_space<vmem>> -> memref<64x128xf32, #tpu.memory_space<vmem>>
      tpu.enqueue_dma source(%dma_start3A_83 : memref<64x128xf32, #tpu.memory_space<vmem>>) target(%dma_start3A_79 : memref<64x128xf32, #tpu.memory_space<vmem_shared>>) target_semaphore(%run_scoped3A_72 : memref<!tpu.dma_semaphore, #tpu.memory_space<semaphore_mem>>)
      %dma_wait3A = arith.constant 0 : i32
      %dma_wait3A_84 = arith.constant 0 : i32
      %dma_wait3A_85 = tpu.memref_slice %arg9[%run_scoped3A, %dma_wait3A, %dma_wait3A_84] : memref<4x64x128xf32, #tpu.memory_space<vmem>> -> memref<1x64x128xf32, #tpu.memory_space<vmem>>
      %dma_wait3A_86 = tpu.memref_squeeze %dma_wait3A_85 : memref<1x64x128xf32, #tpu.memory_space<vmem>> -> memref<64x128xf32, #tpu.memory_space<vmem>>
      %dma_wait3A_87 = arith.constant 0 : i32
      %dma_wait3A_88 = tpu.memref_slice %arg6[%multiple_of3A, %dma_wait3A_87] : memref<10240x128xf32, #tpu.memory_space<vmem_shared>> -> memref<64x128xf32, #tpu.memory_space<vmem_shared>>
      %dma_wait3A_89 = arith.constant 0 : i32
      %dma_wait3A_90 = tpu.memref_slice %arg6[%multiple_of3A, %dma_wait3A_89] : memref<10240x128xf32, #tpu.memory_space<vmem_shared>> -> memref<64x128xf32, #tpu.memory_space<vmem_shared>>
      %dma_wait3A_91 = arith.constant 0 : i32
      %dma_wait3A_92 = arith.constant 0 : i32
      %dma_wait3A_93 = tpu.memref_slice %arg9[%run_scoped3A, %dma_wait3A_91, %dma_wait3A_92] : memref<4x64x128xf32, #tpu.memory_space<vmem>> -> memref<1x64x128xf32, #tpu.memory_space<vmem>>
      %dma_wait3A_94 = tpu.memref_squeeze %dma_wait3A_93 : memref<1x64x128xf32, #tpu.memory_space<vmem>> -> memref<64x128xf32, #tpu.memory_space<vmem>>
      tpu.wait_dma2 semaphore(%run_scoped3A_72 : memref<!tpu.dma_semaphore, #tpu.memory_space<semaphore_mem>>) src(%dma_wait3A_94 : memref<64x128xf32, #tpu.memory_space<vmem>>) dst(%dma_wait3A_90 : memref<64x128xf32, #tpu.memory_space<vmem_shared>>)
      tpu.yield
    }) : () -> ()
    %mul3A_8 = arith.constant 640 : i32
    %mul3A_9 = arith.muli %arg1, %mul3A_8 : i32
    %add3A_10 = arith.constant 64 : i32
    %add3A_11 = arith.addi %mul3A_9, %add3A_10 : i32
    %multiple_of3A_12 = tpu.assume_multiple %add3A_11, 8 : i32
    %run_scoped3A_13 = arith.constant 0 : i32
    "tpu.region"() ({
      %run_scoped3A_72 = tpu.sem_alloc : memref<!tpu.dma_semaphore, #tpu.memory_space<semaphore_mem>>
      %dma_start3A = arith.constant 0 : i32
      %dma_start3A_73 = arith.constant 0 : i32
      %dma_start3A_74 = tpu.memref_slice %arg9[%run_scoped3A_13, %dma_start3A, %dma_start3A_73] : memref<4x64x128xf32, #tpu.memory_space<vmem>> -> memref<1x64x128xf32, #tpu.memory_space<vmem>>
      %dma_start3A_75 = tpu.memref_squeeze %dma_start3A_74 : memref<1x64x128xf32, #tpu.memory_space<vmem>> -> memref<64x128xf32, #tpu.memory_space<vmem>>
      %dma_start3A_76 = arith.constant 0 : i32
      %dma_start3A_77 = tpu.memref_slice %arg6[%multiple_of3A_12, %dma_start3A_76] : memref<10240x128xf32, #tpu.memory_space<vmem_shared>> -> memref<64x128xf32, #tpu.memory_space<vmem_shared>>
      %dma_start3A_78 = arith.constant 0 : i32
      %dma_start3A_79 = tpu.memref_slice %arg6[%multiple_of3A_12, %dma_start3A_78] : memref<10240x128xf32, #tpu.memory_space<vmem_shared>> -> memref<64x128xf32, #tpu.memory_space<vmem_shared>>
      %dma_start3A_80 = arith.constant 0 : i32
      %dma_start3A_81 = arith.constant 0 : i32
      %dma_start3A_82 = tpu.memref_slice %arg9[%run_scoped3A_13, %dma_start3A_80, %dma_start3A_81] : memref<4x64x128xf32, #tpu.memory_space<vmem>> -> memref<1x64x128xf32, #tpu.memory_space<vmem>>
      %dma_start3A_83 = tpu.memref_squeeze %dma_start3A_82 : memref<1x64x128xf32, #tpu.memory_space<vmem>> -> memref<64x128xf32, #tpu.memory_space<vmem>>
      tpu.enqueue_dma source(%dma_start3A_83 : memref<64x128xf32, #tpu.memory_space<vmem>>) target(%dma_start3A_79 : memref<64x128xf32, #tpu.memory_space<vmem_shared>>) target_semaphore(%run_scoped3A_72 : memref<!tpu.dma_semaphore, #tpu.memory_space<semaphore_mem>>)
      %dma_wait3A = arith.constant 0 : i32
      %dma_wait3A_84 = arith.constant 0 : i32
      %dma_wait3A_85 = tpu.memref_slice %arg9[%run_scoped3A_13, %dma_wait3A, %dma_wait3A_84] : memref<4x64x128xf32, #tpu.memory_space<vmem>> -> memref<1x64x128xf32, #tpu.memory_space<vmem>>
      %dma_wait3A_86 = tpu.memref_squeeze %dma_wait3A_85 : memref<1x64x128xf32, #tpu.memory_space<vmem>> -> memref<64x128xf32, #tpu.memory_space<vmem>>
      %dma_wait3A_87 = arith.constant 0 : i32
      %dma_wait3A_88 = tpu.memref_slice %arg6[%multiple_of3A_12, %dma_wait3A_87] : memref<10240x128xf32, #tpu.memory_space<vmem_shared>> -> memref<64x128xf32, #tpu.memory_space<vmem_shared>>
      %dma_wait3A_89 = arith.constant 0 : i32
      %dma_wait3A_90 = tpu.memref_slice %arg6[%multiple_of3A_12, %dma_wait3A_89] : memref<10240x128xf32, #tpu.memory_space<vmem_shared>> -> memref<64x128xf32, #tpu.memory_space<vmem_shared>>
      %dma_wait3A_91 = arith.constant 0 : i32
      %dma_wait3A_92 = arith.constant 0 : i32
      %dma_wait3A_93 = tpu.memref_slice %arg9[%run_scoped3A_13, %dma_wait3A_91, %dma_wait3A_92] : memref<4x64x128xf32, #tpu.memory_space<vmem>> -> memref<1x64x128xf32, #tpu.memory_space<vmem>>
      %dma_wait3A_94 = tpu.memref_squeeze %dma_wait3A_93 : memref<1x64x128xf32, #tpu.memory_space<vmem>> -> memref<64x128xf32, #tpu.memory_space<vmem>>
      tpu.wait_dma2 semaphore(%run_scoped3A_72 : memref<!tpu.dma_semaphore, #tpu.memory_space<semaphore_mem>>) src(%dma_wait3A_94 : memref<64x128xf32, #tpu.memory_space<vmem>>) dst(%dma_wait3A_90 : memref<64x128xf32, #tpu.memory_space<vmem_shared>>)
      tpu.yield
    }) : () -> ()
    %mul3A_14 = arith.constant 640 : i32
    %mul3A_15 = arith.muli %arg1, %mul3A_14 : i32
    %add3A_16 = arith.constant 128 : i32
    %add3A_17 = arith.addi %mul3A_15, %add3A_16 : i32
    %multiple_of3A_18 = tpu.assume_multiple %add3A_17, 8 : i32
    %run_scoped3A_19 = arith.constant 0 : i32
    "tpu.region"() ({
      %run_scoped3A_72 = tpu.sem_alloc : memref<!tpu.dma_semaphore, #tpu.memory_space<semaphore_mem>>
      %dma_start3A = arith.constant 0 : i32
      %dma_start3A_73 = arith.constant 0 : i32
      %dma_start3A_74 = tpu.memref_slice %arg9[%run_scoped3A_19, %dma_start3A, %dma_start3A_73] : memref<4x64x128xf32, #tpu.memory_space<vmem>> -> memref<1x64x128xf32, #tpu.memory_space<vmem>>
      %dma_start3A_75 = tpu.memref_squeeze %dma_start3A_74 : memref<1x64x128xf32, #tpu.memory_space<vmem>> -> memref<64x128xf32, #tpu.memory_space<vmem>>
      %dma_start3A_76 = arith.constant 0 : i32
      %dma_start3A_77 = tpu.memref_slice %arg6[%multiple_of3A_18, %dma_start3A_76] : memref<10240x128xf32, #tpu.memory_space<vmem_shared>> -> memref<64x128xf32, #tpu.memory_space<vmem_shared>>
      %dma_start3A_78 = arith.constant 0 : i32
      %dma_start3A_79 = tpu.memref_slice %arg6[%multiple_of3A_18, %dma_start3A_78] : memref<10240x128xf32, #tpu.memory_space<vmem_shared>> -> memref<64x128xf32, #tpu.memory_space<vmem_shared>>
      %dma_start3A_80 = arith.constant 0 : i32
      %dma_start3A_81 = arith.constant 0 : i32
      %dma_start3A_82 = tpu.memref_slice %arg9[%run_scoped3A_19, %dma_start3A_80, %dma_start3A_81] : memref<4x64x128xf32, #tpu.memory_space<vmem>> -> memref<1x64x128xf32, #tpu.memory_space<vmem>>
      %dma_start3A_83 = tpu.memref_squeeze %dma_start3A_82 : memref<1x64x128xf32, #tpu.memory_space<vmem>> -> memref<64x128xf32, #tpu.memory_space<vmem>>
      tpu.enqueue_dma source(%dma_start3A_83 : memref<64x128xf32, #tpu.memory_space<vmem>>) target(%dma_start3A_79 : memref<64x128xf32, #tpu.memory_space<vmem_shared>>) target_semaphore(%run_scoped3A_72 : memref<!tpu.dma_semaphore, #tpu.memory_space<semaphore_mem>>)
      %dma_wait3A = arith.constant 0 : i32
      %dma_wait3A_84 = arith.constant 0 : i32
      %dma_wait3A_85 = tpu.memref_slice %arg9[%run_scoped3A_19, %dma_wait3A, %dma_wait3A_84] : memref<4x64x128xf32, #tpu.memory_space<vmem>> -> memref<1x64x128xf32, #tpu.memory_space<vmem>>
      %dma_wait3A_86 = tpu.memref_squeeze %dma_wait3A_85 : memref<1x64x128xf32, #tpu.memory_space<vmem>> -> memref<64x128xf32, #tpu.memory_space<vmem>>
      %dma_wait3A_87 = arith.constant 0 : i32
      %dma_wait3A_88 = tpu.memref_slice %arg6[%multiple_of3A_18, %dma_wait3A_87] : memref<10240x128xf32, #tpu.memory_space<vmem_shared>> -> memref<64x128xf32, #tpu.memory_space<vmem_shared>>
      %dma_wait3A_89 = arith.constant 0 : i32
      %dma_wait3A_90 = tpu.memref_slice %arg6[%multiple_of3A_18, %dma_wait3A_89] : memref<10240x128xf32, #tpu.memory_space<vmem_shared>> -> memref<64x128xf32, #tpu.memory_space<vmem_shared>>
      %dma_wait3A_91 = arith.constant 0 : i32
      %dma_wait3A_92 = arith.constant 0 : i32
      %dma_wait3A_93 = tpu.memref_slice %arg9[%run_scoped3A_19, %dma_wait3A_91, %dma_wait3A_92] : memref<4x64x128xf32, #tpu.memory_space<vmem>> -> memref<1x64x128xf32, #tpu.memory_space<vmem>>
      %dma_wait3A_94 = tpu.memref_squeeze %dma_wait3A_93 : memref<1x64x128xf32, #tpu.memory_space<vmem>> -> memref<64x128xf32, #tpu.memory_space<vmem>>
      tpu.wait_dma2 semaphore(%run_scoped3A_72 : memref<!tpu.dma_semaphore, #tpu.memory_space<semaphore_mem>>) src(%dma_wait3A_94 : memref<64x128xf32, #tpu.memory_space<vmem>>) dst(%dma_wait3A_90 : memref<64x128xf32, #tpu.memory_space<vmem_shared>>)
      tpu.yield
    }) : () -> ()
    %mul3A_20 = arith.constant 640 : i32
    %mul3A_21 = arith.muli %arg1, %mul3A_20 : i32
    %add3A_22 = arith.constant 192 : i32
    %add3A_23 = arith.addi %mul3A_21, %add3A_22 : i32
    %multiple_of3A_24 = tpu.assume_multiple %add3A_23, 8 : i32
    %run_scoped3A_25 = arith.constant 0 : i32
    "tpu.region"() ({
      %run_scoped3A_72 = tpu.sem_alloc : memref<!tpu.dma_semaphore, #tpu.memory_space<semaphore_mem>>
      %dma_start3A = arith.constant 0 : i32
      %dma_start3A_73 = arith.constant 0 : i32
      %dma_start3A_74 = tpu.memref_slice %arg9[%run_scoped3A_25, %dma_start3A, %dma_start3A_73] : memref<4x64x128xf32, #tpu.memory_space<vmem>> -> memref<1x64x128xf32, #tpu.memory_space<vmem>>
      %dma_start3A_75 = tpu.memref_squeeze %dma_start3A_74 : memref<1x64x128xf32, #tpu.memory_space<vmem>> -> memref<64x128xf32, #tpu.memory_space<vmem>>
      %dma_start3A_76 = arith.constant 0 : i32
      %dma_start3A_77 = tpu.memref_slice %arg6[%multiple_of3A_24, %dma_start3A_76] : memref<10240x128xf32, #tpu.memory_space<vmem_shared>> -> memref<64x128xf32, #tpu.memory_space<vmem_shared>>
      %dma_start3A_78 = arith.constant 0 : i32
      %dma_start3A_79 = tpu.memref_slice %arg6[%multiple_of3A_24, %dma_start3A_78] : memref<10240x128xf32, #tpu.memory_space<vmem_shared>> -> memref<64x128xf32, #tpu.memory_space<vmem_shared>>
      %dma_start3A_80 = arith.constant 0 : i32
      %dma_start3A_81 = arith.constant 0 : i32
      %dma_start3A_82 = tpu.memref_slice %arg9[%run_scoped3A_25, %dma_start3A_80, %dma_start3A_81] : memref<4x64x128xf32, #tpu.memory_space<vmem>> -> memref<1x64x128xf32, #tpu.memory_space<vmem>>
      %dma_start3A_83 = tpu.memref_squeeze %dma_start3A_82 : memref<1x64x128xf32, #tpu.memory_space<vmem>> -> memref<64x128xf32, #tpu.memory_space<vmem>>
      tpu.enqueue_dma source(%dma_start3A_83 : memref<64x128xf32, #tpu.memory_space<vmem>>) target(%dma_start3A_79 : memref<64x128xf32, #tpu.memory_space<vmem_shared>>) target_semaphore(%run_scoped3A_72 : memref<!tpu.dma_semaphore, #tpu.memory_space<semaphore_mem>>)
      %dma_wait3A = arith.constant 0 : i32
      %dma_wait3A_84 = arith.constant 0 : i32
      %dma_wait3A_85 = tpu.memref_slice %arg9[%run_scoped3A_25, %dma_wait3A, %dma_wait3A_84] : memref<4x64x128xf32, #tpu.memory_space<vmem>> -> memref<1x64x128xf32, #tpu.memory_space<vmem>>
      %dma_wait3A_86 = tpu.memref_squeeze %dma_wait3A_85 : memref<1x64x128xf32, #tpu.memory_space<vmem>> -> memref<64x128xf32, #tpu.memory_space<vmem>>
      %dma_wait3A_87 = arith.constant 0 : i32
      %dma_wait3A_88 = tpu.memref_slice %arg6[%multiple_of3A_24, %dma_wait3A_87] : memref<10240x128xf32, #tpu.memory_space<vmem_shared>> -> memref<64x128xf32, #tpu.memory_space<vmem_shared>>
      %dma_wait3A_89 = arith.constant 0 : i32
      %dma_wait3A_90 = tpu.memref_slice %arg6[%multiple_of3A_24, %dma_wait3A_89] : memref<10240x128xf32, #tpu.memory_space<vmem_shared>> -> memref<64x128xf32, #tpu.memory_space<vmem_shared>>
      %dma_wait3A_91 = arith.constant 0 : i32
      %dma_wait3A_92 = arith.constant 0 : i32
      %dma_wait3A_93 = tpu.memref_slice %arg9[%run_scoped3A_25, %dma_wait3A_91, %dma_wait3A_92] : memref<4x64x128xf32, #tpu.memory_space<vmem>> -> memref<1x64x128xf32, #tpu.memory_space<vmem>>
      %dma_wait3A_94 = tpu.memref_squeeze %dma_wait3A_93 : memref<1x64x128xf32, #tpu.memory_space<vmem>> -> memref<64x128xf32, #tpu.memory_space<vmem>>
      tpu.wait_dma2 semaphore(%run_scoped3A_72 : memref<!tpu.dma_semaphore, #tpu.memory_space<semaphore_mem>>) src(%dma_wait3A_94 : memref<64x128xf32, #tpu.memory_space<vmem>>) dst(%dma_wait3A_90 : memref<64x128xf32, #tpu.memory_space<vmem_shared>>)
      tpu.yield
    }) : () -> ()
    %mul3A_26 = arith.constant 640 : i32
    %mul3A_27 = arith.muli %arg1, %mul3A_26 : i32
    %add3A_28 = arith.constant 256 : i32
    %add3A_29 = arith.addi %mul3A_27, %add3A_28 : i32
    %multiple_of3A_30 = tpu.assume_multiple %add3A_29, 8 : i32
    %run_scoped3A_31 = arith.constant 0 : i32
    "tpu.region"() ({
      %run_scoped3A_72 = tpu.sem_alloc : memref<!tpu.dma_semaphore, #tpu.memory_space<semaphore_mem>>
      %dma_start3A = arith.constant 0 : i32
      %dma_start3A_73 = arith.constant 0 : i32
      %dma_start3A_74 = tpu.memref_slice %arg9[%run_scoped3A_31, %dma_start3A, %dma_start3A_73] : memref<4x64x128xf32, #tpu.memory_space<vmem>> -> memref<1x64x128xf32, #tpu.memory_space<vmem>>
      %dma_start3A_75 = tpu.memref_squeeze %dma_start3A_74 : memref<1x64x128xf32, #tpu.memory_space<vmem>> -> memref<64x128xf32, #tpu.memory_space<vmem>>
      %dma_start3A_76 = arith.constant 0 : i32
      %dma_start3A_77 = tpu.memref_slice %arg6[%multiple_of3A_30, %dma_start3A_76] : memref<10240x128xf32, #tpu.memory_space<vmem_shared>> -> memref<64x128xf32, #tpu.memory_space<vmem_shared>>
      %dma_start3A_78 = arith.constant 0 : i32
      %dma_start3A_79 = tpu.memref_slice %arg6[%multiple_of3A_30, %dma_start3A_78] : memref<10240x128xf32, #tpu.memory_space<vmem_shared>> -> memref<64x128xf32, #tpu.memory_space<vmem_shared>>
      %dma_start3A_80 = arith.constant 0 : i32
      %dma_start3A_81 = arith.constant 0 : i32
      %dma_start3A_82 = tpu.memref_slice %arg9[%run_scoped3A_31, %dma_start3A_80, %dma_start3A_81] : memref<4x64x128xf32, #tpu.memory_space<vmem>> -> memref<1x64x128xf32, #tpu.memory_space<vmem>>
      %dma_start3A_83 = tpu.memref_squeeze %dma_start3A_82 : memref<1x64x128xf32, #tpu.memory_space<vmem>> -> memref<64x128xf32, #tpu.memory_space<vmem>>
      tpu.enqueue_dma source(%dma_start3A_83 : memref<64x128xf32, #tpu.memory_space<vmem>>) target(%dma_start3A_79 : memref<64x128xf32, #tpu.memory_space<vmem_shared>>) target_semaphore(%run_scoped3A_72 : memref<!tpu.dma_semaphore, #tpu.memory_space<semaphore_mem>>)
      %dma_wait3A = arith.constant 0 : i32
      %dma_wait3A_84 = arith.constant 0 : i32
      %dma_wait3A_85 = tpu.memref_slice %arg9[%run_scoped3A_31, %dma_wait3A, %dma_wait3A_84] : memref<4x64x128xf32, #tpu.memory_space<vmem>> -> memref<1x64x128xf32, #tpu.memory_space<vmem>>
      %dma_wait3A_86 = tpu.memref_squeeze %dma_wait3A_85 : memref<1x64x128xf32, #tpu.memory_space<vmem>> -> memref<64x128xf32, #tpu.memory_space<vmem>>
      %dma_wait3A_87 = arith.constant 0 : i32
      %dma_wait3A_88 = tpu.memref_slice %arg6[%multiple_of3A_30, %dma_wait3A_87] : memref<10240x128xf32, #tpu.memory_space<vmem_shared>> -> memref<64x128xf32, #tpu.memory_space<vmem_shared>>
      %dma_wait3A_89 = arith.constant 0 : i32
      %dma_wait3A_90 = tpu.memref_slice %arg6[%multiple_of3A_30, %dma_wait3A_89] : memref<10240x128xf32, #tpu.memory_space<vmem_shared>> -> memref<64x128xf32, #tpu.memory_space<vmem_shared>>
      %dma_wait3A_91 = arith.constant 0 : i32
      %dma_wait3A_92 = arith.constant 0 : i32
      %dma_wait3A_93 = tpu.memref_slice %arg9[%run_scoped3A_31, %dma_wait3A_91, %dma_wait3A_92] : memref<4x64x128xf32, #tpu.memory_space<vmem>> -> memref<1x64x128xf32, #tpu.memory_space<vmem>>
      %dma_wait3A_94 = tpu.memref_squeeze %dma_wait3A_93 : memref<1x64x128xf32, #tpu.memory_space<vmem>> -> memref<64x128xf32, #tpu.memory_space<vmem>>
      tpu.wait_dma2 semaphore(%run_scoped3A_72 : memref<!tpu.dma_semaphore, #tpu.memory_space<semaphore_mem>>) src(%dma_wait3A_94 : memref<64x128xf32, #tpu.memory_space<vmem>>) dst(%dma_wait3A_90 : memref<64x128xf32, #tpu.memory_space<vmem_shared>>)
      tpu.yield
    }) : () -> ()
    %mul3A_32 = arith.constant 640 : i32
    %mul3A_33 = arith.muli %arg1, %mul3A_32 : i32
    %add3A_34 = arith.constant 320 : i32
    %add3A_35 = arith.addi %mul3A_33, %add3A_34 : i32
    %multiple_of3A_36 = tpu.assume_multiple %add3A_35, 8 : i32
    %run_scoped3A_37 = arith.constant 0 : i32
    "tpu.region"() ({
      %run_scoped3A_72 = tpu.sem_alloc : memref<!tpu.dma_semaphore, #tpu.memory_space<semaphore_mem>>
      %dma_start3A = arith.constant 0 : i32
      %dma_start3A_73 = arith.constant 0 : i32
      %dma_start3A_74 = tpu.memref_slice %arg9[%run_scoped3A_37, %dma_start3A, %dma_start3A_73] : memref<4x64x128xf32, #tpu.memory_space<vmem>> -> memref<1x64x128xf32, #tpu.memory_space<vmem>>
      %dma_start3A_75 = tpu.memref_squeeze %dma_start3A_74 : memref<1x64x128xf32, #tpu.memory_space<vmem>> -> memref<64x128xf32, #tpu.memory_space<vmem>>
      %dma_start3A_76 = arith.constant 0 : i32
      %dma_start3A_77 = tpu.memref_slice %arg6[%multiple_of3A_36, %dma_start3A_76] : memref<10240x128xf32, #tpu.memory_space<vmem_shared>> -> memref<64x128xf32, #tpu.memory_space<vmem_shared>>
      %dma_start3A_78 = arith.constant 0 : i32
      %dma_start3A_79 = tpu.memref_slice %arg6[%multiple_of3A_36, %dma_start3A_78] : memref<10240x128xf32, #tpu.memory_space<vmem_shared>> -> memref<64x128xf32, #tpu.memory_space<vmem_shared>>
      %dma_start3A_80 = arith.constant 0 : i32
      %dma_start3A_81 = arith.constant 0 : i32
      %dma_start3A_82 = tpu.memref_slice %arg9[%run_scoped3A_37, %dma_start3A_80, %dma_start3A_81] : memref<4x64x128xf32, #tpu.memory_space<vmem>> -> memref<1x64x128xf32, #tpu.memory_space<vmem>>
      %dma_start3A_83 = tpu.memref_squeeze %dma_start3A_82 : memref<1x64x128xf32, #tpu.memory_space<vmem>> -> memref<64x128xf32, #tpu.memory_space<vmem>>
      tpu.enqueue_dma source(%dma_start3A_83 : memref<64x128xf32, #tpu.memory_space<vmem>>) target(%dma_start3A_79 : memref<64x128xf32, #tpu.memory_space<vmem_shared>>) target_semaphore(%run_scoped3A_72 : memref<!tpu.dma_semaphore, #tpu.memory_space<semaphore_mem>>)
      %dma_wait3A = arith.constant 0 : i32
      %dma_wait3A_84 = arith.constant 0 : i32
      %dma_wait3A_85 = tpu.memref_slice %arg9[%run_scoped3A_37, %dma_wait3A, %dma_wait3A_84] : memref<4x64x128xf32, #tpu.memory_space<vmem>> -> memref<1x64x128xf32, #tpu.memory_space<vmem>>
      %dma_wait3A_86 = tpu.memref_squeeze %dma_wait3A_85 : memref<1x64x128xf32, #tpu.memory_space<vmem>> -> memref<64x128xf32, #tpu.memory_space<vmem>>
      %dma_wait3A_87 = arith.constant 0 : i32
      %dma_wait3A_88 = tpu.memref_slice %arg6[%multiple_of3A_36, %dma_wait3A_87] : memref<10240x128xf32, #tpu.memory_space<vmem_shared>> -> memref<64x128xf32, #tpu.memory_space<vmem_shared>>
      %dma_wait3A_89 = arith.constant 0 : i32
      %dma_wait3A_90 = tpu.memref_slice %arg6[%multiple_of3A_36, %dma_wait3A_89] : memref<10240x128xf32, #tpu.memory_space<vmem_shared>> -> memref<64x128xf32, #tpu.memory_space<vmem_shared>>
      %dma_wait3A_91 = arith.constant 0 : i32
      %dma_wait3A_92 = arith.constant 0 : i32
      %dma_wait3A_93 = tpu.memref_slice %arg9[%run_scoped3A_37, %dma_wait3A_91, %dma_wait3A_92] : memref<4x64x128xf32, #tpu.memory_space<vmem>> -> memref<1x64x128xf32, #tpu.memory_space<vmem>>
      %dma_wait3A_94 = tpu.memref_squeeze %dma_wait3A_93 : memref<1x64x128xf32, #tpu.memory_space<vmem>> -> memref<64x128xf32, #tpu.memory_space<vmem>>
      tpu.wait_dma2 semaphore(%run_scoped3A_72 : memref<!tpu.dma_semaphore, #tpu.memory_space<semaphore_mem>>) src(%dma_wait3A_94 : memref<64x128xf32, #tpu.memory_space<vmem>>) dst(%dma_wait3A_90 : memref<64x128xf32, #tpu.memory_space<vmem_shared>>)
      tpu.yield
    }) : () -> ()
    %mul3A_38 = arith.constant 640 : i32
    %mul3A_39 = arith.muli %arg1, %mul3A_38 : i32
    %add3A_40 = arith.constant 384 : i32
    %add3A_41 = arith.addi %mul3A_39, %add3A_40 : i32
    %multiple_of3A_42 = tpu.assume_multiple %add3A_41, 8 : i32
    %run_scoped3A_43 = arith.constant 0 : i32
    "tpu.region"() ({
      %run_scoped3A_72 = tpu.sem_alloc : memref<!tpu.dma_semaphore, #tpu.memory_space<semaphore_mem>>
      %dma_start3A = arith.constant 0 : i32
      %dma_start3A_73 = arith.constant 0 : i32
      %dma_start3A_74 = tpu.memref_slice %arg9[%run_scoped3A_43, %dma_start3A, %dma_start3A_73] : memref<4x64x128xf32, #tpu.memory_space<vmem>> -> memref<1x64x128xf32, #tpu.memory_space<vmem>>
      %dma_start3A_75 = tpu.memref_squeeze %dma_start3A_74 : memref<1x64x128xf32, #tpu.memory_space<vmem>> -> memref<64x128xf32, #tpu.memory_space<vmem>>
      %dma_start3A_76 = arith.constant 0 : i32
      %dma_start3A_77 = tpu.memref_slice %arg6[%multiple_of3A_42, %dma_start3A_76] : memref<10240x128xf32, #tpu.memory_space<vmem_shared>> -> memref<64x128xf32, #tpu.memory_space<vmem_shared>>
      %dma_start3A_78 = arith.constant 0 : i32
      %dma_start3A_79 = tpu.memref_slice %arg6[%multiple_of3A_42, %dma_start3A_78] : memref<10240x128xf32, #tpu.memory_space<vmem_shared>> -> memref<64x128xf32, #tpu.memory_space<vmem_shared>>
      %dma_start3A_80 = arith.constant 0 : i32
      %dma_start3A_81 = arith.constant 0 : i32
      %dma_start3A_82 = tpu.memref_slice %arg9[%run_scoped3A_43, %dma_start3A_80, %dma_start3A_81] : memref<4x64x128xf32, #tpu.memory_space<vmem>> -> memref<1x64x128xf32, #tpu.memory_space<vmem>>
      %dma_start3A_83 = tpu.memref_squeeze %dma_start3A_82 : memref<1x64x128xf32, #tpu.memory_space<vmem>> -> memref<64x128xf32, #tpu.memory_space<vmem>>
      tpu.enqueue_dma source(%dma_start3A_83 : memref<64x128xf32, #tpu.memory_space<vmem>>) target(%dma_start3A_79 : memref<64x128xf32, #tpu.memory_space<vmem_shared>>) target_semaphore(%run_scoped3A_72 : memref<!tpu.dma_semaphore, #tpu.memory_space<semaphore_mem>>)
      %dma_wait3A = arith.constant 0 : i32
      %dma_wait3A_84 = arith.constant 0 : i32
      %dma_wait3A_85 = tpu.memref_slice %arg9[%run_scoped3A_43, %dma_wait3A, %dma_wait3A_84] : memref<4x64x128xf32, #tpu.memory_space<vmem>> -> memref<1x64x128xf32, #tpu.memory_space<vmem>>
      %dma_wait3A_86 = tpu.memref_squeeze %dma_wait3A_85 : memref<1x64x128xf32, #tpu.memory_space<vmem>> -> memref<64x128xf32, #tpu.memory_space<vmem>>
      %dma_wait3A_87 = arith.constant 0 : i32
      %dma_wait3A_88 = tpu.memref_slice %arg6[%multiple_of3A_42, %dma_wait3A_87] : memref<10240x128xf32, #tpu.memory_space<vmem_shared>> -> memref<64x128xf32, #tpu.memory_space<vmem_shared>>
      %dma_wait3A_89 = arith.constant 0 : i32
      %dma_wait3A_90 = tpu.memref_slice %arg6[%multiple_of3A_42, %dma_wait3A_89] : memref<10240x128xf32, #tpu.memory_space<vmem_shared>> -> memref<64x128xf32, #tpu.memory_space<vmem_shared>>
      %dma_wait3A_91 = arith.constant 0 : i32
      %dma_wait3A_92 = arith.constant 0 : i32
      %dma_wait3A_93 = tpu.memref_slice %arg9[%run_scoped3A_43, %dma_wait3A_91, %dma_wait3A_92] : memref<4x64x128xf32, #tpu.memory_space<vmem>> -> memref<1x64x128xf32, #tpu.memory_space<vmem>>
      %dma_wait3A_94 = tpu.memref_squeeze %dma_wait3A_93 : memref<1x64x128xf32, #tpu.memory_space<vmem>> -> memref<64x128xf32, #tpu.memory_space<vmem>>
      tpu.wait_dma2 semaphore(%run_scoped3A_72 : memref<!tpu.dma_semaphore, #tpu.memory_space<semaphore_mem>>) src(%dma_wait3A_94 : memref<64x128xf32, #tpu.memory_space<vmem>>) dst(%dma_wait3A_90 : memref<64x128xf32, #tpu.memory_space<vmem_shared>>)
      tpu.yield
    }) : () -> ()
    %mul3A_44 = arith.constant 640 : i32
    %mul3A_45 = arith.muli %arg1, %mul3A_44 : i32
    %add3A_46 = arith.constant 448 : i32
    %add3A_47 = arith.addi %mul3A_45, %add3A_46 : i32
    %multiple_of3A_48 = tpu.assume_multiple %add3A_47, 8 : i32
    %run_scoped3A_49 = arith.constant 0 : i32
    "tpu.region"() ({
      %run_scoped3A_72 = tpu.sem_alloc : memref<!tpu.dma_semaphore, #tpu.memory_space<semaphore_mem>>
      %dma_start3A = arith.constant 0 : i32
      %dma_start3A_73 = arith.constant 0 : i32
      %dma_start3A_74 = tpu.memref_slice %arg9[%run_scoped3A_49, %dma_start3A, %dma_start3A_73] : memref<4x64x128xf32, #tpu.memory_space<vmem>> -> memref<1x64x128xf32, #tpu.memory_space<vmem>>
      %dma_start3A_75 = tpu.memref_squeeze %dma_start3A_74 : memref<1x64x128xf32, #tpu.memory_space<vmem>> -> memref<64x128xf32, #tpu.memory_space<vmem>>
      %dma_start3A_76 = arith.constant 0 : i32
      %dma_start3A_77 = tpu.memref_slice %arg6[%multiple_of3A_48, %dma_start3A_76] : memref<10240x128xf32, #tpu.memory_space<vmem_shared>> -> memref<64x128xf32, #tpu.memory_space<vmem_shared>>
      %dma_start3A_78 = arith.constant 0 : i32
      %dma_start3A_79 = tpu.memref_slice %arg6[%multiple_of3A_48, %dma_start3A_78] : memref<10240x128xf32, #tpu.memory_space<vmem_shared>> -> memref<64x128xf32, #tpu.memory_space<vmem_shared>>
      %dma_start3A_80 = arith.constant 0 : i32
      %dma_start3A_81 = arith.constant 0 : i32
      %dma_start3A_82 = tpu.memref_slice %arg9[%run_scoped3A_49, %dma_start3A_80, %dma_start3A_81] : memref<4x64x128xf32, #tpu.memory_space<vmem>> -> memref<1x64x128xf32, #tpu.memory_space<vmem>>
      %dma_start3A_83 = tpu.memref_squeeze %dma_start3A_82 : memref<1x64x128xf32, #tpu.memory_space<vmem>> -> memref<64x128xf32, #tpu.memory_space<vmem>>
      tpu.enqueue_dma source(%dma_start3A_83 : memref<64x128xf32, #tpu.memory_space<vmem>>) target(%dma_start3A_79 : memref<64x128xf32, #tpu.memory_space<vmem_shared>>) target_semaphore(%run_scoped3A_72 : memref<!tpu.dma_semaphore, #tpu.memory_space<semaphore_mem>>)
      %dma_wait3A = arith.constant 0 : i32
      %dma_wait3A_84 = arith.constant 0 : i32
      %dma_wait3A_85 = tpu.memref_slice %arg9[%run_scoped3A_49, %dma_wait3A, %dma_wait3A_84] : memref<4x64x128xf32, #tpu.memory_space<vmem>> -> memref<1x64x128xf32, #tpu.memory_space<vmem>>
      %dma_wait3A_86 = tpu.memref_squeeze %dma_wait3A_85 : memref<1x64x128xf32, #tpu.memory_space<vmem>> -> memref<64x128xf32, #tpu.memory_space<vmem>>
      %dma_wait3A_87 = arith.constant 0 : i32
      %dma_wait3A_88 = tpu.memref_slice %arg6[%multiple_of3A_48, %dma_wait3A_87] : memref<10240x128xf32, #tpu.memory_space<vmem_shared>> -> memref<64x128xf32, #tpu.memory_space<vmem_shared>>
      %dma_wait3A_89 = arith.constant 0 : i32
      %dma_wait3A_90 = tpu.memref_slice %arg6[%multiple_of3A_48, %dma_wait3A_89] : memref<10240x128xf32, #tpu.memory_space<vmem_shared>> -> memref<64x128xf32, #tpu.memory_space<vmem_shared>>
      %dma_wait3A_91 = arith.constant 0 : i32
      %dma_wait3A_92 = arith.constant 0 : i32
      %dma_wait3A_93 = tpu.memref_slice %arg9[%run_scoped3A_49, %dma_wait3A_91, %dma_wait3A_92] : memref<4x64x128xf32, #tpu.memory_space<vmem>> -> memref<1x64x128xf32, #tpu.memory_space<vmem>>
      %dma_wait3A_94 = tpu.memref_squeeze %dma_wait3A_93 : memref<1x64x128xf32, #tpu.memory_space<vmem>> -> memref<64x128xf32, #tpu.memory_space<vmem>>
      tpu.wait_dma2 semaphore(%run_scoped3A_72 : memref<!tpu.dma_semaphore, #tpu.memory_space<semaphore_mem>>) src(%dma_wait3A_94 : memref<64x128xf32, #tpu.memory_space<vmem>>) dst(%dma_wait3A_90 : memref<64x128xf32, #tpu.memory_space<vmem_shared>>)
      tpu.yield
    }) : () -> ()
    %mul3A_50 = arith.constant 640 : i32
    %mul3A_51 = arith.muli %arg1, %mul3A_50 : i32
    %add3A_52 = arith.constant 512 : i32
    %add3A_53 = arith.addi %mul3A_51, %add3A_52 : i32
    %multiple_of3A_54 = tpu.assume_multiple %add3A_53, 8 : i32
    %run_scoped3A_55 = arith.constant 0 : i32
    "tpu.region"() ({
      %run_scoped3A_72 = tpu.sem_alloc : memref<!tpu.dma_semaphore, #tpu.memory_space<semaphore_mem>>
      %dma_start3A = arith.constant 0 : i32
      %dma_start3A_73 = arith.constant 0 : i32
      %dma_start3A_74 = tpu.memref_slice %arg9[%run_scoped3A_55, %dma_start3A, %dma_start3A_73] : memref<4x64x128xf32, #tpu.memory_space<vmem>> -> memref<1x64x128xf32, #tpu.memory_space<vmem>>
      %dma_start3A_75 = tpu.memref_squeeze %dma_start3A_74 : memref<1x64x128xf32, #tpu.memory_space<vmem>> -> memref<64x128xf32, #tpu.memory_space<vmem>>
      %dma_start3A_76 = arith.constant 0 : i32
      %dma_start3A_77 = tpu.memref_slice %arg6[%multiple_of3A_54, %dma_start3A_76] : memref<10240x128xf32, #tpu.memory_space<vmem_shared>> -> memref<64x128xf32, #tpu.memory_space<vmem_shared>>
      %dma_start3A_78 = arith.constant 0 : i32
      %dma_start3A_79 = tpu.memref_slice %arg6[%multiple_of3A_54, %dma_start3A_78] : memref<10240x128xf32, #tpu.memory_space<vmem_shared>> -> memref<64x128xf32, #tpu.memory_space<vmem_shared>>
      %dma_start3A_80 = arith.constant 0 : i32
      %dma_start3A_81 = arith.constant 0 : i32
      %dma_start3A_82 = tpu.memref_slice %arg9[%run_scoped3A_55, %dma_start3A_80, %dma_start3A_81] : memref<4x64x128xf32, #tpu.memory_space<vmem>> -> memref<1x64x128xf32, #tpu.memory_space<vmem>>
      %dma_start3A_83 = tpu.memref_squeeze %dma_start3A_82 : memref<1x64x128xf32, #tpu.memory_space<vmem>> -> memref<64x128xf32, #tpu.memory_space<vmem>>
      tpu.enqueue_dma source(%dma_start3A_83 : memref<64x128xf32, #tpu.memory_space<vmem>>) target(%dma_start3A_79 : memref<64x128xf32, #tpu.memory_space<vmem_shared>>) target_semaphore(%run_scoped3A_72 : memref<!tpu.dma_semaphore, #tpu.memory_space<semaphore_mem>>)
      %dma_wait3A = arith.constant 0 : i32
      %dma_wait3A_84 = arith.constant 0 : i32
      %dma_wait3A_85 = tpu.memref_slice %arg9[%run_scoped3A_55, %dma_wait3A, %dma_wait3A_84] : memref<4x64x128xf32, #tpu.memory_space<vmem>> -> memref<1x64x128xf32, #tpu.memory_space<vmem>>
      %dma_wait3A_86 = tpu.memref_squeeze %dma_wait3A_85 : memref<1x64x128xf32, #tpu.memory_space<vmem>> -> memref<64x128xf32, #tpu.memory_space<vmem>>
      %dma_wait3A_87 = arith.constant 0 : i32
      %dma_wait3A_88 = tpu.memref_slice %arg6[%multiple_of3A_54, %dma_wait3A_87] : memref<10240x128xf32, #tpu.memory_space<vmem_shared>> -> memref<64x128xf32, #tpu.memory_space<vmem_shared>>
      %dma_wait3A_89 = arith.constant 0 : i32
      %dma_wait3A_90 = tpu.memref_slice %arg6[%multiple_of3A_54, %dma_wait3A_89] : memref<10240x128xf32, #tpu.memory_space<vmem_shared>> -> memref<64x128xf32, #tpu.memory_space<vmem_shared>>
      %dma_wait3A_91 = arith.constant 0 : i32
      %dma_wait3A_92 = arith.constant 0 : i32
      %dma_wait3A_93 = tpu.memref_slice %arg9[%run_scoped3A_55, %dma_wait3A_91, %dma_wait3A_92] : memref<4x64x128xf32, #tpu.memory_space<vmem>> -> memref<1x64x128xf32, #tpu.memory_space<vmem>>
      %dma_wait3A_94 = tpu.memref_squeeze %dma_wait3A_93 : memref<1x64x128xf32, #tpu.memory_space<vmem>> -> memref<64x128xf32, #tpu.memory_space<vmem>>
      tpu.wait_dma2 semaphore(%run_scoped3A_72 : memref<!tpu.dma_semaphore, #tpu.memory_space<semaphore_mem>>) src(%dma_wait3A_94 : memref<64x128xf32, #tpu.memory_space<vmem>>) dst(%dma_wait3A_90 : memref<64x128xf32, #tpu.memory_space<vmem_shared>>)
      tpu.yield
    }) : () -> ()
    %mul3A_56 = arith.constant 640 : i32
    %mul3A_57 = arith.muli %arg1, %mul3A_56 : i32
    %add3A_58 = arith.constant 576 : i32
    %add3A_59 = arith.addi %mul3A_57, %add3A_58 : i32
    %multiple_of3A_60 = tpu.assume_multiple %add3A_59, 8 : i32
    %run_scoped3A_61 = arith.constant 0 : i32
    "tpu.region"() ({
      %run_scoped3A_72 = tpu.sem_alloc : memref<!tpu.dma_semaphore, #tpu.memory_space<semaphore_mem>>
      %dma_start3A = arith.constant 0 : i32
      %dma_start3A_73 = arith.constant 0 : i32
      %dma_start3A_74 = tpu.memref_slice %arg9[%run_scoped3A_61, %dma_start3A, %dma_start3A_73] : memref<4x64x128xf32, #tpu.memory_space<vmem>> -> memref<1x64x128xf32, #tpu.memory_space<vmem>>
      %dma_start3A_75 = tpu.memref_squeeze %dma_start3A_74 : memref<1x64x128xf32, #tpu.memory_space<vmem>> -> memref<64x128xf32, #tpu.memory_space<vmem>>
      %dma_start3A_76 = arith.constant 0 : i32
      %dma_start3A_77 = tpu.memref_slice %arg6[%multiple_of3A_60, %dma_start3A_76] : memref<10240x128xf32, #tpu.memory_space<vmem_shared>> -> memref<64x128xf32, #tpu.memory_space<vmem_shared>>
      %dma_start3A_78 = arith.constant 0 : i32
      %dma_start3A_79 = tpu.memref_slice %arg6[%multiple_of3A_60, %dma_start3A_78] : memref<10240x128xf32, #tpu.memory_space<vmem_shared>> -> memref<64x128xf32, #tpu.memory_space<vmem_shared>>
      %dma_start3A_80 = arith.constant 0 : i32
      %dma_start3A_81 = arith.constant 0 : i32
      %dma_start3A_82 = tpu.memref_slice %arg9[%run_scoped3A_61, %dma_start3A_80, %dma_start3A_81] : memref<4x64x128xf32, #tpu.memory_space<vmem>> -> memref<1x64x128xf32, #tpu.memory_space<vmem>>
      %dma_start3A_83 = tpu.memref_squeeze %dma_start3A_82 : memref<1x64x128xf32, #tpu.memory_space<vmem>> -> memref<64x128xf32, #tpu.memory_space<vmem>>
      tpu.enqueue_dma source(%dma_start3A_83 : memref<64x128xf32, #tpu.memory_space<vmem>>) target(%dma_start3A_79 : memref<64x128xf32, #tpu.memory_space<vmem_shared>>) target_semaphore(%run_scoped3A_72 : memref<!tpu.dma_semaphore, #tpu.memory_space<semaphore_mem>>)
      %dma_wait3A = arith.constant 0 : i32
      %dma_wait3A_84 = arith.constant 0 : i32
      %dma_wait3A_85 = tpu.memref_slice %arg9[%run_scoped3A_61, %dma_wait3A, %dma_wait3A_84] : memref<4x64x128xf32, #tpu.memory_space<vmem>> -> memref<1x64x128xf32, #tpu.memory_space<vmem>>
      %dma_wait3A_86 = tpu.memref_squeeze %dma_wait3A_85 : memref<1x64x128xf32, #tpu.memory_space<vmem>> -> memref<64x128xf32, #tpu.memory_space<vmem>>
      %dma_wait3A_87 = arith.constant 0 : i32
      %dma_wait3A_88 = tpu.memref_slice %arg6[%multiple_of3A_60, %dma_wait3A_87] : memref<10240x128xf32, #tpu.memory_space<vmem_shared>> -> memref<64x128xf32, #tpu.memory_space<vmem_shared>>
      %dma_wait3A_89 = arith.constant 0 : i32
      %dma_wait3A_90 = tpu.memref_slice %arg6[%multiple_of3A_60, %dma_wait3A_89] : memref<10240x128xf32, #tpu.memory_space<vmem_shared>> -> memref<64x128xf32, #tpu.memory_space<vmem_shared>>
      %dma_wait3A_91 = arith.constant 0 : i32
      %dma_wait3A_92 = arith.constant 0 : i32
      %dma_wait3A_93 = tpu.memref_slice %arg9[%run_scoped3A_61, %dma_wait3A_91, %dma_wait3A_92] : memref<4x64x128xf32, #tpu.memory_space<vmem>> -> memref<1x64x128xf32, #tpu.memory_space<vmem>>
      %dma_wait3A_94 = tpu.memref_squeeze %dma_wait3A_93 : memref<1x64x128xf32, #tpu.memory_space<vmem>> -> memref<64x128xf32, #tpu.memory_space<vmem>>
      tpu.wait_dma2 semaphore(%run_scoped3A_72 : memref<!tpu.dma_semaphore, #tpu.memory_space<semaphore_mem>>) src(%dma_wait3A_94 : memref<64x128xf32, #tpu.memory_space<vmem>>) dst(%dma_wait3A_90 : memref<64x128xf32, #tpu.memory_space<vmem_shared>>)
      tpu.yield
    }) : () -> ()
    %barrier3A = arith.constant 0 : index
    tpu.barrier barrier_id(%barrier3A)
    %scan3A_62 = arith.constant 0 : i32
    %scan3A_63 = arith.constant 0 : i32
    %scan3A_64 = arith.constant 4 : i32
    %scan3A_65 = arith.addi %scan3A_63, %scan3A_64 : i32
    %scan3A_66 = arith.constant 1 : i32
    scf.for %scan3A_72 = %scan3A_63 to %scan3A_65 step %scan3A_66  : i32 {
      %mul3A_73 = arith.constant 16 : i32
      %mul3A_74 = arith.muli %arg0, %mul3A_73 : i32
      %add3A_75 = arith.addi %mul3A_74, %arg1 : i32
      "tpu.region"() ({
        %run_scoped3A_272 = tpu.sem_alloc : memref<!tpu.dma_semaphore, #tpu.memory_space<semaphore_mem>>
        %dma_start3A_273 = arith.constant 0 : i32
        %dma_start3A_274 = arith.constant 0 : i32
        %dma_start3A_275 = tpu.memref_slice %arg3[%add3A_75, %scan3A_72, %dma_start3A_273, %dma_start3A_274] : memref<32x4x40x64xi32, #tpu.memory_space<hbm>> -> memref<1x1x40x64xi32, #tpu.memory_space<hbm>>
        %dma_start3A_276 = tpu.memref_squeeze %dma_start3A_275 : memref<1x1x40x64xi32, #tpu.memory_space<hbm>> -> memref<40x64xi32, #tpu.memory_space<hbm>>
        %dma_start3A_277 = arith.constant 0 : i32
        %dma_start3A_278 = arith.constant 0 : i32
        %dma_start3A_279 = tpu.memref_slice %arg3[%add3A_75, %scan3A_72, %dma_start3A_277, %dma_start3A_278] : memref<32x4x40x64xi32, #tpu.memory_space<hbm>> -> memref<1x1x40x64xi32, #tpu.memory_space<hbm>>
        %dma_start3A_280 = tpu.memref_squeeze %dma_start3A_279 : memref<1x1x40x64xi32, #tpu.memory_space<hbm>> -> memref<40x64xi32, #tpu.memory_space<hbm>>
        tpu.enqueue_dma source(%dma_start3A_280 : memref<40x64xi32, #tpu.memory_space<hbm>>) target(%arg7 : memref<40x64xi32, #tpu.memory_space<vmem>>) target_semaphore(%run_scoped3A_272 : memref<!tpu.dma_semaphore, #tpu.memory_space<semaphore_mem>>)
        %dma_wait3A_281 = arith.constant 0 : i32
        %dma_wait3A_282 = arith.constant 0 : i32
        %dma_wait3A_283 = tpu.memref_slice %arg3[%add3A_75, %scan3A_72, %dma_wait3A_281, %dma_wait3A_282] : memref<32x4x40x64xi32, #tpu.memory_space<hbm>> -> memref<1x1x40x64xi32, #tpu.memory_space<hbm>>
        %dma_wait3A_284 = tpu.memref_squeeze %dma_wait3A_283 : memref<1x1x40x64xi32, #tpu.memory_space<hbm>> -> memref<40x64xi32, #tpu.memory_space<hbm>>
        %dma_wait3A_285 = arith.constant 0 : i32
        %dma_wait3A_286 = arith.constant 0 : i32
        %dma_wait3A_287 = tpu.memref_slice %arg3[%add3A_75, %scan3A_72, %dma_wait3A_285, %dma_wait3A_286] : memref<32x4x40x64xi32, #tpu.memory_space<hbm>> -> memref<1x1x40x64xi32, #tpu.memory_space<hbm>>
        %dma_wait3A_288 = tpu.memref_squeeze %dma_wait3A_287 : memref<1x1x40x64xi32, #tpu.memory_space<hbm>> -> memref<40x64xi32, #tpu.memory_space<hbm>>
        tpu.wait_dma2 semaphore(%run_scoped3A_272 : memref<!tpu.dma_semaphore, #tpu.memory_space<semaphore_mem>>) src(%dma_wait3A_288 : memref<40x64xi32, #tpu.memory_space<hbm>>) dst(%arg7 : memref<40x64xi32, #tpu.memory_space<vmem>>)
        tpu.yield
      }) : () -> ()
      "tpu.region"() ({
        %run_scoped3A_272 = tpu.sem_alloc : memref<!tpu.dma_semaphore, #tpu.memory_space<semaphore_mem>>
        %dma_start3A_273 = arith.constant 0 : i32
        %dma_start3A_274 = arith.constant 0 : i32
        %dma_start3A_275 = tpu.memref_slice %arg4[%arg1, %scan3A_72, %dma_start3A_273, %dma_start3A_274] : memref<16x4x40x64xi32, #tpu.memory_space<hbm>> -> memref<1x1x40x64xi32, #tpu.memory_space<hbm>>
        %dma_start3A_276 = tpu.memref_squeeze %dma_start3A_275 : memref<1x1x40x64xi32, #tpu.memory_space<hbm>> -> memref<40x64xi32, #tpu.memory_space<hbm>>
        %dma_start3A_277 = arith.constant 0 : i32
        %dma_start3A_278 = arith.constant 0 : i32
        %dma_start3A_279 = tpu.memref_slice %arg4[%arg1, %scan3A_72, %dma_start3A_277, %dma_start3A_278] : memref<16x4x40x64xi32, #tpu.memory_space<hbm>> -> memref<1x1x40x64xi32, #tpu.memory_space<hbm>>
        %dma_start3A_280 = tpu.memref_squeeze %dma_start3A_279 : memref<1x1x40x64xi32, #tpu.memory_space<hbm>> -> memref<40x64xi32, #tpu.memory_space<hbm>>
        tpu.enqueue_dma source(%dma_start3A_280 : memref<40x64xi32, #tpu.memory_space<hbm>>) target(%arg8 : memref<40x64xi32, #tpu.memory_space<vmem>>) target_semaphore(%run_scoped3A_272 : memref<!tpu.dma_semaphore, #tpu.memory_space<semaphore_mem>>)
        %dma_wait3A_281 = arith.constant 0 : i32
        %dma_wait3A_282 = arith.constant 0 : i32
        %dma_wait3A_283 = tpu.memref_slice %arg4[%arg1, %scan3A_72, %dma_wait3A_281, %dma_wait3A_282] : memref<16x4x40x64xi32, #tpu.memory_space<hbm>> -> memref<1x1x40x64xi32, #tpu.memory_space<hbm>>
        %dma_wait3A_284 = tpu.memref_squeeze %dma_wait3A_283 : memref<1x1x40x64xi32, #tpu.memory_space<hbm>> -> memref<40x64xi32, #tpu.memory_space<hbm>>
        %dma_wait3A_285 = arith.constant 0 : i32
        %dma_wait3A_286 = arith.constant 0 : i32
        %dma_wait3A_287 = tpu.memref_slice %arg4[%arg1, %scan3A_72, %dma_wait3A_285, %dma_wait3A_286] : memref<16x4x40x64xi32, #tpu.memory_space<hbm>> -> memref<1x1x40x64xi32, #tpu.memory_space<hbm>>
        %dma_wait3A_288 = tpu.memref_squeeze %dma_wait3A_287 : memref<1x1x40x64xi32, #tpu.memory_space<hbm>> -> memref<40x64xi32, #tpu.memory_space<hbm>>
        tpu.wait_dma2 semaphore(%run_scoped3A_272 : memref<!tpu.dma_semaphore, #tpu.memory_space<semaphore_mem>>) src(%dma_wait3A_288 : memref<40x64xi32, #tpu.memory_space<hbm>>) dst(%arg8 : memref<40x64xi32, #tpu.memory_space<vmem>>)
        tpu.yield
      }) : () -> ()
      %dma_start3A = arith.constant 0 : i32
      %dma_start3A_76 = arith.constant 0 : i32
      %dma_start3A_77 = arith.constant 0 : i32
      %dma_start3A_78 = arith.constant 0 : i32
      %dma_start3A_79 = tpu.memref_slice %arg9[%dma_start3A_76, %dma_start3A_77, %dma_start3A_78] : memref<4x64x128xf32, #tpu.memory_space<vmem>> -> memref<1x64x128xf32, #tpu.memory_space<vmem>>
      %dma_start3A_80 = tpu.memref_squeeze %dma_start3A_79 : memref<1x64x128xf32, #tpu.memory_space<vmem>> -> memref<64x128xf32, #tpu.memory_space<vmem>>
      %dma_start3A_81 = arith.constant 0 : i32
      %dma_start3A_82 = tpu.memref_slice %arg7[%dma_start3A, %dma_start3A_81] : memref<40x64xi32, #tpu.memory_space<vmem>> -> memref<1x64xi32, #tpu.memory_space<vmem>>
      %dma_start3A_83 = tpu.memref_squeeze %dma_start3A_82 : memref<1x64xi32, #tpu.memory_space<vmem>> -> memref<64xi32, #tpu.memory_space<vmem>>
      %dma_start3A_84 = arith.constant 0 : i32
      %dma_start3A_85 = arith.constant 0 : i32
      %dma_start3A_86 = tpu.memref_slice %arg2[%dma_start3A_84, %dma_start3A_85] : memref<20480x128xf32, #tpu.memory_space<hbm>> -> memref<20480x128xf32, #tpu.memory_space<hbm>>
      tpu.enqueue_indirect_dma source(%dma_start3A_86 : memref<20480x128xf32, #tpu.memory_space<hbm>>) target(%dma_start3A_80 : memref<64x128xf32, #tpu.memory_space<vmem>>) offsets(%dma_start3A_83 : memref<64xi32, #tpu.memory_space<vmem>>) semaphore(%arg10 : memref<!tpu.dma_semaphore, #tpu.memory_space<semaphore_mem>>)
      %dma_start3A_87 = arith.constant 1 : i32
      %dma_start3A_88 = arith.constant 1 : i32
      %dma_start3A_89 = arith.constant 0 : i32
      %dma_start3A_90 = arith.constant 0 : i32
      %dma_start3A_91 = tpu.memref_slice %arg9[%dma_start3A_88, %dma_start3A_89, %dma_start3A_90] : memref<4x64x128xf32, #tpu.memory_space<vmem>> -> memref<1x64x128xf32, #tpu.memory_space<vmem>>
      %dma_start3A_92 = tpu.memref_squeeze %dma_start3A_91 : memref<1x64x128xf32, #tpu.memory_space<vmem>> -> memref<64x128xf32, #tpu.memory_space<vmem>>
      %dma_start3A_93 = arith.constant 0 : i32
      %dma_start3A_94 = tpu.memref_slice %arg7[%dma_start3A_87, %dma_start3A_93] : memref<40x64xi32, #tpu.memory_space<vmem>> -> memref<1x64xi32, #tpu.memory_space<vmem>>
      %dma_start3A_95 = tpu.memref_squeeze %dma_start3A_94 : memref<1x64xi32, #tpu.memory_space<vmem>> -> memref<64xi32, #tpu.memory_space<vmem>>
      %dma_start3A_96 = arith.constant 0 : i32
      %dma_start3A_97 = arith.constant 0 : i32
      %dma_start3A_98 = tpu.memref_slice %arg2[%dma_start3A_96, %dma_start3A_97] : memref<20480x128xf32, #tpu.memory_space<hbm>> -> memref<20480x128xf32, #tpu.memory_space<hbm>>
      tpu.enqueue_indirect_dma source(%dma_start3A_98 : memref<20480x128xf32, #tpu.memory_space<hbm>>) target(%dma_start3A_92 : memref<64x128xf32, #tpu.memory_space<vmem>>) offsets(%dma_start3A_95 : memref<64xi32, #tpu.memory_space<vmem>>) semaphore(%arg11 : memref<!tpu.dma_semaphore, #tpu.memory_space<semaphore_mem>>)
      %dma_start3A_99 = arith.constant 2 : i32
      %dma_start3A_100 = arith.constant 2 : i32
      %dma_start3A_101 = arith.constant 0 : i32
      %dma_start3A_102 = arith.constant 0 : i32
      %dma_start3A_103 = tpu.memref_slice %arg9[%dma_start3A_100, %dma_start3A_101, %dma_start3A_102] : memref<4x64x128xf32, #tpu.memory_space<vmem>> -> memref<1x64x128xf32, #tpu.memory_space<vmem>>
      %dma_start3A_104 = tpu.memref_squeeze %dma_start3A_103 : memref<1x64x128xf32, #tpu.memory_space<vmem>> -> memref<64x128xf32, #tpu.memory_space<vmem>>
      %dma_start3A_105 = arith.constant 0 : i32
      %dma_start3A_106 = tpu.memref_slice %arg7[%dma_start3A_99, %dma_start3A_105] : memref<40x64xi32, #tpu.memory_space<vmem>> -> memref<1x64xi32, #tpu.memory_space<vmem>>
      %dma_start3A_107 = tpu.memref_squeeze %dma_start3A_106 : memref<1x64xi32, #tpu.memory_space<vmem>> -> memref<64xi32, #tpu.memory_space<vmem>>
      %dma_start3A_108 = arith.constant 0 : i32
      %dma_start3A_109 = arith.constant 0 : i32
      %dma_start3A_110 = tpu.memref_slice %arg2[%dma_start3A_108, %dma_start3A_109] : memref<20480x128xf32, #tpu.memory_space<hbm>> -> memref<20480x128xf32, #tpu.memory_space<hbm>>
      tpu.enqueue_indirect_dma source(%dma_start3A_110 : memref<20480x128xf32, #tpu.memory_space<hbm>>) target(%dma_start3A_104 : memref<64x128xf32, #tpu.memory_space<vmem>>) offsets(%dma_start3A_107 : memref<64xi32, #tpu.memory_space<vmem>>) semaphore(%arg12 : memref<!tpu.dma_semaphore, #tpu.memory_space<semaphore_mem>>)
      %dma_start3A_111 = arith.constant 3 : i32
      %dma_start3A_112 = arith.constant 3 : i32
      %dma_start3A_113 = arith.constant 0 : i32
      %dma_start3A_114 = arith.constant 0 : i32
      %dma_start3A_115 = tpu.memref_slice %arg9[%dma_start3A_112, %dma_start3A_113, %dma_start3A_114] : memref<4x64x128xf32, #tpu.memory_space<vmem>> -> memref<1x64x128xf32, #tpu.memory_space<vmem>>
      %dma_start3A_116 = tpu.memref_squeeze %dma_start3A_115 : memref<1x64x128xf32, #tpu.memory_space<vmem>> -> memref<64x128xf32, #tpu.memory_space<vmem>>
      %dma_start3A_117 = arith.constant 0 : i32
      %dma_start3A_118 = tpu.memref_slice %arg7[%dma_start3A_111, %dma_start3A_117] : memref<40x64xi32, #tpu.memory_space<vmem>> -> memref<1x64xi32, #tpu.memory_space<vmem>>
      %dma_start3A_119 = tpu.memref_squeeze %dma_start3A_118 : memref<1x64xi32, #tpu.memory_space<vmem>> -> memref<64xi32, #tpu.memory_space<vmem>>
      %dma_start3A_120 = arith.constant 0 : i32
      %dma_start3A_121 = arith.constant 0 : i32
      %dma_start3A_122 = tpu.memref_slice %arg2[%dma_start3A_120, %dma_start3A_121] : memref<20480x128xf32, #tpu.memory_space<hbm>> -> memref<20480x128xf32, #tpu.memory_space<hbm>>
      tpu.enqueue_indirect_dma source(%dma_start3A_122 : memref<20480x128xf32, #tpu.memory_space<hbm>>) target(%dma_start3A_116 : memref<64x128xf32, #tpu.memory_space<vmem>>) offsets(%dma_start3A_119 : memref<64xi32, #tpu.memory_space<vmem>>) semaphore(%arg13 : memref<!tpu.dma_semaphore, #tpu.memory_space<semaphore_mem>>)
      %scan3A_123 = arith.constant 0 : i32
      %scan3A_124 = arith.constant 0 : i32
      %scan3A_125 = arith.constant 9 : i32
      %scan3A_126 = arith.addi %scan3A_124, %scan3A_125 : i32
      %scan3A_127 = arith.constant 1 : i32
      scf.for %scan3A_272 = %scan3A_124 to %scan3A_126 step %scan3A_127  : i32 {
        %mul3A_273 = arith.constant 4 : i32
        %mul3A_274 = arith.muli %scan3A_272, %mul3A_273 : i32
        %add3A_275 = arith.constant 0 : i32
        %add3A_276 = arith.addi %mul3A_274, %add3A_275 : i32
        %dma_wait3A_277 = arith.constant 0 : i32
        %dma_wait3A_278 = arith.constant 0 : i32
        %dma_wait3A_279 = arith.constant 0 : i32
        %dma_wait3A_280 = tpu.memref_slice %arg9[%dma_wait3A_277, %dma_wait3A_278, %dma_wait3A_279] : memref<4x64x128xf32, #tpu.memory_space<vmem>> -> memref<1x64x128xf32, #tpu.memory_space<vmem>>
        %dma_wait3A_281 = tpu.memref_squeeze %dma_wait3A_280 : memref<1x64x128xf32, #tpu.memory_space<vmem>> -> memref<64x128xf32, #tpu.memory_space<vmem>>
        %dma_wait3A_282 = arith.constant 0 : i32
        %dma_wait3A_283 = tpu.memref_slice %arg7[%add3A_276, %dma_wait3A_282] : memref<40x64xi32, #tpu.memory_space<vmem>> -> memref<1x64xi32, #tpu.memory_space<vmem>>
        %dma_wait3A_284 = tpu.memref_squeeze %dma_wait3A_283 : memref<1x64xi32, #tpu.memory_space<vmem>> -> memref<64xi32, #tpu.memory_space<vmem>>
        %dma_wait3A_285 = arith.constant 0 : i32
        %dma_wait3A_286 = arith.constant 0 : i32
        %dma_wait3A_287 = tpu.memref_slice %arg2[%dma_wait3A_285, %dma_wait3A_286] : memref<20480x128xf32, #tpu.memory_space<hbm>> -> memref<20480x128xf32, #tpu.memory_space<hbm>>
        tpu.wait_indirect_dma semaphore(%arg10 : memref<!tpu.dma_semaphore, #tpu.memory_space<semaphore_mem>>) src(%dma_wait3A_287 : memref<20480x128xf32, #tpu.memory_space<hbm>>) dst(%dma_wait3A_281 : memref<64x128xf32, #tpu.memory_space<vmem>>)
        %dma_start3A_288 = arith.constant 0 : i32
        %dma_start3A_289 = arith.constant 0 : i32
        %dma_start3A_290 = arith.constant 0 : i32
        %dma_start3A_291 = tpu.memref_slice %arg9[%dma_start3A_288, %dma_start3A_289, %dma_start3A_290] : memref<4x64x128xf32, #tpu.memory_space<vmem>> -> memref<1x64x128xf32, #tpu.memory_space<vmem>>
        %dma_start3A_292 = tpu.memref_squeeze %dma_start3A_291 : memref<1x64x128xf32, #tpu.memory_space<vmem>> -> memref<64x128xf32, #tpu.memory_space<vmem>>
        %dma_start3A_293 = arith.constant 0 : i32
        %dma_start3A_294 = tpu.memref_slice %arg8[%add3A_276, %dma_start3A_293] : memref<40x64xi32, #tpu.memory_space<vmem>> -> memref<1x64xi32, #tpu.memory_space<vmem>>
        %dma_start3A_295 = tpu.memref_squeeze %dma_start3A_294 : memref<1x64xi32, #tpu.memory_space<vmem>> -> memref<64xi32, #tpu.memory_space<vmem>>
        %dma_start3A_296 = arith.constant 0 : i32
        %dma_start3A_297 = arith.constant 0 : i32
        %dma_start3A_298 = tpu.memref_slice %arg6[%dma_start3A_296, %dma_start3A_297] : memref<10240x128xf32, #tpu.memory_space<vmem_shared>> -> memref<10240x128xf32, #tpu.memory_space<vmem_shared>>
        tpu.enqueue_indirect_dma source(%dma_start3A_292 : memref<64x128xf32, #tpu.memory_space<vmem>>) target(%dma_start3A_298 : memref<10240x128xf32, #tpu.memory_space<vmem_shared>>) offsets(%dma_start3A_295 : memref<64xi32, #tpu.memory_space<vmem>>) semaphore(%arg14 : memref<!tpu.dma_semaphore, #tpu.memory_space<semaphore_mem>>) {add = true}
        %mul3A_299 = arith.constant 4 : i32
        %mul3A_300 = arith.muli %scan3A_272, %mul3A_299 : i32
        %add3A_301 = arith.constant 1 : i32
        %add3A_302 = arith.addi %mul3A_300, %add3A_301 : i32
        %dma_wait3A_303 = arith.constant 1 : i32
        %dma_wait3A_304 = arith.constant 0 : i32
        %dma_wait3A_305 = arith.constant 0 : i32
        %dma_wait3A_306 = tpu.memref_slice %arg9[%dma_wait3A_303, %dma_wait3A_304, %dma_wait3A_305] : memref<4x64x128xf32, #tpu.memory_space<vmem>> -> memref<1x64x128xf32, #tpu.memory_space<vmem>>
        %dma_wait3A_307 = tpu.memref_squeeze %dma_wait3A_306 : memref<1x64x128xf32, #tpu.memory_space<vmem>> -> memref<64x128xf32, #tpu.memory_space<vmem>>
        %dma_wait3A_308 = arith.constant 0 : i32
        %dma_wait3A_309 = tpu.memref_slice %arg7[%add3A_302, %dma_wait3A_308] : memref<40x64xi32, #tpu.memory_space<vmem>> -> memref<1x64xi32, #tpu.memory_space<vmem>>
        %dma_wait3A_310 = tpu.memref_squeeze %dma_wait3A_309 : memref<1x64xi32, #tpu.memory_space<vmem>> -> memref<64xi32, #tpu.memory_space<vmem>>
        %dma_wait3A_311 = arith.constant 0 : i32
        %dma_wait3A_312 = arith.constant 0 : i32
        %dma_wait3A_313 = tpu.memref_slice %arg2[%dma_wait3A_311, %dma_wait3A_312] : memref<20480x128xf32, #tpu.memory_space<hbm>> -> memref<20480x128xf32, #tpu.memory_space<hbm>>
        tpu.wait_indirect_dma semaphore(%arg11 : memref<!tpu.dma_semaphore, #tpu.memory_space<semaphore_mem>>) src(%dma_wait3A_313 : memref<20480x128xf32, #tpu.memory_space<hbm>>) dst(%dma_wait3A_307 : memref<64x128xf32, #tpu.memory_space<vmem>>)
        %dma_start3A_314 = arith.constant 1 : i32
        %dma_start3A_315 = arith.constant 0 : i32
        %dma_start3A_316 = arith.constant 0 : i32
        %dma_start3A_317 = tpu.memref_slice %arg9[%dma_start3A_314, %dma_start3A_315, %dma_start3A_316] : memref<4x64x128xf32, #tpu.memory_space<vmem>> -> memref<1x64x128xf32, #tpu.memory_space<vmem>>
        %dma_start3A_318 = tpu.memref_squeeze %dma_start3A_317 : memref<1x64x128xf32, #tpu.memory_space<vmem>> -> memref<64x128xf32, #tpu.memory_space<vmem>>
        %dma_start3A_319 = arith.constant 0 : i32
        %dma_start3A_320 = tpu.memref_slice %arg8[%add3A_302, %dma_start3A_319] : memref<40x64xi32, #tpu.memory_space<vmem>> -> memref<1x64xi32, #tpu.memory_space<vmem>>
        %dma_start3A_321 = tpu.memref_squeeze %dma_start3A_320 : memref<1x64xi32, #tpu.memory_space<vmem>> -> memref<64xi32, #tpu.memory_space<vmem>>
        %dma_start3A_322 = arith.constant 0 : i32
        %dma_start3A_323 = arith.constant 0 : i32
        %dma_start3A_324 = tpu.memref_slice %arg6[%dma_start3A_322, %dma_start3A_323] : memref<10240x128xf32, #tpu.memory_space<vmem_shared>> -> memref<10240x128xf32, #tpu.memory_space<vmem_shared>>
        tpu.enqueue_indirect_dma source(%dma_start3A_318 : memref<64x128xf32, #tpu.memory_space<vmem>>) target(%dma_start3A_324 : memref<10240x128xf32, #tpu.memory_space<vmem_shared>>) offsets(%dma_start3A_321 : memref<64xi32, #tpu.memory_space<vmem>>) semaphore(%arg15 : memref<!tpu.dma_semaphore, #tpu.memory_space<semaphore_mem>>) {add = true}
        %mul3A_325 = arith.constant 4 : i32
        %mul3A_326 = arith.muli %scan3A_272, %mul3A_325 : i32
        %add3A_327 = arith.constant 2 : i32
        %add3A_328 = arith.addi %mul3A_326, %add3A_327 : i32
        %dma_wait3A_329 = arith.constant 2 : i32
        %dma_wait3A_330 = arith.constant 0 : i32
        %dma_wait3A_331 = arith.constant 0 : i32
        %dma_wait3A_332 = tpu.memref_slice %arg9[%dma_wait3A_329, %dma_wait3A_330, %dma_wait3A_331] : memref<4x64x128xf32, #tpu.memory_space<vmem>> -> memref<1x64x128xf32, #tpu.memory_space<vmem>>
        %dma_wait3A_333 = tpu.memref_squeeze %dma_wait3A_332 : memref<1x64x128xf32, #tpu.memory_space<vmem>> -> memref<64x128xf32, #tpu.memory_space<vmem>>
        %dma_wait3A_334 = arith.constant 0 : i32
        %dma_wait3A_335 = tpu.memref_slice %arg7[%add3A_328, %dma_wait3A_334] : memref<40x64xi32, #tpu.memory_space<vmem>> -> memref<1x64xi32, #tpu.memory_space<vmem>>
        %dma_wait3A_336 = tpu.memref_squeeze %dma_wait3A_335 : memref<1x64xi32, #tpu.memory_space<vmem>> -> memref<64xi32, #tpu.memory_space<vmem>>
        %dma_wait3A_337 = arith.constant 0 : i32
        %dma_wait3A_338 = arith.constant 0 : i32
        %dma_wait3A_339 = tpu.memref_slice %arg2[%dma_wait3A_337, %dma_wait3A_338] : memref<20480x128xf32, #tpu.memory_space<hbm>> -> memref<20480x128xf32, #tpu.memory_space<hbm>>
        tpu.wait_indirect_dma semaphore(%arg12 : memref<!tpu.dma_semaphore, #tpu.memory_space<semaphore_mem>>) src(%dma_wait3A_339 : memref<20480x128xf32, #tpu.memory_space<hbm>>) dst(%dma_wait3A_333 : memref<64x128xf32, #tpu.memory_space<vmem>>)
        %dma_start3A_340 = arith.constant 2 : i32
        %dma_start3A_341 = arith.constant 0 : i32
        %dma_start3A_342 = arith.constant 0 : i32
        %dma_start3A_343 = tpu.memref_slice %arg9[%dma_start3A_340, %dma_start3A_341, %dma_start3A_342] : memref<4x64x128xf32, #tpu.memory_space<vmem>> -> memref<1x64x128xf32, #tpu.memory_space<vmem>>
        %dma_start3A_344 = tpu.memref_squeeze %dma_start3A_343 : memref<1x64x128xf32, #tpu.memory_space<vmem>> -> memref<64x128xf32, #tpu.memory_space<vmem>>
        %dma_start3A_345 = arith.constant 0 : i32
        %dma_start3A_346 = tpu.memref_slice %arg8[%add3A_328, %dma_start3A_345] : memref<40x64xi32, #tpu.memory_space<vmem>> -> memref<1x64xi32, #tpu.memory_space<vmem>>
        %dma_start3A_347 = tpu.memref_squeeze %dma_start3A_346 : memref<1x64xi32, #tpu.memory_space<vmem>> -> memref<64xi32, #tpu.memory_space<vmem>>
        %dma_start3A_348 = arith.constant 0 : i32
        %dma_start3A_349 = arith.constant 0 : i32
        %dma_start3A_350 = tpu.memref_slice %arg6[%dma_start3A_348, %dma_start3A_349] : memref<10240x128xf32, #tpu.memory_space<vmem_shared>> -> memref<10240x128xf32, #tpu.memory_space<vmem_shared>>
        tpu.enqueue_indirect_dma source(%dma_start3A_344 : memref<64x128xf32, #tpu.memory_space<vmem>>) target(%dma_start3A_350 : memref<10240x128xf32, #tpu.memory_space<vmem_shared>>) offsets(%dma_start3A_347 : memref<64xi32, #tpu.memory_space<vmem>>) semaphore(%arg16 : memref<!tpu.dma_semaphore, #tpu.memory_space<semaphore_mem>>) {add = true}
        %mul3A_351 = arith.constant 4 : i32
        %mul3A_352 = arith.muli %scan3A_272, %mul3A_351 : i32
        %add3A_353 = arith.constant 3 : i32
        %add3A_354 = arith.addi %mul3A_352, %add3A_353 : i32
        %dma_wait3A_355 = arith.constant 3 : i32
        %dma_wait3A_356 = arith.constant 0 : i32
        %dma_wait3A_357 = arith.constant 0 : i32
        %dma_wait3A_358 = tpu.memref_slice %arg9[%dma_wait3A_355, %dma_wait3A_356, %dma_wait3A_357] : memref<4x64x128xf32, #tpu.memory_space<vmem>> -> memref<1x64x128xf32, #tpu.memory_space<vmem>>
        %dma_wait3A_359 = tpu.memref_squeeze %dma_wait3A_358 : memref<1x64x128xf32, #tpu.memory_space<vmem>> -> memref<64x128xf32, #tpu.memory_space<vmem>>
        %dma_wait3A_360 = arith.constant 0 : i32
        %dma_wait3A_361 = tpu.memref_slice %arg7[%add3A_354, %dma_wait3A_360] : memref<40x64xi32, #tpu.memory_space<vmem>> -> memref<1x64xi32, #tpu.memory_space<vmem>>
        %dma_wait3A_362 = tpu.memref_squeeze %dma_wait3A_361 : memref<1x64xi32, #tpu.memory_space<vmem>> -> memref<64xi32, #tpu.memory_space<vmem>>
        %dma_wait3A_363 = arith.constant 0 : i32
        %dma_wait3A_364 = arith.constant 0 : i32
        %dma_wait3A_365 = tpu.memref_slice %arg2[%dma_wait3A_363, %dma_wait3A_364] : memref<20480x128xf32, #tpu.memory_space<hbm>> -> memref<20480x128xf32, #tpu.memory_space<hbm>>
        tpu.wait_indirect_dma semaphore(%arg13 : memref<!tpu.dma_semaphore, #tpu.memory_space<semaphore_mem>>) src(%dma_wait3A_365 : memref<20480x128xf32, #tpu.memory_space<hbm>>) dst(%dma_wait3A_359 : memref<64x128xf32, #tpu.memory_space<vmem>>)
        %dma_start3A_366 = arith.constant 3 : i32
        %dma_start3A_367 = arith.constant 0 : i32
        %dma_start3A_368 = arith.constant 0 : i32
        %dma_start3A_369 = tpu.memref_slice %arg9[%dma_start3A_366, %dma_start3A_367, %dma_start3A_368] : memref<4x64x128xf32, #tpu.memory_space<vmem>> -> memref<1x64x128xf32, #tpu.memory_space<vmem>>
        %dma_start3A_370 = tpu.memref_squeeze %dma_start3A_369 : memref<1x64x128xf32, #tpu.memory_space<vmem>> -> memref<64x128xf32, #tpu.memory_space<vmem>>
        %dma_start3A_371 = arith.constant 0 : i32
        %dma_start3A_372 = tpu.memref_slice %arg8[%add3A_354, %dma_start3A_371] : memref<40x64xi32, #tpu.memory_space<vmem>> -> memref<1x64xi32, #tpu.memory_space<vmem>>
        %dma_start3A_373 = tpu.memref_squeeze %dma_start3A_372 : memref<1x64xi32, #tpu.memory_space<vmem>> -> memref<64xi32, #tpu.memory_space<vmem>>
        %dma_start3A_374 = arith.constant 0 : i32
        %dma_start3A_375 = arith.constant 0 : i32
        %dma_start3A_376 = tpu.memref_slice %arg6[%dma_start3A_374, %dma_start3A_375] : memref<10240x128xf32, #tpu.memory_space<vmem_shared>> -> memref<10240x128xf32, #tpu.memory_space<vmem_shared>>
        tpu.enqueue_indirect_dma source(%dma_start3A_370 : memref<64x128xf32, #tpu.memory_space<vmem>>) target(%dma_start3A_376 : memref<10240x128xf32, #tpu.memory_space<vmem_shared>>) offsets(%dma_start3A_373 : memref<64xi32, #tpu.memory_space<vmem>>) semaphore(%arg17 : memref<!tpu.dma_semaphore, #tpu.memory_space<semaphore_mem>>) {add = true}
        %mul3A_377 = arith.constant 4 : i32
        %mul3A_378 = arith.muli %scan3A_272, %mul3A_377 : i32
        %add3A_379 = arith.constant 0 : i32
        %add3A_380 = arith.addi %mul3A_378, %add3A_379 : i32
        %dma_wait3A_381 = arith.constant 0 : i32
        %dma_wait3A_382 = arith.constant 0 : i32
        %dma_wait3A_383 = arith.constant 0 : i32
        %dma_wait3A_384 = tpu.memref_slice %arg9[%dma_wait3A_381, %dma_wait3A_382, %dma_wait3A_383] : memref<4x64x128xf32, #tpu.memory_space<vmem>> -> memref<1x64x128xf32, #tpu.memory_space<vmem>>
        %dma_wait3A_385 = tpu.memref_squeeze %dma_wait3A_384 : memref<1x64x128xf32, #tpu.memory_space<vmem>> -> memref<64x128xf32, #tpu.memory_space<vmem>>
        %dma_wait3A_386 = arith.constant 0 : i32
        %dma_wait3A_387 = tpu.memref_slice %arg8[%add3A_380, %dma_wait3A_386] : memref<40x64xi32, #tpu.memory_space<vmem>> -> memref<1x64xi32, #tpu.memory_space<vmem>>
        %dma_wait3A_388 = tpu.memref_squeeze %dma_wait3A_387 : memref<1x64xi32, #tpu.memory_space<vmem>> -> memref<64xi32, #tpu.memory_space<vmem>>
        %dma_wait3A_389 = arith.constant 0 : i32
        %dma_wait3A_390 = arith.constant 0 : i32
        %dma_wait3A_391 = tpu.memref_slice %arg6[%dma_wait3A_389, %dma_wait3A_390] : memref<10240x128xf32, #tpu.memory_space<vmem_shared>> -> memref<10240x128xf32, #tpu.memory_space<vmem_shared>>
        tpu.wait_indirect_dma semaphore(%arg14 : memref<!tpu.dma_semaphore, #tpu.memory_space<semaphore_mem>>) src(%dma_wait3A_385 : memref<64x128xf32, #tpu.memory_space<vmem>>) dst(%dma_wait3A_391 : memref<10240x128xf32, #tpu.memory_space<vmem_shared>>)
        %add3A_392 = arith.constant 1 : i32
        %add3A_393 = arith.addi %scan3A_272, %add3A_392 : i32
        %mul3A_394 = arith.constant 4 : i32
        %mul3A_395 = arith.muli %add3A_393, %mul3A_394 : i32
        %add3A_396 = arith.constant 0 : i32
        %add3A_397 = arith.addi %mul3A_395, %add3A_396 : i32
        %dma_start3A_398 = arith.constant 0 : i32
        %dma_start3A_399 = arith.constant 0 : i32
        %dma_start3A_400 = arith.constant 0 : i32
        %dma_start3A_401 = tpu.memref_slice %arg9[%dma_start3A_398, %dma_start3A_399, %dma_start3A_400] : memref<4x64x128xf32, #tpu.memory_space<vmem>> -> memref<1x64x128xf32, #tpu.memory_space<vmem>>
        %dma_start3A_402 = tpu.memref_squeeze %dma_start3A_401 : memref<1x64x128xf32, #tpu.memory_space<vmem>> -> memref<64x128xf32, #tpu.memory_space<vmem>>
        %dma_start3A_403 = arith.constant 0 : i32
        %dma_start3A_404 = tpu.memref_slice %arg7[%add3A_397, %dma_start3A_403] : memref<40x64xi32, #tpu.memory_space<vmem>> -> memref<1x64xi32, #tpu.memory_space<vmem>>
        %dma_start3A_405 = tpu.memref_squeeze %dma_start3A_404 : memref<1x64xi32, #tpu.memory_space<vmem>> -> memref<64xi32, #tpu.memory_space<vmem>>
        %dma_start3A_406 = arith.constant 0 : i32
        %dma_start3A_407 = arith.constant 0 : i32
        %dma_start3A_408 = tpu.memref_slice %arg2[%dma_start3A_406, %dma_start3A_407] : memref<20480x128xf32, #tpu.memory_space<hbm>> -> memref<20480x128xf32, #tpu.memory_space<hbm>>
        tpu.enqueue_indirect_dma source(%dma_start3A_408 : memref<20480x128xf32, #tpu.memory_space<hbm>>) target(%dma_start3A_402 : memref<64x128xf32, #tpu.memory_space<vmem>>) offsets(%dma_start3A_405 : memref<64xi32, #tpu.memory_space<vmem>>) semaphore(%arg10 : memref<!tpu.dma_semaphore, #tpu.memory_space<semaphore_mem>>)
        %mul3A_409 = arith.constant 4 : i32
        %mul3A_410 = arith.muli %scan3A_272, %mul3A_409 : i32
        %add3A_411 = arith.constant 1 : i32
        %add3A_412 = arith.addi %mul3A_410, %add3A_411 : i32
        %dma_wait3A_413 = arith.constant 1 : i32
        %dma_wait3A_414 = arith.constant 0 : i32
        %dma_wait3A_415 = arith.constant 0 : i32
        %dma_wait3A_416 = tpu.memref_slice %arg9[%dma_wait3A_413, %dma_wait3A_414, %dma_wait3A_415] : memref<4x64x128xf32, #tpu.memory_space<vmem>> -> memref<1x64x128xf32, #tpu.memory_space<vmem>>
        %dma_wait3A_417 = tpu.memref_squeeze %dma_wait3A_416 : memref<1x64x128xf32, #tpu.memory_space<vmem>> -> memref<64x128xf32, #tpu.memory_space<vmem>>
        %dma_wait3A_418 = arith.constant 0 : i32
        %dma_wait3A_419 = tpu.memref_slice %arg8[%add3A_412, %dma_wait3A_418] : memref<40x64xi32, #tpu.memory_space<vmem>> -> memref<1x64xi32, #tpu.memory_space<vmem>>
        %dma_wait3A_420 = tpu.memref_squeeze %dma_wait3A_419 : memref<1x64xi32, #tpu.memory_space<vmem>> -> memref<64xi32, #tpu.memory_space<vmem>>
        %dma_wait3A_421 = arith.constant 0 : i32
        %dma_wait3A_422 = arith.constant 0 : i32
        %dma_wait3A_423 = tpu.memref_slice %arg6[%dma_wait3A_421, %dma_wait3A_422] : memref<10240x128xf32, #tpu.memory_space<vmem_shared>> -> memref<10240x128xf32, #tpu.memory_space<vmem_shared>>
        tpu.wait_indirect_dma semaphore(%arg15 : memref<!tpu.dma_semaphore, #tpu.memory_space<semaphore_mem>>) src(%dma_wait3A_417 : memref<64x128xf32, #tpu.memory_space<vmem>>) dst(%dma_wait3A_423 : memref<10240x128xf32, #tpu.memory_space<vmem_shared>>)
        %add3A_424 = arith.constant 1 : i32
        %add3A_425 = arith.addi %scan3A_272, %add3A_424 : i32
        %mul3A_426 = arith.constant 4 : i32
        %mul3A_427 = arith.muli %add3A_425, %mul3A_426 : i32
        %add3A_428 = arith.constant 1 : i32
        %add3A_429 = arith.addi %mul3A_427, %add3A_428 : i32
        %dma_start3A_430 = arith.constant 1 : i32
        %dma_start3A_431 = arith.constant 0 : i32
        %dma_start3A_432 = arith.constant 0 : i32
        %dma_start3A_433 = tpu.memref_slice %arg9[%dma_start3A_430, %dma_start3A_431, %dma_start3A_432] : memref<4x64x128xf32, #tpu.memory_space<vmem>> -> memref<1x64x128xf32, #tpu.memory_space<vmem>>
        %dma_start3A_434 = tpu.memref_squeeze %dma_start3A_433 : memref<1x64x128xf32, #tpu.memory_space<vmem>> -> memref<64x128xf32, #tpu.memory_space<vmem>>
        %dma_start3A_435 = arith.constant 0 : i32
        %dma_start3A_436 = tpu.memref_slice %arg7[%add3A_429, %dma_start3A_435] : memref<40x64xi32, #tpu.memory_space<vmem>> -> memref<1x64xi32, #tpu.memory_space<vmem>>
        %dma_start3A_437 = tpu.memref_squeeze %dma_start3A_436 : memref<1x64xi32, #tpu.memory_space<vmem>> -> memref<64xi32, #tpu.memory_space<vmem>>
        %dma_start3A_438 = arith.constant 0 : i32
        %dma_start3A_439 = arith.constant 0 : i32
        %dma_start3A_440 = tpu.memref_slice %arg2[%dma_start3A_438, %dma_start3A_439] : memref<20480x128xf32, #tpu.memory_space<hbm>> -> memref<20480x128xf32, #tpu.memory_space<hbm>>
        tpu.enqueue_indirect_dma source(%dma_start3A_440 : memref<20480x128xf32, #tpu.memory_space<hbm>>) target(%dma_start3A_434 : memref<64x128xf32, #tpu.memory_space<vmem>>) offsets(%dma_start3A_437 : memref<64xi32, #tpu.memory_space<vmem>>) semaphore(%arg11 : memref<!tpu.dma_semaphore, #tpu.memory_space<semaphore_mem>>)
        %mul3A_441 = arith.constant 4 : i32
        %mul3A_442 = arith.muli %scan3A_272, %mul3A_441 : i32
        %add3A_443 = arith.constant 2 : i32
        %add3A_444 = arith.addi %mul3A_442, %add3A_443 : i32
        %dma_wait3A_445 = arith.constant 2 : i32
        %dma_wait3A_446 = arith.constant 0 : i32
        %dma_wait3A_447 = arith.constant 0 : i32
        %dma_wait3A_448 = tpu.memref_slice %arg9[%dma_wait3A_445, %dma_wait3A_446, %dma_wait3A_447] : memref<4x64x128xf32, #tpu.memory_space<vmem>> -> memref<1x64x128xf32, #tpu.memory_space<vmem>>
        %dma_wait3A_449 = tpu.memref_squeeze %dma_wait3A_448 : memref<1x64x128xf32, #tpu.memory_space<vmem>> -> memref<64x128xf32, #tpu.memory_space<vmem>>
        %dma_wait3A_450 = arith.constant 0 : i32
        %dma_wait3A_451 = tpu.memref_slice %arg8[%add3A_444, %dma_wait3A_450] : memref<40x64xi32, #tpu.memory_space<vmem>> -> memref<1x64xi32, #tpu.memory_space<vmem>>
        %dma_wait3A_452 = tpu.memref_squeeze %dma_wait3A_451 : memref<1x64xi32, #tpu.memory_space<vmem>> -> memref<64xi32, #tpu.memory_space<vmem>>
        %dma_wait3A_453 = arith.constant 0 : i32
        %dma_wait3A_454 = arith.constant 0 : i32
        %dma_wait3A_455 = tpu.memref_slice %arg6[%dma_wait3A_453, %dma_wait3A_454] : memref<10240x128xf32, #tpu.memory_space<vmem_shared>> -> memref<10240x128xf32, #tpu.memory_space<vmem_shared>>
        tpu.wait_indirect_dma semaphore(%arg16 : memref<!tpu.dma_semaphore, #tpu.memory_space<semaphore_mem>>) src(%dma_wait3A_449 : memref<64x128xf32, #tpu.memory_space<vmem>>) dst(%dma_wait3A_455 : memref<10240x128xf32, #tpu.memory_space<vmem_shared>>)
        %add3A_456 = arith.constant 1 : i32
        %add3A_457 = arith.addi %scan3A_272, %add3A_456 : i32
        %mul3A_458 = arith.constant 4 : i32
        %mul3A_459 = arith.muli %add3A_457, %mul3A_458 : i32
        %add3A_460 = arith.constant 2 : i32
        %add3A_461 = arith.addi %mul3A_459, %add3A_460 : i32
        %dma_start3A_462 = arith.constant 2 : i32
        %dma_start3A_463 = arith.constant 0 : i32
        %dma_start3A_464 = arith.constant 0 : i32
        %dma_start3A_465 = tpu.memref_slice %arg9[%dma_start3A_462, %dma_start3A_463, %dma_start3A_464] : memref<4x64x128xf32, #tpu.memory_space<vmem>> -> memref<1x64x128xf32, #tpu.memory_space<vmem>>
        %dma_start3A_466 = tpu.memref_squeeze %dma_start3A_465 : memref<1x64x128xf32, #tpu.memory_space<vmem>> -> memref<64x128xf32, #tpu.memory_space<vmem>>
        %dma_start3A_467 = arith.constant 0 : i32
        %dma_start3A_468 = tpu.memref_slice %arg7[%add3A_461, %dma_start3A_467] : memref<40x64xi32, #tpu.memory_space<vmem>> -> memref<1x64xi32, #tpu.memory_space<vmem>>
        %dma_start3A_469 = tpu.memref_squeeze %dma_start3A_468 : memref<1x64xi32, #tpu.memory_space<vmem>> -> memref<64xi32, #tpu.memory_space<vmem>>
        %dma_start3A_470 = arith.constant 0 : i32
        %dma_start3A_471 = arith.constant 0 : i32
        %dma_start3A_472 = tpu.memref_slice %arg2[%dma_start3A_470, %dma_start3A_471] : memref<20480x128xf32, #tpu.memory_space<hbm>> -> memref<20480x128xf32, #tpu.memory_space<hbm>>
        tpu.enqueue_indirect_dma source(%dma_start3A_472 : memref<20480x128xf32, #tpu.memory_space<hbm>>) target(%dma_start3A_466 : memref<64x128xf32, #tpu.memory_space<vmem>>) offsets(%dma_start3A_469 : memref<64xi32, #tpu.memory_space<vmem>>) semaphore(%arg12 : memref<!tpu.dma_semaphore, #tpu.memory_space<semaphore_mem>>)
        %mul3A_473 = arith.constant 4 : i32
        %mul3A_474 = arith.muli %scan3A_272, %mul3A_473 : i32
        %add3A_475 = arith.constant 3 : i32
        %add3A_476 = arith.addi %mul3A_474, %add3A_475 : i32
        %dma_wait3A_477 = arith.constant 3 : i32
        %dma_wait3A_478 = arith.constant 0 : i32
        %dma_wait3A_479 = arith.constant 0 : i32
        %dma_wait3A_480 = tpu.memref_slice %arg9[%dma_wait3A_477, %dma_wait3A_478, %dma_wait3A_479] : memref<4x64x128xf32, #tpu.memory_space<vmem>> -> memref<1x64x128xf32, #tpu.memory_space<vmem>>
        %dma_wait3A_481 = tpu.memref_squeeze %dma_wait3A_480 : memref<1x64x128xf32, #tpu.memory_space<vmem>> -> memref<64x128xf32, #tpu.memory_space<vmem>>
        %dma_wait3A_482 = arith.constant 0 : i32
        %dma_wait3A_483 = tpu.memref_slice %arg8[%add3A_476, %dma_wait3A_482] : memref<40x64xi32, #tpu.memory_space<vmem>> -> memref<1x64xi32, #tpu.memory_space<vmem>>
        %dma_wait3A_484 = tpu.memref_squeeze %dma_wait3A_483 : memref<1x64xi32, #tpu.memory_space<vmem>> -> memref<64xi32, #tpu.memory_space<vmem>>
        %dma_wait3A_485 = arith.constant 0 : i32
        %dma_wait3A_486 = arith.constant 0 : i32
        %dma_wait3A_487 = tpu.memref_slice %arg6[%dma_wait3A_485, %dma_wait3A_486] : memref<10240x128xf32, #tpu.memory_space<vmem_shared>> -> memref<10240x128xf32, #tpu.memory_space<vmem_shared>>
        tpu.wait_indirect_dma semaphore(%arg17 : memref<!tpu.dma_semaphore, #tpu.memory_space<semaphore_mem>>) src(%dma_wait3A_481 : memref<64x128xf32, #tpu.memory_space<vmem>>) dst(%dma_wait3A_487 : memref<10240x128xf32, #tpu.memory_space<vmem_shared>>)
        %add3A_488 = arith.constant 1 : i32
        %add3A_489 = arith.addi %scan3A_272, %add3A_488 : i32
        %mul3A_490 = arith.constant 4 : i32
        %mul3A_491 = arith.muli %add3A_489, %mul3A_490 : i32
        %add3A_492 = arith.constant 3 : i32
        %add3A_493 = arith.addi %mul3A_491, %add3A_492 : i32
        %dma_start3A_494 = arith.constant 3 : i32
        %dma_start3A_495 = arith.constant 0 : i32
        %dma_start3A_496 = arith.constant 0 : i32
        %dma_start3A_497 = tpu.memref_slice %arg9[%dma_start3A_494, %dma_start3A_495, %dma_start3A_496] : memref<4x64x128xf32, #tpu.memory_space<vmem>> -> memref<1x64x128xf32, #tpu.memory_space<vmem>>
        %dma_start3A_498 = tpu.memref_squeeze %dma_start3A_497 : memref<1x64x128xf32, #tpu.memory_space<vmem>> -> memref<64x128xf32, #tpu.memory_space<vmem>>
        %dma_start3A_499 = arith.constant 0 : i32
        %dma_start3A_500 = tpu.memref_slice %arg7[%add3A_493, %dma_start3A_499] : memref<40x64xi32, #tpu.memory_space<vmem>> -> memref<1x64xi32, #tpu.memory_space<vmem>>
        %dma_start3A_501 = tpu.memref_squeeze %dma_start3A_500 : memref<1x64xi32, #tpu.memory_space<vmem>> -> memref<64xi32, #tpu.memory_space<vmem>>
        %dma_start3A_502 = arith.constant 0 : i32
        %dma_start3A_503 = arith.constant 0 : i32
        %dma_start3A_504 = tpu.memref_slice %arg2[%dma_start3A_502, %dma_start3A_503] : memref<20480x128xf32, #tpu.memory_space<hbm>> -> memref<20480x128xf32, #tpu.memory_space<hbm>>
        tpu.enqueue_indirect_dma source(%dma_start3A_504 : memref<20480x128xf32, #tpu.memory_space<hbm>>) target(%dma_start3A_498 : memref<64x128xf32, #tpu.memory_space<vmem>>) offsets(%dma_start3A_501 : memref<64xi32, #tpu.memory_space<vmem>>) semaphore(%arg13 : memref<!tpu.dma_semaphore, #tpu.memory_space<semaphore_mem>>)
      }
      %scan3A_128 = arith.constant 9 : i32
      %dma_wait3A = arith.constant 36 : i32
      %dma_wait3A_129 = arith.constant 0 : i32
      %dma_wait3A_130 = arith.constant 0 : i32
      %dma_wait3A_131 = arith.constant 0 : i32
      %dma_wait3A_132 = tpu.memref_slice %arg9[%dma_wait3A_129, %dma_wait3A_130, %dma_wait3A_131] : memref<4x64x128xf32, #tpu.memory_space<vmem>> -> memref<1x64x128xf32, #tpu.memory_space<vmem>>
      %dma_wait3A_133 = tpu.memref_squeeze %dma_wait3A_132 : memref<1x64x128xf32, #tpu.memory_space<vmem>> -> memref<64x128xf32, #tpu.memory_space<vmem>>
      %dma_wait3A_134 = arith.constant 0 : i32
      %dma_wait3A_135 = tpu.memref_slice %arg7[%dma_wait3A, %dma_wait3A_134] : memref<40x64xi32, #tpu.memory_space<vmem>> -> memref<1x64xi32, #tpu.memory_space<vmem>>
      %dma_wait3A_136 = tpu.memref_squeeze %dma_wait3A_135 : memref<1x64xi32, #tpu.memory_space<vmem>> -> memref<64xi32, #tpu.memory_space<vmem>>
      %dma_wait3A_137 = arith.constant 0 : i32
      %dma_wait3A_138 = arith.constant 0 : i32
      %dma_wait3A_139 = tpu.memref_slice %arg2[%dma_wait3A_137, %dma_wait3A_138] : memref<20480x128xf32, #tpu.memory_space<hbm>> -> memref<20480x128xf32, #tpu.memory_space<hbm>>
      tpu.wait_indirect_dma semaphore(%arg10 : memref<!tpu.dma_semaphore, #tpu.memory_space<semaphore_mem>>) src(%dma_wait3A_139 : memref<20480x128xf32, #tpu.memory_space<hbm>>) dst(%dma_wait3A_133 : memref<64x128xf32, #tpu.memory_space<vmem>>)
      %dma_start3A_140 = arith.constant 0 : i32
      %dma_start3A_141 = arith.constant 36 : i32
      %dma_start3A_142 = arith.constant 0 : i32
      %dma_start3A_143 = arith.constant 0 : i32
      %dma_start3A_144 = tpu.memref_slice %arg9[%dma_start3A_140, %dma_start3A_142, %dma_start3A_143] : memref<4x64x128xf32, #tpu.memory_space<vmem>> -> memref<1x64x128xf32, #tpu.memory_space<vmem>>
      %dma_start3A_145 = tpu.memref_squeeze %dma_start3A_144 : memref<1x64x128xf32, #tpu.memory_space<vmem>> -> memref<64x128xf32, #tpu.memory_space<vmem>>
      %dma_start3A_146 = arith.constant 0 : i32
      %dma_start3A_147 = tpu.memref_slice %arg8[%dma_start3A_141, %dma_start3A_146] : memref<40x64xi32, #tpu.memory_space<vmem>> -> memref<1x64xi32, #tpu.memory_space<vmem>>
      %dma_start3A_148 = tpu.memref_squeeze %dma_start3A_147 : memref<1x64xi32, #tpu.memory_space<vmem>> -> memref<64xi32, #tpu.memory_space<vmem>>
      %dma_start3A_149 = arith.constant 0 : i32
      %dma_start3A_150 = arith.constant 0 : i32
      %dma_start3A_151 = tpu.memref_slice %arg6[%dma_start3A_149, %dma_start3A_150] : memref<10240x128xf32, #tpu.memory_space<vmem_shared>> -> memref<10240x128xf32, #tpu.memory_space<vmem_shared>>
      tpu.enqueue_indirect_dma source(%dma_start3A_145 : memref<64x128xf32, #tpu.memory_space<vmem>>) target(%dma_start3A_151 : memref<10240x128xf32, #tpu.memory_space<vmem_shared>>) offsets(%dma_start3A_148 : memref<64xi32, #tpu.memory_space<vmem>>) semaphore(%arg14 : memref<!tpu.dma_semaphore, #tpu.memory_space<semaphore_mem>>) {add = true}
      %dma_wait3A_152 = arith.constant 37 : i32
      %dma_wait3A_153 = arith.constant 1 : i32
      %dma_wait3A_154 = arith.constant 0 : i32
      %dma_wait3A_155 = arith.constant 0 : i32
      %dma_wait3A_156 = tpu.memref_slice %arg9[%dma_wait3A_153, %dma_wait3A_154, %dma_wait3A_155] : memref<4x64x128xf32, #tpu.memory_space<vmem>> -> memref<1x64x128xf32, #tpu.memory_space<vmem>>
      %dma_wait3A_157 = tpu.memref_squeeze %dma_wait3A_156 : memref<1x64x128xf32, #tpu.memory_space<vmem>> -> memref<64x128xf32, #tpu.memory_space<vmem>>
      %dma_wait3A_158 = arith.constant 0 : i32
      %dma_wait3A_159 = tpu.memref_slice %arg7[%dma_wait3A_152, %dma_wait3A_158] : memref<40x64xi32, #tpu.memory_space<vmem>> -> memref<1x64xi32, #tpu.memory_space<vmem>>
      %dma_wait3A_160 = tpu.memref_squeeze %dma_wait3A_159 : memref<1x64xi32, #tpu.memory_space<vmem>> -> memref<64xi32, #tpu.memory_space<vmem>>
      %dma_wait3A_161 = arith.constant 0 : i32
      %dma_wait3A_162 = arith.constant 0 : i32
      %dma_wait3A_163 = tpu.memref_slice %arg2[%dma_wait3A_161, %dma_wait3A_162] : memref<20480x128xf32, #tpu.memory_space<hbm>> -> memref<20480x128xf32, #tpu.memory_space<hbm>>
      tpu.wait_indirect_dma semaphore(%arg11 : memref<!tpu.dma_semaphore, #tpu.memory_space<semaphore_mem>>) src(%dma_wait3A_163 : memref<20480x128xf32, #tpu.memory_space<hbm>>) dst(%dma_wait3A_157 : memref<64x128xf32, #tpu.memory_space<vmem>>)
      %dma_start3A_164 = arith.constant 1 : i32
      %dma_start3A_165 = arith.constant 37 : i32
      %dma_start3A_166 = arith.constant 0 : i32
      %dma_start3A_167 = arith.constant 0 : i32
      %dma_start3A_168 = tpu.memref_slice %arg9[%dma_start3A_164, %dma_start3A_166, %dma_start3A_167] : memref<4x64x128xf32, #tpu.memory_space<vmem>> -> memref<1x64x128xf32, #tpu.memory_space<vmem>>
      %dma_start3A_169 = tpu.memref_squeeze %dma_start3A_168 : memref<1x64x128xf32, #tpu.memory_space<vmem>> -> memref<64x128xf32, #tpu.memory_space<vmem>>
      %dma_start3A_170 = arith.constant 0 : i32
      %dma_start3A_171 = tpu.memref_slice %arg8[%dma_start3A_165, %dma_start3A_170] : memref<40x64xi32, #tpu.memory_space<vmem>> -> memref<1x64xi32, #tpu.memory_space<vmem>>
      %dma_start3A_172 = tpu.memref_squeeze %dma_start3A_171 : memref<1x64xi32, #tpu.memory_space<vmem>> -> memref<64xi32, #tpu.memory_space<vmem>>
      %dma_start3A_173 = arith.constant 0 : i32
      %dma_start3A_174 = arith.constant 0 : i32
      %dma_start3A_175 = tpu.memref_slice %arg6[%dma_start3A_173, %dma_start3A_174] : memref<10240x128xf32, #tpu.memory_space<vmem_shared>> -> memref<10240x128xf32, #tpu.memory_space<vmem_shared>>
      tpu.enqueue_indirect_dma source(%dma_start3A_169 : memref<64x128xf32, #tpu.memory_space<vmem>>) target(%dma_start3A_175 : memref<10240x128xf32, #tpu.memory_space<vmem_shared>>) offsets(%dma_start3A_172 : memref<64xi32, #tpu.memory_space<vmem>>) semaphore(%arg15 : memref<!tpu.dma_semaphore, #tpu.memory_space<semaphore_mem>>) {add = true}
      %dma_wait3A_176 = arith.constant 38 : i32
      %dma_wait3A_177 = arith.constant 2 : i32
      %dma_wait3A_178 = arith.constant 0 : i32
      %dma_wait3A_179 = arith.constant 0 : i32
      %dma_wait3A_180 = tpu.memref_slice %arg9[%dma_wait3A_177, %dma_wait3A_178, %dma_wait3A_179] : memref<4x64x128xf32, #tpu.memory_space<vmem>> -> memref<1x64x128xf32, #tpu.memory_space<vmem>>
      %dma_wait3A_181 = tpu.memref_squeeze %dma_wait3A_180 : memref<1x64x128xf32, #tpu.memory_space<vmem>> -> memref<64x128xf32, #tpu.memory_space<vmem>>
      %dma_wait3A_182 = arith.constant 0 : i32
      %dma_wait3A_183 = tpu.memref_slice %arg7[%dma_wait3A_176, %dma_wait3A_182] : memref<40x64xi32, #tpu.memory_space<vmem>> -> memref<1x64xi32, #tpu.memory_space<vmem>>
      %dma_wait3A_184 = tpu.memref_squeeze %dma_wait3A_183 : memref<1x64xi32, #tpu.memory_space<vmem>> -> memref<64xi32, #tpu.memory_space<vmem>>
      %dma_wait3A_185 = arith.constant 0 : i32
      %dma_wait3A_186 = arith.constant 0 : i32
      %dma_wait3A_187 = tpu.memref_slice %arg2[%dma_wait3A_185, %dma_wait3A_186] : memref<20480x128xf32, #tpu.memory_space<hbm>> -> memref<20480x128xf32, #tpu.memory_space<hbm>>
      tpu.wait_indirect_dma semaphore(%arg12 : memref<!tpu.dma_semaphore, #tpu.memory_space<semaphore_mem>>) src(%dma_wait3A_187 : memref<20480x128xf32, #tpu.memory_space<hbm>>) dst(%dma_wait3A_181 : memref<64x128xf32, #tpu.memory_space<vmem>>)
      %dma_start3A_188 = arith.constant 2 : i32
      %dma_start3A_189 = arith.constant 38 : i32
      %dma_start3A_190 = arith.constant 0 : i32
      %dma_start3A_191 = arith.constant 0 : i32
      %dma_start3A_192 = tpu.memref_slice %arg9[%dma_start3A_188, %dma_start3A_190, %dma_start3A_191] : memref<4x64x128xf32, #tpu.memory_space<vmem>> -> memref<1x64x128xf32, #tpu.memory_space<vmem>>
      %dma_start3A_193 = tpu.memref_squeeze %dma_start3A_192 : memref<1x64x128xf32, #tpu.memory_space<vmem>> -> memref<64x128xf32, #tpu.memory_space<vmem>>
      %dma_start3A_194 = arith.constant 0 : i32
      %dma_start3A_195 = tpu.memref_slice %arg8[%dma_start3A_189, %dma_start3A_194] : memref<40x64xi32, #tpu.memory_space<vmem>> -> memref<1x64xi32, #tpu.memory_space<vmem>>
      %dma_start3A_196 = tpu.memref_squeeze %dma_start3A_195 : memref<1x64xi32, #tpu.memory_space<vmem>> -> memref<64xi32, #tpu.memory_space<vmem>>
      %dma_start3A_197 = arith.constant 0 : i32
      %dma_start3A_198 = arith.constant 0 : i32
      %dma_start3A_199 = tpu.memref_slice %arg6[%dma_start3A_197, %dma_start3A_198] : memref<10240x128xf32, #tpu.memory_space<vmem_shared>> -> memref<10240x128xf32, #tpu.memory_space<vmem_shared>>
      tpu.enqueue_indirect_dma source(%dma_start3A_193 : memref<64x128xf32, #tpu.memory_space<vmem>>) target(%dma_start3A_199 : memref<10240x128xf32, #tpu.memory_space<vmem_shared>>) offsets(%dma_start3A_196 : memref<64xi32, #tpu.memory_space<vmem>>) semaphore(%arg16 : memref<!tpu.dma_semaphore, #tpu.memory_space<semaphore_mem>>) {add = true}
      %dma_wait3A_200 = arith.constant 39 : i32
      %dma_wait3A_201 = arith.constant 3 : i32
      %dma_wait3A_202 = arith.constant 0 : i32
      %dma_wait3A_203 = arith.constant 0 : i32
      %dma_wait3A_204 = tpu.memref_slice %arg9[%dma_wait3A_201, %dma_wait3A_202, %dma_wait3A_203] : memref<4x64x128xf32, #tpu.memory_space<vmem>> -> memref<1x64x128xf32, #tpu.memory_space<vmem>>
      %dma_wait3A_205 = tpu.memref_squeeze %dma_wait3A_204 : memref<1x64x128xf32, #tpu.memory_space<vmem>> -> memref<64x128xf32, #tpu.memory_space<vmem>>
      %dma_wait3A_206 = arith.constant 0 : i32
      %dma_wait3A_207 = tpu.memref_slice %arg7[%dma_wait3A_200, %dma_wait3A_206] : memref<40x64xi32, #tpu.memory_space<vmem>> -> memref<1x64xi32, #tpu.memory_space<vmem>>
      %dma_wait3A_208 = tpu.memref_squeeze %dma_wait3A_207 : memref<1x64xi32, #tpu.memory_space<vmem>> -> memref<64xi32, #tpu.memory_space<vmem>>
      %dma_wait3A_209 = arith.constant 0 : i32
      %dma_wait3A_210 = arith.constant 0 : i32
      %dma_wait3A_211 = tpu.memref_slice %arg2[%dma_wait3A_209, %dma_wait3A_210] : memref<20480x128xf32, #tpu.memory_space<hbm>> -> memref<20480x128xf32, #tpu.memory_space<hbm>>
      tpu.wait_indirect_dma semaphore(%arg13 : memref<!tpu.dma_semaphore, #tpu.memory_space<semaphore_mem>>) src(%dma_wait3A_211 : memref<20480x128xf32, #tpu.memory_space<hbm>>) dst(%dma_wait3A_205 : memref<64x128xf32, #tpu.memory_space<vmem>>)
      %dma_start3A_212 = arith.constant 3 : i32
      %dma_start3A_213 = arith.constant 39 : i32
      %dma_start3A_214 = arith.constant 0 : i32
      %dma_start3A_215 = arith.constant 0 : i32
      %dma_start3A_216 = tpu.memref_slice %arg9[%dma_start3A_212, %dma_start3A_214, %dma_start3A_215] : memref<4x64x128xf32, #tpu.memory_space<vmem>> -> memref<1x64x128xf32, #tpu.memory_space<vmem>>
      %dma_start3A_217 = tpu.memref_squeeze %dma_start3A_216 : memref<1x64x128xf32, #tpu.memory_space<vmem>> -> memref<64x128xf32, #tpu.memory_space<vmem>>
      %dma_start3A_218 = arith.constant 0 : i32
      %dma_start3A_219 = tpu.memref_slice %arg8[%dma_start3A_213, %dma_start3A_218] : memref<40x64xi32, #tpu.memory_space<vmem>> -> memref<1x64xi32, #tpu.memory_space<vmem>>
      %dma_start3A_220 = tpu.memref_squeeze %dma_start3A_219 : memref<1x64xi32, #tpu.memory_space<vmem>> -> memref<64xi32, #tpu.memory_space<vmem>>
      %dma_start3A_221 = arith.constant 0 : i32
      %dma_start3A_222 = arith.constant 0 : i32
      %dma_start3A_223 = tpu.memref_slice %arg6[%dma_start3A_221, %dma_start3A_222] : memref<10240x128xf32, #tpu.memory_space<vmem_shared>> -> memref<10240x128xf32, #tpu.memory_space<vmem_shared>>
      tpu.enqueue_indirect_dma source(%dma_start3A_217 : memref<64x128xf32, #tpu.memory_space<vmem>>) target(%dma_start3A_223 : memref<10240x128xf32, #tpu.memory_space<vmem_shared>>) offsets(%dma_start3A_220 : memref<64xi32, #tpu.memory_space<vmem>>) semaphore(%arg17 : memref<!tpu.dma_semaphore, #tpu.memory_space<semaphore_mem>>) {add = true}
      %dma_wait3A_224 = arith.constant 0 : i32
      %dma_wait3A_225 = arith.constant 36 : i32
      %dma_wait3A_226 = arith.constant 0 : i32
      %dma_wait3A_227 = arith.constant 0 : i32
      %dma_wait3A_228 = tpu.memref_slice %arg9[%dma_wait3A_224, %dma_wait3A_226, %dma_wait3A_227] : memref<4x64x128xf32, #tpu.memory_space<vmem>> -> memref<1x64x128xf32, #tpu.memory_space<vmem>>
      %dma_wait3A_229 = tpu.memref_squeeze %dma_wait3A_228 : memref<1x64x128xf32, #tpu.memory_space<vmem>> -> memref<64x128xf32, #tpu.memory_space<vmem>>
      %dma_wait3A_230 = arith.constant 0 : i32
      %dma_wait3A_231 = tpu.memref_slice %arg8[%dma_wait3A_225, %dma_wait3A_230] : memref<40x64xi32, #tpu.memory_space<vmem>> -> memref<1x64xi32, #tpu.memory_space<vmem>>
      %dma_wait3A_232 = tpu.memref_squeeze %dma_wait3A_231 : memref<1x64xi32, #tpu.memory_space<vmem>> -> memref<64xi32, #tpu.memory_space<vmem>>
      %dma_wait3A_233 = arith.constant 0 : i32
      %dma_wait3A_234 = arith.constant 0 : i32
      %dma_wait3A_235 = tpu.memref_slice %arg6[%dma_wait3A_233, %dma_wait3A_234] : memref<10240x128xf32, #tpu.memory_space<vmem_shared>> -> memref<10240x128xf32, #tpu.memory_space<vmem_shared>>
      tpu.wait_indirect_dma semaphore(%arg14 : memref<!tpu.dma_semaphore, #tpu.memory_space<semaphore_mem>>) src(%dma_wait3A_229 : memref<64x128xf32, #tpu.memory_space<vmem>>) dst(%dma_wait3A_235 : memref<10240x128xf32, #tpu.memory_space<vmem_shared>>)
      %dma_wait3A_236 = arith.constant 1 : i32
      %dma_wait3A_237 = arith.constant 37 : i32
      %dma_wait3A_238 = arith.constant 0 : i32
      %dma_wait3A_239 = arith.constant 0 : i32
      %dma_wait3A_240 = tpu.memref_slice %arg9[%dma_wait3A_236, %dma_wait3A_238, %dma_wait3A_239] : memref<4x64x128xf32, #tpu.memory_space<vmem>> -> memref<1x64x128xf32, #tpu.memory_space<vmem>>
      %dma_wait3A_241 = tpu.memref_squeeze %dma_wait3A_240 : memref<1x64x128xf32, #tpu.memory_space<vmem>> -> memref<64x128xf32, #tpu.memory_space<vmem>>
      %dma_wait3A_242 = arith.constant 0 : i32
      %dma_wait3A_243 = tpu.memref_slice %arg8[%dma_wait3A_237, %dma_wait3A_242] : memref<40x64xi32, #tpu.memory_space<vmem>> -> memref<1x64xi32, #tpu.memory_space<vmem>>
      %dma_wait3A_244 = tpu.memref_squeeze %dma_wait3A_243 : memref<1x64xi32, #tpu.memory_space<vmem>> -> memref<64xi32, #tpu.memory_space<vmem>>
      %dma_wait3A_245 = arith.constant 0 : i32
      %dma_wait3A_246 = arith.constant 0 : i32
      %dma_wait3A_247 = tpu.memref_slice %arg6[%dma_wait3A_245, %dma_wait3A_246] : memref<10240x128xf32, #tpu.memory_space<vmem_shared>> -> memref<10240x128xf32, #tpu.memory_space<vmem_shared>>
      tpu.wait_indirect_dma semaphore(%arg15 : memref<!tpu.dma_semaphore, #tpu.memory_space<semaphore_mem>>) src(%dma_wait3A_241 : memref<64x128xf32, #tpu.memory_space<vmem>>) dst(%dma_wait3A_247 : memref<10240x128xf32, #tpu.memory_space<vmem_shared>>)
      %dma_wait3A_248 = arith.constant 2 : i32
      %dma_wait3A_249 = arith.constant 38 : i32
      %dma_wait3A_250 = arith.constant 0 : i32
      %dma_wait3A_251 = arith.constant 0 : i32
      %dma_wait3A_252 = tpu.memref_slice %arg9[%dma_wait3A_248, %dma_wait3A_250, %dma_wait3A_251] : memref<4x64x128xf32, #tpu.memory_space<vmem>> -> memref<1x64x128xf32, #tpu.memory_space<vmem>>
      %dma_wait3A_253 = tpu.memref_squeeze %dma_wait3A_252 : memref<1x64x128xf32, #tpu.memory_space<vmem>> -> memref<64x128xf32, #tpu.memory_space<vmem>>
      %dma_wait3A_254 = arith.constant 0 : i32
      %dma_wait3A_255 = tpu.memref_slice %arg8[%dma_wait3A_249, %dma_wait3A_254] : memref<40x64xi32, #tpu.memory_space<vmem>> -> memref<1x64xi32, #tpu.memory_space<vmem>>
      %dma_wait3A_256 = tpu.memref_squeeze %dma_wait3A_255 : memref<1x64xi32, #tpu.memory_space<vmem>> -> memref<64xi32, #tpu.memory_space<vmem>>
      %dma_wait3A_257 = arith.constant 0 : i32
      %dma_wait3A_258 = arith.constant 0 : i32
      %dma_wait3A_259 = tpu.memref_slice %arg6[%dma_wait3A_257, %dma_wait3A_258] : memref<10240x128xf32, #tpu.memory_space<vmem_shared>> -> memref<10240x128xf32, #tpu.memory_space<vmem_shared>>
      tpu.wait_indirect_dma semaphore(%arg16 : memref<!tpu.dma_semaphore, #tpu.memory_space<semaphore_mem>>) src(%dma_wait3A_253 : memref<64x128xf32, #tpu.memory_space<vmem>>) dst(%dma_wait3A_259 : memref<10240x128xf32, #tpu.memory_space<vmem_shared>>)
      %dma_wait3A_260 = arith.constant 3 : i32
      %dma_wait3A_261 = arith.constant 39 : i32
      %dma_wait3A_262 = arith.constant 0 : i32
      %dma_wait3A_263 = arith.constant 0 : i32
      %dma_wait3A_264 = tpu.memref_slice %arg9[%dma_wait3A_260, %dma_wait3A_262, %dma_wait3A_263] : memref<4x64x128xf32, #tpu.memory_space<vmem>> -> memref<1x64x128xf32, #tpu.memory_space<vmem>>
      %dma_wait3A_265 = tpu.memref_squeeze %dma_wait3A_264 : memref<1x64x128xf32, #tpu.memory_space<vmem>> -> memref<64x128xf32, #tpu.memory_space<vmem>>
      %dma_wait3A_266 = arith.constant 0 : i32
      %dma_wait3A_267 = tpu.memref_slice %arg8[%dma_wait3A_261, %dma_wait3A_266] : memref<40x64xi32, #tpu.memory_space<vmem>> -> memref<1x64xi32, #tpu.memory_space<vmem>>
      %dma_wait3A_268 = tpu.memref_squeeze %dma_wait3A_267 : memref<1x64xi32, #tpu.memory_space<vmem>> -> memref<64xi32, #tpu.memory_space<vmem>>
      %dma_wait3A_269 = arith.constant 0 : i32
      %dma_wait3A_270 = arith.constant 0 : i32
      %dma_wait3A_271 = tpu.memref_slice %arg6[%dma_wait3A_269, %dma_wait3A_270] : memref<10240x128xf32, #tpu.memory_space<vmem_shared>> -> memref<10240x128xf32, #tpu.memory_space<vmem_shared>>
      tpu.wait_indirect_dma semaphore(%arg17 : memref<!tpu.dma_semaphore, #tpu.memory_space<semaphore_mem>>) src(%dma_wait3A_265 : memref<64x128xf32, #tpu.memory_space<vmem>>) dst(%dma_wait3A_271 : memref<10240x128xf32, #tpu.memory_space<vmem_shared>>)
    }
    %scan3A_67 = arith.constant 4 : i32
    %barrier3A_68 = arith.constant 0 : index
    tpu.barrier barrier_id(%barrier3A_68)
    %mul3A_69 = arith.constant 640 : i32
    %mul3A_70 = arith.muli %arg1, %mul3A_69 : i32
    %multiple_of3A_71 = tpu.assume_multiple %mul3A_70, 8 : i32
    "tpu.region"() ({
      %run_scoped3A_72 = tpu.sem_alloc : memref<!tpu.dma_semaphore, #tpu.memory_space<semaphore_mem>>
      %dma_start3A = arith.constant 0 : i32
      %dma_start3A_73 = tpu.memref_slice %arg5[%arg0, %multiple_of3A_71, %dma_start3A] : memref<2x10240x128xf32, #tpu.memory_space<hbm>> -> memref<1x640x128xf32, #tpu.memory_space<hbm>>
      %dma_start3A_74 = tpu.memref_squeeze %dma_start3A_73 : memref<1x640x128xf32, #tpu.memory_space<hbm>> -> memref<640x128xf32, #tpu.memory_space<hbm>>
      %dma_start3A_75 = arith.constant 0 : i32
      %dma_start3A_76 = tpu.memref_slice %arg6[%multiple_of3A_71, %dma_start3A_75] : memref<10240x128xf32, #tpu.memory_space<vmem_shared>> -> memref<640x128xf32, #tpu.memory_space<vmem_shared>>
      tpu.enqueue_dma source(%dma_start3A_76 : memref<640x128xf32, #tpu.memory_space<vmem_shared>>) target(%dma_start3A_74 : memref<640x128xf32, #tpu.memory_space<hbm>>) target_semaphore(%run_scoped3A_72 : memref<!tpu.dma_semaphore, #tpu.memory_space<semaphore_mem>>)
      %dma_wait3A = arith.constant 0 : i32
      %dma_wait3A_77 = tpu.memref_slice %arg5[%arg0, %multiple_of3A_71, %dma_wait3A] : memref<2x10240x128xf32, #tpu.memory_space<hbm>> -> memref<1x640x128xf32, #tpu.memory_space<hbm>>
      %dma_wait3A_78 = tpu.memref_squeeze %dma_wait3A_77 : memref<1x640x128xf32, #tpu.memory_space<hbm>> -> memref<640x128xf32, #tpu.memory_space<hbm>>
      %dma_wait3A_79 = arith.constant 0 : i32
      %dma_wait3A_80 = tpu.memref_slice %arg6[%multiple_of3A_71, %dma_wait3A_79] : memref<10240x128xf32, #tpu.memory_space<vmem_shared>> -> memref<640x128xf32, #tpu.memory_space<vmem_shared>>
      tpu.wait_dma2 semaphore(%run_scoped3A_72 : memref<!tpu.dma_semaphore, #tpu.memory_space<semaphore_mem>>) src(%dma_wait3A_80 : memref<640x128xf32, #tpu.memory_space<vmem_shared>>) dst(%dma_wait3A_78 : memref<640x128xf32, #tpu.memory_space<hbm>>)
      tpu.yield
    }) : () -> ()
    return
  }
}

#map = affine_map<(d0, d1) -> (0, 0)>
#map1 = affine_map<(d0, d1) -> (0, 0, 0, 0)>
#map2 = affine_map<(d0, d1) -> (0, 0, 0)>
module attributes {stable_mosaic.version = 14 : i64} {
  func.func @_conv_body(%arg0: i32, %arg1: i32, %arg2: memref<20480x128xf32, #tpu.memory_space<hbm>>, %arg3: memref<32x4x40x64xi32, #tpu.memory_space<hbm>>, %arg4: memref<16x4x40x64xi32, #tpu.memory_space<hbm>>, %arg5: memref<2x10240x128xf32, #tpu.memory_space<hbm>>, %arg6: memref<10240x128xf32, #tpu.memory_space<vmem_shared>>, %arg7: memref<40x64xi32, #tpu.memory_space<vmem>>, %arg8: memref<40x64xi32, #tpu.memory_space<vmem>>, %arg9: memref<4x64x128xf32, #tpu.memory_space<vmem>>, %arg10: memref<!tpu.dma_semaphore, #tpu.memory_space<semaphore_mem>>, %arg11: memref<!tpu.dma_semaphore, #tpu.memory_space<semaphore_mem>>, %arg12: memref<!tpu.dma_semaphore, #tpu.memory_space<semaphore_mem>>, %arg13: memref<!tpu.dma_semaphore, #tpu.memory_space<semaphore_mem>>, %arg14: memref<!tpu.dma_semaphore, #tpu.memory_space<semaphore_mem>>, %arg15: memref<!tpu.dma_semaphore, #tpu.memory_space<semaphore_mem>>, %arg16: memref<!tpu.dma_semaphore, #tpu.memory_space<semaphore_mem>>, %arg17: memref<!tpu.dma_semaphore, #tpu.memory_space<semaphore_mem>>) attributes {dimension_semantics = [#tpu.dimension_semantics<core_parallel>, #tpu.dimension_semantics<subcore_parallel>], iteration_bounds = array<i64: 2, 16>, scalar_prefetch = 0 : i64, scratch_operands = 12 : i64, tpu.core_type = #tpu.core_type<sc_vector_subcore>, window_params = [{transform_indices = #map}, {transform_indices = #map1}, {transform_indices = #map1}, {transform_indices = #map2}]} {
    %broadcast_in_dim3A = arith.constant 0.000000e+00 : f32
    %broadcast_in_dim3A_0 = vector.broadcast %broadcast_in_dim3A : f32 to vector<16xf32>
    %scan3A = arith.constant 0 : i32
    %scan3A_1 = arith.constant 0 : i32
    %scan3A_2 = arith.constant 64 : i32
    %scan3A_3 = arith.addi %scan3A_1, %scan3A_2 : i32
    %scan3A_4 = arith.constant 1 : i32
    scf.for %scan3A_72 = %scan3A_1 to %scan3A_3 step %scan3A_4  : i32 {
      %scan3A_73 = arith.constant 0 : i32
      %scan3A_74 = arith.constant 8 : i32
      %scan3A_75 = arith.addi %scan3A_73, %scan3A_74 : i32
      %scan3A_76 = arith.constant 1 : i32
      scf.for %scan3A_78 = %scan3A_73 to %scan3A_75 step %scan3A_76  : i32 {
        %mul3A_79 = arith.constant 16 : i32
        %mul3A_80 = arith.muli %scan3A_78, %mul3A_79 : i32
        %swap3A = arith.constant 0 : i32
        %swap3A_81 = arith.index_cast %swap3A : i32 to index
        %swap3A_82 = arith.index_cast %scan3A_72 : i32 to index
        %swap3A_83 = arith.index_cast %mul3A_80 : i32 to index
        %swap3A_84 = tpu.vector_load %arg9[%swap3A_81, %swap3A_82, %swap3A_83] {strides = array<i32>} : memref<4x64x128xf32, #tpu.memory_space<vmem>>, vector<1x1x16xf32>,
        %swap3A_85 = vector.shape_cast %swap3A_84 : vector<1x1x16xf32> to vector<16xf32>
        %swap3A_86 = vector.shape_cast %broadcast_in_dim3A_0 : vector<16xf32> to vector<1x1x16xf32>
        tpu.vector_store %arg9[%swap3A_81, %swap3A_82, %swap3A_83], %swap3A_86 {strides = array<i32>} : memref<4x64x128xf32, #tpu.memory_space<vmem>>, vector<1x1x16xf32>,
      }
      %scan3A_77 = arith.constant 8 : i32
    }
    %scan3A_5 = arith.constant 64 : i32
    %mul3A = arith.constant 640 : i32
    %mul3A_6 = arith.muli %arg1, %mul3A : i32
    %add3A = arith.constant 0 : i32
    %add3A_7 = arith.addi %mul3A_6, %add3A : i32
    %multiple_of3A = tpu.assume_multiple %add3A_7, 8 : i32
    %run_scoped3A = arith.constant 0 : i32
    "tpu.region"() ({
      %run_scoped3A_72 = tpu.sem_alloc : memref<!tpu.dma_semaphore, #tpu.memory_space<semaphore_mem>>
      %dma_start3A = arith.constant 0 : i32
      %dma_start3A_73 = arith.constant 0 : i32
      %dma_start3A_74 = tpu.memref_slice %arg9[%run_scoped3A, %dma_start3A, %dma_start3A_73] : memref<4x64x128xf32, #tpu.memory_space<vmem>> -> memref<1x64x128xf32, #tpu.memory_space<vmem>>
      %dma_start3A_75 = tpu.memref_squeeze %dma_start3A_74 : memref<1x64x128xf32, #tpu.memory_space<vmem>> -> memref<64x128xf32, #tpu.memory_space<vmem>>
      %dma_start3A_76 = arith.constant 0 : i32
      %dma_start3A_77 = tpu.memref_slice %arg6[%multiple_of3A, %dma_start3A_76] : memref<10240x128xf32, #tpu.memory_space<vmem_shared>> -> memref<64x128xf32, #tpu.memory_space<vmem_shared>>
      %dma_start3A_78 = arith.constant 0 : i32
      %dma_start3A_79 = tpu.memref_slice %arg6[%multiple_of3A, %dma_start3A_78] : memref<10240x128xf32, #tpu.memory_space<vmem_shared>> -> memref<64x128xf32, #tpu.memory_space<vmem_shared>>
      %dma_start3A_80 = arith.constant 0 : i32
      %dma_start3A_81 = arith.constant 0 : i32
      %dma_start3A_82 = tpu.memref_slice %arg9[%run_scoped3A, %dma_start3A_80, %dma_start3A_81] : memref<4x64x128xf32, #tpu.memory_space<vmem>> -> memref<1x64x128xf32, #tpu.memory_space<vmem>>
      %dma_start3A_83 = tpu.memref_squeeze %dma_start3A_82 : memref<1x64x128xf32, #tpu.memory_space<vmem>> -> memref<64x128xf32, #tpu.memory_space<vmem>>
      tpu.enqueue_dma source(%dma_start3A_83 : memref<64x128xf32, #tpu.memory_space<vmem>>) target(%dma_start3A_79 : memref<64x128xf32, #tpu.memory_space<vmem_shared>>) target_semaphore(%run_scoped3A_72 : memref<!tpu.dma_semaphore, #tpu.memory_space<semaphore_mem>>)
      %dma_wait3A = arith.constant 0 : i32
      %dma_wait3A_84 = arith.constant 0 : i32
      %dma_wait3A_85 = tpu.memref_slice %arg9[%run_scoped3A, %dma_wait3A, %dma_wait3A_84] : memref<4x64x128xf32, #tpu.memory_space<vmem>> -> memref<1x64x128xf32, #tpu.memory_space<vmem>>
      %dma_wait3A_86 = tpu.memref_squeeze %dma_wait3A_85 : memref<1x64x128xf32, #tpu.memory_space<vmem>> -> memref<64x128xf32, #tpu.memory_space<vmem>>
      %dma_wait3A_87 = arith.constant 0 : i32
      %dma_wait3A_88 = tpu.memref_slice %arg6[%multiple_of3A, %dma_wait3A_87] : memref<10240x128xf32, #tpu.memory_space<vmem_shared>> -> memref<64x128xf32, #tpu.memory_space<vmem_shared>>
      %dma_wait3A_89 = arith.constant 0 : i32
      %dma_wait3A_90 = tpu.memref_slice %arg6[%multiple_of3A, %dma_wait3A_89] : memref<10240x128xf32, #tpu.memory_space<vmem_shared>> -> memref<64x128xf32, #tpu.memory_space<vmem_shared>>
      %dma_wait3A_91 = arith.constant 0 : i32
      %dma_wait3A_92 = arith.constant 0 : i32
      %dma_wait3A_93 = tpu.memref_slice %arg9[%run_scoped3A, %dma_wait3A_91, %dma_wait3A_92] : memref<4x64x128xf32, #tpu.memory_space<vmem>> -> memref<1x64x128xf32, #tpu.memory_space<vmem>>
      %dma_wait3A_94 = tpu.memref_squeeze %dma_wait3A_93 : memref<1x64x128xf32, #tpu.memory_space<vmem>> -> memref<64x128xf32, #tpu.memory_space<vmem>>
      tpu.wait_dma2 semaphore(%run_scoped3A_72 : memref<!tpu.dma_semaphore, #tpu.memory_space<semaphore_mem>>) src(%dma_wait3A_94 : memref<64x128xf32, #tpu.memory_space<vmem>>) dst(%dma_wait3A_90 : memref<64x128xf32, #tpu.memory_space<vmem_shared>>)
      tpu.yield
    }) : () -> ()
    %mul3A_8 = arith.constant 640 : i32
    %mul3A_9 = arith.muli %arg1, %mul3A_8 : i32
    %add3A_10 = arith.constant 64 : i32
    %add3A_11 = arith.addi %mul3A_9, %add3A_10 : i32
    %multiple_of3A_12 = tpu.assume_multiple %add3A_11, 8 : i32
    %run_scoped3A_13 = arith.constant 0 : i32
    "tpu.region"() ({
      %run_scoped3A_72 = tpu.sem_alloc : memref<!tpu.dma_semaphore, #tpu.memory_space<semaphore_mem>>
      %dma_start3A = arith.constant 0 : i32
      %dma_start3A_73 = arith.constant 0 : i32
      %dma_start3A_74 = tpu.memref_slice %arg9[%run_scoped3A_13, %dma_start3A, %dma_start3A_73] : memref<4x64x128xf32, #tpu.memory_space<vmem>> -> memref<1x64x128xf32, #tpu.memory_space<vmem>>
      %dma_start3A_75 = tpu.memref_squeeze %dma_start3A_74 : memref<1x64x128xf32, #tpu.memory_space<vmem>> -> memref<64x128xf32, #tpu.memory_space<vmem>>
      %dma_start3A_76 = arith.constant 0 : i32
      %dma_start3A_77 = tpu.memref_slice %arg6[%multiple_of3A_12, %dma_start3A_76] : memref<10240x128xf32, #tpu.memory_space<vmem_shared>> -> memref<64x128xf32, #tpu.memory_space<vmem_shared>>
      %dma_start3A_78 = arith.constant 0 : i32
      %dma_start3A_79 = tpu.memref_slice %arg6[%multiple_of3A_12, %dma_start3A_78] : memref<10240x128xf32, #tpu.memory_space<vmem_shared>> -> memref<64x128xf32, #tpu.memory_space<vmem_shared>>
      %dma_start3A_80 = arith.constant 0 : i32
      %dma_start3A_81 = arith.constant 0 : i32
      %dma_start3A_82 = tpu.memref_slice %arg9[%run_scoped3A_13, %dma_start3A_80, %dma_start3A_81] : memref<4x64x128xf32, #tpu.memory_space<vmem>> -> memref<1x64x128xf32, #tpu.memory_space<vmem>>
      %dma_start3A_83 = tpu.memref_squeeze %dma_start3A_82 : memref<1x64x128xf32, #tpu.memory_space<vmem>> -> memref<64x128xf32, #tpu.memory_space<vmem>>
      tpu.enqueue_dma source(%dma_start3A_83 : memref<64x128xf32, #tpu.memory_space<vmem>>) target(%dma_start3A_79 : memref<64x128xf32, #tpu.memory_space<vmem_shared>>) target_semaphore(%run_scoped3A_72 : memref<!tpu.dma_semaphore, #tpu.memory_space<semaphore_mem>>)
      %dma_wait3A = arith.constant 0 : i32
      %dma_wait3A_84 = arith.constant 0 : i32
      %dma_wait3A_85 = tpu.memref_slice %arg9[%run_scoped3A_13, %dma_wait3A, %dma_wait3A_84] : memref<4x64x128xf32, #tpu.memory_space<vmem>> -> memref<1x64x128xf32, #tpu.memory_space<vmem>>
      %dma_wait3A_86 = tpu.memref_squeeze %dma_wait3A_85 : memref<1x64x128xf32, #tpu.memory_space<vmem>> -> memref<64x128xf32, #tpu.memory_space<vmem>>
      %dma_wait3A_87 = arith.constant 0 : i32
      %dma_wait3A_88 = tpu.memref_slice %arg6[%multiple_of3A_12, %dma_wait3A_87] : memref<10240x128xf32, #tpu.memory_space<vmem_shared>> -> memref<64x128xf32, #tpu.memory_space<vmem_shared>>
      %dma_wait3A_89 = arith.constant 0 : i32
      %dma_wait3A_90 = tpu.memref_slice %arg6[%multiple_of3A_12, %dma_wait3A_89] : memref<10240x128xf32, #tpu.memory_space<vmem_shared>> -> memref<64x128xf32, #tpu.memory_space<vmem_shared>>
      %dma_wait3A_91 = arith.constant 0 : i32
      %dma_wait3A_92 = arith.constant 0 : i32
      %dma_wait3A_93 = tpu.memref_slice %arg9[%run_scoped3A_13, %dma_wait3A_91, %dma_wait3A_92] : memref<4x64x128xf32, #tpu.memory_space<vmem>> -> memref<1x64x128xf32, #tpu.memory_space<vmem>>
      %dma_wait3A_94 = tpu.memref_squeeze %dma_wait3A_93 : memref<1x64x128xf32, #tpu.memory_space<vmem>> -> memref<64x128xf32, #tpu.memory_space<vmem>>
      tpu.wait_dma2 semaphore(%run_scoped3A_72 : memref<!tpu.dma_semaphore, #tpu.memory_space<semaphore_mem>>) src(%dma_wait3A_94 : memref<64x128xf32, #tpu.memory_space<vmem>>) dst(%dma_wait3A_90 : memref<64x128xf32, #tpu.memory_space<vmem_shared>>)
      tpu.yield
    }) : () -> ()
    %mul3A_14 = arith.constant 640 : i32
    %mul3A_15 = arith.muli %arg1, %mul3A_14 : i32
    %add3A_16 = arith.constant 128 : i32
    %add3A_17 = arith.addi %mul3A_15, %add3A_16 : i32
    %multiple_of3A_18 = tpu.assume_multiple %add3A_17, 8 : i32
    %run_scoped3A_19 = arith.constant 0 : i32
    "tpu.region"() ({
      %run_scoped3A_72 = tpu.sem_alloc : memref<!tpu.dma_semaphore, #tpu.memory_space<semaphore_mem>>
      %dma_start3A = arith.constant 0 : i32
      %dma_start3A_73 = arith.constant 0 : i32
      %dma_start3A_74 = tpu.memref_slice %arg9[%run_scoped3A_19, %dma_start3A, %dma_start3A_73] : memref<4x64x128xf32, #tpu.memory_space<vmem>> -> memref<1x64x128xf32, #tpu.memory_space<vmem>>
      %dma_start3A_75 = tpu.memref_squeeze %dma_start3A_74 : memref<1x64x128xf32, #tpu.memory_space<vmem>> -> memref<64x128xf32, #tpu.memory_space<vmem>>
      %dma_start3A_76 = arith.constant 0 : i32
      %dma_start3A_77 = tpu.memref_slice %arg6[%multiple_of3A_18, %dma_start3A_76] : memref<10240x128xf32, #tpu.memory_space<vmem_shared>> -> memref<64x128xf32, #tpu.memory_space<vmem_shared>>
      %dma_start3A_78 = arith.constant 0 : i32
      %dma_start3A_79 = tpu.memref_slice %arg6[%multiple_of3A_18, %dma_start3A_78] : memref<10240x128xf32, #tpu.memory_space<vmem_shared>> -> memref<64x128xf32, #tpu.memory_space<vmem_shared>>
      %dma_start3A_80 = arith.constant 0 : i32
      %dma_start3A_81 = arith.constant 0 : i32
      %dma_start3A_82 = tpu.memref_slice %arg9[%run_scoped3A_19, %dma_start3A_80, %dma_start3A_81] : memref<4x64x128xf32, #tpu.memory_space<vmem>> -> memref<1x64x128xf32, #tpu.memory_space<vmem>>
      %dma_start3A_83 = tpu.memref_squeeze %dma_start3A_82 : memref<1x64x128xf32, #tpu.memory_space<vmem>> -> memref<64x128xf32, #tpu.memory_space<vmem>>
      tpu.enqueue_dma source(%dma_start3A_83 : memref<64x128xf32, #tpu.memory_space<vmem>>) target(%dma_start3A_79 : memref<64x128xf32, #tpu.memory_space<vmem_shared>>) target_semaphore(%run_scoped3A_72 : memref<!tpu.dma_semaphore, #tpu.memory_space<semaphore_mem>>)
      %dma_wait3A = arith.constant 0 : i32
      %dma_wait3A_84 = arith.constant 0 : i32
      %dma_wait3A_85 = tpu.memref_slice %arg9[%run_scoped3A_19, %dma_wait3A, %dma_wait3A_84] : memref<4x64x128xf32, #tpu.memory_space<vmem>> -> memref<1x64x128xf32, #tpu.memory_space<vmem>>
      %dma_wait3A_86 = tpu.memref_squeeze %dma_wait3A_85 : memref<1x64x128xf32, #tpu.memory_space<vmem>> -> memref<64x128xf32, #tpu.memory_space<vmem>>
      %dma_wait3A_87 = arith.constant 0 : i32
      %dma_wait3A_88 = tpu.memref_slice %arg6[%multiple_of3A_18, %dma_wait3A_87] : memref<10240x128xf32, #tpu.memory_space<vmem_shared>> -> memref<64x128xf32, #tpu.memory_space<vmem_shared>>
      %dma_wait3A_89 = arith.constant 0 : i32
      %dma_wait3A_90 = tpu.memref_slice %arg6[%multiple_of3A_18, %dma_wait3A_89] : memref<10240x128xf32, #tpu.memory_space<vmem_shared>> -> memref<64x128xf32, #tpu.memory_space<vmem_shared>>
      %dma_wait3A_91 = arith.constant 0 : i32
      %dma_wait3A_92 = arith.constant 0 : i32
      %dma_wait3A_93 = tpu.memref_slice %arg9[%run_scoped3A_19, %dma_wait3A_91, %dma_wait3A_92] : memref<4x64x128xf32, #tpu.memory_space<vmem>> -> memref<1x64x128xf32, #tpu.memory_space<vmem>>
      %dma_wait3A_94 = tpu.memref_squeeze %dma_wait3A_93 : memref<1x64x128xf32, #tpu.memory_space<vmem>> -> memref<64x128xf32, #tpu.memory_space<vmem>>
      tpu.wait_dma2 semaphore(%run_scoped3A_72 : memref<!tpu.dma_semaphore, #tpu.memory_space<semaphore_mem>>) src(%dma_wait3A_94 : memref<64x128xf32, #tpu.memory_space<vmem>>) dst(%dma_wait3A_90 : memref<64x128xf32, #tpu.memory_space<vmem_shared>>)
      tpu.yield
    }) : () -> ()
    %mul3A_20 = arith.constant 640 : i32
    %mul3A_21 = arith.muli %arg1, %mul3A_20 : i32
    %add3A_22 = arith.constant 192 : i32
    %add3A_23 = arith.addi %mul3A_21, %add3A_22 : i32
    %multiple_of3A_24 = tpu.assume_multiple %add3A_23, 8 : i32
    %run_scoped3A_25 = arith.constant 0 : i32
    "tpu.region"() ({
      %run_scoped3A_72 = tpu.sem_alloc : memref<!tpu.dma_semaphore, #tpu.memory_space<semaphore_mem>>
      %dma_start3A = arith.constant 0 : i32
      %dma_start3A_73 = arith.constant 0 : i32
      %dma_start3A_74 = tpu.memref_slice %arg9[%run_scoped3A_25, %dma_start3A, %dma_start3A_73] : memref<4x64x128xf32, #tpu.memory_space<vmem>> -> memref<1x64x128xf32, #tpu.memory_space<vmem>>
      %dma_start3A_75 = tpu.memref_squeeze %dma_start3A_74 : memref<1x64x128xf32, #tpu.memory_space<vmem>> -> memref<64x128xf32, #tpu.memory_space<vmem>>
      %dma_start3A_76 = arith.constant 0 : i32
      %dma_start3A_77 = tpu.memref_slice %arg6[%multiple_of3A_24, %dma_start3A_76] : memref<10240x128xf32, #tpu.memory_space<vmem_shared>> -> memref<64x128xf32, #tpu.memory_space<vmem_shared>>
      %dma_start3A_78 = arith.constant 0 : i32
      %dma_start3A_79 = tpu.memref_slice %arg6[%multiple_of3A_24, %dma_start3A_78] : memref<10240x128xf32, #tpu.memory_space<vmem_shared>> -> memref<64x128xf32, #tpu.memory_space<vmem_shared>>
      %dma_start3A_80 = arith.constant 0 : i32
      %dma_start3A_81 = arith.constant 0 : i32
      %dma_start3A_82 = tpu.memref_slice %arg9[%run_scoped3A_25, %dma_start3A_80, %dma_start3A_81] : memref<4x64x128xf32, #tpu.memory_space<vmem>> -> memref<1x64x128xf32, #tpu.memory_space<vmem>>
      %dma_start3A_83 = tpu.memref_squeeze %dma_start3A_82 : memref<1x64x128xf32, #tpu.memory_space<vmem>> -> memref<64x128xf32, #tpu.memory_space<vmem>>
      tpu.enqueue_dma source(%dma_start3A_83 : memref<64x128xf32, #tpu.memory_space<vmem>>) target(%dma_start3A_79 : memref<64x128xf32, #tpu.memory_space<vmem_shared>>) target_semaphore(%run_scoped3A_72 : memref<!tpu.dma_semaphore, #tpu.memory_space<semaphore_mem>>)
      %dma_wait3A = arith.constant 0 : i32
      %dma_wait3A_84 = arith.constant 0 : i32
      %dma_wait3A_85 = tpu.memref_slice %arg9[%run_scoped3A_25, %dma_wait3A, %dma_wait3A_84] : memref<4x64x128xf32, #tpu.memory_space<vmem>> -> memref<1x64x128xf32, #tpu.memory_space<vmem>>
      %dma_wait3A_86 = tpu.memref_squeeze %dma_wait3A_85 : memref<1x64x128xf32, #tpu.memory_space<vmem>> -> memref<64x128xf32, #tpu.memory_space<vmem>>
      %dma_wait3A_87 = arith.constant 0 : i32
      %dma_wait3A_88 = tpu.memref_slice %arg6[%multiple_of3A_24, %dma_wait3A_87] : memref<10240x128xf32, #tpu.memory_space<vmem_shared>> -> memref<64x128xf32, #tpu.memory_space<vmem_shared>>
      %dma_wait3A_89 = arith.constant 0 : i32
      %dma_wait3A_90 = tpu.memref_slice %arg6[%multiple_of3A_24, %dma_wait3A_89] : memref<10240x128xf32, #tpu.memory_space<vmem_shared>> -> memref<64x128xf32, #tpu.memory_space<vmem_shared>>
      %dma_wait3A_91 = arith.constant 0 : i32
      %dma_wait3A_92 = arith.constant 0 : i32
      %dma_wait3A_93 = tpu.memref_slice %arg9[%run_scoped3A_25, %dma_wait3A_91, %dma_wait3A_92] : memref<4x64x128xf32, #tpu.memory_space<vmem>> -> memref<1x64x128xf32, #tpu.memory_space<vmem>>
      %dma_wait3A_94 = tpu.memref_squeeze %dma_wait3A_93 : memref<1x64x128xf32, #tpu.memory_space<vmem>> -> memref<64x128xf32, #tpu.memory_space<vmem>>
      tpu.wait_dma2 semaphore(%run_scoped3A_72 : memref<!tpu.dma_semaphore, #tpu.memory_space<semaphore_mem>>) src(%dma_wait3A_94 : memref<64x128xf32, #tpu.memory_space<vmem>>) dst(%dma_wait3A_90 : memref<64x128xf32, #tpu.memory_space<vmem_shared>>)
      tpu.yield
    }) : () -> ()
    %mul3A_26 = arith.constant 640 : i32
    %mul3A_27 = arith.muli %arg1, %mul3A_26 : i32
    %add3A_28 = arith.constant 256 : i32
    %add3A_29 = arith.addi %mul3A_27, %add3A_28 : i32
    %multiple_of3A_30 = tpu.assume_multiple %add3A_29, 8 : i32
    %run_scoped3A_31 = arith.constant 0 : i32
    "tpu.region"() ({
      %run_scoped3A_72 = tpu.sem_alloc : memref<!tpu.dma_semaphore, #tpu.memory_space<semaphore_mem>>
      %dma_start3A = arith.constant 0 : i32
      %dma_start3A_73 = arith.constant 0 : i32
      %dma_start3A_74 = tpu.memref_slice %arg9[%run_scoped3A_31, %dma_start3A, %dma_start3A_73] : memref<4x64x128xf32, #tpu.memory_space<vmem>> -> memref<1x64x128xf32, #tpu.memory_space<vmem>>
      %dma_start3A_75 = tpu.memref_squeeze %dma_start3A_74 : memref<1x64x128xf32, #tpu.memory_space<vmem>> -> memref<64x128xf32, #tpu.memory_space<vmem>>
      %dma_start3A_76 = arith.constant 0 : i32
      %dma_start3A_77 = tpu.memref_slice %arg6[%multiple_of3A_30, %dma_start3A_76] : memref<10240x128xf32, #tpu.memory_space<vmem_shared>> -> memref<64x128xf32, #tpu.memory_space<vmem_shared>>
      %dma_start3A_78 = arith.constant 0 : i32
      %dma_start3A_79 = tpu.memref_slice %arg6[%multiple_of3A_30, %dma_start3A_78] : memref<10240x128xf32, #tpu.memory_space<vmem_shared>> -> memref<64x128xf32, #tpu.memory_space<vmem_shared>>
      %dma_start3A_80 = arith.constant 0 : i32
      %dma_start3A_81 = arith.constant 0 : i32
      %dma_start3A_82 = tpu.memref_slice %arg9[%run_scoped3A_31, %dma_start3A_80, %dma_start3A_81] : memref<4x64x128xf32, #tpu.memory_space<vmem>> -> memref<1x64x128xf32, #tpu.memory_space<vmem>>
      %dma_start3A_83 = tpu.memref_squeeze %dma_start3A_82 : memref<1x64x128xf32, #tpu.memory_space<vmem>> -> memref<64x128xf32, #tpu.memory_space<vmem>>
      tpu.enqueue_dma source(%dma_start3A_83 : memref<64x128xf32, #tpu.memory_space<vmem>>) target(%dma_start3A_79 : memref<64x128xf32, #tpu.memory_space<vmem_shared>>) target_semaphore(%run_scoped3A_72 : memref<!tpu.dma_semaphore, #tpu.memory_space<semaphore_mem>>)
      %dma_wait3A = arith.constant 0 : i32
      %dma_wait3A_84 = arith.constant 0 : i32
      %dma_wait3A_85 = tpu.memref_slice %arg9[%run_scoped3A_31, %dma_wait3A, %dma_wait3A_84] : memref<4x64x128xf32, #tpu.memory_space<vmem>> -> memref<1x64x128xf32, #tpu.memory_space<vmem>>
      %dma_wait3A_86 = tpu.memref_squeeze %dma_wait3A_85 : memref<1x64x128xf32, #tpu.memory_space<vmem>> -> memref<64x128xf32, #tpu.memory_space<vmem>>
      %dma_wait3A_87 = arith.constant 0 : i32
      %dma_wait3A_88 = tpu.memref_slice %arg6[%multiple_of3A_30, %dma_wait3A_87] : memref<10240x128xf32, #tpu.memory_space<vmem_shared>> -> memref<64x128xf32, #tpu.memory_space<vmem_shared>>
      %dma_wait3A_89 = arith.constant 0 : i32
      %dma_wait3A_90 = tpu.memref_slice %arg6[%multiple_of3A_30, %dma_wait3A_89] : memref<10240x128xf32, #tpu.memory_space<vmem_shared>> -> memref<64x128xf32, #tpu.memory_space<vmem_shared>>
      %dma_wait3A_91 = arith.constant 0 : i32
      %dma_wait3A_92 = arith.constant 0 : i32
      %dma_wait3A_93 = tpu.memref_slice %arg9[%run_scoped3A_31, %dma_wait3A_91, %dma_wait3A_92] : memref<4x64x128xf32, #tpu.memory_space<vmem>> -> memref<1x64x128xf32, #tpu.memory_space<vmem>>
      %dma_wait3A_94 = tpu.memref_squeeze %dma_wait3A_93 : memref<1x64x128xf32, #tpu.memory_space<vmem>> -> memref<64x128xf32, #tpu.memory_space<vmem>>
      tpu.wait_dma2 semaphore(%run_scoped3A_72 : memref<!tpu.dma_semaphore, #tpu.memory_space<semaphore_mem>>) src(%dma_wait3A_94 : memref<64x128xf32, #tpu.memory_space<vmem>>) dst(%dma_wait3A_90 : memref<64x128xf32, #tpu.memory_space<vmem_shared>>)
      tpu.yield
    }) : () -> ()
    %mul3A_32 = arith.constant 640 : i32
    %mul3A_33 = arith.muli %arg1, %mul3A_32 : i32
    %add3A_34 = arith.constant 320 : i32
    %add3A_35 = arith.addi %mul3A_33, %add3A_34 : i32
    %multiple_of3A_36 = tpu.assume_multiple %add3A_35, 8 : i32
    %run_scoped3A_37 = arith.constant 0 : i32
    "tpu.region"() ({
      %run_scoped3A_72 = tpu.sem_alloc : memref<!tpu.dma_semaphore, #tpu.memory_space<semaphore_mem>>
      %dma_start3A = arith.constant 0 : i32
      %dma_start3A_73 = arith.constant 0 : i32
      %dma_start3A_74 = tpu.memref_slice %arg9[%run_scoped3A_37, %dma_start3A, %dma_start3A_73] : memref<4x64x128xf32, #tpu.memory_space<vmem>> -> memref<1x64x128xf32, #tpu.memory_space<vmem>>
      %dma_start3A_75 = tpu.memref_squeeze %dma_start3A_74 : memref<1x64x128xf32, #tpu.memory_space<vmem>> -> memref<64x128xf32, #tpu.memory_space<vmem>>
      %dma_start3A_76 = arith.constant 0 : i32
      %dma_start3A_77 = tpu.memref_slice %arg6[%multiple_of3A_36, %dma_start3A_76] : memref<10240x128xf32, #tpu.memory_space<vmem_shared>> -> memref<64x128xf32, #tpu.memory_space<vmem_shared>>
      %dma_start3A_78 = arith.constant 0 : i32
      %dma_start3A_79 = tpu.memref_slice %arg6[%multiple_of3A_36, %dma_start3A_78] : memref<10240x128xf32, #tpu.memory_space<vmem_shared>> -> memref<64x128xf32, #tpu.memory_space<vmem_shared>>
      %dma_start3A_80 = arith.constant 0 : i32
      %dma_start3A_81 = arith.constant 0 : i32
      %dma_start3A_82 = tpu.memref_slice %arg9[%run_scoped3A_37, %dma_start3A_80, %dma_start3A_81] : memref<4x64x128xf32, #tpu.memory_space<vmem>> -> memref<1x64x128xf32, #tpu.memory_space<vmem>>
      %dma_start3A_83 = tpu.memref_squeeze %dma_start3A_82 : memref<1x64x128xf32, #tpu.memory_space<vmem>> -> memref<64x128xf32, #tpu.memory_space<vmem>>
      tpu.enqueue_dma source(%dma_start3A_83 : memref<64x128xf32, #tpu.memory_space<vmem>>) target(%dma_start3A_79 : memref<64x128xf32, #tpu.memory_space<vmem_shared>>) target_semaphore(%run_scoped3A_72 : memref<!tpu.dma_semaphore, #tpu.memory_space<semaphore_mem>>)
      %dma_wait3A = arith.constant 0 : i32
      %dma_wait3A_84 = arith.constant 0 : i32
      %dma_wait3A_85 = tpu.memref_slice %arg9[%run_scoped3A_37, %dma_wait3A, %dma_wait3A_84] : memref<4x64x128xf32, #tpu.memory_space<vmem>> -> memref<1x64x128xf32, #tpu.memory_space<vmem>>
      %dma_wait3A_86 = tpu.memref_squeeze %dma_wait3A_85 : memref<1x64x128xf32, #tpu.memory_space<vmem>> -> memref<64x128xf32, #tpu.memory_space<vmem>>
      %dma_wait3A_87 = arith.constant 0 : i32
      %dma_wait3A_88 = tpu.memref_slice %arg6[%multiple_of3A_36, %dma_wait3A_87] : memref<10240x128xf32, #tpu.memory_space<vmem_shared>> -> memref<64x128xf32, #tpu.memory_space<vmem_shared>>
      %dma_wait3A_89 = arith.constant 0 : i32
      %dma_wait3A_90 = tpu.memref_slice %arg6[%multiple_of3A_36, %dma_wait3A_89] : memref<10240x128xf32, #tpu.memory_space<vmem_shared>> -> memref<64x128xf32, #tpu.memory_space<vmem_shared>>
      %dma_wait3A_91 = arith.constant 0 : i32
      %dma_wait3A_92 = arith.constant 0 : i32
      %dma_wait3A_93 = tpu.memref_slice %arg9[%run_scoped3A_37, %dma_wait3A_91, %dma_wait3A_92] : memref<4x64x128xf32, #tpu.memory_space<vmem>> -> memref<1x64x128xf32, #tpu.memory_space<vmem>>
      %dma_wait3A_94 = tpu.memref_squeeze %dma_wait3A_93 : memref<1x64x128xf32, #tpu.memory_space<vmem>> -> memref<64x128xf32, #tpu.memory_space<vmem>>
      tpu.wait_dma2 semaphore(%run_scoped3A_72 : memref<!tpu.dma_semaphore, #tpu.memory_space<semaphore_mem>>) src(%dma_wait3A_94 : memref<64x128xf32, #tpu.memory_space<vmem>>) dst(%dma_wait3A_90 : memref<64x128xf32, #tpu.memory_space<vmem_shared>>)
      tpu.yield
    }) : () -> ()
    %mul3A_38 = arith.constant 640 : i32
    %mul3A_39 = arith.muli %arg1, %mul3A_38 : i32
    %add3A_40 = arith.constant 384 : i32
    %add3A_41 = arith.addi %mul3A_39, %add3A_40 : i32
    %multiple_of3A_42 = tpu.assume_multiple %add3A_41, 8 : i32
    %run_scoped3A_43 = arith.constant 0 : i32
    "tpu.region"() ({
      %run_scoped3A_72 = tpu.sem_alloc : memref<!tpu.dma_semaphore, #tpu.memory_space<semaphore_mem>>
      %dma_start3A = arith.constant 0 : i32
      %dma_start3A_73 = arith.constant 0 : i32
      %dma_start3A_74 = tpu.memref_slice %arg9[%run_scoped3A_43, %dma_start3A, %dma_start3A_73] : memref<4x64x128xf32, #tpu.memory_space<vmem>> -> memref<1x64x128xf32, #tpu.memory_space<vmem>>
      %dma_start3A_75 = tpu.memref_squeeze %dma_start3A_74 : memref<1x64x128xf32, #tpu.memory_space<vmem>> -> memref<64x128xf32, #tpu.memory_space<vmem>>
      %dma_start3A_76 = arith.constant 0 : i32
      %dma_start3A_77 = tpu.memref_slice %arg6[%multiple_of3A_42, %dma_start3A_76] : memref<10240x128xf32, #tpu.memory_space<vmem_shared>> -> memref<64x128xf32, #tpu.memory_space<vmem_shared>>
      %dma_start3A_78 = arith.constant 0 : i32
      %dma_start3A_79 = tpu.memref_slice %arg6[%multiple_of3A_42, %dma_start3A_78] : memref<10240x128xf32, #tpu.memory_space<vmem_shared>> -> memref<64x128xf32, #tpu.memory_space<vmem_shared>>
      %dma_start3A_80 = arith.constant 0 : i32
      %dma_start3A_81 = arith.constant 0 : i32
      %dma_start3A_82 = tpu.memref_slice %arg9[%run_scoped3A_43, %dma_start3A_80, %dma_start3A_81] : memref<4x64x128xf32, #tpu.memory_space<vmem>> -> memref<1x64x128xf32, #tpu.memory_space<vmem>>
      %dma_start3A_83 = tpu.memref_squeeze %dma_start3A_82 : memref<1x64x128xf32, #tpu.memory_space<vmem>> -> memref<64x128xf32, #tpu.memory_space<vmem>>
      tpu.enqueue_dma source(%dma_start3A_83 : memref<64x128xf32, #tpu.memory_space<vmem>>) target(%dma_start3A_79 : memref<64x128xf32, #tpu.memory_space<vmem_shared>>) target_semaphore(%run_scoped3A_72 : memref<!tpu.dma_semaphore, #tpu.memory_space<semaphore_mem>>)
      %dma_wait3A = arith.constant 0 : i32
      %dma_wait3A_84 = arith.constant 0 : i32
      %dma_wait3A_85 = tpu.memref_slice %arg9[%run_scoped3A_43, %dma_wait3A, %dma_wait3A_84] : memref<4x64x128xf32, #tpu.memory_space<vmem>> -> memref<1x64x128xf32, #tpu.memory_space<vmem>>
      %dma_wait3A_86 = tpu.memref_squeeze %dma_wait3A_85 : memref<1x64x128xf32, #tpu.memory_space<vmem>> -> memref<64x128xf32, #tpu.memory_space<vmem>>
      %dma_wait3A_87 = arith.constant 0 : i32
      %dma_wait3A_88 = tpu.memref_slice %arg6[%multiple_of3A_42, %dma_wait3A_87] : memref<10240x128xf32, #tpu.memory_space<vmem_shared>> -> memref<64x128xf32, #tpu.memory_space<vmem_shared>>
      %dma_wait3A_89 = arith.constant 0 : i32
      %dma_wait3A_90 = tpu.memref_slice %arg6[%multiple_of3A_42, %dma_wait3A_89] : memref<10240x128xf32, #tpu.memory_space<vmem_shared>> -> memref<64x128xf32, #tpu.memory_space<vmem_shared>>
      %dma_wait3A_91 = arith.constant 0 : i32
      %dma_wait3A_92 = arith.constant 0 : i32
      %dma_wait3A_93 = tpu.memref_slice %arg9[%run_scoped3A_43, %dma_wait3A_91, %dma_wait3A_92] : memref<4x64x128xf32, #tpu.memory_space<vmem>> -> memref<1x64x128xf32, #tpu.memory_space<vmem>>
      %dma_wait3A_94 = tpu.memref_squeeze %dma_wait3A_93 : memref<1x64x128xf32, #tpu.memory_space<vmem>> -> memref<64x128xf32, #tpu.memory_space<vmem>>
      tpu.wait_dma2 semaphore(%run_scoped3A_72 : memref<!tpu.dma_semaphore, #tpu.memory_space<semaphore_mem>>) src(%dma_wait3A_94 : memref<64x128xf32, #tpu.memory_space<vmem>>) dst(%dma_wait3A_90 : memref<64x128xf32, #tpu.memory_space<vmem_shared>>)
      tpu.yield
    }) : () -> ()
    %mul3A_44 = arith.constant 640 : i32
    %mul3A_45 = arith.muli %arg1, %mul3A_44 : i32
    %add3A_46 = arith.constant 448 : i32
    %add3A_47 = arith.addi %mul3A_45, %add3A_46 : i32
    %multiple_of3A_48 = tpu.assume_multiple %add3A_47, 8 : i32
    %run_scoped3A_49 = arith.constant 0 : i32
    "tpu.region"() ({
      %run_scoped3A_72 = tpu.sem_alloc : memref<!tpu.dma_semaphore, #tpu.memory_space<semaphore_mem>>
      %dma_start3A = arith.constant 0 : i32
      %dma_start3A_73 = arith.constant 0 : i32
      %dma_start3A_74 = tpu.memref_slice %arg9[%run_scoped3A_49, %dma_start3A, %dma_start3A_73] : memref<4x64x128xf32, #tpu.memory_space<vmem>> -> memref<1x64x128xf32, #tpu.memory_space<vmem>>
      %dma_start3A_75 = tpu.memref_squeeze %dma_start3A_74 : memref<1x64x128xf32, #tpu.memory_space<vmem>> -> memref<64x128xf32, #tpu.memory_space<vmem>>
      %dma_start3A_76 = arith.constant 0 : i32
      %dma_start3A_77 = tpu.memref_slice %arg6[%multiple_of3A_48, %dma_start3A_76] : memref<10240x128xf32, #tpu.memory_space<vmem_shared>> -> memref<64x128xf32, #tpu.memory_space<vmem_shared>>
      %dma_start3A_78 = arith.constant 0 : i32
      %dma_start3A_79 = tpu.memref_slice %arg6[%multiple_of3A_48, %dma_start3A_78] : memref<10240x128xf32, #tpu.memory_space<vmem_shared>> -> memref<64x128xf32, #tpu.memory_space<vmem_shared>>
      %dma_start3A_80 = arith.constant 0 : i32
      %dma_start3A_81 = arith.constant 0 : i32
      %dma_start3A_82 = tpu.memref_slice %arg9[%run_scoped3A_49, %dma_start3A_80, %dma_start3A_81] : memref<4x64x128xf32, #tpu.memory_space<vmem>> -> memref<1x64x128xf32, #tpu.memory_space<vmem>>
      %dma_start3A_83 = tpu.memref_squeeze %dma_start3A_82 : memref<1x64x128xf32, #tpu.memory_space<vmem>> -> memref<64x128xf32, #tpu.memory_space<vmem>>
      tpu.enqueue_dma source(%dma_start3A_83 : memref<64x128xf32, #tpu.memory_space<vmem>>) target(%dma_start3A_79 : memref<64x128xf32, #tpu.memory_space<vmem_shared>>) target_semaphore(%run_scoped3A_72 : memref<!tpu.dma_semaphore, #tpu.memory_space<semaphore_mem>>)
      %dma_wait3A = arith.constant 0 : i32
      %dma_wait3A_84 = arith.constant 0 : i32
      %dma_wait3A_85 = tpu.memref_slice %arg9[%run_scoped3A_49, %dma_wait3A, %dma_wait3A_84] : memref<4x64x128xf32, #tpu.memory_space<vmem>> -> memref<1x64x128xf32, #tpu.memory_space<vmem>>
      %dma_wait3A_86 = tpu.memref_squeeze %dma_wait3A_85 : memref<1x64x128xf32, #tpu.memory_space<vmem>> -> memref<64x128xf32, #tpu.memory_space<vmem>>
      %dma_wait3A_87 = arith.constant 0 : i32
      %dma_wait3A_88 = tpu.memref_slice %arg6[%multiple_of3A_48, %dma_wait3A_87] : memref<10240x128xf32, #tpu.memory_space<vmem_shared>> -> memref<64x128xf32, #tpu.memory_space<vmem_shared>>
      %dma_wait3A_89 = arith.constant 0 : i32
      %dma_wait3A_90 = tpu.memref_slice %arg6[%multiple_of3A_48, %dma_wait3A_89] : memref<10240x128xf32, #tpu.memory_space<vmem_shared>> -> memref<64x128xf32, #tpu.memory_space<vmem_shared>>
      %dma_wait3A_91 = arith.constant 0 : i32
      %dma_wait3A_92 = arith.constant 0 : i32
      %dma_wait3A_93 = tpu.memref_slice %arg9[%run_scoped3A_49, %dma_wait3A_91, %dma_wait3A_92] : memref<4x64x128xf32, #tpu.memory_space<vmem>> -> memref<1x64x128xf32, #tpu.memory_space<vmem>>
      %dma_wait3A_94 = tpu.memref_squeeze %dma_wait3A_93 : memref<1x64x128xf32, #tpu.memory_space<vmem>> -> memref<64x128xf32, #tpu.memory_space<vmem>>
      tpu.wait_dma2 semaphore(%run_scoped3A_72 : memref<!tpu.dma_semaphore, #tpu.memory_space<semaphore_mem>>) src(%dma_wait3A_94 : memref<64x128xf32, #tpu.memory_space<vmem>>) dst(%dma_wait3A_90 : memref<64x128xf32, #tpu.memory_space<vmem_shared>>)
      tpu.yield
    }) : () -> ()
    %mul3A_50 = arith.constant 640 : i32
    %mul3A_51 = arith.muli %arg1, %mul3A_50 : i32
    %add3A_52 = arith.constant 512 : i32
    %add3A_53 = arith.addi %mul3A_51, %add3A_52 : i32
    %multiple_of3A_54 = tpu.assume_multiple %add3A_53, 8 : i32
    %run_scoped3A_55 = arith.constant 0 : i32
    "tpu.region"() ({
      %run_scoped3A_72 = tpu.sem_alloc : memref<!tpu.dma_semaphore, #tpu.memory_space<semaphore_mem>>
      %dma_start3A = arith.constant 0 : i32
      %dma_start3A_73 = arith.constant 0 : i32
      %dma_start3A_74 = tpu.memref_slice %arg9[%run_scoped3A_55, %dma_start3A, %dma_start3A_73] : memref<4x64x128xf32, #tpu.memory_space<vmem>> -> memref<1x64x128xf32, #tpu.memory_space<vmem>>
      %dma_start3A_75 = tpu.memref_squeeze %dma_start3A_74 : memref<1x64x128xf32, #tpu.memory_space<vmem>> -> memref<64x128xf32, #tpu.memory_space<vmem>>
      %dma_start3A_76 = arith.constant 0 : i32
      %dma_start3A_77 = tpu.memref_slice %arg6[%multiple_of3A_54, %dma_start3A_76] : memref<10240x128xf32, #tpu.memory_space<vmem_shared>> -> memref<64x128xf32, #tpu.memory_space<vmem_shared>>
      %dma_start3A_78 = arith.constant 0 : i32
      %dma_start3A_79 = tpu.memref_slice %arg6[%multiple_of3A_54, %dma_start3A_78] : memref<10240x128xf32, #tpu.memory_space<vmem_shared>> -> memref<64x128xf32, #tpu.memory_space<vmem_shared>>
      %dma_start3A_80 = arith.constant 0 : i32
      %dma_start3A_81 = arith.constant 0 : i32
      %dma_start3A_82 = tpu.memref_slice %arg9[%run_scoped3A_55, %dma_start3A_80, %dma_start3A_81] : memref<4x64x128xf32, #tpu.memory_space<vmem>> -> memref<1x64x128xf32, #tpu.memory_space<vmem>>
      %dma_start3A_83 = tpu.memref_squeeze %dma_start3A_82 : memref<1x64x128xf32, #tpu.memory_space<vmem>> -> memref<64x128xf32, #tpu.memory_space<vmem>>
      tpu.enqueue_dma source(%dma_start3A_83 : memref<64x128xf32, #tpu.memory_space<vmem>>) target(%dma_start3A_79 : memref<64x128xf32, #tpu.memory_space<vmem_shared>>) target_semaphore(%run_scoped3A_72 : memref<!tpu.dma_semaphore, #tpu.memory_space<semaphore_mem>>)
      %dma_wait3A = arith.constant 0 : i32
      %dma_wait3A_84 = arith.constant 0 : i32
      %dma_wait3A_85 = tpu.memref_slice %arg9[%run_scoped3A_55, %dma_wait3A, %dma_wait3A_84] : memref<4x64x128xf32, #tpu.memory_space<vmem>> -> memref<1x64x128xf32, #tpu.memory_space<vmem>>
      %dma_wait3A_86 = tpu.memref_squeeze %dma_wait3A_85 : memref<1x64x128xf32, #tpu.memory_space<vmem>> -> memref<64x128xf32, #tpu.memory_space<vmem>>
      %dma_wait3A_87 = arith.constant 0 : i32
      %dma_wait3A_88 = tpu.memref_slice %arg6[%multiple_of3A_54, %dma_wait3A_87] : memref<10240x128xf32, #tpu.memory_space<vmem_shared>> -> memref<64x128xf32, #tpu.memory_space<vmem_shared>>
      %dma_wait3A_89 = arith.constant 0 : i32
      %dma_wait3A_90 = tpu.memref_slice %arg6[%multiple_of3A_54, %dma_wait3A_89] : memref<10240x128xf32, #tpu.memory_space<vmem_shared>> -> memref<64x128xf32, #tpu.memory_space<vmem_shared>>
      %dma_wait3A_91 = arith.constant 0 : i32
      %dma_wait3A_92 = arith.constant 0 : i32
      %dma_wait3A_93 = tpu.memref_slice %arg9[%run_scoped3A_55, %dma_wait3A_91, %dma_wait3A_92] : memref<4x64x128xf32, #tpu.memory_space<vmem>> -> memref<1x64x128xf32, #tpu.memory_space<vmem>>
      %dma_wait3A_94 = tpu.memref_squeeze %dma_wait3A_93 : memref<1x64x128xf32, #tpu.memory_space<vmem>> -> memref<64x128xf32, #tpu.memory_space<vmem>>
      tpu.wait_dma2 semaphore(%run_scoped3A_72 : memref<!tpu.dma_semaphore, #tpu.memory_space<semaphore_mem>>) src(%dma_wait3A_94 : memref<64x128xf32, #tpu.memory_space<vmem>>) dst(%dma_wait3A_90 : memref<64x128xf32, #tpu.memory_space<vmem_shared>>)
      tpu.yield
    }) : () -> ()
    %mul3A_56 = arith.constant 640 : i32
    %mul3A_57 = arith.muli %arg1, %mul3A_56 : i32
    %add3A_58 = arith.constant 576 : i32
    %add3A_59 = arith.addi %mul3A_57, %add3A_58 : i32
    %multiple_of3A_60 = tpu.assume_multiple %add3A_59, 8 : i32
    %run_scoped3A_61 = arith.constant 0 : i32
    "tpu.region"() ({
      %run_scoped3A_72 = tpu.sem_alloc : memref<!tpu.dma_semaphore, #tpu.memory_space<semaphore_mem>>
      %dma_start3A = arith.constant 0 : i32
      %dma_start3A_73 = arith.constant 0 : i32
      %dma_start3A_74 = tpu.memref_slice %arg9[%run_scoped3A_61, %dma_start3A, %dma_start3A_73] : memref<4x64x128xf32, #tpu.memory_space<vmem>> -> memref<1x64x128xf32, #tpu.memory_space<vmem>>
      %dma_start3A_75 = tpu.memref_squeeze %dma_start3A_74 : memref<1x64x128xf32, #tpu.memory_space<vmem>> -> memref<64x128xf32, #tpu.memory_space<vmem>>
      %dma_start3A_76 = arith.constant 0 : i32
      %dma_start3A_77 = tpu.memref_slice %arg6[%multiple_of3A_60, %dma_start3A_76] : memref<10240x128xf32, #tpu.memory_space<vmem_shared>> -> memref<64x128xf32, #tpu.memory_space<vmem_shared>>
      %dma_start3A_78 = arith.constant 0 : i32
      %dma_start3A_79 = tpu.memref_slice %arg6[%multiple_of3A_60, %dma_start3A_78] : memref<10240x128xf32, #tpu.memory_space<vmem_shared>> -> memref<64x128xf32, #tpu.memory_space<vmem_shared>>
      %dma_start3A_80 = arith.constant 0 : i32
      %dma_start3A_81 = arith.constant 0 : i32
      %dma_start3A_82 = tpu.memref_slice %arg9[%run_scoped3A_61, %dma_start3A_80, %dma_start3A_81] : memref<4x64x128xf32, #tpu.memory_space<vmem>> -> memref<1x64x128xf32, #tpu.memory_space<vmem>>
      %dma_start3A_83 = tpu.memref_squeeze %dma_start3A_82 : memref<1x64x128xf32, #tpu.memory_space<vmem>> -> memref<64x128xf32, #tpu.memory_space<vmem>>
      tpu.enqueue_dma source(%dma_start3A_83 : memref<64x128xf32, #tpu.memory_space<vmem>>) target(%dma_start3A_79 : memref<64x128xf32, #tpu.memory_space<vmem_shared>>) target_semaphore(%run_scoped3A_72 : memref<!tpu.dma_semaphore, #tpu.memory_space<semaphore_mem>>)
      %dma_wait3A = arith.constant 0 : i32
      %dma_wait3A_84 = arith.constant 0 : i32
      %dma_wait3A_85 = tpu.memref_slice %arg9[%run_scoped3A_61, %dma_wait3A, %dma_wait3A_84] : memref<4x64x128xf32, #tpu.memory_space<vmem>> -> memref<1x64x128xf32, #tpu.memory_space<vmem>>
      %dma_wait3A_86 = tpu.memref_squeeze %dma_wait3A_85 : memref<1x64x128xf32, #tpu.memory_space<vmem>> -> memref<64x128xf32, #tpu.memory_space<vmem>>
      %dma_wait3A_87 = arith.constant 0 : i32
      %dma_wait3A_88 = tpu.memref_slice %arg6[%multiple_of3A_60, %dma_wait3A_87] : memref<10240x128xf32, #tpu.memory_space<vmem_shared>> -> memref<64x128xf32, #tpu.memory_space<vmem_shared>>
      %dma_wait3A_89 = arith.constant 0 : i32
      %dma_wait3A_90 = tpu.memref_slice %arg6[%multiple_of3A_60, %dma_wait3A_89] : memref<10240x128xf32, #tpu.memory_space<vmem_shared>> -> memref<64x128xf32, #tpu.memory_space<vmem_shared>>
      %dma_wait3A_91 = arith.constant 0 : i32
      %dma_wait3A_92 = arith.constant 0 : i32
      %dma_wait3A_93 = tpu.memref_slice %arg9[%run_scoped3A_61, %dma_wait3A_91, %dma_wait3A_92] : memref<4x64x128xf32, #tpu.memory_space<vmem>> -> memref<1x64x128xf32, #tpu.memory_space<vmem>>
      %dma_wait3A_94 = tpu.memref_squeeze %dma_wait3A_93 : memref<1x64x128xf32, #tpu.memory_space<vmem>> -> memref<64x128xf32, #tpu.memory_space<vmem>>
      tpu.wait_dma2 semaphore(%run_scoped3A_72 : memref<!tpu.dma_semaphore, #tpu.memory_space<semaphore_mem>>) src(%dma_wait3A_94 : memref<64x128xf32, #tpu.memory_space<vmem>>) dst(%dma_wait3A_90 : memref<64x128xf32, #tpu.memory_space<vmem_shared>>)
      tpu.yield
    }) : () -> ()
    %barrier3A = arith.constant 0 : index
    tpu.barrier barrier_id(%barrier3A)
    %scan3A_62 = arith.constant 0 : i32
    %scan3A_63 = arith.constant 0 : i32
    %scan3A_64 = arith.constant 4 : i32
    %scan3A_65 = arith.addi %scan3A_63, %scan3A_64 : i32
    %scan3A_66 = arith.constant 1 : i32
    scf.for %scan3A_72 = %scan3A_63 to %scan3A_65 step %scan3A_66  : i32 {
      %mul3A_73 = arith.constant 16 : i32
      %mul3A_74 = arith.muli %arg0, %mul3A_73 : i32
      %add3A_75 = arith.addi %mul3A_74, %arg1 : i32
      "tpu.region"() ({
        %run_scoped3A_272 = tpu.sem_alloc : memref<!tpu.dma_semaphore, #tpu.memory_space<semaphore_mem>>
        %dma_start3A_273 = arith.constant 0 : i32
        %dma_start3A_274 = arith.constant 0 : i32
        %dma_start3A_275 = tpu.memref_slice %arg3[%add3A_75, %scan3A_72, %dma_start3A_273, %dma_start3A_274] : memref<32x4x40x64xi32, #tpu.memory_space<hbm>> -> memref<1x1x40x64xi32, #tpu.memory_space<hbm>>
        %dma_start3A_276 = tpu.memref_squeeze %dma_start3A_275 : memref<1x1x40x64xi32, #tpu.memory_space<hbm>> -> memref<40x64xi32, #tpu.memory_space<hbm>>
        %dma_start3A_277 = arith.constant 0 : i32
        %dma_start3A_278 = arith.constant 0 : i32
        %dma_start3A_279 = tpu.memref_slice %arg3[%add3A_75, %scan3A_72, %dma_start3A_277, %dma_start3A_278] : memref<32x4x40x64xi32, #tpu.memory_space<hbm>> -> memref<1x1x40x64xi32, #tpu.memory_space<hbm>>
        %dma_start3A_280 = tpu.memref_squeeze %dma_start3A_279 : memref<1x1x40x64xi32, #tpu.memory_space<hbm>> -> memref<40x64xi32, #tpu.memory_space<hbm>>
        tpu.enqueue_dma source(%dma_start3A_280 : memref<40x64xi32, #tpu.memory_space<hbm>>) target(%arg7 : memref<40x64xi32, #tpu.memory_space<vmem>>) target_semaphore(%run_scoped3A_272 : memref<!tpu.dma_semaphore, #tpu.memory_space<semaphore_mem>>)
        %dma_wait3A_281 = arith.constant 0 : i32
        %dma_wait3A_282 = arith.constant 0 : i32
        %dma_wait3A_283 = tpu.memref_slice %arg3[%add3A_75, %scan3A_72, %dma_wait3A_281, %dma_wait3A_282] : memref<32x4x40x64xi32, #tpu.memory_space<hbm>> -> memref<1x1x40x64xi32, #tpu.memory_space<hbm>>
        %dma_wait3A_284 = tpu.memref_squeeze %dma_wait3A_283 : memref<1x1x40x64xi32, #tpu.memory_space<hbm>> -> memref<40x64xi32, #tpu.memory_space<hbm>>
        %dma_wait3A_285 = arith.constant 0 : i32
        %dma_wait3A_286 = arith.constant 0 : i32
        %dma_wait3A_287 = tpu.memref_slice %arg3[%add3A_75, %scan3A_72, %dma_wait3A_285, %dma_wait3A_286] : memref<32x4x40x64xi32, #tpu.memory_space<hbm>> -> memref<1x1x40x64xi32, #tpu.memory_space<hbm>>
        %dma_wait3A_288 = tpu.memref_squeeze %dma_wait3A_287 : memref<1x1x40x64xi32, #tpu.memory_space<hbm>> -> memref<40x64xi32, #tpu.memory_space<hbm>>
        tpu.wait_dma2 semaphore(%run_scoped3A_272 : memref<!tpu.dma_semaphore, #tpu.memory_space<semaphore_mem>>) src(%dma_wait3A_288 : memref<40x64xi32, #tpu.memory_space<hbm>>) dst(%arg7 : memref<40x64xi32, #tpu.memory_space<vmem>>)
        tpu.yield
      }) : () -> ()
      "tpu.region"() ({
        %run_scoped3A_272 = tpu.sem_alloc : memref<!tpu.dma_semaphore, #tpu.memory_space<semaphore_mem>>
        %dma_start3A_273 = arith.constant 0 : i32
        %dma_start3A_274 = arith.constant 0 : i32
        %dma_start3A_275 = tpu.memref_slice %arg4[%arg1, %scan3A_72, %dma_start3A_273, %dma_start3A_274] : memref<16x4x40x64xi32, #tpu.memory_space<hbm>> -> memref<1x1x40x64xi32, #tpu.memory_space<hbm>>
        %dma_start3A_276 = tpu.memref_squeeze %dma_start3A_275 : memref<1x1x40x64xi32, #tpu.memory_space<hbm>> -> memref<40x64xi32, #tpu.memory_space<hbm>>
        %dma_start3A_277 = arith.constant 0 : i32
        %dma_start3A_278 = arith.constant 0 : i32
        %dma_start3A_279 = tpu.memref_slice %arg4[%arg1, %scan3A_72, %dma_start3A_277, %dma_start3A_278] : memref<16x4x40x64xi32, #tpu.memory_space<hbm>> -> memref<1x1x40x64xi32, #tpu.memory_space<hbm>>
        %dma_start3A_280 = tpu.memref_squeeze %dma_start3A_279 : memref<1x1x40x64xi32, #tpu.memory_space<hbm>> -> memref<40x64xi32, #tpu.memory_space<hbm>>
        tpu.enqueue_dma source(%dma_start3A_280 : memref<40x64xi32, #tpu.memory_space<hbm>>) target(%arg8 : memref<40x64xi32, #tpu.memory_space<vmem>>) target_semaphore(%run_scoped3A_272 : memref<!tpu.dma_semaphore, #tpu.memory_space<semaphore_mem>>)
        %dma_wait3A_281 = arith.constant 0 : i32
        %dma_wait3A_282 = arith.constant 0 : i32
        %dma_wait3A_283 = tpu.memref_slice %arg4[%arg1, %scan3A_72, %dma_wait3A_281, %dma_wait3A_282] : memref<16x4x40x64xi32, #tpu.memory_space<hbm>> -> memref<1x1x40x64xi32, #tpu.memory_space<hbm>>
        %dma_wait3A_284 = tpu.memref_squeeze %dma_wait3A_283 : memref<1x1x40x64xi32, #tpu.memory_space<hbm>> -> memref<40x64xi32, #tpu.memory_space<hbm>>
        %dma_wait3A_285 = arith.constant 0 : i32
        %dma_wait3A_286 = arith.constant 0 : i32
        %dma_wait3A_287 = tpu.memref_slice %arg4[%arg1, %scan3A_72, %dma_wait3A_285, %dma_wait3A_286] : memref<16x4x40x64xi32, #tpu.memory_space<hbm>> -> memref<1x1x40x64xi32, #tpu.memory_space<hbm>>
        %dma_wait3A_288 = tpu.memref_squeeze %dma_wait3A_287 : memref<1x1x40x64xi32, #tpu.memory_space<hbm>> -> memref<40x64xi32, #tpu.memory_space<hbm>>
        tpu.wait_dma2 semaphore(%run_scoped3A_272 : memref<!tpu.dma_semaphore, #tpu.memory_space<semaphore_mem>>) src(%dma_wait3A_288 : memref<40x64xi32, #tpu.memory_space<hbm>>) dst(%arg8 : memref<40x64xi32, #tpu.memory_space<vmem>>)
        tpu.yield
      }) : () -> ()
      %dma_start3A = arith.constant 0 : i32
      %dma_start3A_76 = arith.constant 0 : i32
      %dma_start3A_77 = arith.constant 0 : i32
      %dma_start3A_78 = arith.constant 0 : i32
      %dma_start3A_79 = tpu.memref_slice %arg9[%dma_start3A_76, %dma_start3A_77, %dma_start3A_78] : memref<4x64x128xf32, #tpu.memory_space<vmem>> -> memref<1x64x128xf32, #tpu.memory_space<vmem>>
      %dma_start3A_80 = tpu.memref_squeeze %dma_start3A_79 : memref<1x64x128xf32, #tpu.memory_space<vmem>> -> memref<64x128xf32, #tpu.memory_space<vmem>>
      %dma_start3A_81 = arith.constant 0 : i32
      %dma_start3A_82 = tpu.memref_slice %arg7[%dma_start3A, %dma_start3A_81] : memref<40x64xi32, #tpu.memory_space<vmem>> -> memref<1x64xi32, #tpu.memory_space<vmem>>
      %dma_start3A_83 = tpu.memref_squeeze %dma_start3A_82 : memref<1x64xi32, #tpu.memory_space<vmem>> -> memref<64xi32, #tpu.memory_space<vmem>>
      %dma_start3A_84 = arith.constant 0 : i32
      %dma_start3A_85 = arith.constant 0 : i32
      %dma_start3A_86 = tpu.memref_slice %arg2[%dma_start3A_84, %dma_start3A_85] : memref<20480x128xf32, #tpu.memory_space<hbm>> -> memref<20480x128xf32, #tpu.memory_space<hbm>>
      tpu.enqueue_indirect_dma source(%dma_start3A_86 : memref<20480x128xf32, #tpu.memory_space<hbm>>) target(%dma_start3A_80 : memref<64x128xf32, #tpu.memory_space<vmem>>) offsets(%dma_start3A_83 : memref<64xi32, #tpu.memory_space<vmem>>) semaphore(%arg10 : memref<!tpu.dma_semaphore, #tpu.memory_space<semaphore_mem>>)
      %dma_start3A_87 = arith.constant 1 : i32
      %dma_start3A_88 = arith.constant 1 : i32
      %dma_start3A_89 = arith.constant 0 : i32
      %dma_start3A_90 = arith.constant 0 : i32
      %dma_start3A_91 = tpu.memref_slice %arg9[%dma_start3A_88, %dma_start3A_89, %dma_start3A_90] : memref<4x64x128xf32, #tpu.memory_space<vmem>> -> memref<1x64x128xf32, #tpu.memory_space<vmem>>
      %dma_start3A_92 = tpu.memref_squeeze %dma_start3A_91 : memref<1x64x128xf32, #tpu.memory_space<vmem>> -> memref<64x128xf32, #tpu.memory_space<vmem>>
      %dma_start3A_93 = arith.constant 0 : i32
      %dma_start3A_94 = tpu.memref_slice %arg7[%dma_start3A_87, %dma_start3A_93] : memref<40x64xi32, #tpu.memory_space<vmem>> -> memref<1x64xi32, #tpu.memory_space<vmem>>
      %dma_start3A_95 = tpu.memref_squeeze %dma_start3A_94 : memref<1x64xi32, #tpu.memory_space<vmem>> -> memref<64xi32, #tpu.memory_space<vmem>>
      %dma_start3A_96 = arith.constant 0 : i32
      %dma_start3A_97 = arith.constant 0 : i32
      %dma_start3A_98 = tpu.memref_slice %arg2[%dma_start3A_96, %dma_start3A_97] : memref<20480x128xf32, #tpu.memory_space<hbm>> -> memref<20480x128xf32, #tpu.memory_space<hbm>>
      tpu.enqueue_indirect_dma source(%dma_start3A_98 : memref<20480x128xf32, #tpu.memory_space<hbm>>) target(%dma_start3A_92 : memref<64x128xf32, #tpu.memory_space<vmem>>) offsets(%dma_start3A_95 : memref<64xi32, #tpu.memory_space<vmem>>) semaphore(%arg11 : memref<!tpu.dma_semaphore, #tpu.memory_space<semaphore_mem>>)
      %dma_start3A_99 = arith.constant 2 : i32
      %dma_start3A_100 = arith.constant 2 : i32
      %dma_start3A_101 = arith.constant 0 : i32
      %dma_start3A_102 = arith.constant 0 : i32
      %dma_start3A_103 = tpu.memref_slice %arg9[%dma_start3A_100, %dma_start3A_101, %dma_start3A_102] : memref<4x64x128xf32, #tpu.memory_space<vmem>> -> memref<1x64x128xf32, #tpu.memory_space<vmem>>
      %dma_start3A_104 = tpu.memref_squeeze %dma_start3A_103 : memref<1x64x128xf32, #tpu.memory_space<vmem>> -> memref<64x128xf32, #tpu.memory_space<vmem>>
      %dma_start3A_105 = arith.constant 0 : i32
      %dma_start3A_106 = tpu.memref_slice %arg7[%dma_start3A_99, %dma_start3A_105] : memref<40x64xi32, #tpu.memory_space<vmem>> -> memref<1x64xi32, #tpu.memory_space<vmem>>
      %dma_start3A_107 = tpu.memref_squeeze %dma_start3A_106 : memref<1x64xi32, #tpu.memory_space<vmem>> -> memref<64xi32, #tpu.memory_space<vmem>>
      %dma_start3A_108 = arith.constant 0 : i32
      %dma_start3A_109 = arith.constant 0 : i32
      %dma_start3A_110 = tpu.memref_slice %arg2[%dma_start3A_108, %dma_start3A_109] : memref<20480x128xf32, #tpu.memory_space<hbm>> -> memref<20480x128xf32, #tpu.memory_space<hbm>>
      tpu.enqueue_indirect_dma source(%dma_start3A_110 : memref<20480x128xf32, #tpu.memory_space<hbm>>) target(%dma_start3A_104 : memref<64x128xf32, #tpu.memory_space<vmem>>) offsets(%dma_start3A_107 : memref<64xi32, #tpu.memory_space<vmem>>) semaphore(%arg12 : memref<!tpu.dma_semaphore, #tpu.memory_space<semaphore_mem>>)
      %dma_start3A_111 = arith.constant 3 : i32
      %dma_start3A_112 = arith.constant 3 : i32
      %dma_start3A_113 = arith.constant 0 : i32
      %dma_start3A_114 = arith.constant 0 : i32
      %dma_start3A_115 = tpu.memref_slice %arg9[%dma_start3A_112, %dma_start3A_113, %dma_start3A_114] : memref<4x64x128xf32, #tpu.memory_space<vmem>> -> memref<1x64x128xf32, #tpu.memory_space<vmem>>
      %dma_start3A_116 = tpu.memref_squeeze %dma_start3A_115 : memref<1x64x128xf32, #tpu.memory_space<vmem>> -> memref<64x128xf32, #tpu.memory_space<vmem>>
      %dma_start3A_117 = arith.constant 0 : i32
      %dma_start3A_118 = tpu.memref_slice %arg7[%dma_start3A_111, %dma_start3A_117] : memref<40x64xi32, #tpu.memory_space<vmem>> -> memref<1x64xi32, #tpu.memory_space<vmem>>
      %dma_start3A_119 = tpu.memref_squeeze %dma_start3A_118 : memref<1x64xi32, #tpu.memory_space<vmem>> -> memref<64xi32, #tpu.memory_space<vmem>>
      %dma_start3A_120 = arith.constant 0 : i32
      %dma_start3A_121 = arith.constant 0 : i32
      %dma_start3A_122 = tpu.memref_slice %arg2[%dma_start3A_120, %dma_start3A_121] : memref<20480x128xf32, #tpu.memory_space<hbm>> -> memref<20480x128xf32, #tpu.memory_space<hbm>>
      tpu.enqueue_indirect_dma source(%dma_start3A_122 : memref<20480x128xf32, #tpu.memory_space<hbm>>) target(%dma_start3A_116 : memref<64x128xf32, #tpu.memory_space<vmem>>) offsets(%dma_start3A_119 : memref<64xi32, #tpu.memory_space<vmem>>) semaphore(%arg13 : memref<!tpu.dma_semaphore, #tpu.memory_space<semaphore_mem>>)
      %scan3A_123 = arith.constant 0 : i32
      %scan3A_124 = arith.constant 0 : i32
      %scan3A_125 = arith.constant 9 : i32
      %scan3A_126 = arith.addi %scan3A_124, %scan3A_125 : i32
      %scan3A_127 = arith.constant 1 : i32
      scf.for %scan3A_272 = %scan3A_124 to %scan3A_126 step %scan3A_127  : i32 {
        %mul3A_273 = arith.constant 4 : i32
        %mul3A_274 = arith.muli %scan3A_272, %mul3A_273 : i32
        %add3A_275 = arith.constant 0 : i32
        %add3A_276 = arith.addi %mul3A_274, %add3A_275 : i32
        %dma_wait3A_277 = arith.constant 0 : i32
        %dma_wait3A_278 = arith.constant 0 : i32
        %dma_wait3A_279 = arith.constant 0 : i32
        %dma_wait3A_280 = tpu.memref_slice %arg9[%dma_wait3A_277, %dma_wait3A_278, %dma_wait3A_279] : memref<4x64x128xf32, #tpu.memory_space<vmem>> -> memref<1x64x128xf32, #tpu.memory_space<vmem>>
        %dma_wait3A_281 = tpu.memref_squeeze %dma_wait3A_280 : memref<1x64x128xf32, #tpu.memory_space<vmem>> -> memref<64x128xf32, #tpu.memory_space<vmem>>
        %dma_wait3A_282 = arith.constant 0 : i32
        %dma_wait3A_283 = tpu.memref_slice %arg7[%add3A_276, %dma_wait3A_282] : memref<40x64xi32, #tpu.memory_space<vmem>> -> memref<1x64xi32, #tpu.memory_space<vmem>>
        %dma_wait3A_284 = tpu.memref_squeeze %dma_wait3A_283 : memref<1x64xi32, #tpu.memory_space<vmem>> -> memref<64xi32, #tpu.memory_space<vmem>>
        %dma_wait3A_285 = arith.constant 0 : i32
        %dma_wait3A_286 = arith.constant 0 : i32
        %dma_wait3A_287 = tpu.memref_slice %arg2[%dma_wait3A_285, %dma_wait3A_286] : memref<20480x128xf32, #tpu.memory_space<hbm>> -> memref<20480x128xf32, #tpu.memory_space<hbm>>
        tpu.wait_indirect_dma semaphore(%arg10 : memref<!tpu.dma_semaphore, #tpu.memory_space<semaphore_mem>>) src(%dma_wait3A_287 : memref<20480x128xf32, #tpu.memory_space<hbm>>) dst(%dma_wait3A_281 : memref<64x128xf32, #tpu.memory_space<vmem>>)
        %dma_start3A_288 = arith.constant 0 : i32
        %dma_start3A_289 = arith.constant 0 : i32
        %dma_start3A_290 = arith.constant 0 : i32
        %dma_start3A_291 = tpu.memref_slice %arg9[%dma_start3A_288, %dma_start3A_289, %dma_start3A_290] : memref<4x64x128xf32, #tpu.memory_space<vmem>> -> memref<1x64x128xf32, #tpu.memory_space<vmem>>
        %dma_start3A_292 = tpu.memref_squeeze %dma_start3A_291 : memref<1x64x128xf32, #tpu.memory_space<vmem>> -> memref<64x128xf32, #tpu.memory_space<vmem>>
        %dma_start3A_293 = arith.constant 0 : i32
        %dma_start3A_294 = tpu.memref_slice %arg8[%add3A_276, %dma_start3A_293] : memref<40x64xi32, #tpu.memory_space<vmem>> -> memref<1x64xi32, #tpu.memory_space<vmem>>
        %dma_start3A_295 = tpu.memref_squeeze %dma_start3A_294 : memref<1x64xi32, #tpu.memory_space<vmem>> -> memref<64xi32, #tpu.memory_space<vmem>>
        %dma_start3A_296 = arith.constant 0 : i32
        %dma_start3A_297 = arith.constant 0 : i32
        %dma_start3A_298 = tpu.memref_slice %arg6[%dma_start3A_296, %dma_start3A_297] : memref<10240x128xf32, #tpu.memory_space<vmem_shared>> -> memref<10240x128xf32, #tpu.memory_space<vmem_shared>>
        tpu.enqueue_indirect_dma source(%dma_start3A_292 : memref<64x128xf32, #tpu.memory_space<vmem>>) target(%dma_start3A_298 : memref<10240x128xf32, #tpu.memory_space<vmem_shared>>) offsets(%dma_start3A_295 : memref<64xi32, #tpu.memory_space<vmem>>) semaphore(%arg14 : memref<!tpu.dma_semaphore, #tpu.memory_space<semaphore_mem>>) {add = true}
        %mul3A_299 = arith.constant 4 : i32
        %mul3A_300 = arith.muli %scan3A_272, %mul3A_299 : i32
        %add3A_301 = arith.constant 1 : i32
        %add3A_302 = arith.addi %mul3A_300, %add3A_301 : i32
        %dma_wait3A_303 = arith.constant 1 : i32
        %dma_wait3A_304 = arith.constant 0 : i32
        %dma_wait3A_305 = arith.constant 0 : i32
        %dma_wait3A_306 = tpu.memref_slice %arg9[%dma_wait3A_303, %dma_wait3A_304, %dma_wait3A_305] : memref<4x64x128xf32, #tpu.memory_space<vmem>> -> memref<1x64x128xf32, #tpu.memory_space<vmem>>
        %dma_wait3A_307 = tpu.memref_squeeze %dma_wait3A_306 : memref<1x64x128xf32, #tpu.memory_space<vmem>> -> memref<64x128xf32, #tpu.memory_space<vmem>>
        %dma_wait3A_308 = arith.constant 0 : i32
        %dma_wait3A_309 = tpu.memref_slice %arg7[%add3A_302, %dma_wait3A_308] : memref<40x64xi32, #tpu.memory_space<vmem>> -> memref<1x64xi32, #tpu.memory_space<vmem>>
        %dma_wait3A_310 = tpu.memref_squeeze %dma_wait3A_309 : memref<1x64xi32, #tpu.memory_space<vmem>> -> memref<64xi32, #tpu.memory_space<vmem>>
        %dma_wait3A_311 = arith.constant 0 : i32
        %dma_wait3A_312 = arith.constant 0 : i32
        %dma_wait3A_313 = tpu.memref_slice %arg2[%dma_wait3A_311, %dma_wait3A_312] : memref<20480x128xf32, #tpu.memory_space<hbm>> -> memref<20480x128xf32, #tpu.memory_space<hbm>>
        tpu.wait_indirect_dma semaphore(%arg11 : memref<!tpu.dma_semaphore, #tpu.memory_space<semaphore_mem>>) src(%dma_wait3A_313 : memref<20480x128xf32, #tpu.memory_space<hbm>>) dst(%dma_wait3A_307 : memref<64x128xf32, #tpu.memory_space<vmem>>)
        %dma_start3A_314 = arith.constant 1 : i32
        %dma_start3A_315 = arith.constant 0 : i32
        %dma_start3A_316 = arith.constant 0 : i32
        %dma_start3A_317 = tpu.memref_slice %arg9[%dma_start3A_314, %dma_start3A_315, %dma_start3A_316] : memref<4x64x128xf32, #tpu.memory_space<vmem>> -> memref<1x64x128xf32, #tpu.memory_space<vmem>>
        %dma_start3A_318 = tpu.memref_squeeze %dma_start3A_317 : memref<1x64x128xf32, #tpu.memory_space<vmem>> -> memref<64x128xf32, #tpu.memory_space<vmem>>
        %dma_start3A_319 = arith.constant 0 : i32
        %dma_start3A_320 = tpu.memref_slice %arg8[%add3A_302, %dma_start3A_319] : memref<40x64xi32, #tpu.memory_space<vmem>> -> memref<1x64xi32, #tpu.memory_space<vmem>>
        %dma_start3A_321 = tpu.memref_squeeze %dma_start3A_320 : memref<1x64xi32, #tpu.memory_space<vmem>> -> memref<64xi32, #tpu.memory_space<vmem>>
        %dma_start3A_322 = arith.constant 0 : i32
        %dma_start3A_323 = arith.constant 0 : i32
        %dma_start3A_324 = tpu.memref_slice %arg6[%dma_start3A_322, %dma_start3A_323] : memref<10240x128xf32, #tpu.memory_space<vmem_shared>> -> memref<10240x128xf32, #tpu.memory_space<vmem_shared>>
        tpu.enqueue_indirect_dma source(%dma_start3A_318 : memref<64x128xf32, #tpu.memory_space<vmem>>) target(%dma_start3A_324 : memref<10240x128xf32, #tpu.memory_space<vmem_shared>>) offsets(%dma_start3A_321 : memref<64xi32, #tpu.memory_space<vmem>>) semaphore(%arg15 : memref<!tpu.dma_semaphore, #tpu.memory_space<semaphore_mem>>) {add = true}
        %mul3A_325 = arith.constant 4 : i32
        %mul3A_326 = arith.muli %scan3A_272, %mul3A_325 : i32
        %add3A_327 = arith.constant 2 : i32
        %add3A_328 = arith.addi %mul3A_326, %add3A_327 : i32
        %dma_wait3A_329 = arith.constant 2 : i32
        %dma_wait3A_330 = arith.constant 0 : i32
        %dma_wait3A_331 = arith.constant 0 : i32
        %dma_wait3A_332 = tpu.memref_slice %arg9[%dma_wait3A_329, %dma_wait3A_330, %dma_wait3A_331] : memref<4x64x128xf32, #tpu.memory_space<vmem>> -> memref<1x64x128xf32, #tpu.memory_space<vmem>>
        %dma_wait3A_333 = tpu.memref_squeeze %dma_wait3A_332 : memref<1x64x128xf32, #tpu.memory_space<vmem>> -> memref<64x128xf32, #tpu.memory_space<vmem>>
        %dma_wait3A_334 = arith.constant 0 : i32
        %dma_wait3A_335 = tpu.memref_slice %arg7[%add3A_328, %dma_wait3A_334] : memref<40x64xi32, #tpu.memory_space<vmem>> -> memref<1x64xi32, #tpu.memory_space<vmem>>
        %dma_wait3A_336 = tpu.memref_squeeze %dma_wait3A_335 : memref<1x64xi32, #tpu.memory_space<vmem>> -> memref<64xi32, #tpu.memory_space<vmem>>
        %dma_wait3A_337 = arith.constant 0 : i32
        %dma_wait3A_338 = arith.constant 0 : i32
        %dma_wait3A_339 = tpu.memref_slice %arg2[%dma_wait3A_337, %dma_wait3A_338] : memref<20480x128xf32, #tpu.memory_space<hbm>> -> memref<20480x128xf32, #tpu.memory_space<hbm>>
        tpu.wait_indirect_dma semaphore(%arg12 : memref<!tpu.dma_semaphore, #tpu.memory_space<semaphore_mem>>) src(%dma_wait3A_339 : memref<20480x128xf32, #tpu.memory_space<hbm>>) dst(%dma_wait3A_333 : memref<64x128xf32, #tpu.memory_space<vmem>>)
        %dma_start3A_340 = arith.constant 2 : i32
        %dma_start3A_341 = arith.constant 0 : i32
        %dma_start3A_342 = arith.constant 0 : i32
        %dma_start3A_343 = tpu.memref_slice %arg9[%dma_start3A_340, %dma_start3A_341, %dma_start3A_342] : memref<4x64x128xf32, #tpu.memory_space<vmem>> -> memref<1x64x128xf32, #tpu.memory_space<vmem>>
        %dma_start3A_344 = tpu.memref_squeeze %dma_start3A_343 : memref<1x64x128xf32, #tpu.memory_space<vmem>> -> memref<64x128xf32, #tpu.memory_space<vmem>>
        %dma_start3A_345 = arith.constant 0 : i32
        %dma_start3A_346 = tpu.memref_slice %arg8[%add3A_328, %dma_start3A_345] : memref<40x64xi32, #tpu.memory_space<vmem>> -> memref<1x64xi32, #tpu.memory_space<vmem>>
        %dma_start3A_347 = tpu.memref_squeeze %dma_start3A_346 : memref<1x64xi32, #tpu.memory_space<vmem>> -> memref<64xi32, #tpu.memory_space<vmem>>
        %dma_start3A_348 = arith.constant 0 : i32
        %dma_start3A_349 = arith.constant 0 : i32
        %dma_start3A_350 = tpu.memref_slice %arg6[%dma_start3A_348, %dma_start3A_349] : memref<10240x128xf32, #tpu.memory_space<vmem_shared>> -> memref<10240x128xf32, #tpu.memory_space<vmem_shared>>
        tpu.enqueue_indirect_dma source(%dma_start3A_344 : memref<64x128xf32, #tpu.memory_space<vmem>>) target(%dma_start3A_350 : memref<10240x128xf32, #tpu.memory_space<vmem_shared>>) offsets(%dma_start3A_347 : memref<64xi32, #tpu.memory_space<vmem>>) semaphore(%arg16 : memref<!tpu.dma_semaphore, #tpu.memory_space<semaphore_mem>>) {add = true}
        %mul3A_351 = arith.constant 4 : i32
        %mul3A_352 = arith.muli %scan3A_272, %mul3A_351 : i32
        %add3A_353 = arith.constant 3 : i32
        %add3A_354 = arith.addi %mul3A_352, %add3A_353 : i32
        %dma_wait3A_355 = arith.constant 3 : i32
        %dma_wait3A_356 = arith.constant 0 : i32
        %dma_wait3A_357 = arith.constant 0 : i32
        %dma_wait3A_358 = tpu.memref_slice %arg9[%dma_wait3A_355, %dma_wait3A_356, %dma_wait3A_357] : memref<4x64x128xf32, #tpu.memory_space<vmem>> -> memref<1x64x128xf32, #tpu.memory_space<vmem>>
        %dma_wait3A_359 = tpu.memref_squeeze %dma_wait3A_358 : memref<1x64x128xf32, #tpu.memory_space<vmem>> -> memref<64x128xf32, #tpu.memory_space<vmem>>
        %dma_wait3A_360 = arith.constant 0 : i32
        %dma_wait3A_361 = tpu.memref_slice %arg7[%add3A_354, %dma_wait3A_360] : memref<40x64xi32, #tpu.memory_space<vmem>> -> memref<1x64xi32, #tpu.memory_space<vmem>>
        %dma_wait3A_362 = tpu.memref_squeeze %dma_wait3A_361 : memref<1x64xi32, #tpu.memory_space<vmem>> -> memref<64xi32, #tpu.memory_space<vmem>>
        %dma_wait3A_363 = arith.constant 0 : i32
        %dma_wait3A_364 = arith.constant 0 : i32
        %dma_wait3A_365 = tpu.memref_slice %arg2[%dma_wait3A_363, %dma_wait3A_364] : memref<20480x128xf32, #tpu.memory_space<hbm>> -> memref<20480x128xf32, #tpu.memory_space<hbm>>
        tpu.wait_indirect_dma semaphore(%arg13 : memref<!tpu.dma_semaphore, #tpu.memory_space<semaphore_mem>>) src(%dma_wait3A_365 : memref<20480x128xf32, #tpu.memory_space<hbm>>) dst(%dma_wait3A_359 : memref<64x128xf32, #tpu.memory_space<vmem>>)
        %dma_start3A_366 = arith.constant 3 : i32
        %dma_start3A_367 = arith.constant 0 : i32
        %dma_start3A_368 = arith.constant 0 : i32
        %dma_start3A_369 = tpu.memref_slice %arg9[%dma_start3A_366, %dma_start3A_367, %dma_start3A_368] : memref<4x64x128xf32, #tpu.memory_space<vmem>> -> memref<1x64x128xf32, #tpu.memory_space<vmem>>
        %dma_start3A_370 = tpu.memref_squeeze %dma_start3A_369 : memref<1x64x128xf32, #tpu.memory_space<vmem>> -> memref<64x128xf32, #tpu.memory_space<vmem>>
        %dma_start3A_371 = arith.constant 0 : i32
        %dma_start3A_372 = tpu.memref_slice %arg8[%add3A_354, %dma_start3A_371] : memref<40x64xi32, #tpu.memory_space<vmem>> -> memref<1x64xi32, #tpu.memory_space<vmem>>
        %dma_start3A_373 = tpu.memref_squeeze %dma_start3A_372 : memref<1x64xi32, #tpu.memory_space<vmem>> -> memref<64xi32, #tpu.memory_space<vmem>>
        %dma_start3A_374 = arith.constant 0 : i32
        %dma_start3A_375 = arith.constant 0 : i32
        %dma_start3A_376 = tpu.memref_slice %arg6[%dma_start3A_374, %dma_start3A_375] : memref<10240x128xf32, #tpu.memory_space<vmem_shared>> -> memref<10240x128xf32, #tpu.memory_space<vmem_shared>>
        tpu.enqueue_indirect_dma source(%dma_start3A_370 : memref<64x128xf32, #tpu.memory_space<vmem>>) target(%dma_start3A_376 : memref<10240x128xf32, #tpu.memory_space<vmem_shared>>) offsets(%dma_start3A_373 : memref<64xi32, #tpu.memory_space<vmem>>) semaphore(%arg17 : memref<!tpu.dma_semaphore, #tpu.memory_space<semaphore_mem>>) {add = true}
        %mul3A_377 = arith.constant 4 : i32
        %mul3A_378 = arith.muli %scan3A_272, %mul3A_377 : i32
        %add3A_379 = arith.constant 0 : i32
        %add3A_380 = arith.addi %mul3A_378, %add3A_379 : i32
        %dma_wait3A_381 = arith.constant 0 : i32
        %dma_wait3A_382 = arith.constant 0 : i32
        %dma_wait3A_383 = arith.constant 0 : i32
        %dma_wait3A_384 = tpu.memref_slice %arg9[%dma_wait3A_381, %dma_wait3A_382, %dma_wait3A_383] : memref<4x64x128xf32, #tpu.memory_space<vmem>> -> memref<1x64x128xf32, #tpu.memory_space<vmem>>
        %dma_wait3A_385 = tpu.memref_squeeze %dma_wait3A_384 : memref<1x64x128xf32, #tpu.memory_space<vmem>> -> memref<64x128xf32, #tpu.memory_space<vmem>>
        %dma_wait3A_386 = arith.constant 0 : i32
        %dma_wait3A_387 = tpu.memref_slice %arg8[%add3A_380, %dma_wait3A_386] : memref<40x64xi32, #tpu.memory_space<vmem>> -> memref<1x64xi32, #tpu.memory_space<vmem>>
        %dma_wait3A_388 = tpu.memref_squeeze %dma_wait3A_387 : memref<1x64xi32, #tpu.memory_space<vmem>> -> memref<64xi32, #tpu.memory_space<vmem>>
        %dma_wait3A_389 = arith.constant 0 : i32
        %dma_wait3A_390 = arith.constant 0 : i32
        %dma_wait3A_391 = tpu.memref_slice %arg6[%dma_wait3A_389, %dma_wait3A_390] : memref<10240x128xf32, #tpu.memory_space<vmem_shared>> -> memref<10240x128xf32, #tpu.memory_space<vmem_shared>>
        tpu.wait_indirect_dma semaphore(%arg14 : memref<!tpu.dma_semaphore, #tpu.memory_space<semaphore_mem>>) src(%dma_wait3A_385 : memref<64x128xf32, #tpu.memory_space<vmem>>) dst(%dma_wait3A_391 : memref<10240x128xf32, #tpu.memory_space<vmem_shared>>)
        %add3A_392 = arith.constant 1 : i32
        %add3A_393 = arith.addi %scan3A_272, %add3A_392 : i32
        %mul3A_394 = arith.constant 4 : i32
        %mul3A_395 = arith.muli %add3A_393, %mul3A_394 : i32
        %add3A_396 = arith.constant 0 : i32
        %add3A_397 = arith.addi %mul3A_395, %add3A_396 : i32
        %dma_start3A_398 = arith.constant 0 : i32
        %dma_start3A_399 = arith.constant 0 : i32
        %dma_start3A_400 = arith.constant 0 : i32
        %dma_start3A_401 = tpu.memref_slice %arg9[%dma_start3A_398, %dma_start3A_399, %dma_start3A_400] : memref<4x64x128xf32, #tpu.memory_space<vmem>> -> memref<1x64x128xf32, #tpu.memory_space<vmem>>
        %dma_start3A_402 = tpu.memref_squeeze %dma_start3A_401 : memref<1x64x128xf32, #tpu.memory_space<vmem>> -> memref<64x128xf32, #tpu.memory_space<vmem>>
        %dma_start3A_403 = arith.constant 0 : i32
        %dma_start3A_404 = tpu.memref_slice %arg7[%add3A_397, %dma_start3A_403] : memref<40x64xi32, #tpu.memory_space<vmem>> -> memref<1x64xi32, #tpu.memory_space<vmem>>
        %dma_start3A_405 = tpu.memref_squeeze %dma_start3A_404 : memref<1x64xi32, #tpu.memory_space<vmem>> -> memref<64xi32, #tpu.memory_space<vmem>>
        %dma_start3A_406 = arith.constant 0 : i32
        %dma_start3A_407 = arith.constant 0 : i32
        %dma_start3A_408 = tpu.memref_slice %arg2[%dma_start3A_406, %dma_start3A_407] : memref<20480x128xf32, #tpu.memory_space<hbm>> -> memref<20480x128xf32, #tpu.memory_space<hbm>>
        tpu.enqueue_indirect_dma source(%dma_start3A_408 : memref<20480x128xf32, #tpu.memory_space<hbm>>) target(%dma_start3A_402 : memref<64x128xf32, #tpu.memory_space<vmem>>) offsets(%dma_start3A_405 : memref<64xi32, #tpu.memory_space<vmem>>) semaphore(%arg10 : memref<!tpu.dma_semaphore, #tpu.memory_space<semaphore_mem>>)
        %mul3A_409 = arith.constant 4 : i32
        %mul3A_410 = arith.muli %scan3A_272, %mul3A_409 : i32
        %add3A_411 = arith.constant 1 : i32
        %add3A_412 = arith.addi %mul3A_410, %add3A_411 : i32
        %dma_wait3A_413 = arith.constant 1 : i32
        %dma_wait3A_414 = arith.constant 0 : i32
        %dma_wait3A_415 = arith.constant 0 : i32
        %dma_wait3A_416 = tpu.memref_slice %arg9[%dma_wait3A_413, %dma_wait3A_414, %dma_wait3A_415] : memref<4x64x128xf32, #tpu.memory_space<vmem>> -> memref<1x64x128xf32, #tpu.memory_space<vmem>>
        %dma_wait3A_417 = tpu.memref_squeeze %dma_wait3A_416 : memref<1x64x128xf32, #tpu.memory_space<vmem>> -> memref<64x128xf32, #tpu.memory_space<vmem>>
        %dma_wait3A_418 = arith.constant 0 : i32
        %dma_wait3A_419 = tpu.memref_slice %arg8[%add3A_412, %dma_wait3A_418] : memref<40x64xi32, #tpu.memory_space<vmem>> -> memref<1x64xi32, #tpu.memory_space<vmem>>
        %dma_wait3A_420 = tpu.memref_squeeze %dma_wait3A_419 : memref<1x64xi32, #tpu.memory_space<vmem>> -> memref<64xi32, #tpu.memory_space<vmem>>
        %dma_wait3A_421 = arith.constant 0 : i32
        %dma_wait3A_422 = arith.constant 0 : i32
        %dma_wait3A_423 = tpu.memref_slice %arg6[%dma_wait3A_421, %dma_wait3A_422] : memref<10240x128xf32, #tpu.memory_space<vmem_shared>> -> memref<10240x128xf32, #tpu.memory_space<vmem_shared>>
        tpu.wait_indirect_dma semaphore(%arg15 : memref<!tpu.dma_semaphore, #tpu.memory_space<semaphore_mem>>) src(%dma_wait3A_417 : memref<64x128xf32, #tpu.memory_space<vmem>>) dst(%dma_wait3A_423 : memref<10240x128xf32, #tpu.memory_space<vmem_shared>>)
        %add3A_424 = arith.constant 1 : i32
        %add3A_425 = arith.addi %scan3A_272, %add3A_424 : i32
        %mul3A_426 = arith.constant 4 : i32
        %mul3A_427 = arith.muli %add3A_425, %mul3A_426 : i32
        %add3A_428 = arith.constant 1 : i32
        %add3A_429 = arith.addi %mul3A_427, %add3A_428 : i32
        %dma_start3A_430 = arith.constant 1 : i32
        %dma_start3A_431 = arith.constant 0 : i32
        %dma_start3A_432 = arith.constant 0 : i32
        %dma_start3A_433 = tpu.memref_slice %arg9[%dma_start3A_430, %dma_start3A_431, %dma_start3A_432] : memref<4x64x128xf32, #tpu.memory_space<vmem>> -> memref<1x64x128xf32, #tpu.memory_space<vmem>>
        %dma_start3A_434 = tpu.memref_squeeze %dma_start3A_433 : memref<1x64x128xf32, #tpu.memory_space<vmem>> -> memref<64x128xf32, #tpu.memory_space<vmem>>
        %dma_start3A_435 = arith.constant 0 : i32
        %dma_start3A_436 = tpu.memref_slice %arg7[%add3A_429, %dma_start3A_435] : memref<40x64xi32, #tpu.memory_space<vmem>> -> memref<1x64xi32, #tpu.memory_space<vmem>>
        %dma_start3A_437 = tpu.memref_squeeze %dma_start3A_436 : memref<1x64xi32, #tpu.memory_space<vmem>> -> memref<64xi32, #tpu.memory_space<vmem>>
        %dma_start3A_438 = arith.constant 0 : i32
        %dma_start3A_439 = arith.constant 0 : i32
        %dma_start3A_440 = tpu.memref_slice %arg2[%dma_start3A_438, %dma_start3A_439] : memref<20480x128xf32, #tpu.memory_space<hbm>> -> memref<20480x128xf32, #tpu.memory_space<hbm>>
        tpu.enqueue_indirect_dma source(%dma_start3A_440 : memref<20480x128xf32, #tpu.memory_space<hbm>>) target(%dma_start3A_434 : memref<64x128xf32, #tpu.memory_space<vmem>>) offsets(%dma_start3A_437 : memref<64xi32, #tpu.memory_space<vmem>>) semaphore(%arg11 : memref<!tpu.dma_semaphore, #tpu.memory_space<semaphore_mem>>)
        %mul3A_441 = arith.constant 4 : i32
        %mul3A_442 = arith.muli %scan3A_272, %mul3A_441 : i32
        %add3A_443 = arith.constant 2 : i32
        %add3A_444 = arith.addi %mul3A_442, %add3A_443 : i32
        %dma_wait3A_445 = arith.constant 2 : i32
        %dma_wait3A_446 = arith.constant 0 : i32
        %dma_wait3A_447 = arith.constant 0 : i32
        %dma_wait3A_448 = tpu.memref_slice %arg9[%dma_wait3A_445, %dma_wait3A_446, %dma_wait3A_447] : memref<4x64x128xf32, #tpu.memory_space<vmem>> -> memref<1x64x128xf32, #tpu.memory_space<vmem>>
        %dma_wait3A_449 = tpu.memref_squeeze %dma_wait3A_448 : memref<1x64x128xf32, #tpu.memory_space<vmem>> -> memref<64x128xf32, #tpu.memory_space<vmem>>
        %dma_wait3A_450 = arith.constant 0 : i32
        %dma_wait3A_451 = tpu.memref_slice %arg8[%add3A_444, %dma_wait3A_450] : memref<40x64xi32, #tpu.memory_space<vmem>> -> memref<1x64xi32, #tpu.memory_space<vmem>>
        %dma_wait3A_452 = tpu.memref_squeeze %dma_wait3A_451 : memref<1x64xi32, #tpu.memory_space<vmem>> -> memref<64xi32, #tpu.memory_space<vmem>>
        %dma_wait3A_453 = arith.constant 0 : i32
        %dma_wait3A_454 = arith.constant 0 : i32
        %dma_wait3A_455 = tpu.memref_slice %arg6[%dma_wait3A_453, %dma_wait3A_454] : memref<10240x128xf32, #tpu.memory_space<vmem_shared>> -> memref<10240x128xf32, #tpu.memory_space<vmem_shared>>
        tpu.wait_indirect_dma semaphore(%arg16 : memref<!tpu.dma_semaphore, #tpu.memory_space<semaphore_mem>>) src(%dma_wait3A_449 : memref<64x128xf32, #tpu.memory_space<vmem>>) dst(%dma_wait3A_455 : memref<10240x128xf32, #tpu.memory_space<vmem_shared>>)
        %add3A_456 = arith.constant 1 : i32
        %add3A_457 = arith.addi %scan3A_272, %add3A_456 : i32
        %mul3A_458 = arith.constant 4 : i32
        %mul3A_459 = arith.muli %add3A_457, %mul3A_458 : i32
        %add3A_460 = arith.constant 2 : i32
        %add3A_461 = arith.addi %mul3A_459, %add3A_460 : i32
        %dma_start3A_462 = arith.constant 2 : i32
        %dma_start3A_463 = arith.constant 0 : i32
        %dma_start3A_464 = arith.constant 0 : i32
        %dma_start3A_465 = tpu.memref_slice %arg9[%dma_start3A_462, %dma_start3A_463, %dma_start3A_464] : memref<4x64x128xf32, #tpu.memory_space<vmem>> -> memref<1x64x128xf32, #tpu.memory_space<vmem>>
        %dma_start3A_466 = tpu.memref_squeeze %dma_start3A_465 : memref<1x64x128xf32, #tpu.memory_space<vmem>> -> memref<64x128xf32, #tpu.memory_space<vmem>>
        %dma_start3A_467 = arith.constant 0 : i32
        %dma_start3A_468 = tpu.memref_slice %arg7[%add3A_461, %dma_start3A_467] : memref<40x64xi32, #tpu.memory_space<vmem>> -> memref<1x64xi32, #tpu.memory_space<vmem>>
        %dma_start3A_469 = tpu.memref_squeeze %dma_start3A_468 : memref<1x64xi32, #tpu.memory_space<vmem>> -> memref<64xi32, #tpu.memory_space<vmem>>
        %dma_start3A_470 = arith.constant 0 : i32
        %dma_start3A_471 = arith.constant 0 : i32
        %dma_start3A_472 = tpu.memref_slice %arg2[%dma_start3A_470, %dma_start3A_471] : memref<20480x128xf32, #tpu.memory_space<hbm>> -> memref<20480x128xf32, #tpu.memory_space<hbm>>
        tpu.enqueue_indirect_dma source(%dma_start3A_472 : memref<20480x128xf32, #tpu.memory_space<hbm>>) target(%dma_start3A_466 : memref<64x128xf32, #tpu.memory_space<vmem>>) offsets(%dma_start3A_469 : memref<64xi32, #tpu.memory_space<vmem>>) semaphore(%arg12 : memref<!tpu.dma_semaphore, #tpu.memory_space<semaphore_mem>>)
        %mul3A_473 = arith.constant 4 : i32
        %mul3A_474 = arith.muli %scan3A_272, %mul3A_473 : i32
        %add3A_475 = arith.constant 3 : i32
        %add3A_476 = arith.addi %mul3A_474, %add3A_475 : i32
        %dma_wait3A_477 = arith.constant 3 : i32
        %dma_wait3A_478 = arith.constant 0 : i32
        %dma_wait3A_479 = arith.constant 0 : i32
        %dma_wait3A_480 = tpu.memref_slice %arg9[%dma_wait3A_477, %dma_wait3A_478, %dma_wait3A_479] : memref<4x64x128xf32, #tpu.memory_space<vmem>> -> memref<1x64x128xf32, #tpu.memory_space<vmem>>
        %dma_wait3A_481 = tpu.memref_squeeze %dma_wait3A_480 : memref<1x64x128xf32, #tpu.memory_space<vmem>> -> memref<64x128xf32, #tpu.memory_space<vmem>>
        %dma_wait3A_482 = arith.constant 0 : i32
        %dma_wait3A_483 = tpu.memref_slice %arg8[%add3A_476, %dma_wait3A_482] : memref<40x64xi32, #tpu.memory_space<vmem>> -> memref<1x64xi32, #tpu.memory_space<vmem>>
        %dma_wait3A_484 = tpu.memref_squeeze %dma_wait3A_483 : memref<1x64xi32, #tpu.memory_space<vmem>> -> memref<64xi32, #tpu.memory_space<vmem>>
        %dma_wait3A_485 = arith.constant 0 : i32
        %dma_wait3A_486 = arith.constant 0 : i32
        %dma_wait3A_487 = tpu.memref_slice %arg6[%dma_wait3A_485, %dma_wait3A_486] : memref<10240x128xf32, #tpu.memory_space<vmem_shared>> -> memref<10240x128xf32, #tpu.memory_space<vmem_shared>>
        tpu.wait_indirect_dma semaphore(%arg17 : memref<!tpu.dma_semaphore, #tpu.memory_space<semaphore_mem>>) src(%dma_wait3A_481 : memref<64x128xf32, #tpu.memory_space<vmem>>) dst(%dma_wait3A_487 : memref<10240x128xf32, #tpu.memory_space<vmem_shared>>)
        %add3A_488 = arith.constant 1 : i32
        %add3A_489 = arith.addi %scan3A_272, %add3A_488 : i32
        %mul3A_490 = arith.constant 4 : i32
        %mul3A_491 = arith.muli %add3A_489, %mul3A_490 : i32
        %add3A_492 = arith.constant 3 : i32
        %add3A_493 = arith.addi %mul3A_491, %add3A_492 : i32
        %dma_start3A_494 = arith.constant 3 : i32
        %dma_start3A_495 = arith.constant 0 : i32
        %dma_start3A_496 = arith.constant 0 : i32
        %dma_start3A_497 = tpu.memref_slice %arg9[%dma_start3A_494, %dma_start3A_495, %dma_start3A_496] : memref<4x64x128xf32, #tpu.memory_space<vmem>> -> memref<1x64x128xf32, #tpu.memory_space<vmem>>
        %dma_start3A_498 = tpu.memref_squeeze %dma_start3A_497 : memref<1x64x128xf32, #tpu.memory_space<vmem>> -> memref<64x128xf32, #tpu.memory_space<vmem>>
        %dma_start3A_499 = arith.constant 0 : i32
        %dma_start3A_500 = tpu.memref_slice %arg7[%add3A_493, %dma_start3A_499] : memref<40x64xi32, #tpu.memory_space<vmem>> -> memref<1x64xi32, #tpu.memory_space<vmem>>
        %dma_start3A_501 = tpu.memref_squeeze %dma_start3A_500 : memref<1x64xi32, #tpu.memory_space<vmem>> -> memref<64xi32, #tpu.memory_space<vmem>>
        %dma_start3A_502 = arith.constant 0 : i32
        %dma_start3A_503 = arith.constant 0 : i32
        %dma_start3A_504 = tpu.memref_slice %arg2[%dma_start3A_502, %dma_start3A_503] : memref<20480x128xf32, #tpu.memory_space<hbm>> -> memref<20480x128xf32, #tpu.memory_space<hbm>>
        tpu.enqueue_indirect_dma source(%dma_start3A_504 : memref<20480x128xf32, #tpu.memory_space<hbm>>) target(%dma_start3A_498 : memref<64x128xf32, #tpu.memory_space<vmem>>) offsets(%dma_start3A_501 : memref<64xi32, #tpu.memory_space<vmem>>) semaphore(%arg13 : memref<!tpu.dma_semaphore, #tpu.memory_space<semaphore_mem>>)
      }
      %scan3A_128 = arith.constant 9 : i32
      %dma_wait3A = arith.constant 36 : i32
      %dma_wait3A_129 = arith.constant 0 : i32
      %dma_wait3A_130 = arith.constant 0 : i32
      %dma_wait3A_131 = arith.constant 0 : i32
      %dma_wait3A_132 = tpu.memref_slice %arg9[%dma_wait3A_129, %dma_wait3A_130, %dma_wait3A_131] : memref<4x64x128xf32, #tpu.memory_space<vmem>> -> memref<1x64x128xf32, #tpu.memory_space<vmem>>
      %dma_wait3A_133 = tpu.memref_squeeze %dma_wait3A_132 : memref<1x64x128xf32, #tpu.memory_space<vmem>> -> memref<64x128xf32, #tpu.memory_space<vmem>>
      %dma_wait3A_134 = arith.constant 0 : i32
      %dma_wait3A_135 = tpu.memref_slice %arg7[%dma_wait3A, %dma_wait3A_134] : memref<40x64xi32, #tpu.memory_space<vmem>> -> memref<1x64xi32, #tpu.memory_space<vmem>>
      %dma_wait3A_136 = tpu.memref_squeeze %dma_wait3A_135 : memref<1x64xi32, #tpu.memory_space<vmem>> -> memref<64xi32, #tpu.memory_space<vmem>>
      %dma_wait3A_137 = arith.constant 0 : i32
      %dma_wait3A_138 = arith.constant 0 : i32
      %dma_wait3A_139 = tpu.memref_slice %arg2[%dma_wait3A_137, %dma_wait3A_138] : memref<20480x128xf32, #tpu.memory_space<hbm>> -> memref<20480x128xf32, #tpu.memory_space<hbm>>
      tpu.wait_indirect_dma semaphore(%arg10 : memref<!tpu.dma_semaphore, #tpu.memory_space<semaphore_mem>>) src(%dma_wait3A_139 : memref<20480x128xf32, #tpu.memory_space<hbm>>) dst(%dma_wait3A_133 : memref<64x128xf32, #tpu.memory_space<vmem>>)
      %dma_start3A_140 = arith.constant 0 : i32
      %dma_start3A_141 = arith.constant 36 : i32
      %dma_start3A_142 = arith.constant 0 : i32
      %dma_start3A_143 = arith.constant 0 : i32
      %dma_start3A_144 = tpu.memref_slice %arg9[%dma_start3A_140, %dma_start3A_142, %dma_start3A_143] : memref<4x64x128xf32, #tpu.memory_space<vmem>> -> memref<1x64x128xf32, #tpu.memory_space<vmem>>
      %dma_start3A_145 = tpu.memref_squeeze %dma_start3A_144 : memref<1x64x128xf32, #tpu.memory_space<vmem>> -> memref<64x128xf32, #tpu.memory_space<vmem>>
      %dma_start3A_146 = arith.constant 0 : i32
      %dma_start3A_147 = tpu.memref_slice %arg8[%dma_start3A_141, %dma_start3A_146] : memref<40x64xi32, #tpu.memory_space<vmem>> -> memref<1x64xi32, #tpu.memory_space<vmem>>
      %dma_start3A_148 = tpu.memref_squeeze %dma_start3A_147 : memref<1x64xi32, #tpu.memory_space<vmem>> -> memref<64xi32, #tpu.memory_space<vmem>>
      %dma_start3A_149 = arith.constant 0 : i32
      %dma_start3A_150 = arith.constant 0 : i32
      %dma_start3A_151 = tpu.memref_slice %arg6[%dma_start3A_149, %dma_start3A_150] : memref<10240x128xf32, #tpu.memory_space<vmem_shared>> -> memref<10240x128xf32, #tpu.memory_space<vmem_shared>>
      tpu.enqueue_indirect_dma source(%dma_start3A_145 : memref<64x128xf32, #tpu.memory_space<vmem>>) target(%dma_start3A_151 : memref<10240x128xf32, #tpu.memory_space<vmem_shared>>) offsets(%dma_start3A_148 : memref<64xi32, #tpu.memory_space<vmem>>) semaphore(%arg14 : memref<!tpu.dma_semaphore, #tpu.memory_space<semaphore_mem>>) {add = true}
      %dma_wait3A_152 = arith.constant 37 : i32
      %dma_wait3A_153 = arith.constant 1 : i32
      %dma_wait3A_154 = arith.constant 0 : i32
      %dma_wait3A_155 = arith.constant 0 : i32
      %dma_wait3A_156 = tpu.memref_slice %arg9[%dma_wait3A_153, %dma_wait3A_154, %dma_wait3A_155] : memref<4x64x128xf32, #tpu.memory_space<vmem>> -> memref<1x64x128xf32, #tpu.memory_space<vmem>>
      %dma_wait3A_157 = tpu.memref_squeeze %dma_wait3A_156 : memref<1x64x128xf32, #tpu.memory_space<vmem>> -> memref<64x128xf32, #tpu.memory_space<vmem>>
      %dma_wait3A_158 = arith.constant 0 : i32
      %dma_wait3A_159 = tpu.memref_slice %arg7[%dma_wait3A_152, %dma_wait3A_158] : memref<40x64xi32, #tpu.memory_space<vmem>> -> memref<1x64xi32, #tpu.memory_space<vmem>>
      %dma_wait3A_160 = tpu.memref_squeeze %dma_wait3A_159 : memref<1x64xi32, #tpu.memory_space<vmem>> -> memref<64xi32, #tpu.memory_space<vmem>>
      %dma_wait3A_161 = arith.constant 0 : i32
      %dma_wait3A_162 = arith.constant 0 : i32
      %dma_wait3A_163 = tpu.memref_slice %arg2[%dma_wait3A_161, %dma_wait3A_162] : memref<20480x128xf32, #tpu.memory_space<hbm>> -> memref<20480x128xf32, #tpu.memory_space<hbm>>
      tpu.wait_indirect_dma semaphore(%arg11 : memref<!tpu.dma_semaphore, #tpu.memory_space<semaphore_mem>>) src(%dma_wait3A_163 : memref<20480x128xf32, #tpu.memory_space<hbm>>) dst(%dma_wait3A_157 : memref<64x128xf32, #tpu.memory_space<vmem>>)
      %dma_start3A_164 = arith.constant 1 : i32
      %dma_start3A_165 = arith.constant 37 : i32
      %dma_start3A_166 = arith.constant 0 : i32
      %dma_start3A_167 = arith.constant 0 : i32
      %dma_start3A_168 = tpu.memref_slice %arg9[%dma_start3A_164, %dma_start3A_166, %dma_start3A_167] : memref<4x64x128xf32, #tpu.memory_space<vmem>> -> memref<1x64x128xf32, #tpu.memory_space<vmem>>
      %dma_start3A_169 = tpu.memref_squeeze %dma_start3A_168 : memref<1x64x128xf32, #tpu.memory_space<vmem>> -> memref<64x128xf32, #tpu.memory_space<vmem>>
      %dma_start3A_170 = arith.constant 0 : i32
      %dma_start3A_171 = tpu.memref_slice %arg8[%dma_start3A_165, %dma_start3A_170] : memref<40x64xi32, #tpu.memory_space<vmem>> -> memref<1x64xi32, #tpu.memory_space<vmem>>
      %dma_start3A_172 = tpu.memref_squeeze %dma_start3A_171 : memref<1x64xi32, #tpu.memory_space<vmem>> -> memref<64xi32, #tpu.memory_space<vmem>>
      %dma_start3A_173 = arith.constant 0 : i32
      %dma_start3A_174 = arith.constant 0 : i32
      %dma_start3A_175 = tpu.memref_slice %arg6[%dma_start3A_173, %dma_start3A_174] : memref<10240x128xf32, #tpu.memory_space<vmem_shared>> -> memref<10240x128xf32, #tpu.memory_space<vmem_shared>>
      tpu.enqueue_indirect_dma source(%dma_start3A_169 : memref<64x128xf32, #tpu.memory_space<vmem>>) target(%dma_start3A_175 : memref<10240x128xf32, #tpu.memory_space<vmem_shared>>) offsets(%dma_start3A_172 : memref<64xi32, #tpu.memory_space<vmem>>) semaphore(%arg15 : memref<!tpu.dma_semaphore, #tpu.memory_space<semaphore_mem>>) {add = true}
      %dma_wait3A_176 = arith.constant 38 : i32
      %dma_wait3A_177 = arith.constant 2 : i32
      %dma_wait3A_178 = arith.constant 0 : i32
      %dma_wait3A_179 = arith.constant 0 : i32
      %dma_wait3A_180 = tpu.memref_slice %arg9[%dma_wait3A_177, %dma_wait3A_178, %dma_wait3A_179] : memref<4x64x128xf32, #tpu.memory_space<vmem>> -> memref<1x64x128xf32, #tpu.memory_space<vmem>>
      %dma_wait3A_181 = tpu.memref_squeeze %dma_wait3A_180 : memref<1x64x128xf32, #tpu.memory_space<vmem>> -> memref<64x128xf32, #tpu.memory_space<vmem>>
      %dma_wait3A_182 = arith.constant 0 : i32
      %dma_wait3A_183 = tpu.memref_slice %arg7[%dma_wait3A_176, %dma_wait3A_182] : memref<40x64xi32, #tpu.memory_space<vmem>> -> memref<1x64xi32, #tpu.memory_space<vmem>>
      %dma_wait3A_184 = tpu.memref_squeeze %dma_wait3A_183 : memref<1x64xi32, #tpu.memory_space<vmem>> -> memref<64xi32, #tpu.memory_space<vmem>>
      %dma_wait3A_185 = arith.constant 0 : i32
      %dma_wait3A_186 = arith.constant 0 : i32
      %dma_wait3A_187 = tpu.memref_slice %arg2[%dma_wait3A_185, %dma_wait3A_186] : memref<20480x128xf32, #tpu.memory_space<hbm>> -> memref<20480x128xf32, #tpu.memory_space<hbm>>
      tpu.wait_indirect_dma semaphore(%arg12 : memref<!tpu.dma_semaphore, #tpu.memory_space<semaphore_mem>>) src(%dma_wait3A_187 : memref<20480x128xf32, #tpu.memory_space<hbm>>) dst(%dma_wait3A_181 : memref<64x128xf32, #tpu.memory_space<vmem>>)
      %dma_start3A_188 = arith.constant 2 : i32
      %dma_start3A_189 = arith.constant 38 : i32
      %dma_start3A_190 = arith.constant 0 : i32
      %dma_start3A_191 = arith.constant 0 : i32
      %dma_start3A_192 = tpu.memref_slice %arg9[%dma_start3A_188, %dma_start3A_190, %dma_start3A_191] : memref<4x64x128xf32, #tpu.memory_space<vmem>> -> memref<1x64x128xf32, #tpu.memory_space<vmem>>
      %dma_start3A_193 = tpu.memref_squeeze %dma_start3A_192 : memref<1x64x128xf32, #tpu.memory_space<vmem>> -> memref<64x128xf32, #tpu.memory_space<vmem>>
      %dma_start3A_194 = arith.constant 0 : i32
      %dma_start3A_195 = tpu.memref_slice %arg8[%dma_start3A_189, %dma_start3A_194] : memref<40x64xi32, #tpu.memory_space<vmem>> -> memref<1x64xi32, #tpu.memory_space<vmem>>
      %dma_start3A_196 = tpu.memref_squeeze %dma_start3A_195 : memref<1x64xi32, #tpu.memory_space<vmem>> -> memref<64xi32, #tpu.memory_space<vmem>>
      %dma_start3A_197 = arith.constant 0 : i32
      %dma_start3A_198 = arith.constant 0 : i32
      %dma_start3A_199 = tpu.memref_slice %arg6[%dma_start3A_197, %dma_start3A_198] : memref<10240x128xf32, #tpu.memory_space<vmem_shared>> -> memref<10240x128xf32, #tpu.memory_space<vmem_shared>>
      tpu.enqueue_indirect_dma source(%dma_start3A_193 : memref<64x128xf32, #tpu.memory_space<vmem>>) target(%dma_start3A_199 : memref<10240x128xf32, #tpu.memory_space<vmem_shared>>) offsets(%dma_start3A_196 : memref<64xi32, #tpu.memory_space<vmem>>) semaphore(%arg16 : memref<!tpu.dma_semaphore, #tpu.memory_space<semaphore_mem>>) {add = true}
      %dma_wait3A_200 = arith.constant 39 : i32
      %dma_wait3A_201 = arith.constant 3 : i32
      %dma_wait3A_202 = arith.constant 0 : i32
      %dma_wait3A_203 = arith.constant 0 : i32
      %dma_wait3A_204 = tpu.memref_slice %arg9[%dma_wait3A_201, %dma_wait3A_202, %dma_wait3A_203] : memref<4x64x128xf32, #tpu.memory_space<vmem>> -> memref<1x64x128xf32, #tpu.memory_space<vmem>>
      %dma_wait3A_205 = tpu.memref_squeeze %dma_wait3A_204 : memref<1x64x128xf32, #tpu.memory_space<vmem>> -> memref<64x128xf32, #tpu.memory_space<vmem>>
      %dma_wait3A_206 = arith.constant 0 : i32
      %dma_wait3A_207 = tpu.memref_slice %arg7[%dma_wait3A_200, %dma_wait3A_206] : memref<40x64xi32, #tpu.memory_space<vmem>> -> memref<1x64xi32, #tpu.memory_space<vmem>>
      %dma_wait3A_208 = tpu.memref_squeeze %dma_wait3A_207 : memref<1x64xi32, #tpu.memory_space<vmem>> -> memref<64xi32, #tpu.memory_space<vmem>>
      %dma_wait3A_209 = arith.constant 0 : i32
      %dma_wait3A_210 = arith.constant 0 : i32
      %dma_wait3A_211 = tpu.memref_slice %arg2[%dma_wait3A_209, %dma_wait3A_210] : memref<20480x128xf32, #tpu.memory_space<hbm>> -> memref<20480x128xf32, #tpu.memory_space<hbm>>
      tpu.wait_indirect_dma semaphore(%arg13 : memref<!tpu.dma_semaphore, #tpu.memory_space<semaphore_mem>>) src(%dma_wait3A_211 : memref<20480x128xf32, #tpu.memory_space<hbm>>) dst(%dma_wait3A_205 : memref<64x128xf32, #tpu.memory_space<vmem>>)
      %dma_start3A_212 = arith.constant 3 : i32
      %dma_start3A_213 = arith.constant 39 : i32
      %dma_start3A_214 = arith.constant 0 : i32
      %dma_start3A_215 = arith.constant 0 : i32
      %dma_start3A_216 = tpu.memref_slice %arg9[%dma_start3A_212, %dma_start3A_214, %dma_start3A_215] : memref<4x64x128xf32, #tpu.memory_space<vmem>> -> memref<1x64x128xf32, #tpu.memory_space<vmem>>
      %dma_start3A_217 = tpu.memref_squeeze %dma_start3A_216 : memref<1x64x128xf32, #tpu.memory_space<vmem>> -> memref<64x128xf32, #tpu.memory_space<vmem>>
      %dma_start3A_218 = arith.constant 0 : i32
      %dma_start3A_219 = tpu.memref_slice %arg8[%dma_start3A_213, %dma_start3A_218] : memref<40x64xi32, #tpu.memory_space<vmem>> -> memref<1x64xi32, #tpu.memory_space<vmem>>
      %dma_start3A_220 = tpu.memref_squeeze %dma_start3A_219 : memref<1x64xi32, #tpu.memory_space<vmem>> -> memref<64xi32, #tpu.memory_space<vmem>>
      %dma_start3A_221 = arith.constant 0 : i32
      %dma_start3A_222 = arith.constant 0 : i32
      %dma_start3A_223 = tpu.memref_slice %arg6[%dma_start3A_221, %dma_start3A_222] : memref<10240x128xf32, #tpu.memory_space<vmem_shared>> -> memref<10240x128xf32, #tpu.memory_space<vmem_shared>>
      tpu.enqueue_indirect_dma source(%dma_start3A_217 : memref<64x128xf32, #tpu.memory_space<vmem>>) target(%dma_start3A_223 : memref<10240x128xf32, #tpu.memory_space<vmem_shared>>) offsets(%dma_start3A_220 : memref<64xi32, #tpu.memory_space<vmem>>) semaphore(%arg17 : memref<!tpu.dma_semaphore, #tpu.memory_space<semaphore_mem>>) {add = true}
      %dma_wait3A_224 = arith.constant 0 : i32
      %dma_wait3A_225 = arith.constant 36 : i32
      %dma_wait3A_226 = arith.constant 0 : i32
      %dma_wait3A_227 = arith.constant 0 : i32
      %dma_wait3A_228 = tpu.memref_slice %arg9[%dma_wait3A_224, %dma_wait3A_226, %dma_wait3A_227] : memref<4x64x128xf32, #tpu.memory_space<vmem>> -> memref<1x64x128xf32, #tpu.memory_space<vmem>>
      %dma_wait3A_229 = tpu.memref_squeeze %dma_wait3A_228 : memref<1x64x128xf32, #tpu.memory_space<vmem>> -> memref<64x128xf32, #tpu.memory_space<vmem>>
      %dma_wait3A_230 = arith.constant 0 : i32
      %dma_wait3A_231 = tpu.memref_slice %arg8[%dma_wait3A_225, %dma_wait3A_230] : memref<40x64xi32, #tpu.memory_space<vmem>> -> memref<1x64xi32, #tpu.memory_space<vmem>>
      %dma_wait3A_232 = tpu.memref_squeeze %dma_wait3A_231 : memref<1x64xi32, #tpu.memory_space<vmem>> -> memref<64xi32, #tpu.memory_space<vmem>>
      %dma_wait3A_233 = arith.constant 0 : i32
      %dma_wait3A_234 = arith.constant 0 : i32
      %dma_wait3A_235 = tpu.memref_slice %arg6[%dma_wait3A_233, %dma_wait3A_234] : memref<10240x128xf32, #tpu.memory_space<vmem_shared>> -> memref<10240x128xf32, #tpu.memory_space<vmem_shared>>
      tpu.wait_indirect_dma semaphore(%arg14 : memref<!tpu.dma_semaphore, #tpu.memory_space<semaphore_mem>>) src(%dma_wait3A_229 : memref<64x128xf32, #tpu.memory_space<vmem>>) dst(%dma_wait3A_235 : memref<10240x128xf32, #tpu.memory_space<vmem_shared>>)
      %dma_wait3A_236 = arith.constant 1 : i32
      %dma_wait3A_237 = arith.constant 37 : i32
      %dma_wait3A_238 = arith.constant 0 : i32
      %dma_wait3A_239 = arith.constant 0 : i32
      %dma_wait3A_240 = tpu.memref_slice %arg9[%dma_wait3A_236, %dma_wait3A_238, %dma_wait3A_239] : memref<4x64x128xf32, #tpu.memory_space<vmem>> -> memref<1x64x128xf32, #tpu.memory_space<vmem>>
      %dma_wait3A_241 = tpu.memref_squeeze %dma_wait3A_240 : memref<1x64x128xf32, #tpu.memory_space<vmem>> -> memref<64x128xf32, #tpu.memory_space<vmem>>
      %dma_wait3A_242 = arith.constant 0 : i32
      %dma_wait3A_243 = tpu.memref_slice %arg8[%dma_wait3A_237, %dma_wait3A_242] : memref<40x64xi32, #tpu.memory_space<vmem>> -> memref<1x64xi32, #tpu.memory_space<vmem>>
      %dma_wait3A_244 = tpu.memref_squeeze %dma_wait3A_243 : memref<1x64xi32, #tpu.memory_space<vmem>> -> memref<64xi32, #tpu.memory_space<vmem>>
      %dma_wait3A_245 = arith.constant 0 : i32
      %dma_wait3A_246 = arith.constant 0 : i32
      %dma_wait3A_247 = tpu.memref_slice %arg6[%dma_wait3A_245, %dma_wait3A_246] : memref<10240x128xf32, #tpu.memory_space<vmem_shared>> -> memref<10240x128xf32, #tpu.memory_space<vmem_shared>>
      tpu.wait_indirect_dma semaphore(%arg15 : memref<!tpu.dma_semaphore, #tpu.memory_space<semaphore_mem>>) src(%dma_wait3A_241 : memref<64x128xf32, #tpu.memory_space<vmem>>) dst(%dma_wait3A_247 : memref<10240x128xf32, #tpu.memory_space<vmem_shared>>)
      %dma_wait3A_248 = arith.constant 2 : i32
      %dma_wait3A_249 = arith.constant 38 : i32
      %dma_wait3A_250 = arith.constant 0 : i32
      %dma_wait3A_251 = arith.constant 0 : i32
      %dma_wait3A_252 = tpu.memref_slice %arg9[%dma_wait3A_248, %dma_wait3A_250, %dma_wait3A_251] : memref<4x64x128xf32, #tpu.memory_space<vmem>> -> memref<1x64x128xf32, #tpu.memory_space<vmem>>
      %dma_wait3A_253 = tpu.memref_squeeze %dma_wait3A_252 : memref<1x64x128xf32, #tpu.memory_space<vmem>> -> memref<64x128xf32, #tpu.memory_space<vmem>>
      %dma_wait3A_254 = arith.constant 0 : i32
      %dma_wait3A_255 = tpu.memref_slice %arg8[%dma_wait3A_249, %dma_wait3A_254] : memref<40x64xi32, #tpu.memory_space<vmem>> -> memref<1x64xi32, #tpu.memory_space<vmem>>
      %dma_wait3A_256 = tpu.memref_squeeze %dma_wait3A_255 : memref<1x64xi32, #tpu.memory_space<vmem>> -> memref<64xi32, #tpu.memory_space<vmem>>
      %dma_wait3A_257 = arith.constant 0 : i32
      %dma_wait3A_258 = arith.constant 0 : i32
      %dma_wait3A_259 = tpu.memref_slice %arg6[%dma_wait3A_257, %dma_wait3A_258] : memref<10240x128xf32, #tpu.memory_space<vmem_shared>> -> memref<10240x128xf32, #tpu.memory_space<vmem_shared>>
      tpu.wait_indirect_dma semaphore(%arg16 : memref<!tpu.dma_semaphore, #tpu.memory_space<semaphore_mem>>) src(%dma_wait3A_253 : memref<64x128xf32, #tpu.memory_space<vmem>>) dst(%dma_wait3A_259 : memref<10240x128xf32, #tpu.memory_space<vmem_shared>>)
      %dma_wait3A_260 = arith.constant 3 : i32
      %dma_wait3A_261 = arith.constant 39 : i32
      %dma_wait3A_262 = arith.constant 0 : i32
      %dma_wait3A_263 = arith.constant 0 : i32
      %dma_wait3A_264 = tpu.memref_slice %arg9[%dma_wait3A_260, %dma_wait3A_262, %dma_wait3A_263] : memref<4x64x128xf32, #tpu.memory_space<vmem>> -> memref<1x64x128xf32, #tpu.memory_space<vmem>>
      %dma_wait3A_265 = tpu.memref_squeeze %dma_wait3A_264 : memref<1x64x128xf32, #tpu.memory_space<vmem>> -> memref<64x128xf32, #tpu.memory_space<vmem>>
      %dma_wait3A_266 = arith.constant 0 : i32
      %dma_wait3A_267 = tpu.memref_slice %arg8[%dma_wait3A_261, %dma_wait3A_266] : memref<40x64xi32, #tpu.memory_space<vmem>> -> memref<1x64xi32, #tpu.memory_space<vmem>>
      %dma_wait3A_268 = tpu.memref_squeeze %dma_wait3A_267 : memref<1x64xi32, #tpu.memory_space<vmem>> -> memref<64xi32, #tpu.memory_space<vmem>>
      %dma_wait3A_269 = arith.constant 0 : i32
      %dma_wait3A_270 = arith.constant 0 : i32
      %dma_wait3A_271 = tpu.memref_slice %arg6[%dma_wait3A_269, %dma_wait3A_270] : memref<10240x128xf32, #tpu.memory_space<vmem_shared>> -> memref<10240x128xf32, #tpu.memory_space<vmem_shared>>
      tpu.wait_indirect_dma semaphore(%arg17 : memref<!tpu.dma_semaphore, #tpu.memory_space<semaphore_mem>>) src(%dma_wait3A_265 : memref<64x128xf32, #tpu.memory_space<vmem>>) dst(%dma_wait3A_271 : memref<10240x128xf32, #tpu.memory_space<vmem_shared>>)
    }
    %scan3A_67 = arith.constant 4 : i32
    %barrier3A_68 = arith.constant 0 : index
    tpu.barrier barrier_id(%barrier3A_68)
    %mul3A_69 = arith.constant 640 : i32
    %mul3A_70 = arith.muli %arg1, %mul3A_69 : i32
    %multiple_of3A_71 = tpu.assume_multiple %mul3A_70, 8 : i32
    "tpu.region"() ({
      %run_scoped3A_72 = tpu.sem_alloc : memref<!tpu.dma_semaphore, #tpu.memory_space<semaphore_mem>>
      %dma_start3A = arith.constant 0 : i32
      %dma_start3A_73 = tpu.memref_slice %arg5[%arg0, %multiple_of3A_71, %dma_start3A] : memref<2x10240x128xf32, #tpu.memory_space<hbm>> -> memref<1x640x128xf32, #tpu.memory_space<hbm>>
      %dma_start3A_74 = tpu.memref_squeeze %dma_start3A_73 : memref<1x640x128xf32, #tpu.memory_space<hbm>> -> memref<640x128xf32, #tpu.memory_space<hbm>>
      %dma_start3A_75 = arith.constant 0 : i32
      %dma_start3A_76 = tpu.memref_slice %arg6[%multiple_of3A_71, %dma_start3A_75] : memref<10240x128xf32, #tpu.memory_space<vmem_shared>> -> memref<640x128xf32, #tpu.memory_space<vmem_shared>>
      tpu.enqueue_dma source(%dma_start3A_76 : memref<640x128xf32, #tpu.memory_space<vmem_shared>>) target(%dma_start3A_74 : memref<640x128xf32, #tpu.memory_space<hbm>>) target_semaphore(%run_scoped3A_72 : memref<!tpu.dma_semaphore, #tpu.memory_space<semaphore_mem>>)
      %dma_wait3A = arith.constant 0 : i32
      %dma_wait3A_77 = tpu.memref_slice %arg5[%arg0, %multiple_of3A_71, %dma_wait3A] : memref<2x10240x128xf32, #tpu.memory_space<hbm>> -> memref<1x640x128xf32, #tpu.memory_space<hbm>>
      %dma_wait3A_78 = tpu.memref_squeeze %dma_wait3A_77 : memref<1x640x128xf32, #tpu.memory_space<hbm>> -> memref<640x128xf32, #tpu.memory_space<hbm>>
      %dma_wait3A_79 = arith.constant 0 : i32
      %dma_wait3A_80 = tpu.memref_slice %arg6[%multiple_of3A_71, %dma_wait3A_79] : memref<10240x128xf32, #tpu.memory_space<vmem_shared>> -> memref<640x128xf32, #tpu.memory_space<vmem_shared>>
      tpu.wait_dma2 semaphore(%run_scoped3A_72 : memref<!tpu.dma_semaphore, #tpu.memory_space<semaphore_mem>>) src(%dma_wait3A_80 : memref<640x128xf32, #tpu.memory_space<vmem_shared>>) dst(%dma_wait3A_78 : memref<640x128xf32, #tpu.memory_space<hbm>>)
      tpu.yield
    }) : () -> ()
    return
  }
}

module attributes {stable_mosaic.version = 14 : i64} {
  func.func @_tc1a_body(%arg0: i32, %arg1: memref<1024x256xf32, #tpu.memory_space<vmem>>, %arg2: memref<256x256xf32, #tpu.memory_space<vmem>>, %arg3: memref<1024x256xf32, #tpu.memory_space<vmem>>) attributes {dimension_semantics = [#tpu.dimension_semantics<arbitrary>], iteration_bounds = array<i64: 10>, scalar_prefetch = 0 : i64, scratch_operands = 0 : i64, tpu.core_type = #tpu.core_type<tc>, window_params = [{transform_indices = @transform_0, window_bounds = array<i64: 1024, 256>}, {pipeline_mode = #tpu.pipeline_mode<synchronous>, transform_indices = @transform_1, window_bounds = array<i64: 256, 256>}, {transform_indices = @transform_2, window_bounds = array<i64: 1024, 256>}]} {
    %get3A = arith.constant 0 : index
    %get3A_0 = arith.constant 0 : index
    %get3A_1 = vector.load %arg1[%get3A, %get3A_0] : memref<1024x256xf32, #tpu.memory_space<vmem>>, vector<1024x256xf32>
    %get3A_2 = arith.constant 0 : index
    %get3A_3 = arith.constant 0 : index
    %get3A_4 = vector.load %arg2[%get3A_2, %get3A_3] : memref<256x256xf32, #tpu.memory_space<vmem>>, vector<256x256xf32>
    %dot_general3A = arith.constant dense<0.000000e+00> : vector<1024x256xf32>
    %dot_general3A_5 = tpu.matmul %get3A_1, %get3A_4, %dot_general3A {dimension_numbers = #tpu.dot_dimension_numbers<[1], [0], [0], [1], [0, 0, 1, 1], [], []>, transpose_lhs_hint = false} : vector<1024x256xf32>, vector<256x256xf32>, vector<1024x256xf32> -> vector<1024x256xf32>
    %swap3A = arith.constant 0 : index
    %swap3A_6 = arith.constant 0 : index
    %swap3A_7 = vector.load %arg3[%swap3A, %swap3A_6] : memref<1024x256xf32, #tpu.memory_space<vmem>>, vector<1024x256xf32>
    tpu.vector_store %arg3[%swap3A, %swap3A_6], %dot_general3A_5 {strides = array<i32>} : memref<1024x256xf32, #tpu.memory_space<vmem>>, vector<1024x256xf32>,
    return
  }
  func.func @transform_0(%arg0: i32) -> (i32, i32) {
    %c0_i32 = arith.constant 0 : i32
    %c0_i32_0 = arith.constant 0 : i32
    return %arg0, %c0_i32 : i32, i32
  }
  func.func @transform_1(%arg0: i32) -> (i32, i32) {
    %c0_i32 = arith.constant 0 : i32
    %c0_i32_0 = arith.constant 0 : i32
    %c0_i32_1 = arith.constant 0 : i32
    return %c0_i32, %c0_i32_0 : i32, i32
  }
  func.func @transform_2(%arg0: i32) -> (i32, i32) {
    %c0_i32 = arith.constant 0 : i32
    %c0_i32_0 = arith.constant 0 : i32
    return %arg0, %c0_i32 : i32, i32
  }
}

module attributes {stable_mosaic.version = 14 : i64} {
  func.func @_tc1b_body(%arg0: i32, %arg1: memref<1024x256xf32, #tpu.memory_space<vmem>>, %arg2: memref<1x256xf32, #tpu.memory_space<vmem>>, %arg3: memref<2x1024x48xf32, #tpu.memory_space<vmem>>, %arg4: memref<2x1024x128xf32, #tpu.memory_space<vmem>>, %arg5: memref<1024x256xf32, #tpu.memory_space<vmem>>) attributes {dimension_semantics = [#tpu.dimension_semantics<arbitrary>], iteration_bounds = array<i64: 10>, scalar_prefetch = 0 : i64, scratch_operands = 0 : i64, tpu.core_type = #tpu.core_type<tc>, window_params = [{transform_indices = @transform_0, window_bounds = array<i64: 1024, 256>}, {pipeline_mode = #tpu.pipeline_mode<synchronous>, transform_indices = @transform_1, window_bounds = array<i64: 1, 256>}, {transform_indices = @transform_2, window_bounds = array<i64: 2, 1024, 48>}, {transform_indices = @transform_3, window_bounds = array<i64: 2, 1024, 128>}, {transform_indices = @transform_4, window_bounds = array<i64: 1024, 256>}]} {
    %get3A = arith.constant 0 : index
    %get3A_0 = arith.constant 0 : index
    %get3A_1 = vector.load %arg1[%get3A, %get3A_0] : memref<1024x256xf32, #tpu.memory_space<vmem>>, vector<1024x256xf32>
    %get3A_2 = arith.constant 0 : index
    %get3A_3 = arith.constant 0 : index
    %get3A_4 = arith.constant 0 : index
    %get3A_5 = vector.load %arg3[%get3A_2, %get3A_3, %get3A_4] : memref<2x1024x48xf32, #tpu.memory_space<vmem>>, vector<2x1024x48xf32>
    %slice3A = vector.extract_strided_slice %get3A_5 {offsets = [0, 0, 0], sizes = [1, 1024, 1], strides = [1, 1, 1]} : vector<2x1024x48xf32> to vector<1x1024x1xf32>
    %squeeze3A = vector.shape_cast %slice3A : vector<1x1024x1xf32> to vector<1024x1xf32>
    %add3A = arith.constant 1.000000e+00 : f32
    %add3A_6 = vector.broadcast %add3A : f32 to vector<1024x1xf32>
    %add3A_7 = arith.addf %add3A_6, %squeeze3A : vector<1024x1xf32>
    %slice3A_8 = vector.extract_strided_slice %get3A_5 {offsets = [1, 0, 0], sizes = [1, 1024, 1], strides = [1, 1, 1]} : vector<2x1024x48xf32> to vector<1x1024x1xf32>
    %squeeze3A_9 = vector.shape_cast %slice3A_8 : vector<1x1024x1xf32> to vector<1024x1xf32>
    %add3A_10 = arith.addf %add3A_7, %squeeze3A_9 : vector<1024x1xf32>
    %rsqrt3A = math.rsqrt %add3A_10 : vector<1024x1xf32>
    %mul3A = vector.broadcast %rsqrt3A : vector<1024x1xf32> to vector<1024x256xf32>
    %mul3A_11 = arith.mulf %get3A_1, %mul3A : vector<1024x256xf32>
    %slice3A_12 = vector.extract_strided_slice %mul3A_11 {offsets = [0, 0], sizes = [1024, 128], strides = [1, 1]} : vector<1024x256xf32> to vector<1024x128xf32>
    %swap3A = arith.constant 0 : index
    %swap3A_13 = arith.constant 0 : index
    %swap3A_14 = arith.constant 0 : index
    %swap3A_15 = vector.load %arg4[%swap3A, %swap3A_13, %swap3A_14] : memref<2x1024x128xf32, #tpu.memory_space<vmem>>, vector<1x1024x128xf32>
    %swap3A_16 = vector.shape_cast %swap3A_15 : vector<1x1024x128xf32> to vector<1024x128xf32>
    %swap3A_17 = vector.shape_cast %slice3A_12 : vector<1024x128xf32> to vector<1x1024x128xf32>
    tpu.vector_store %arg4[%swap3A, %swap3A_13, %swap3A_14], %swap3A_17 {strides = array<i32>} : memref<2x1024x128xf32, #tpu.memory_space<vmem>>, vector<1x1024x128xf32>,
    %slice3A_18 = vector.extract_strided_slice %mul3A_11 {offsets = [0, 128], sizes = [1024, 128], strides = [1, 1]} : vector<1024x256xf32> to vector<1024x128xf32>
    %swap3A_19 = arith.constant 1 : index
    %swap3A_20 = arith.constant 0 : index
    %swap3A_21 = arith.constant 0 : index
    %swap3A_22 = vector.load %arg4[%swap3A_19, %swap3A_20, %swap3A_21] : memref<2x1024x128xf32, #tpu.memory_space<vmem>>, vector<1x1024x128xf32>
    %swap3A_23 = vector.shape_cast %swap3A_22 : vector<1x1024x128xf32> to vector<1024x128xf32>
    %swap3A_24 = vector.shape_cast %slice3A_18 : vector<1024x128xf32> to vector<1x1024x128xf32>
    tpu.vector_store %arg4[%swap3A_19, %swap3A_20, %swap3A_21], %swap3A_24 {strides = array<i32>} : memref<2x1024x128xf32, #tpu.memory_space<vmem>>, vector<1x1024x128xf32>,
    %div3A = arith.constant 1.000000e+00 : f32
    %div3A_25 = vector.broadcast %div3A : f32 to vector<1024x1xf32>
    %div3A_26 = arith.divf %div3A_25, %add3A_10 : vector<1024x1xf32>
    %mul3A_27 = vector.broadcast %div3A_26 : vector<1024x1xf32> to vector<1024x256xf32>
    %mul3A_28 = arith.mulf %get3A_1, %mul3A_27 : vector<1024x256xf32>
    %get3A_29 = arith.constant 0 : index
    %get3A_30 = arith.constant 0 : index
    %get3A_31 = vector.load %arg2[%get3A_29, %get3A_30] : memref<1x256xf32, #tpu.memory_space<vmem>>, vector<1x256xf32>
    %add3A_32 = vector.broadcast %get3A_31 : vector<1x256xf32> to vector<1024x256xf32>
    %add3A_33 = arith.addf %mul3A_28, %add3A_32 : vector<1024x256xf32>
    %swap3A_34 = arith.constant 0 : index
    %swap3A_35 = arith.constant 0 : index
    %swap3A_36 = vector.load %arg5[%swap3A_34, %swap3A_35] : memref<1024x256xf32, #tpu.memory_space<vmem>>, vector<1024x256xf32>
    tpu.vector_store %arg5[%swap3A_34, %swap3A_35], %add3A_33 {strides = array<i32>} : memref<1024x256xf32, #tpu.memory_space<vmem>>, vector<1024x256xf32>,
    return
  }
  func.func @transform_0(%arg0: i32) -> (i32, i32) {
    %c0_i32 = arith.constant 0 : i32
    %c0_i32_0 = arith.constant 0 : i32
    return %arg0, %c0_i32 : i32, i32
  }
  func.func @transform_1(%arg0: i32) -> (i32, i32) {
    %c0_i32 = arith.constant 0 : i32
    %c0_i32_0 = arith.constant 0 : i32
    %c0_i32_1 = arith.constant 0 : i32
    return %c0_i32, %c0_i32_0 : i32, i32
  }
  func.func @transform_2(%arg0: i32) -> (i32, i32, i32) {
    %c0_i32 = arith.constant 0 : i32
    %c0_i32_0 = arith.constant 0 : i32
    %c0_i32_1 = arith.constant 0 : i32
    return %c0_i32, %arg0, %c0_i32_0 : i32, i32, i32
  }
  func.func @transform_3(%arg0: i32) -> (i32, i32, i32) {
    %c0_i32 = arith.constant 0 : i32
    %c0_i32_0 = arith.constant 0 : i32
    %c0_i32_1 = arith.constant 0 : i32
    return %c0_i32, %arg0, %c0_i32_0 : i32, i32, i32
  }
  func.func @transform_4(%arg0: i32) -> (i32, i32) {
    %c0_i32 = arith.constant 0 : i32
    %c0_i32_0 = arith.constant 0 : i32
    return %arg0, %c0_i32 : i32, i32
  }
}

module attributes {stable_mosaic.version = 14 : i64} {
  func.func @body(%arg0: i32, %arg1: memref<2x1024x128xf32, #tpu.memory_space<vmem>>, %arg2: memref<1024x256xf32, #tpu.memory_space<vmem>>, %arg3: memref<2x1024x48xf32, #tpu.memory_space<vmem>>, %arg4: memref<256x256xf32, #tpu.memory_space<vmem>>, %arg5: memref<1x256xf32, #tpu.memory_space<vmem>>, %arg6: memref<2x1024x128xf32, #tpu.memory_space<vmem>>, %arg7: memref<1024x256xf32, #tpu.memory_space<vmem>>) attributes {dimension_semantics = [#tpu.dimension_semantics<arbitrary>], iteration_bounds = array<i64: 10>, scalar_prefetch = 0 : i64, scratch_operands = 0 : i64, tpu.core_type = #tpu.core_type<tc>, window_params = [{transform_indices = @transform_0, window_bounds = array<i64: 2, 1024, 128>}, {transform_indices = @transform_1, window_bounds = array<i64: 1024, 256>}, {transform_indices = @transform_2, window_bounds = array<i64: 2, 1024, 48>}, {pipeline_mode = #tpu.pipeline_mode<synchronous>, transform_indices = @transform_3, window_bounds = array<i64: 256, 256>}, {pipeline_mode = #tpu.pipeline_mode<synchronous>, transform_indices = @transform_4, window_bounds = array<i64: 1, 256>}, {transform_indices = @transform_5, window_bounds = array<i64: 2, 1024, 128>}, {transform_indices = @transform_6, window_bounds = array<i64: 1024, 256>}]} {
    %get3A = arith.constant 0 : index
    %get3A_0 = arith.constant 0 : index
    %get3A_1 = arith.constant 0 : index
    %get3A_2 = vector.load %arg3[%get3A, %get3A_0, %get3A_1] : memref<2x1024x48xf32, #tpu.memory_space<vmem>>, vector<2x1024x48xf32>
    %slice3A = vector.extract_strided_slice %get3A_2 {offsets = [0, 0, 0], sizes = [1, 1024, 1], strides = [1, 1, 1]} : vector<2x1024x48xf32> to vector<1x1024x1xf32>
    %squeeze3A = vector.shape_cast %slice3A : vector<1x1024x1xf32> to vector<1024x1xf32>
    %add3A = arith.constant 1.000000e+00 : f32
    %add3A_3 = vector.broadcast %add3A : f32 to vector<1024x1xf32>
    %add3A_4 = arith.addf %add3A_3, %squeeze3A : vector<1024x1xf32>
    %slice3A_5 = vector.extract_strided_slice %get3A_2 {offsets = [1, 0, 0], sizes = [1, 1024, 1], strides = [1, 1, 1]} : vector<2x1024x48xf32> to vector<1x1024x1xf32>
    %squeeze3A_6 = vector.shape_cast %slice3A_5 : vector<1x1024x1xf32> to vector<1024x1xf32>
    %add3A_7 = arith.addf %add3A_4, %squeeze3A_6 : vector<1024x1xf32>
    %rsqrt3A = math.rsqrt %add3A_7 : vector<1024x1xf32>
    %get3A_8 = arith.constant 0 : index
    %get3A_9 = arith.constant 0 : index
    %get3A_10 = arith.constant 0 : index
    %get3A_11 = vector.load %arg1[%get3A_8, %get3A_9, %get3A_10] : memref<2x1024x128xf32, #tpu.memory_space<vmem>>, vector<2x1024x128xf32>
    %get3A_12 = arith.constant 0 : index
    %get3A_13 = arith.constant 0 : index
    %get3A_14 = vector.load %arg2[%get3A_12, %get3A_13] : memref<1024x256xf32, #tpu.memory_space<vmem>>, vector<1024x256xf32>
    %slice3A_15 = vector.extract_strided_slice %get3A_11 {offsets = [0, 0, 0], sizes = [1, 1024, 128], strides = [1, 1, 1]} : vector<2x1024x128xf32> to vector<1x1024x128xf32>
    %squeeze3A_16 = vector.shape_cast %slice3A_15 : vector<1x1024x128xf32> to vector<1024x128xf32>
    %mul3A = vector.broadcast %rsqrt3A : vector<1024x1xf32> to vector<1024x128xf32>
    %mul3A_17 = arith.mulf %squeeze3A_16, %mul3A : vector<1024x128xf32>
    %slice3A_18 = vector.extract_strided_slice %get3A_14 {offsets = [0, 0], sizes = [1024, 128], strides = [1, 1]} : vector<1024x256xf32> to vector<1024x128xf32>
    %add3A_19 = arith.addf %mul3A_17, %slice3A_18 : vector<1024x128xf32>
    %slice3A_20 = vector.extract_strided_slice %get3A_11 {offsets = [1, 0, 0], sizes = [1, 1024, 128], strides = [1, 1, 1]} : vector<2x1024x128xf32> to vector<1x1024x128xf32>
    %squeeze3A_21 = vector.shape_cast %slice3A_20 : vector<1x1024x128xf32> to vector<1024x128xf32>
    %mul3A_22 = vector.broadcast %rsqrt3A : vector<1024x1xf32> to vector<1024x128xf32>
    %mul3A_23 = arith.mulf %squeeze3A_21, %mul3A_22 : vector<1024x128xf32>
    %slice3A_24 = vector.extract_strided_slice %get3A_14 {offsets = [0, 128], sizes = [1024, 128], strides = [1, 1]} : vector<1024x256xf32> to vector<1024x128xf32>
    %add3A_25 = arith.addf %mul3A_23, %slice3A_24 : vector<1024x128xf32>
    %get3A_26 = arith.constant 0 : index
    %get3A_27 = arith.constant 0 : index
    %get3A_28 = vector.load %arg4[%get3A_26, %get3A_27] : memref<256x256xf32, #tpu.memory_space<vmem>>, vector<256x256xf32>
    %slice3A_29 = vector.extract_strided_slice %get3A_28 {offsets = [0, 0], sizes = [128, 256], strides = [1, 1]} : vector<256x256xf32> to vector<128x256xf32>
    %dot_general3A = arith.constant dense<0.000000e+00> : vector<1024x256xf32>
    %dot_general3A_30 = tpu.matmul %add3A_19, %slice3A_29, %dot_general3A {dimension_numbers = #tpu.dot_dimension_numbers<[1], [0], [0], [1], [0, 0, 1, 1], [], []>, transpose_lhs_hint = false} : vector<1024x128xf32>, vector<128x256xf32>, vector<1024x256xf32> -> vector<1024x256xf32>
    %slice3A_31 = vector.extract_strided_slice %get3A_28 {offsets = [128, 0], sizes = [128, 256], strides = [1, 1]} : vector<256x256xf32> to vector<128x256xf32>
    %dot_general3A_32 = arith.constant dense<0.000000e+00> : vector<1024x256xf32>
    %dot_general3A_33 = tpu.matmul %add3A_25, %slice3A_31, %dot_general3A_32 {dimension_numbers = #tpu.dot_dimension_numbers<[1], [0], [0], [1], [0, 0, 1, 1], [], []>, transpose_lhs_hint = false} : vector<1024x128xf32>, vector<128x256xf32>, vector<1024x256xf32> -> vector<1024x256xf32>
    %add3A_34 = arith.addf %dot_general3A_30, %dot_general3A_33 : vector<1024x256xf32>
    %slice3A_35 = vector.extract_strided_slice %get3A_2 {offsets = [0, 0, 16], sizes = [1, 1024, 1], strides = [1, 1, 1]} : vector<2x1024x48xf32> to vector<1x1024x1xf32>
    %squeeze3A_36 = vector.shape_cast %slice3A_35 : vector<1x1024x1xf32> to vector<1024x1xf32>
    %add3A_37 = arith.constant 1.000000e+00 : f32
    %add3A_38 = vector.broadcast %add3A_37 : f32 to vector<1024x1xf32>
    %add3A_39 = arith.addf %add3A_38, %squeeze3A_36 : vector<1024x1xf32>
    %slice3A_40 = vector.extract_strided_slice %get3A_2 {offsets = [1, 0, 16], sizes = [1, 1024, 1], strides = [1, 1, 1]} : vector<2x1024x48xf32> to vector<1x1024x1xf32>
    %squeeze3A_41 = vector.shape_cast %slice3A_40 : vector<1x1024x1xf32> to vector<1024x1xf32>
    %add3A_42 = arith.addf %add3A_39, %squeeze3A_41 : vector<1024x1xf32>
    %rsqrt3A_43 = math.rsqrt %add3A_42 : vector<1024x1xf32>
    %mul3A_44 = vector.broadcast %rsqrt3A_43 : vector<1024x1xf32> to vector<1024x256xf32>
    %mul3A_45 = arith.mulf %add3A_34, %mul3A_44 : vector<1024x256xf32>
    %slice3A_46 = vector.extract_strided_slice %mul3A_45 {offsets = [0, 0], sizes = [1024, 128], strides = [1, 1]} : vector<1024x256xf32> to vector<1024x128xf32>
    %swap3A = arith.constant 0 : index
    %swap3A_47 = arith.constant 0 : index
    %swap3A_48 = arith.constant 0 : index
    %swap3A_49 = vector.load %arg6[%swap3A, %swap3A_47, %swap3A_48] : memref<2x1024x128xf32, #tpu.memory_space<vmem>>, vector<1x1024x128xf32>
    %swap3A_50 = vector.shape_cast %swap3A_49 : vector<1x1024x128xf32> to vector<1024x128xf32>
    %swap3A_51 = vector.shape_cast %slice3A_46 : vector<1024x128xf32> to vector<1x1024x128xf32>
    tpu.vector_store %arg6[%swap3A, %swap3A_47, %swap3A_48], %swap3A_51 {strides = array<i32>} : memref<2x1024x128xf32, #tpu.memory_space<vmem>>, vector<1x1024x128xf32>,
    %slice3A_52 = vector.extract_strided_slice %mul3A_45 {offsets = [0, 128], sizes = [1024, 128], strides = [1, 1]} : vector<1024x256xf32> to vector<1024x128xf32>
    %swap3A_53 = arith.constant 1 : index
    %swap3A_54 = arith.constant 0 : index
    %swap3A_55 = arith.constant 0 : index
    %swap3A_56 = vector.load %arg6[%swap3A_53, %swap3A_54, %swap3A_55] : memref<2x1024x128xf32, #tpu.memory_space<vmem>>, vector<1x1024x128xf32>
    %swap3A_57 = vector.shape_cast %swap3A_56 : vector<1x1024x128xf32> to vector<1024x128xf32>
    %swap3A_58 = vector.shape_cast %slice3A_52 : vector<1024x128xf32> to vector<1x1024x128xf32>
    tpu.vector_store %arg6[%swap3A_53, %swap3A_54, %swap3A_55], %swap3A_58 {strides = array<i32>} : memref<2x1024x128xf32, #tpu.memory_space<vmem>>, vector<1x1024x128xf32>,
    %div3A = arith.constant 1.000000e+00 : f32
    %div3A_59 = vector.broadcast %div3A : f32 to vector<1024x1xf32>
    %div3A_60 = arith.divf %div3A_59, %add3A_42 : vector<1024x1xf32>
    %mul3A_61 = vector.broadcast %div3A_60 : vector<1024x1xf32> to vector<1024x256xf32>
    %mul3A_62 = arith.mulf %add3A_34, %mul3A_61 : vector<1024x256xf32>
    %get3A_63 = arith.constant 0 : index
    %get3A_64 = arith.constant 0 : index
    %get3A_65 = vector.load %arg5[%get3A_63, %get3A_64] : memref<1x256xf32, #tpu.memory_space<vmem>>, vector<1x256xf32>
    %add3A_66 = vector.broadcast %get3A_65 : vector<1x256xf32> to vector<1024x256xf32>
    %add3A_67 = arith.addf %mul3A_62, %add3A_66 : vector<1024x256xf32>
    %swap3A_68 = arith.constant 0 : index
    %swap3A_69 = arith.constant 0 : index
    %swap3A_70 = vector.load %arg7[%swap3A_68, %swap3A_69] : memref<1024x256xf32, #tpu.memory_space<vmem>>, vector<1024x256xf32>
    tpu.vector_store %arg7[%swap3A_68, %swap3A_69], %add3A_67 {strides = array<i32>} : memref<1024x256xf32, #tpu.memory_space<vmem>>, vector<1024x256xf32>,
    return
  }
  func.func @transform_0(%arg0: i32) -> (i32, i32, i32) {
    %c0_i32 = arith.constant 0 : i32
    %c0_i32_0 = arith.constant 0 : i32
    %c0_i32_1 = arith.constant 0 : i32
    return %c0_i32, %arg0, %c0_i32_0 : i32, i32, i32
  }
  func.func @transform_1(%arg0: i32) -> (i32, i32) {
    %c0_i32 = arith.constant 0 : i32
    %c0_i32_0 = arith.constant 0 : i32
    return %arg0, %c0_i32 : i32, i32
  }
  func.func @transform_2(%arg0: i32) -> (i32, i32, i32) {
    %c0_i32 = arith.constant 0 : i32
    %c0_i32_0 = arith.constant 0 : i32
    %c0_i32_1 = arith.constant 0 : i32
    return %c0_i32, %arg0, %c0_i32_0 : i32, i32, i32
  }
  func.func @transform_3(%arg0: i32) -> (i32, i32) {
    %c0_i32 = arith.constant 0 : i32
    %c0_i32_0 = arith.constant 0 : i32
    %c0_i32_1 = arith.constant 0 : i32
    return %c0_i32, %c0_i32_0 : i32, i32
  }
  func.func @transform_4(%arg0: i32) -> (i32, i32) {
    %c0_i32 = arith.constant 0 : i32
    %c0_i32_0 = arith.constant 0 : i32
    %c0_i32_1 = arith.constant 0 : i32
    return %c0_i32, %c0_i32_0 : i32, i32
  }
  func.func @transform_5(%arg0: i32) -> (i32, i32, i32) {
    %c0_i32 = arith.constant 0 : i32
    %c0_i32_0 = arith.constant 0 : i32
    %c0_i32_1 = arith.constant 0 : i32
    return %c0_i32, %arg0, %c0_i32_0 : i32, i32, i32
  }
  func.func @transform_6(%arg0: i32) -> (i32, i32) {
    %c0_i32 = arith.constant 0 : i32
    %c0_i32_0 = arith.constant 0 : i32
    return %arg0, %c0_i32 : i32, i32
  }
}

module attributes {stable_mosaic.version = 14 : i64} {
  func.func @body(%arg0: i32, %arg1: memref<2x1024x128xf32, #tpu.memory_space<vmem>>, %arg2: memref<1024x256xf32, #tpu.memory_space<vmem>>, %arg3: memref<2x1024x48xf32, #tpu.memory_space<vmem>>, %arg4: memref<256x256xf32, #tpu.memory_space<vmem>>, %arg5: memref<1x256xf32, #tpu.memory_space<vmem>>, %arg6: memref<2x1024x128xf32, #tpu.memory_space<vmem>>, %arg7: memref<1024x256xf32, #tpu.memory_space<vmem>>) attributes {dimension_semantics = [#tpu.dimension_semantics<arbitrary>], iteration_bounds = array<i64: 10>, scalar_prefetch = 0 : i64, scratch_operands = 0 : i64, tpu.core_type = #tpu.core_type<tc>, window_params = [{transform_indices = @transform_0, window_bounds = array<i64: 2, 1024, 128>}, {transform_indices = @transform_1, window_bounds = array<i64: 1024, 256>}, {transform_indices = @transform_2, window_bounds = array<i64: 2, 1024, 48>}, {pipeline_mode = #tpu.pipeline_mode<synchronous>, transform_indices = @transform_3, window_bounds = array<i64: 256, 256>}, {pipeline_mode = #tpu.pipeline_mode<synchronous>, transform_indices = @transform_4, window_bounds = array<i64: 1, 256>}, {transform_indices = @transform_5, window_bounds = array<i64: 2, 1024, 128>}, {transform_indices = @transform_6, window_bounds = array<i64: 1024, 256>}]} {
    %get3A = arith.constant 0 : index
    %get3A_0 = arith.constant 0 : index
    %get3A_1 = arith.constant 0 : index
    %get3A_2 = vector.load %arg3[%get3A, %get3A_0, %get3A_1] : memref<2x1024x48xf32, #tpu.memory_space<vmem>>, vector<2x1024x48xf32>
    %slice3A = vector.extract_strided_slice %get3A_2 {offsets = [0, 0, 16], sizes = [1, 1024, 1], strides = [1, 1, 1]} : vector<2x1024x48xf32> to vector<1x1024x1xf32>
    %squeeze3A = vector.shape_cast %slice3A : vector<1x1024x1xf32> to vector<1024x1xf32>
    %add3A = arith.constant 1.000000e+00 : f32
    %add3A_3 = vector.broadcast %add3A : f32 to vector<1024x1xf32>
    %add3A_4 = arith.addf %add3A_3, %squeeze3A : vector<1024x1xf32>
    %slice3A_5 = vector.extract_strided_slice %get3A_2 {offsets = [1, 0, 16], sizes = [1, 1024, 1], strides = [1, 1, 1]} : vector<2x1024x48xf32> to vector<1x1024x1xf32>
    %squeeze3A_6 = vector.shape_cast %slice3A_5 : vector<1x1024x1xf32> to vector<1024x1xf32>
    %add3A_7 = arith.addf %add3A_4, %squeeze3A_6 : vector<1024x1xf32>
    %rsqrt3A = math.rsqrt %add3A_7 : vector<1024x1xf32>
    %get3A_8 = arith.constant 0 : index
    %get3A_9 = arith.constant 0 : index
    %get3A_10 = arith.constant 0 : index
    %get3A_11 = vector.load %arg1[%get3A_8, %get3A_9, %get3A_10] : memref<2x1024x128xf32, #tpu.memory_space<vmem>>, vector<2x1024x128xf32>
    %get3A_12 = arith.constant 0 : index
    %get3A_13 = arith.constant 0 : index
    %get3A_14 = vector.load %arg2[%get3A_12, %get3A_13] : memref<1024x256xf32, #tpu.memory_space<vmem>>, vector<1024x256xf32>
    %slice3A_15 = vector.extract_strided_slice %get3A_11 {offsets = [0, 0, 0], sizes = [1, 1024, 128], strides = [1, 1, 1]} : vector<2x1024x128xf32> to vector<1x1024x128xf32>
    %squeeze3A_16 = vector.shape_cast %slice3A_15 : vector<1x1024x128xf32> to vector<1024x128xf32>
    %mul3A = vector.broadcast %rsqrt3A : vector<1024x1xf32> to vector<1024x128xf32>
    %mul3A_17 = arith.mulf %squeeze3A_16, %mul3A : vector<1024x128xf32>
    %slice3A_18 = vector.extract_strided_slice %get3A_14 {offsets = [0, 0], sizes = [1024, 128], strides = [1, 1]} : vector<1024x256xf32> to vector<1024x128xf32>
    %add3A_19 = arith.addf %mul3A_17, %slice3A_18 : vector<1024x128xf32>
    %slice3A_20 = vector.extract_strided_slice %get3A_11 {offsets = [1, 0, 0], sizes = [1, 1024, 128], strides = [1, 1, 1]} : vector<2x1024x128xf32> to vector<1x1024x128xf32>
    %squeeze3A_21 = vector.shape_cast %slice3A_20 : vector<1x1024x128xf32> to vector<1024x128xf32>
    %mul3A_22 = vector.broadcast %rsqrt3A : vector<1024x1xf32> to vector<1024x128xf32>
    %mul3A_23 = arith.mulf %squeeze3A_21, %mul3A_22 : vector<1024x128xf32>
    %slice3A_24 = vector.extract_strided_slice %get3A_14 {offsets = [0, 128], sizes = [1024, 128], strides = [1, 1]} : vector<1024x256xf32> to vector<1024x128xf32>
    %add3A_25 = arith.addf %mul3A_23, %slice3A_24 : vector<1024x128xf32>
    %get3A_26 = arith.constant 0 : index
    %get3A_27 = arith.constant 0 : index
    %get3A_28 = vector.load %arg4[%get3A_26, %get3A_27] : memref<256x256xf32, #tpu.memory_space<vmem>>, vector<256x256xf32>
    %slice3A_29 = vector.extract_strided_slice %get3A_28 {offsets = [0, 0], sizes = [128, 256], strides = [1, 1]} : vector<256x256xf32> to vector<128x256xf32>
    %dot_general3A = arith.constant dense<0.000000e+00> : vector<1024x256xf32>
    %dot_general3A_30 = tpu.matmul %add3A_19, %slice3A_29, %dot_general3A {dimension_numbers = #tpu.dot_dimension_numbers<[1], [0], [0], [1], [0, 0, 1, 1], [], []>, transpose_lhs_hint = false} : vector<1024x128xf32>, vector<128x256xf32>, vector<1024x256xf32> -> vector<1024x256xf32>
    %slice3A_31 = vector.extract_strided_slice %get3A_28 {offsets = [128, 0], sizes = [128, 256], strides = [1, 1]} : vector<256x256xf32> to vector<128x256xf32>
    %dot_general3A_32 = arith.constant dense<0.000000e+00> : vector<1024x256xf32>
    %dot_general3A_33 = tpu.matmul %add3A_25, %slice3A_31, %dot_general3A_32 {dimension_numbers = #tpu.dot_dimension_numbers<[1], [0], [0], [1], [0, 0, 1, 1], [], []>, transpose_lhs_hint = false} : vector<1024x128xf32>, vector<128x256xf32>, vector<1024x256xf32> -> vector<1024x256xf32>
    %add3A_34 = arith.addf %dot_general3A_30, %dot_general3A_33 : vector<1024x256xf32>
    %slice3A_35 = vector.extract_strided_slice %get3A_2 {offsets = [0, 0, 32], sizes = [1, 1024, 1], strides = [1, 1, 1]} : vector<2x1024x48xf32> to vector<1x1024x1xf32>
    %squeeze3A_36 = vector.shape_cast %slice3A_35 : vector<1x1024x1xf32> to vector<1024x1xf32>
    %add3A_37 = arith.constant 1.000000e+00 : f32
    %add3A_38 = vector.broadcast %add3A_37 : f32 to vector<1024x1xf32>
    %add3A_39 = arith.addf %add3A_38, %squeeze3A_36 : vector<1024x1xf32>
    %slice3A_40 = vector.extract_strided_slice %get3A_2 {offsets = [1, 0, 32], sizes = [1, 1024, 1], strides = [1, 1, 1]} : vector<2x1024x48xf32> to vector<1x1024x1xf32>
    %squeeze3A_41 = vector.shape_cast %slice3A_40 : vector<1x1024x1xf32> to vector<1024x1xf32>
    %add3A_42 = arith.addf %add3A_39, %squeeze3A_41 : vector<1024x1xf32>
    %rsqrt3A_43 = math.rsqrt %add3A_42 : vector<1024x1xf32>
    %mul3A_44 = vector.broadcast %rsqrt3A_43 : vector<1024x1xf32> to vector<1024x256xf32>
    %mul3A_45 = arith.mulf %add3A_34, %mul3A_44 : vector<1024x256xf32>
    %slice3A_46 = vector.extract_strided_slice %mul3A_45 {offsets = [0, 0], sizes = [1024, 128], strides = [1, 1]} : vector<1024x256xf32> to vector<1024x128xf32>
    %swap3A = arith.constant 0 : index
    %swap3A_47 = arith.constant 0 : index
    %swap3A_48 = arith.constant 0 : index
    %swap3A_49 = vector.load %arg6[%swap3A, %swap3A_47, %swap3A_48] : memref<2x1024x128xf32, #tpu.memory_space<vmem>>, vector<1x1024x128xf32>
    %swap3A_50 = vector.shape_cast %swap3A_49 : vector<1x1024x128xf32> to vector<1024x128xf32>
    %swap3A_51 = vector.shape_cast %slice3A_46 : vector<1024x128xf32> to vector<1x1024x128xf32>
    tpu.vector_store %arg6[%swap3A, %swap3A_47, %swap3A_48], %swap3A_51 {strides = array<i32>} : memref<2x1024x128xf32, #tpu.memory_space<vmem>>, vector<1x1024x128xf32>,
    %slice3A_52 = vector.extract_strided_slice %mul3A_45 {offsets = [0, 128], sizes = [1024, 128], strides = [1, 1]} : vector<1024x256xf32> to vector<1024x128xf32>
    %swap3A_53 = arith.constant 1 : index
    %swap3A_54 = arith.constant 0 : index
    %swap3A_55 = arith.constant 0 : index
    %swap3A_56 = vector.load %arg6[%swap3A_53, %swap3A_54, %swap3A_55] : memref<2x1024x128xf32, #tpu.memory_space<vmem>>, vector<1x1024x128xf32>
    %swap3A_57 = vector.shape_cast %swap3A_56 : vector<1x1024x128xf32> to vector<1024x128xf32>
    %swap3A_58 = vector.shape_cast %slice3A_52 : vector<1024x128xf32> to vector<1x1024x128xf32>
    tpu.vector_store %arg6[%swap3A_53, %swap3A_54, %swap3A_55], %swap3A_58 {strides = array<i32>} : memref<2x1024x128xf32, #tpu.memory_space<vmem>>, vector<1x1024x128xf32>,
    %div3A = arith.constant 1.000000e+00 : f32
    %div3A_59 = vector.broadcast %div3A : f32 to vector<1024x1xf32>
    %div3A_60 = arith.divf %div3A_59, %add3A_42 : vector<1024x1xf32>
    %mul3A_61 = vector.broadcast %div3A_60 : vector<1024x1xf32> to vector<1024x256xf32>
    %mul3A_62 = arith.mulf %add3A_34, %mul3A_61 : vector<1024x256xf32>
    %get3A_63 = arith.constant 0 : index
    %get3A_64 = arith.constant 0 : index
    %get3A_65 = vector.load %arg5[%get3A_63, %get3A_64] : memref<1x256xf32, #tpu.memory_space<vmem>>, vector<1x256xf32>
    %add3A_66 = vector.broadcast %get3A_65 : vector<1x256xf32> to vector<1024x256xf32>
    %add3A_67 = arith.addf %mul3A_62, %add3A_66 : vector<1024x256xf32>
    %swap3A_68 = arith.constant 0 : index
    %swap3A_69 = arith.constant 0 : index
    %swap3A_70 = vector.load %arg7[%swap3A_68, %swap3A_69] : memref<1024x256xf32, #tpu.memory_space<vmem>>, vector<1024x256xf32>
    tpu.vector_store %arg7[%swap3A_68, %swap3A_69], %add3A_67 {strides = array<i32>} : memref<1024x256xf32, #tpu.memory_space<vmem>>, vector<1024x256xf32>,
    return
  }
  func.func @transform_0(%arg0: i32) -> (i32, i32, i32) {
    %c0_i32 = arith.constant 0 : i32
    %c0_i32_0 = arith.constant 0 : i32
    %c0_i32_1 = arith.constant 0 : i32
    return %c0_i32, %arg0, %c0_i32_0 : i32, i32, i32
  }
  func.func @transform_1(%arg0: i32) -> (i32, i32) {
    %c0_i32 = arith.constant 0 : i32
    %c0_i32_0 = arith.constant 0 : i32
    return %arg0, %c0_i32 : i32, i32
  }
  func.func @transform_2(%arg0: i32) -> (i32, i32, i32) {
    %c0_i32 = arith.constant 0 : i32
    %c0_i32_0 = arith.constant 0 : i32
    %c0_i32_1 = arith.constant 0 : i32
    return %c0_i32, %arg0, %c0_i32_0 : i32, i32, i32
  }
  func.func @transform_3(%arg0: i32) -> (i32, i32) {
    %c0_i32 = arith.constant 0 : i32
    %c0_i32_0 = arith.constant 0 : i32
    %c0_i32_1 = arith.constant 0 : i32
    return %c0_i32, %c0_i32_0 : i32, i32
  }
  func.func @transform_4(%arg0: i32) -> (i32, i32) {
    %c0_i32 = arith.constant 0 : i32
    %c0_i32_0 = arith.constant 0 : i32
    %c0_i32_1 = arith.constant 0 : i32
    return %c0_i32, %c0_i32_0 : i32, i32
  }
  func.func @transform_5(%arg0: i32) -> (i32, i32, i32) {
    %c0_i32 = arith.constant 0 : i32
    %c0_i32_0 = arith.constant 0 : i32
    %c0_i32_1 = arith.constant 0 : i32
    return %c0_i32, %arg0, %c0_i32_0 : i32, i32, i32
  }
  func.func @transform_6(%arg0: i32) -> (i32, i32) {
    %c0_i32 = arith.constant 0 : i32
    %c0_i32_0 = arith.constant 0 : i32
    return %arg0, %c0_i32 : i32, i32
  }
}

module attributes {stable_mosaic.version = 14 : i64} {
  func.func @_tcf_body(%arg0: i32, %arg1: memref<2x1024x128xf32, #tpu.memory_space<vmem>>, %arg2: memref<1024x256xf32, #tpu.memory_space<vmem>>, %arg3: memref<2x1024x48xf32, #tpu.memory_space<vmem>>, %arg4: memref<1024x256xf32, #tpu.memory_space<vmem>>) attributes {dimension_semantics = [#tpu.dimension_semantics<arbitrary>], iteration_bounds = array<i64: 10>, scalar_prefetch = 0 : i64, scratch_operands = 0 : i64, tpu.core_type = #tpu.core_type<tc>, window_params = [{transform_indices = @transform_0, window_bounds = array<i64: 2, 1024, 128>}, {transform_indices = @transform_1, window_bounds = array<i64: 1024, 256>}, {transform_indices = @transform_2, window_bounds = array<i64: 2, 1024, 48>}, {transform_indices = @transform_3, window_bounds = array<i64: 1024, 256>}]} {
    %get3A = arith.constant 0 : index
    %get3A_0 = arith.constant 0 : index
    %get3A_1 = arith.constant 0 : index
    %get3A_2 = vector.load %arg3[%get3A, %get3A_0, %get3A_1] : memref<2x1024x48xf32, #tpu.memory_space<vmem>>, vector<2x1024x48xf32>
    %slice3A = vector.extract_strided_slice %get3A_2 {offsets = [0, 0, 32], sizes = [1, 1024, 1], strides = [1, 1, 1]} : vector<2x1024x48xf32> to vector<1x1024x1xf32>
    %squeeze3A = vector.shape_cast %slice3A : vector<1x1024x1xf32> to vector<1024x1xf32>
    %add3A = arith.constant 1.000000e+00 : f32
    %add3A_3 = vector.broadcast %add3A : f32 to vector<1024x1xf32>
    %add3A_4 = arith.addf %add3A_3, %squeeze3A : vector<1024x1xf32>
    %slice3A_5 = vector.extract_strided_slice %get3A_2 {offsets = [1, 0, 32], sizes = [1, 1024, 1], strides = [1, 1, 1]} : vector<2x1024x48xf32> to vector<1x1024x1xf32>
    %squeeze3A_6 = vector.shape_cast %slice3A_5 : vector<1x1024x1xf32> to vector<1024x1xf32>
    %add3A_7 = arith.addf %add3A_4, %squeeze3A_6 : vector<1024x1xf32>
    %rsqrt3A = math.rsqrt %add3A_7 : vector<1024x1xf32>
    %get3A_8 = arith.constant 0 : index
    %get3A_9 = arith.constant 0 : index
    %get3A_10 = arith.constant 0 : index
    %get3A_11 = vector.load %arg1[%get3A_8, %get3A_9, %get3A_10] : memref<2x1024x128xf32, #tpu.memory_space<vmem>>, vector<2x1024x128xf32>
    %get3A_12 = arith.constant 0 : index
    %get3A_13 = arith.constant 0 : index
    %get3A_14 = vector.load %arg2[%get3A_12, %get3A_13] : memref<1024x256xf32, #tpu.memory_space<vmem>>, vector<1024x256xf32>
    %slice3A_15 = vector.extract_strided_slice %get3A_11 {offsets = [0, 0, 0], sizes = [1, 1024, 128], strides = [1, 1, 1]} : vector<2x1024x128xf32> to vector<1x1024x128xf32>
    %squeeze3A_16 = vector.shape_cast %slice3A_15 : vector<1x1024x128xf32> to vector<1024x128xf32>
    %mul3A = vector.broadcast %rsqrt3A : vector<1024x1xf32> to vector<1024x128xf32>
    %mul3A_17 = arith.mulf %squeeze3A_16, %mul3A : vector<1024x128xf32>
    %slice3A_18 = vector.extract_strided_slice %get3A_14 {offsets = [0, 0], sizes = [1024, 128], strides = [1, 1]} : vector<1024x256xf32> to vector<1024x128xf32>
    %add3A_19 = arith.addf %mul3A_17, %slice3A_18 : vector<1024x128xf32>
    %slice3A_20 = vector.extract_strided_slice %get3A_11 {offsets = [1, 0, 0], sizes = [1, 1024, 128], strides = [1, 1, 1]} : vector<2x1024x128xf32> to vector<1x1024x128xf32>
    %squeeze3A_21 = vector.shape_cast %slice3A_20 : vector<1x1024x128xf32> to vector<1024x128xf32>
    %mul3A_22 = vector.broadcast %rsqrt3A : vector<1024x1xf32> to vector<1024x128xf32>
    %mul3A_23 = arith.mulf %squeeze3A_21, %mul3A_22 : vector<1024x128xf32>
    %slice3A_24 = vector.extract_strided_slice %get3A_14 {offsets = [0, 128], sizes = [1024, 128], strides = [1, 1]} : vector<1024x256xf32> to vector<1024x128xf32>
    %add3A_25 = arith.addf %mul3A_23, %slice3A_24 : vector<1024x128xf32>
    %concatenate3A = tpu.concatenate %add3A_19, %add3A_25 in 1 : vector<1024x128xf32>, vector<1024x128xf32> -> vector<1024x256xf32>
    %swap3A = arith.constant 0 : index
    %swap3A_26 = arith.constant 0 : index
    %swap3A_27 = vector.load %arg4[%swap3A, %swap3A_26] : memref<1024x256xf32, #tpu.memory_space<vmem>>, vector<1024x256xf32>
    tpu.vector_store %arg4[%swap3A, %swap3A_26], %concatenate3A {strides = array<i32>} : memref<1024x256xf32, #tpu.memory_space<vmem>>, vector<1024x256xf32>,
    return
  }
  func.func @transform_0(%arg0: i32) -> (i32, i32, i32) {
    %c0_i32 = arith.constant 0 : i32
    %c0_i32_0 = arith.constant 0 : i32
    %c0_i32_1 = arith.constant 0 : i32
    return %c0_i32, %arg0, %c0_i32_0 : i32, i32, i32
  }
  func.func @transform_1(%arg0: i32) -> (i32, i32) {
    %c0_i32 = arith.constant 0 : i32
    %c0_i32_0 = arith.constant 0 : i32
    return %arg0, %c0_i32 : i32, i32
  }
  func.func @transform_2(%arg0: i32) -> (i32, i32, i32) {
    %c0_i32 = arith.constant 0 : i32
    %c0_i32_0 = arith.constant 0 : i32
    %c0_i32_1 = arith.constant 0 : i32
    return %c0_i32, %arg0, %c0_i32_0 : i32, i32, i32
  }
  func.func @transform_3(%arg0: i32) -> (i32, i32) {
    %c0_i32 = arith.constant 0 : i32
    %c0_i32_0 = arith.constant 0 : i32
    return %arg0, %c0_i32 : i32, i32
  }
}

</mosaic_0001>

<sc_bundles>
// kernel: kernel.11.cloned.1.call-start
scs
__scs_entry_jumppad:
0x0: {  	(pc) =	sbr.rel $0x88, $3  }
0x1: {  	(tag) =	ssettag $0x0;
	lr =	simm.s32 $0x1  }
0x2: {  	[smem:$0x3F97] =	sst lr;
	_ =	strace $0xD0000000  }
0x3: {  	_ = 	snop  }
0x4: {  	_ = 	snop  }
0x5: {  	_ = 	snop  }
0x6: {  	_ = 	snop  }
0x7: {  	_ = 	snop  }
__scs_overlays_trampoline_lowered:
0x8: {  	[smem:$0x3FA6] =	sst s0  }
0x9: {  	[smem:$0x3FA7] =	sst s1  }
0xa: {  	[smem:$0x3FA8] =	sst s2  }
0xb: {  	[smem:$0x3FA9] =	sst s3  }
0xc: {  	[smem:$0x3FAA] =	sst s4  }
0xd: {  	[smem:$0x3FAB] =	sst s5  }
0xe: {  	[smem:$0x3FAC] =	sst s6  }
0xf: {  	[smem:$0x3FAD] =	sst s7  }
0x10: {  	[smem:$0x3FAE] =	sst s8  }
0x11: {  	[smem:$0x3FAF] =	sst s9;
	s0 =	simm.s32 @!p0 $0x0  }
0x12: {  	s1 =	sld [smem:$0x3F95];
	s0 =	simm.s32 @p0 $0x1  }
0x13: {  	[smem:$0x3FB0] =	sst s0;
	s0 =	simm.s32 @!p1 $0x0  }
0x14: {  	s2 =	sld [smem:$0x3F94];
	s0 =	simm.s32 @p1 $0x1  }
0x15: {  	[smem:$0x3FB1] =	sst s0;
	s0 =	simm.s32 @!p2 $0x0  }
0x16: {  	s3 =	sld [smem:$0x3FDB];
	s0 =	simm.s32 @p2 $0x1  }
0x17: {  	s4 =	simm.s32 $0x1BF5;
	[smem:$0x3FB3] =	sst s0  }
0x18: {  	s0 =	sld [smem:$0x3F96];
	_ =	swait.ge [sflag:s4], $0x0  }
0x19: {  	s7 =	sld [smem:$0x3F97]  }
0x1a: {  	s8 =	sadd.s32 $0xFFFFE003, lr  }
0x1b: {  	s9 =	sadd.s32 $0xFFFFFEF7, lr;
	s5 =	simm.s32 $0xFFFFFFFF;
	p2 =	slt.u32 s8, $0xFFFFF086  }
0x1c: {  	p1 =	slt.u32 s9, $0xF7A;
	s5 =	simm.s32 @!p2 $0x0  }
0x1d: {  	s5 =	simm.s32 @p1 $0x1;
	p0 =	seq.s32 s7, s2  }
0x1e: {  	s7 =	smul.u32 @!p0 $0xF7A, s2;
	p2 =	seq.s32 @!p0 s5, $0x0  }
0x1f: {  	s9 =	smul.u32 $0xF7A, s1;
	s8 =	simm.s32 @!p0 $0x1BF5;
	p2 =	por !p2, p0  }
0x20: {  	[sflag:s8] =	ssyncset.s32 @!p0 $0xFFFFF086;
	s6 =	sadd.s32 @!p0 s3, s7;
	s7 =	simm.s32 @!p0 $0x108  }
0x21: {  	s3 =	sadd.s32 s3, s9;
	s6 =	sadd.s32 @!p0 $0x88, s6;
	s7 =	simm.s32 @p2 $0x1082  }
0x22: {  	[simem:s7], [sflag:s8] =	dma.local @!p0 [hbm:s6], $0xF7A  }
0x23: {  	s9 =	sor.u32 $0xD0000000, s2;
	s6 =	simm.s32 $0x108;
	_ =	swait.ge @!p0 [sflag:s8], $0x0  }
0x24: {  	s3 =	sadd.s32 $0x88, s3;
	s6 =	simm.s32 @!p1 $0x1082;
	[sflag:s4] =	ssyncset.s32 $0xFFFFF086  }
0x25: {  	[simem:s6], [sflag:s4] =	dma.local [hbm:s3], $0xF7A  }
0x26: {  	[smem:$0x3F97] =	sst s1;
	(tag) =	ssettag s2;
	_ =	strace s9  }
0x27: {  	s1 =	sld [smem:$0x3FA7]  }
0x28: {  	s2 =	sld [smem:$0x3FA8]  }
0x29: {  	s4 =	sld [smem:$0x3FAA]  }
0x2a: {  	p0 =	seq.s32 s5, $0x0;
	s5 =	sld [smem:$0x3FAB]  }
0x2b: {  	s6 =	sld [smem:$0x3FAC]  }
0x2c: {  	s7 =	sld [smem:$0x3FAD]  }
0x2d: {  	s3 =	simm.s32 $0x108;
	s8 =	sld [smem:$0x3FAE]  }
0x2e: {  	s3 =	simm.s32 @!p0 $0x1082;
	s9 =	sld [smem:$0x3FAF]  }
0x2f: {  	lr =	sadd.s32 s0, s3;
	s0 =	sld [smem:$0x3FA6]  }
0x30: {  	s3 =	sld [smem:$0x3FA9]  }
0x31: {  	[smem:$0x3FB2] =	sst s10  }
0x32: {  	s10 =	sld [smem:$0x3FB0];
	_ =	sdelay $0x3  }
0x33: {  	p0 =	seq.s32 s10, $0x1;
	s10 =	sld [smem:$0x3FB2];
	_ =	sdelay $0x3  }
0x34: {  	[smem:$0x3FB2] =	sst s10  }
0x35: {  	s10 =	sld [smem:$0x3FB1];
	_ =	sdelay $0x3  }
0x36: {  	p1 =	seq.s32 s10, $0x1;
	s10 =	sld [smem:$0x3FB2];
	_ =	sdelay $0x3  }
0x37: {  	[smem:$0x3FB2] =	sst s10  }
0x38: {  	s10 =	sld [smem:$0x3FB3]  }
0x39: {  	_ = 	snop;
	(pc) =	sbr.ind lr, $3  }
0x3a: {  	_ = 	snop  }
0x3b: {  	_ = 	snop  }
0x3c: {  	p2 =	seq.s32 s10, $0x1;
	s10 =	sld [smem:$0x3FB2]  }
0x3d: {  	_ =	shalt  }
0x3e: {  	_ =	shalt  }
0x3f: {  	_ =	shalt  }
0x40: {  	_ =	shalt  }
0x41: {  	_ =	shalt  }
0x42: {  	_ =	shalt  }
0x43: {  	_ =	shalt  }
0x44: {  	_ =	shalt  }
0x45: {  	_ =	shalt  }
0x46: {  	_ =	shalt  }
0x47: {  	_ =	shalt  }
0x48: {  	_ =	shalt  }
0x49: {  	_ =	shalt  }
0x4a: {  	_ =	shalt  }
0x4b: {  	_ =	shalt  }
0x4c: {  	_ =	shalt  }
0x4d: {  	_ =	shalt  }
0x4e: {  	_ =	shalt  }
0x4f: {  	_ =	shalt  }
0x50: {  	_ =	shalt  }
0x51: {  	_ =	shalt  }
0x52: {  	_ =	shalt  }
0x53: {  	_ =	shalt  }
0x54: {  	_ =	shalt  }
0x55: {  	_ =	shalt  }
0x56: {  	_ =	shalt  }
0x57: {  	_ =	shalt  }
0x58: {  	_ =	shalt  }
0x59: {  	_ =	shalt  }
0x5a: {  	_ =	shalt  }
0x5b: {  	_ =	shalt  }
0x5c: {  	_ =	shalt  }
0x5d: {  	_ =	shalt  }
0x5e: {  	_ =	shalt  }
0x5f: {  	_ =	shalt  }
0x60: {  	_ =	shalt  }
0x61: {  	_ =	shalt  }
0x62: {  	_ =	shalt  }
0x63: {  	_ =	shalt  }
0x64: {  	_ =	shalt  }
0x65: {  	_ =	shalt  }
0x66: {  	_ =	shalt  }
0x67: {  	_ =	shalt  }
0x68: {  	_ =	shalt  }
0x69: {  	_ =	shalt  }
0x6a: {  	_ =	shalt  }
0x6b: {  	_ =	shalt  }
0x6c: {  	_ =	shalt  }
0x6d: {  	_ =	shalt  }
0x6e: {  	_ =	shalt  }
0x6f: {  	_ =	shalt  }
0x70: {  	_ =	shalt  }
0x71: {  	_ =	shalt  }
0x72: {  	_ =	shalt  }
0x73: {  	_ =	shalt  }
0x74: {  	_ =	shalt  }
0x75: {  	_ =	shalt  }
0x76: {  	_ =	shalt  }
0x77: {  	_ =	shalt  }
0x78: {  	_ =	shalt  }
0x79: {  	_ =	shalt  }
0x7a: {  	_ =	shalt  }
0x7b: {  	_ =	shalt  }
0x7c: {  	_ =	shalt  }
0x7d: {  	_ =	shalt  }
0x7e: {  	_ =	shalt  }
0x7f: {  	_ =	shalt  }
0x80: {  	_ =	shalt  }
0x81: {  	_ =	shalt  }
0x82: {  	_ =	shalt  }
0x83: {  	_ =	shalt  }
0x84: {  	_ =	shalt  }
0x85: {  	_ =	shalt  }
0x86: {  	_ =	shalt  }
0x87: {  	_ =	shalt  }
.Lfunc_end0:
.L_simem_size_0:
called_computation_lowered:
.L_overlay_start_0:
0x88: {  	s2 =	sld [smem:$0x3FD9]  }
0x89: {  	s3 =	sld [smem:$0x3FFE];
	_ =	sdelay $0x1  }
0x8a: {  	s1 =	srdreg.scid  }
0x8b: {  	s0 =	sand.u32 $0x1, s1  }
0x8c: {  	s16 =	sshll.u32 s0, $0xA;
	s2 =	sadd.s32 s3, s2  }
0x8d: {  	s2 =	sadd.s32 s2, s16  }
0x8e: {  	[smem:$0x3FBE] =	sst s2  }
0x8f: {  	_ = 	snop  }
0x90: {  	(tm) =	ssettm $0x1  }
0x91: {  	s17 =	sld [smem:$0x3FFB];
	_ =	sdelay $0x3  }
0x92: {  	_ =	strace s17  }
0x93: {  	s2 =	sld [smem:$0x3FFC];
	_ =	sdelay $0x3  }
0x94: {  	_ =	strace s2  }
0x95: {  	s2 =	sld [smem:$0x3FFD];
	_ =	sdelay $0x3  }
0x96: {  	_ =	strace s2  }
0x97: {  	_ =	strace $0x8FFFFFFF  }
0x98: {  	s18 =	sld [smem:$0x3FDB];
	_ =	sdelay $0x1  }
0x99: {  	s19 =	simm.s32 $_scs_section_size  }
0x9a: {  	s4 =	simm.s32 $_size__tile_overlayer_lowered;
	s5 =	simm.s32 $_tile_overlayer_lowered  }
0x9b: {  	s22 =	simm.s32 $0x1BFF;
	s21 =	sshll.u32 s5, $0x1;
	s2 =	sadd.s32 s19, s18  }
0x9c: {  	s6 =	simm.s32 $0x0;
	s20 =	sshll.u32 s4, $0x1;
	s4 =	sadd.s32 s21, s2  }
0x9d: {  	[timem:s6], [sflag:s22] =	dma.local [hbm:s4], s20  }
0x9e: {  	_ =	swait.ge [sflag:s22], s20  }
0x9f: {  	s3 =	ssub.s32 $0x0, s20;
	[sflag:s22] =	ssyncset.done $0x0  }
0xa0: {  	[sflag:s22] =	ssyncadd.s32 s3;
	_ =	sdelay $0x1  }
0xa1: {  	s23 =	simm.s32 $0x1B8B  }
0xa2: {  	_ =	swait.ge [sflag:s23], $0x1  }
0xa3: {  	[sflag:s23] =	ssyncset.done $0x0  }
0xa4: {  	s25 =	simm.s32 $0x1B8E;
	s24 =	sld [smem:$0x3FFE];
	[sflag:s23] =	ssyncadd.s32 $0xFFFFFFFF  }
0xa5: {  	s26 =	simm.s32 $execute0_lowered;
	[smem:$0x3FD2] =	sst s25  }
0xa6: {  	s4 =	sshll.u32 s26, $0x1;
	_ =	strace $0x80000046;
	[dreg:$0x1] =	wrdreg $0xFFFFFFFF  }
0xa7: {  	s28 =	simm.s32 $_size_execute0_lowered;
	s2 =	sadd.s32 s2, s4;
	[dreg:$0x0] =	wrdreg $0x0  }
0xa8: {  	s4 =	sshll.u32 s28, $0x1;
	[dreg:$0x2] =	wrdreg s2  }
0xa9: {  	[dreg:$0x3] =	wrdreg s4  }
0xaa: {  	[dreg:$0x4] =	wrdreg $0xC0  }
0xab: {  	_ =	task [dreg:s6], $0x5FFFF  }
0xac: {  	[dreg:$0x1] =	wrdreg $0xFFFFFFFF  }
0xad: {  	[dreg:$0x0] =	wrdreg $0x60  }
0xae: {  	[dreg:$0x2] =	wrdreg s24  }
0xaf: {  	[dreg:$0x3] =	wrdreg $0x0  }
0xb0: {  	[dreg:$0x4] =	wrdreg $0x9  }
0xb1: {  	_ =	task.clear_ibuf [dreg:s6], $0x5FFFF;
	_ =	strace $0x90000046  }
0xb2: {  	s29 =	simm.s32 $0x9;
	_ =	strace $0x80000048  }
0xb3: {  	_ =	swait.ge [sflag:s29], $0x1  }
0xb4: {  	[sflag:s29] =	ssyncadd.s32 $0xFFFFFFFF  }
0xb5: {  	_ =	strace $0x90000048  }
0xb6: {  	_ =	sfence  }
0xb7: {  	s30 =	sld [smem:$0x0];
	_ =	sdelay $0x2  }
0xb8: {  	s31 =	sshll.u32 s1, $0xD;
	s1 =	sshrl.u32 s1, $0x2  }
0xb9: {  	s3 =	sand.u32 $0x4000, s31;
	s1 =	sadd.s32 s1, s30  }
0xba: {  	s0 =	sor.u32 s3, s0;
	s1 =	sshll.u32 s1, $0x11  }
0xbb: {  	s0 =	sor.u32 s1, s0  }
0xbc: {  	s0 =	sadd.s32 $0x8F2B, s0  }
0xbd: {  	[sflag:s0] =	ssyncadd.remote.s32 $0x1  }
0xbe: {  	_ =	sfence.sel $0xFFFF  }
0xbf: {  	[dreg:$0x0] =	wrdreg $0xFFFFFFFF;
	(pc) =	sbr.abs _section_cstart, $3  }
0xc0: {  	[dreg:$0x1] =	wrdreg $0xFFFFFFFF  }
0xc1: {  	_ =	task.clear_ibuf [dreg:s6], $0x2FFFF;
	_ =	strace $0x9FFFFFFF  }
0xc2: {  	(tm) =	ssettm $0x7FFFFFFF  }
0xc3: {  	_ =	shalt  }
tec
execute0_lowered:
.L_overlay_start_1:
0x0: {  	(tag) =	ssettag $0x1  }
0x1: {  	s0 =	rddreg [dreg:$0x0]  }
0x2: {  	s1 =	rddreg [dreg:$0x1];
	s3 =	simm.s32 $0x0  }
0x3: {  	s2 =	srdreg.scid;
	s25 =	stileid.u32;
	s17 =	simm.s32 $0xF400  }
0x4: {  	s18 =	simm.s32 $0x6;
	s19 =	simm.s32 $0x7800;
	s20 =	simm.s32 $0x28  }
0x5: {  	s21 =	simm.s32 $0xB800;
	s22 =	simm.s32 $0x1;
	s23 =	simm.s32 $0x2  }
0x6: {  	s24 =	simm.s32 $0x3;
	s28 =	simm.s32 $0xCC00;
	s29 =	simm.s32 $0xE000  }
0x7: {  	[smem:$0x7FF] =	sst s3;
	s4 =	sand.u32 $0x1, s2;
	s8 =	smul.u32 $0x14000, s25  }
0x8: {  	s6 =	sshll.u32 s25, $0xC;
	s26 =	smul.u32 $0x50000, s25;
	s25 =	simm.s32 $0x4  }
0x9: {  	s5 =	smul.u32 $0x140000, s4;
	s7 =	sshll.u32 s4, $0xB;
	s4 =	ssub.s32 $0x2, s4  }
0xa: {  	_ =	strace $0x80000047;
	s6 =	sor.u32 s7, s6;
	s30 =	sshrl.u32 s4, $0x1  }
0xb: {  	s7 =	sshrl.u32 s26, $0x2;
	s26 =	simm.s32 $0x5;
	s14 =	sadd.s32 s6, s0  }
0xc: {  	s5 =	sadd.s32 s8, s5;
	s16 =	ssub.s32 s4, s30;
	s4 =	sadd.s32 s7, s1  }
0xd: {  	s5 =	sshrl.u32 s5, $0x3;
	s31 =	sadd.s32 $0x2800, s4;
	s6 =	sadd.s32 $0x5000, s4  }
0xe: {  	s7 =	sadd.s32 $0x7800, s4;
	s8 =	sadd.s32 $0xA000, s4;
	s9 =	sadd.s32 $0xC800, s4  }
0xf: {  	s10 =	sadd.s32 $0xF000, s4;
	s11 =	sadd.s32 $0x11800, s4;
	s12 =	sadd.s32 $0x22A00, s14  }
0x10: {  	s13 =	sadd.s32 $0x2A00, s14;
	s14 =	sadd.s32 $0x12A00, s14;
	s0 =	sadd.s32 s5, s0  }
0x11: {  	v0 =	vimm.f32 $0.0e+00;
	v1 =	vimm.f32 $1.000000000e+00;
	s16 =	smax.u32 s16, $0x1;
	[dreg:$0x3] =	wrdreg s31;
	s15 =	sadd.s32 $0x32A00, s0  }
.LBB2_1:
0x12: {  	s30 =	simm.s32 $0x200;
	s31 =	simm.s32 $0x0  }
.LBB2_2:
0x13: {  	p0 =	sne.s32 s30, $0x9E00;
	[tilespmem:s31+$0xF420] =	vst v0;
	s0 =	smov.u32 s30;
	s30 =	sadd.s32 $0x200, s30  }
.Ltmp0:
0x14: {  	[tilespmem:s31+$0xF400] =	vst v0;
	(pc) =	sbr.rel @p0 .LBB2_2-.Ltmp0, $2  }
0x15: {  	[tilespmem:s31+$0xF410] =	vst v0;
	_ =	sdelay $0x2  }
0x16: {  	s31 =	sshra.s32 s0, $0x2  }
0x17: {  	[tilespmem:s31+$0xF420] =	vst v0  }
0x18: {  	[tilespmem:s31+$0xF400] =	vst v0  }
0x19: {  	s30 =	simm.s32 $0x0;
	[tilespmem:s31+$0xF410] =	vst v0;
	s31 =	simm.s32 $0x200;
	s0 =	simm.s32 $0x0  }
.LBB2_4:
0x1a: {  	p0 =	sne.s32 s31, $0x4E00;
	[tilespmem:s0+$0xB820] =	vst v0;
	s2 =	smov.u32 s31;
	s31 =	sadd.s32 $0x200, s31  }
.Ltmp1:
0x1b: {  	[tilespmem:s0+$0xB800] =	vst v1;
	(pc) =	sbr.rel @p0 .LBB2_4-.Ltmp1, $2  }
0x1c: {  	[tilespmem:s0+$0xB810] =	vst v0;
	_ =	sdelay $0x2  }
0x1d: {  	s0 =	sshra.s32 s2, $0x2  }
0x1e: {  	[tilespmem:s0+$0xB820] =	vst v0  }
0x1f: {  	[tilespmem:s0+$0xB800] =	vst v1  }
0x20: {  	[tilespmem:s0+$0xB810] =	vst v0  }
.LBB2_6:
0x21: {  	p0 =	sne.s32 s30, $0x4E00  }
.Ltmp2:
0x22: {  	_ = 	snop;
	(pc) =	sbr.rel @p0 .LBB2_6-.Ltmp2, $4  }
0x23: {  	s0 =	sshra.s32 s30, $0x2  }
0x24: {  	[tilespmem:s0+$0xCC00] =	vst v0  }
0x25: {  	[tilespmem:s0+$0xCC10] =	vst v1  }
0x26: {  	s30 =	sadd.s32 $0x200, s30;
	[tilespmem:s0+$0xCC20] =	vst v0  }
0x27: {  	s30 =	simm.s32 $0x200;
	s0 =	simm.s32 $0x0  }
.LBB2_8:
0x28: {  	p0 =	sne.s32 s30, $0x4E00;
	[tilespmem:s0+$0xE020] =	vst v1;
	s2 =	smov.u32 s30;
	s30 =	sadd.s32 $0x200, s30  }
.Ltmp3:
0x29: {  	[tilespmem:s0+$0xE000] =	vst v0;
	(pc) =	sbr.rel @p0 .LBB2_8-.Ltmp3, $2  }
0x2a: {  	[tilespmem:s0+$0xE010] =	vst v0;
	_ =	sdelay $0x2  }
0x2b: {  	s0 =	sshra.s32 s2, $0x2  }
0x2c: {  	[tilespmem:s0+$0xE020] =	vst v1  }
0x2d: {  	[tilespmem:s0+$0xE000] =	vst v0  }
0x2e: {  	[tilespmem:s0+$0xE010] =	vst v0  }
0x2f: {  	[spmem:s4] =	stream.linear.scatter [tilespmem:s17], [sflag:$0x6], $0x2800, $0x38;
	[tilespmem:$0x11C00] =	vst v63  }
0x30: {  	_ =	swait.ge [sflag:s18], $0x2800  }
0x31: {  	[sflag:s18] =	ssyncset.done $0x0  }
0x32: {  	s31 =	rddreg [dreg:$0x3];
	[sflag:s18] =	ssyncadd.s32 $0xFFFFD800  }
0x33: {  	[spmem:s31] =	stream.linear.scatter [tilespmem:s17], [sflag:$0x6], $0x2800, $0x38;
	[tilespmem:$0x11C00] =	vst v63  }
0x34: {  	_ =	swait.ge [sflag:s18], $0x2800  }
0x35: {  	[sflag:s18] =	ssyncset.done $0x0  }
0x36: {  	[sflag:s18] =	ssyncadd.s32 $0xFFFFD800  }
0x37: {  	[spmem:s6] =	stream.linear.scatter [tilespmem:s17], [sflag:$0x6], $0x2800, $0x38;
	[tilespmem:$0x11C00] =	vst v63  }
0x38: {  	_ =	swait.ge [sflag:s18], $0x2800  }
0x39: {  	[sflag:s18] =	ssyncset.done $0x0  }
0x3a: {  	[sflag:s18] =	ssyncadd.s32 $0xFFFFD800  }
0x3b: {  	[spmem:s7] =	stream.linear.scatter [tilespmem:s17], [sflag:$0x6], $0x2800, $0x38;
	[tilespmem:$0x11C00] =	vst v63  }
0x3c: {  	_ =	swait.ge [sflag:s18], $0x2800  }
0x3d: {  	[sflag:s18] =	ssyncset.done $0x0  }
0x3e: {  	[sflag:s18] =	ssyncadd.s32 $0xFFFFD800  }
0x3f: {  	[spmem:s8] =	stream.linear.scatter [tilespmem:s17], [sflag:$0x6], $0x2800, $0x38;
	[tilespmem:$0x11C00] =	vst v63  }
0x40: {  	_ =	swait.ge [sflag:s18], $0x2800  }
0x41: {  	[sflag:s18] =	ssyncset.done $0x0  }
0x42: {  	[sflag:s18] =	ssyncadd.s32 $0xFFFFD800  }
0x43: {  	[spmem:s9] =	stream.linear.scatter [tilespmem:s17], [sflag:$0x6], $0x2800, $0x38;
	[tilespmem:$0x11C00] =	vst v63  }
0x44: {  	_ =	swait.ge [sflag:s18], $0x2800  }
0x45: {  	[sflag:s18] =	ssyncset.done $0x0  }
0x46: {  	[sflag:s18] =	ssyncadd.s32 $0xFFFFD800  }
0x47: {  	[spmem:s10] =	stream.linear.scatter [tilespmem:s17], [sflag:$0x6], $0x2800, $0x38;
	[tilespmem:$0x11C00] =	vst v63  }
0x48: {  	_ =	swait.ge [sflag:s18], $0x2800  }
0x49: {  	[sflag:s18] =	ssyncset.done $0x0  }
0x4a: {  	[sflag:s18] =	ssyncadd.s32 $0xFFFFD800  }
0x4b: {  	[spmem:s11] =	stream.linear.scatter [tilespmem:s17], [sflag:$0x6], $0x2800, $0x38;
	[tilespmem:$0x11C00] =	vst v63  }
0x4c: {  	_ =	swait.ge [sflag:s18], $0x2800  }
0x4d: {  	[sflag:s18] =	ssyncset.done $0x0  }
0x4e: {  	[sflag:s18] =	ssyncadd.s32 $0xFFFFD800  }
0x4f: {  	s2 =	simm.s32 $0x0;
	[bflag:$0x0] =	sbarrier.arrive $0xFFFF  }
0x50: {  	[tilespmem:s19], [sflag:$0x6] =	stream.linear.gather [hbm4b:s12+s2], $0x3E80, $0x38;
	[tilespmem:$0x11C00] =	vst v63  }
0x51: {  	_ =	swait.ge [sflag:s18], $0x3E80  }
0x52: {  	[sflag:s18] =	ssyncset.done $0x0  }
0x53: {  	s5 =	simm.s32 $0x7800;
	[sflag:s18] =	ssyncadd.s32 $0xFFFFC180  }
0x54: {  	[spmem:s1] =	stream.indirect.scatter.add.f32 [tilespmem:s21], [sflag:$0x1], $0x30, s5, s20, $0xb8;
	[tilespmem:$0x11C00] =	vst v63  }
0x55: {  	s31 =	simm.s32 $0x7880  }
0x56: {  	[spmem:s1] =	stream.indirect.scatter.add.f32 [tilespmem:s21], [sflag:$0x2], $0x30, s31, s20, $0xb8;
	[tilespmem:$0x11C00] =	vst v63  }
0x57: {  	s2 =	simm.s32 $0x7900  }
0x58: {  	[spmem:s1] =	stream.indirect.scatter.add.f32 [tilespmem:s21], [sflag:$0x3], $0x30, s2, s20, $0xb8;
	[tilespmem:$0x11C00] =	vst v63  }
0x59: {  	s5 =	simm.s32 $0x7980  }
0x5a: {  	[spmem:s1] =	stream.indirect.scatter.add.f32 [tilespmem:s21], [sflag:$0x4], $0x30, s5, s20, $0xb8;
	[tilespmem:$0x11C00] =	vst v63  }
0x5b: {  	s31 =	simm.s32 $0x7A00  }
0x5c: {  	[spmem:s1] =	stream.indirect.scatter.add.f32 [tilespmem:s21], [sflag:$0x5], $0x30, s31, s20, $0xb8;
	[tilespmem:$0x11C00] =	vst v63  }
0x5d: {  	_ =	swait.ge [sflag:s22], $0x780  }
0x5e: {  	[sflag:s22] =	ssyncset.done $0x0  }
0x5f: {  	[sflag:s22] =	ssyncadd.s32 $0xFFFFF880  }
0x60: {  	_ =	swait.ge [sflag:s23], $0x780  }
0x61: {  	[sflag:s23] =	ssyncset.done $0x0  }
0x62: {  	[sflag:s23] =	ssyncadd.s32 $0xFFFFF880  }
0x63: {  	_ =	swait.ge [sflag:s24], $0x780  }
0x64: {  	[sflag:s24] =	ssyncset.done $0x0  }
0x65: {  	[sflag:s24] =	ssyncadd.s32 $0xFFFFF880  }
0x66: {  	_ =	swait.ge [sflag:s25], $0x780  }
0x67: {  	[sflag:s25] =	ssyncset.done $0x0  }
0x68: {  	[sflag:s25] =	ssyncadd.s32 $0xFFFFF880  }
0x69: {  	_ =	swait.ge [sflag:s26], $0x780  }
0x6a: {  	s0 =	simm.s32 $0x1400;
	s30 =	simm.s32 $0x280;
	[sflag:s26] =	ssyncset.done $0x0  }
.LBB2_10:
0x6b: {  	s2 =	sadd.s32 $0x7800, s30  }
0x6c: {  	[sflag:s26] =	ssyncadd.s32 $0xFFFFF880;
	s31 =	smov.u32 s0;
	s5 =	sadd.s32 $0xA00, s0  }
0x6d: {  	[spmem:s1] =	stream.indirect.scatter.add.f32 [tilespmem:s21], [sflag:$0x1], $0x30, s2, s20, $0xb8;
	[tilespmem:$0x11C00] =	vst v63  }
0x6e: {  	p0 =	sne.s32 s0, $0xF000;
	s0 =	sadd.s32 $0x7880, s30  }
0x6f: {  	[spmem:s1] =	stream.indirect.scatter.add.f32 [tilespmem:s21], [sflag:$0x2], $0x30, s0, s20, $0xb8;
	[tilespmem:$0x11C00] =	vst v63  }
0x70: {  	s0 =	sadd.s32 $0x7900, s30  }
0x71: {  	[spmem:s1] =	stream.indirect.scatter.add.f32 [tilespmem:s21], [sflag:$0x3], $0x30, s0, s20, $0xb8;
	[tilespmem:$0x11C00] =	vst v63  }
0x72: {  	s0 =	sadd.s32 $0x7980, s30  }
0x73: {  	[spmem:s1] =	stream.indirect.scatter.add.f32 [tilespmem:s21], [sflag:$0x4], $0x30, s0, s20, $0xb8;
	[tilespmem:$0x11C00] =	vst v63  }
0x74: {  	s0 =	sadd.s32 $0x7A00, s30  }
0x75: {  	[spmem:s1] =	stream.indirect.scatter.add.f32 [tilespmem:s21], [sflag:$0x5], $0x30, s0, s20, $0xb8;
	[tilespmem:$0x11C00] =	vst v63  }
0x76: {  	_ =	swait.ge [sflag:s22], $0x780  }
0x77: {  	[sflag:s22] =	ssyncset.done $0x0  }
0x78: {  	[sflag:s22] =	ssyncadd.s32 $0xFFFFF880  }
0x79: {  	_ =	swait.ge [sflag:s23], $0x780  }
0x7a: {  	[sflag:s23] =	ssyncset.done $0x0  }
0x7b: {  	[sflag:s23] =	ssyncadd.s32 $0xFFFFF880  }
0x7c: {  	_ =	swait.ge [sflag:s24], $0x780  }
0x7d: {  	[sflag:s24] =	ssyncset.done $0x0  }
0x7e: {  	[sflag:s24] =	ssyncadd.s32 $0xFFFFF880  }
.Ltmp4:
0x7f: {  	_ =	swait.ge [sflag:s25], $0x780;
	(pc) =	sbr.rel @p0 .LBB2_10-.Ltmp4, $4  }
0x80: {  	[sflag:s25] =	ssyncset.done $0x0  }
0x81: {  	[sflag:s25] =	ssyncadd.s32 $0xFFFFF880  }
0x82: {  	_ =	swait.ge [sflag:s26], $0x780  }
0x83: {  	s30 =	sshra.s32 s31, $0x2;
	s0 =	smov.u32 s5;
	[sflag:s26] =	ssyncset.done $0x0  }
0x84: {  	s0 =	sadd.s32 $0x7800, s30;
	[sflag:s26] =	ssyncadd.s32 $0xFFFFF880  }
0x85: {  	[spmem:s1] =	stream.indirect.scatter.add.f32 [tilespmem:s21], [sflag:$0x1], $0x30, s0, s20, $0xb8;
	[tilespmem:$0x11C00] =	vst v63  }
0x86: {  	s31 =	sadd.s32 $0x7880, s30  }
0x87: {  	[spmem:s1] =	stream.indirect.scatter.add.f32 [tilespmem:s21], [sflag:$0x2], $0x30, s31, s20, $0xb8;
	[tilespmem:$0x11C00] =	vst v63  }
0x88: {  	s2 =	sadd.s32 $0x7900, s30  }
0x89: {  	[spmem:s1] =	stream.indirect.scatter.add.f32 [tilespmem:s21], [sflag:$0x3], $0x30, s2, s20, $0xb8;
	[tilespmem:$0x11C00] =	vst v63  }
0x8a: {  	s5 =	sadd.s32 $0x7980, s30  }
0x8b: {  	[spmem:s1] =	stream.indirect.scatter.add.f32 [tilespmem:s21], [sflag:$0x4], $0x30, s5, s20, $0xb8;
	[tilespmem:$0x11C00] =	vst v63  }
0x8c: {  	s31 =	sadd.s32 $0x7A00, s30  }
0x8d: {  	[spmem:s1] =	stream.indirect.scatter.add.f32 [tilespmem:s21], [sflag:$0x5], $0x30, s31, s20, $0xb8;
	[tilespmem:$0x11C00] =	vst v63  }
0x8e: {  	_ =	swait.ge [sflag:s22], $0x780  }
0x8f: {  	[sflag:s22] =	ssyncset.done $0x0  }
0x90: {  	[sflag:s22] =	ssyncadd.s32 $0xFFFFF880  }
0x91: {  	_ =	swait.ge [sflag:s23], $0x780  }
0x92: {  	[sflag:s23] =	ssyncset.done $0x0  }
0x93: {  	[sflag:s23] =	ssyncadd.s32 $0xFFFFF880  }
0x94: {  	_ =	swait.ge [sflag:s24], $0x780  }
0x95: {  	[sflag:s24] =	ssyncset.done $0x0  }
0x96: {  	[sflag:s24] =	ssyncadd.s32 $0xFFFFF880  }
0x97: {  	_ =	swait.ge [sflag:s25], $0x780  }
0x98: {  	[sflag:s25] =	ssyncset.done $0x0  }
0x99: {  	[sflag:s25] =	ssyncadd.s32 $0xFFFFF880  }
0x9a: {  	_ =	swait.ge [sflag:s26], $0x780  }
0x9b: {  	[sflag:s26] =	ssyncset.done $0x0  }
0x9c: {  	s2 =	simm.s32 $0x0;
	[sflag:s26] =	ssyncadd.s32 $0xFFFFF880  }
0x9d: {  	[tilespmem:s19], [sflag:$0x6] =	stream.linear.gather [hbm4b:s13+s2], $0x3E80, $0x38;
	[tilespmem:$0x11C00] =	vst v63  }
0x9e: {  	_ =	swait.ge [sflag:s18], $0x3E80  }
0x9f: {  	[sflag:s18] =	ssyncset.done $0x0  }
0xa0: {  	s5 =	simm.s32 $0x7800;
	[sflag:s18] =	ssyncadd.s32 $0xFFFFC180  }
0xa1: {  	[spmem:s1] =	stream.indirect.scatter.add.f32 [tilespmem:s28], [sflag:$0x1], $0x30, s5, s20, $0xb8;
	[tilespmem:$0x11C00] =	vst v63  }
0xa2: {  	s31 =	simm.s32 $0x7880  }
0xa3: {  	[spmem:s1] =	stream.indirect.scatter.add.f32 [tilespmem:s28], [sflag:$0x2], $0x30, s31, s20, $0xb8;
	[tilespmem:$0x11C00] =	vst v63  }
0xa4: {  	s2 =	simm.s32 $0x7900  }
0xa5: {  	[spmem:s1] =	stream.indirect.scatter.add.f32 [tilespmem:s28], [sflag:$0x3], $0x30, s2, s20, $0xb8;
	[tilespmem:$0x11C00] =	vst v63  }
0xa6: {  	s5 =	simm.s32 $0x7980  }
0xa7: {  	[spmem:s1] =	stream.indirect.scatter.add.f32 [tilespmem:s28], [sflag:$0x4], $0x30, s5, s20, $0xb8;
	[tilespmem:$0x11C00] =	vst v63  }
0xa8: {  	s31 =	simm.s32 $0x7A00  }
0xa9: {  	[spmem:s1] =	stream.indirect.scatter.add.f32 [tilespmem:s28], [sflag:$0x5], $0x30, s31, s20, $0xb8;
	[tilespmem:$0x11C00] =	vst v63  }
0xaa: {  	_ =	swait.ge [sflag:s22], $0x780  }
0xab: {  	[sflag:s22] =	ssyncset.done $0x0  }
0xac: {  	[sflag:s22] =	ssyncadd.s32 $0xFFFFF880  }
0xad: {  	_ =	swait.ge [sflag:s23], $0x780  }
0xae: {  	[sflag:s23] =	ssyncset.done $0x0  }
0xaf: {  	[sflag:s23] =	ssyncadd.s32 $0xFFFFF880  }
0xb0: {  	_ =	swait.ge [sflag:s24], $0x780  }
0xb1: {  	[sflag:s24] =	ssyncset.done $0x0  }
0xb2: {  	[sflag:s24] =	ssyncadd.s32 $0xFFFFF880  }
0xb3: {  	_ =	swait.ge [sflag:s25], $0x780  }
0xb4: {  	[sflag:s25] =	ssyncset.done $0x0  }
0xb5: {  	[sflag:s25] =	ssyncadd.s32 $0xFFFFF880  }
0xb6: {  	_ =	swait.ge [sflag:s26], $0x780  }
0xb7: {  	s0 =	simm.s32 $0x1400;
	s30 =	simm.s32 $0x280;
	[sflag:s26] =	ssyncset.done $0x0  }
.LBB2_12:
0xb8: {  	s2 =	sadd.s32 $0x7800, s30  }
0xb9: {  	[sflag:s26] =	ssyncadd.s32 $0xFFFFF880;
	s5 =	smov.u32 s0;
	s31 =	sadd.s32 $0xA00, s0  }
0xba: {  	[spmem:s1] =	stream.indirect.scatter.add.f32 [tilespmem:s28], [sflag:$0x1], $0x30, s2, s20, $0xb8;
	[tilespmem:$0x11C00] =	vst v63  }
0xbb: {  	p0 =	sne.s32 s0, $0xF000;
	s0 =	sadd.s32 $0x7880, s30  }
0xbc: {  	[spmem:s1] =	stream.indirect.scatter.add.f32 [tilespmem:s28], [sflag:$0x2], $0x30, s0, s20, $0xb8;
	[tilespmem:$0x11C00] =	vst v63  }
0xbd: {  	s0 =	sadd.s32 $0x7900, s30  }
0xbe: {  	[spmem:s1] =	stream.indirect.scatter.add.f32 [tilespmem:s28], [sflag:$0x3], $0x30, s0, s20, $0xb8;
	[tilespmem:$0x11C00] =	vst v63  }
0xbf: {  	s0 =	sadd.s32 $0x7980, s30  }
0xc0: {  	[spmem:s1] =	stream.indirect.scatter.add.f32 [tilespmem:s28], [sflag:$0x4], $0x30, s0, s20, $0xb8;
	[tilespmem:$0x11C00] =	vst v63  }
0xc1: {  	s0 =	sadd.s32 $0x7A00, s30  }
0xc2: {  	[spmem:s1] =	stream.indirect.scatter.add.f32 [tilespmem:s28], [sflag:$0x5], $0x30, s0, s20, $0xb8;
	[tilespmem:$0x11C00] =	vst v63  }
0xc3: {  	_ =	swait.ge [sflag:s22], $0x780  }
0xc4: {  	[sflag:s22] =	ssyncset.done $0x0  }
0xc5: {  	[sflag:s22] =	ssyncadd.s32 $0xFFFFF880  }
0xc6: {  	_ =	swait.ge [sflag:s23], $0x780  }
0xc7: {  	[sflag:s23] =	ssyncset.done $0x0  }
0xc8: {  	[sflag:s23] =	ssyncadd.s32 $0xFFFFF880  }
0xc9: {  	_ =	swait.ge [sflag:s24], $0x780  }
0xca: {  	[sflag:s24] =	ssyncset.done $0x0  }
0xcb: {  	[sflag:s24] =	ssyncadd.s32 $0xFFFFF880  }
.Ltmp5:
0xcc: {  	_ =	swait.ge [sflag:s25], $0x780;
	(pc) =	sbr.rel @p0 .LBB2_12-.Ltmp5, $4  }
0xcd: {  	[sflag:s25] =	ssyncset.done $0x0  }
0xce: {  	[sflag:s25] =	ssyncadd.s32 $0xFFFFF880  }
0xcf: {  	_ =	swait.ge [sflag:s26], $0x780  }
0xd0: {  	s30 =	sshra.s32 s5, $0x2;
	s0 =	smov.u32 s31;
	[sflag:s26] =	ssyncset.done $0x0  }
0xd1: {  	s0 =	sadd.s32 $0x7800, s30;
	[sflag:s26] =	ssyncadd.s32 $0xFFFFF880  }
0xd2: {  	[spmem:s1] =	stream.indirect.scatter.add.f32 [tilespmem:s28], [sflag:$0x1], $0x30, s0, s20, $0xb8;
	[tilespmem:$0x11C00] =	vst v63  }
0xd3: {  	s31 =	sadd.s32 $0x7880, s30  }
0xd4: {  	[spmem:s1] =	stream.indirect.scatter.add.f32 [tilespmem:s28], [sflag:$0x2], $0x30, s31, s20, $0xb8;
	[tilespmem:$0x11C00] =	vst v63  }
0xd5: {  	s2 =	sadd.s32 $0x7900, s30  }
0xd6: {  	[spmem:s1] =	stream.indirect.scatter.add.f32 [tilespmem:s28], [sflag:$0x3], $0x30, s2, s20, $0xb8;
	[tilespmem:$0x11C00] =	vst v63  }
0xd7: {  	s5 =	sadd.s32 $0x7980, s30  }
0xd8: {  	[spmem:s1] =	stream.indirect.scatter.add.f32 [tilespmem:s28], [sflag:$0x4], $0x30, s5, s20, $0xb8;
	[tilespmem:$0x11C00] =	vst v63  }
0xd9: {  	s31 =	sadd.s32 $0x7A00, s30  }
0xda: {  	[spmem:s1] =	stream.indirect.scatter.add.f32 [tilespmem:s28], [sflag:$0x5], $0x30, s31, s20, $0xb8;
	[tilespmem:$0x11C00] =	vst v63  }
0xdb: {  	_ =	swait.ge [sflag:s22], $0x780  }
0xdc: {  	[sflag:s22] =	ssyncset.done $0x0  }
0xdd: {  	[sflag:s22] =	ssyncadd.s32 $0xFFFFF880  }
0xde: {  	_ =	swait.ge [sflag:s23], $0x780  }
0xdf: {  	[sflag:s23] =	ssyncset.done $0x0  }
0xe0: {  	[sflag:s23] =	ssyncadd.s32 $0xFFFFF880  }
0xe1: {  	_ =	swait.ge [sflag:s24], $0x780  }
0xe2: {  	[sflag:s24] =	ssyncset.done $0x0  }
0xe3: {  	[sflag:s24] =	ssyncadd.s32 $0xFFFFF880  }
0xe4: {  	_ =	swait.ge [sflag:s25], $0x780  }
0xe5: {  	[sflag:s25] =	ssyncset.done $0x0  }
0xe6: {  	[sflag:s25] =	ssyncadd.s32 $0xFFFFF880  }
0xe7: {  	_ =	swait.ge [sflag:s26], $0x780  }
0xe8: {  	[sflag:s26] =	ssyncset.done $0x0  }
0xe9: {  	s2 =	simm.s32 $0x0;
	[sflag:s26] =	ssyncadd.s32 $0xFFFFF880  }
0xea: {  	[tilespmem:s19], [sflag:$0x6] =	stream.linear.gather [hbm4b:s14+s2], $0x3E80, $0x38;
	[tilespmem:$0x11C00] =	vst v63  }
0xeb: {  	_ =	swait.ge [sflag:s18], $0x3E80  }
0xec: {  	[sflag:s18] =	ssyncset.done $0x0  }
0xed: {  	s5 =	simm.s32 $0x7800;
	[sflag:s18] =	ssyncadd.s32 $0xFFFFC180  }
0xee: {  	[spmem:s1] =	stream.indirect.scatter.add.f32 [tilespmem:s29], [sflag:$0x1], $0x30, s5, s20, $0xb8;
	[tilespmem:$0x11C00] =	vst v63  }
0xef: {  	s31 =	simm.s32 $0x7880  }
0xf0: {  	[spmem:s1] =	stream.indirect.scatter.add.f32 [tilespmem:s29], [sflag:$0x2], $0x30, s31, s20, $0xb8;
	[tilespmem:$0x11C00] =	vst v63  }
0xf1: {  	s2 =	simm.s32 $0x7900  }
0xf2: {  	[spmem:s1] =	stream.indirect.scatter.add.f32 [tilespmem:s29], [sflag:$0x3], $0x30, s2, s20, $0xb8;
	[tilespmem:$0x11C00] =	vst v63  }
0xf3: {  	s5 =	simm.s32 $0x7980  }
0xf4: {  	[spmem:s1] =	stream.indirect.scatter.add.f32 [tilespmem:s29], [sflag:$0x4], $0x30, s5, s20, $0xb8;
	[tilespmem:$0x11C00] =	vst v63  }
0xf5: {  	s31 =	simm.s32 $0x7A00  }
0xf6: {  	[spmem:s1] =	stream.indirect.scatter.add.f32 [tilespmem:s29], [sflag:$0x5], $0x30, s31, s20, $0xb8;
	[tilespmem:$0x11C00] =	vst v63  }
0xf7: {  	_ =	swait.ge [sflag:s22], $0x780  }
0xf8: {  	[sflag:s22] =	ssyncset.done $0x0  }
0xf9: {  	[sflag:s22] =	ssyncadd.s32 $0xFFFFF880  }
0xfa: {  	_ =	swait.ge [sflag:s23], $0x780  }
0xfb: {  	[sflag:s23] =	ssyncset.done $0x0  }
0xfc: {  	[sflag:s23] =	ssyncadd.s32 $0xFFFFF880  }
0xfd: {  	_ =	swait.ge [sflag:s24], $0x780  }
0xfe: {  	[sflag:s24] =	ssyncset.done $0x0  }
0xff: {  	[sflag:s24] =	ssyncadd.s32 $0xFFFFF880  }
0x100: {  	_ =	swait.ge [sflag:s25], $0x780  }
0x101: {  	[sflag:s25] =	ssyncset.done $0x0  }
0x102: {  	[sflag:s25] =	ssyncadd.s32 $0xFFFFF880  }
0x103: {  	_ =	swait.ge [sflag:s26], $0x780  }
0x104: {  	s0 =	simm.s32 $0x1400;
	s30 =	simm.s32 $0x280;
	[sflag:s26] =	ssyncset.done $0x0  }
.LBB2_14:
0x105: {  	s2 =	sadd.s32 $0x7800, s30  }
0x106: {  	[sflag:s26] =	ssyncadd.s32 $0xFFFFF880;
	s5 =	smov.u32 s0;
	s31 =	sadd.s32 $0xA00, s0  }
0x107: {  	[spmem:s1] =	stream.indirect.scatter.add.f32 [tilespmem:s29], [sflag:$0x1], $0x30, s2, s20, $0xb8;
	[tilespmem:$0x11C00] =	vst v63  }
0x108: {  	p0 =	sne.s32 s0, $0xF000;
	s0 =	sadd.s32 $0x7880, s30  }
0x109: {  	[spmem:s1] =	stream.indirect.scatter.add.f32 [tilespmem:s29], [sflag:$0x2], $0x30, s0, s20, $0xb8;
	[tilespmem:$0x11C00] =	vst v63  }
0x10a: {  	s0 =	sadd.s32 $0x7900, s30  }
0x10b: {  	[spmem:s1] =	stream.indirect.scatter.add.f32 [tilespmem:s29], [sflag:$0x3], $0x30, s0, s20, $0xb8;
	[tilespmem:$0x11C00] =	vst v63  }
0x10c: {  	s0 =	sadd.s32 $0x7980, s30  }
0x10d: {  	[spmem:s1] =	stream.indirect.scatter.add.f32 [tilespmem:s29], [sflag:$0x4], $0x30, s0, s20, $0xb8;
	[tilespmem:$0x11C00] =	vst v63  }
0x10e: {  	s0 =	sadd.s32 $0x7A00, s30  }
0x10f: {  	[spmem:s1] =	stream.indirect.scatter.add.f32 [tilespmem:s29], [sflag:$0x5], $0x30, s0, s20, $0xb8;
	[tilespmem:$0x11C00] =	vst v63  }
0x110: {  	_ =	swait.ge [sflag:s22], $0x780  }
0x111: {  	[sflag:s22] =	ssyncset.done $0x0  }
0x112: {  	[sflag:s22] =	ssyncadd.s32 $0xFFFFF880  }
0x113: {  	_ =	swait.ge [sflag:s23], $0x780  }
0x114: {  	[sflag:s23] =	ssyncset.done $0x0  }
0x115: {  	[sflag:s23] =	ssyncadd.s32 $0xFFFFF880  }
0x116: {  	_ =	swait.ge [sflag:s24], $0x780  }
0x117: {  	[sflag:s24] =	ssyncset.done $0x0  }
0x118: {  	[sflag:s24] =	ssyncadd.s32 $0xFFFFF880  }
.Ltmp6:
0x119: {  	_ =	swait.ge [sflag:s25], $0x780;
	(pc) =	sbr.rel @p0 .LBB2_14-.Ltmp6, $4  }
0x11a: {  	[sflag:s25] =	ssyncset.done $0x0  }
0x11b: {  	[sflag:s25] =	ssyncadd.s32 $0xFFFFF880  }
0x11c: {  	_ =	swait.ge [sflag:s26], $0x780  }
0x11d: {  	s30 =	sshra.s32 s5, $0x2;
	s0 =	smov.u32 s31;
	[sflag:s26] =	ssyncset.done $0x0  }
0x11e: {  	s0 =	sadd.s32 $0x7800, s30;
	[sflag:s26] =	ssyncadd.s32 $0xFFFFF880  }
0x11f: {  	[spmem:s1] =	stream.indirect.scatter.add.f32 [tilespmem:s29], [sflag:$0x1], $0x30, s0, s20, $0xb8;
	[tilespmem:$0x11C00] =	vst v63  }
0x120: {  	s31 =	sadd.s32 $0x7880, s30  }
0x121: {  	[spmem:s1] =	stream.indirect.scatter.add.f32 [tilespmem:s29], [sflag:$0x2], $0x30, s31, s20, $0xb8;
	[tilespmem:$0x11C00] =	vst v63  }
0x122: {  	s2 =	sadd.s32 $0x7900, s30  }
0x123: {  	[spmem:s1] =	stream.indirect.scatter.add.f32 [tilespmem:s29], [sflag:$0x3], $0x30, s2, s20, $0xb8;
	[tilespmem:$0x11C00] =	vst v63  }
0x124: {  	s5 =	sadd.s32 $0x7980, s30  }
0x125: {  	[spmem:s1] =	stream.indirect.scatter.add.f32 [tilespmem:s29], [sflag:$0x4], $0x30, s5, s20, $0xb8;
	[tilespmem:$0x11C00] =	vst v63  }
0x126: {  	s30 =	sadd.s32 $0x7A00, s30  }
0x127: {  	[spmem:s1] =	stream.indirect.scatter.add.f32 [tilespmem:s29], [sflag:$0x5], $0x30, s30, s20, $0xb8;
	[tilespmem:$0x11C00] =	vst v63  }
0x128: {  	_ =	swait.ge [sflag:s22], $0x780  }
0x129: {  	[sflag:s22] =	ssyncset.done $0x0  }
0x12a: {  	[sflag:s22] =	ssyncadd.s32 $0xFFFFF880  }
0x12b: {  	_ =	swait.ge [sflag:s23], $0x780  }
0x12c: {  	[sflag:s23] =	ssyncset.done $0x0  }
0x12d: {  	[sflag:s23] =	ssyncadd.s32 $0xFFFFF880  }
0x12e: {  	_ =	swait.ge [sflag:s24], $0x780  }
0x12f: {  	[sflag:s24] =	ssyncset.done $0x0  }
0x130: {  	[sflag:s24] =	ssyncadd.s32 $0xFFFFF880  }
0x131: {  	_ =	swait.ge [sflag:s25], $0x780  }
0x132: {  	[sflag:s25] =	ssyncset.done $0x0  }
0x133: {  	[sflag:s25] =	ssyncadd.s32 $0xFFFFF880  }
0x134: {  	s31 =	stileid.u32;
	_ =	swait.ge [sflag:s26], $0x780  }
0x135: {  	s3 =	sadd.s32 $0x1, s3;
	s0 =	sshll.u32 s31, $0x6;
	[sflag:s26] =	ssyncset.done $0x0  }
0x136: {  	p0 =	sne.s32 s3, s16;
	s0 =	sor.u32 $0x1C06, s0;
	[sflag:s26] =	ssyncadd.s32 $0xFFFFF880  }
.Ltmp7:
0x137: {  	s2 =	sshrl.u32 s4, $0x3;
	[bflag:$0x0] =	sbarrier.arrive $0xFFFF;
	(pc) =	sbr.rel @p0 .LBB2_1-.Ltmp7, $4  }
0x138: {  	[hbm:s15], [sflag:s0] =	dma.local [spmem:s2], $0x2800  }
0x139: {  	_ =	swait.ge [sflag:s18], $0x2800  }
0x13a: {  	[sflag:s18] =	ssyncset.done $0x0  }
0x13b: {  	[sflag:s18] =	ssyncadd.s32 $0xFFFFD800  }
0x13c: {  	_ =	sfence.sel $0x180000  }
0x13d: {  	[bflag:$0x0] =	sbarrier.arrive $0xFFFF  }
0x13e: {  	_ =	strace $0x90000047  }
0x13f: {  	s0 =	stileid.u32;
	[bflag:$0x2] =	sbarrier.arrive $0xFFFF  }
0x140: {  	p0 =	sne.s32 s0, $0x0;
	s0 =	rddreg [dreg:$0x2]  }
0x141: {  	s0 =	sadd.s32 @!p0 $0x100000, s0  }
0x142: {  	[sflag:s0] =	ssyncadd.tile.s32 @!p0 $0x1;
	_ =	shalt  }
.Lfunc_end2:
_tile_overlayer_lowered:
.L_overlay_start_2:
0x143: {  	(tag) =	ssettag $0x2  }
0x144: {  	s0 =	rddreg [dreg:$0x0];
	s2 =	stileid.u32  }
0x145: {  	s1 =	rddreg [dreg:$0x1];
	p0 =	sne.s32 s2, $0x0  }
0x146: {  	s3 =	rddreg [dreg:$0x2];
	[bflag:$0x3] =	sbarrier.arrive $0xFFFF;
	s2 =	simm.s32 @!p0 $0x1C06  }
0x147: {  	[timem:s3], [sflag:s2] =	dma.local @!p0 [hbm:s0], s1  }
0x148: {  	s0 =	simm.s32 @!p0 $0x6  }
0x149: {  	_ =	swait.ge @!p0 [sflag:s0], s1  }
0x14a: {  	s1 =	ssub.s32 @!p0 $0x0, s1;
	[sflag:s0] =	ssyncset.done @!p0 $0x0  }
0x14b: {  	[sflag:s0] =	ssyncadd.s32 @!p0 s1  }
0x14c: {  	[bflag:$0x3] =	sbarrier.arrive $0xFFFF  }
0x14d: {  	_ =	shalt  }

// kernel: kernel.14.cloned.1.call-start
scs
__scs_entry_jumppad:
0x0: {  	(pc) =	sbr.rel $0x88, $3  }
0x1: {  	(tag) =	ssettag $0x0;
	lr =	simm.s32 $0x1  }
0x2: {  	[smem:$0x3F97] =	sst lr;
	_ =	strace $0xD0000000  }
0x3: {  	_ = 	snop  }
0x4: {  	_ = 	snop  }
0x5: {  	_ = 	snop  }
0x6: {  	_ = 	snop  }
0x7: {  	_ = 	snop  }
__scs_overlays_trampoline_lowered:
0x8: {  	[smem:$0x3FA6] =	sst s0  }
0x9: {  	[smem:$0x3FA7] =	sst s1  }
0xa: {  	[smem:$0x3FA8] =	sst s2  }
0xb: {  	[smem:$0x3FA9] =	sst s3  }
0xc: {  	[smem:$0x3FAA] =	sst s4  }
0xd: {  	[smem:$0x3FAB] =	sst s5  }
0xe: {  	[smem:$0x3FAC] =	sst s6  }
0xf: {  	[smem:$0x3FAD] =	sst s7  }
0x10: {  	[smem:$0x3FAE] =	sst s8  }
0x11: {  	[smem:$0x3FAF] =	sst s9;
	s0 =	simm.s32 @!p0 $0x0  }
0x12: {  	s1 =	sld [smem:$0x3F95];
	s0 =	simm.s32 @p0 $0x1  }
0x13: {  	[smem:$0x3FB0] =	sst s0;
	s0 =	simm.s32 @!p1 $0x0  }
0x14: {  	s2 =	sld [smem:$0x3F94];
	s0 =	simm.s32 @p1 $0x1  }
0x15: {  	[smem:$0x3FB1] =	sst s0;
	s0 =	simm.s32 @!p2 $0x0  }
0x16: {  	s3 =	sld [smem:$0x3FDB];
	s0 =	simm.s32 @p2 $0x1  }
0x17: {  	s4 =	simm.s32 $0x1BF5;
	[smem:$0x3FB3] =	sst s0  }
0x18: {  	s0 =	sld [smem:$0x3F96];
	_ =	swait.ge [sflag:s4], $0x0  }
0x19: {  	s7 =	sld [smem:$0x3F97]  }
0x1a: {  	s8 =	sadd.s32 $0xFFFFE003, lr  }
0x1b: {  	s9 =	sadd.s32 $0xFFFFFEF7, lr;
	s5 =	simm.s32 $0xFFFFFFFF;
	p2 =	slt.u32 s8, $0xFFFFF086  }
0x1c: {  	p1 =	slt.u32 s9, $0xF7A;
	s5 =	simm.s32 @!p2 $0x0  }
0x1d: {  	s5 =	simm.s32 @p1 $0x1;
	p0 =	seq.s32 s7, s2  }
0x1e: {  	s7 =	smul.u32 @!p0 $0xF7A, s2;
	p2 =	seq.s32 @!p0 s5, $0x0  }
0x1f: {  	s9 =	smul.u32 $0xF7A, s1;
	s8 =	simm.s32 @!p0 $0x1BF5;
	p2 =	por !p2, p0  }
0x20: {  	[sflag:s8] =	ssyncset.s32 @!p0 $0xFFFFF086;
	s6 =	sadd.s32 @!p0 s3, s7;
	s7 =	simm.s32 @!p0 $0x108  }
0x21: {  	s3 =	sadd.s32 s3, s9;
	s6 =	sadd.s32 @!p0 $0x88, s6;
	s7 =	simm.s32 @p2 $0x1082  }
0x22: {  	[simem:s7], [sflag:s8] =	dma.local @!p0 [hbm:s6], $0xF7A  }
0x23: {  	s9 =	sor.u32 $0xD0000000, s2;
	s6 =	simm.s32 $0x108;
	_ =	swait.ge @!p0 [sflag:s8], $0x0  }
0x24: {  	s3 =	sadd.s32 $0x88, s3;
	s6 =	simm.s32 @!p1 $0x1082;
	[sflag:s4] =	ssyncset.s32 $0xFFFFF086  }
0x25: {  	[simem:s6], [sflag:s4] =	dma.local [hbm:s3], $0xF7A  }
0x26: {  	[smem:$0x3F97] =	sst s1;
	(tag) =	ssettag s2;
	_ =	strace s9  }
0x27: {  	s1 =	sld [smem:$0x3FA7]  }
0x28: {  	s2 =	sld [smem:$0x3FA8]  }
0x29: {  	s4 =	sld [smem:$0x3FAA]  }
0x2a: {  	p0 =	seq.s32 s5, $0x0;
	s5 =	sld [smem:$0x3FAB]  }
0x2b: {  	s6 =	sld [smem:$0x3FAC]  }
0x2c: {  	s7 =	sld [smem:$0x3FAD]  }
0x2d: {  	s3 =	simm.s32 $0x108;
	s8 =	sld [smem:$0x3FAE]  }
0x2e: {  	s3 =	simm.s32 @!p0 $0x1082;
	s9 =	sld [smem:$0x3FAF]  }
0x2f: {  	lr =	sadd.s32 s0, s3;
	s0 =	sld [smem:$0x3FA6]  }
0x30: {  	s3 =	sld [smem:$0x3FA9]  }
0x31: {  	[smem:$0x3FB2] =	sst s10  }
0x32: {  	s10 =	sld [smem:$0x3FB0];
	_ =	sdelay $0x3  }
0x33: {  	p0 =	seq.s32 s10, $0x1;
	s10 =	sld [smem:$0x3FB2];
	_ =	sdelay $0x3  }
0x34: {  	[smem:$0x3FB2] =	sst s10  }
0x35: {  	s10 =	sld [smem:$0x3FB1];
	_ =	sdelay $0x3  }
0x36: {  	p1 =	seq.s32 s10, $0x1;
	s10 =	sld [smem:$0x3FB2];
	_ =	sdelay $0x3  }
0x37: {  	[smem:$0x3FB2] =	sst s10  }
0x38: {  	s10 =	sld [smem:$0x3FB3]  }
0x39: {  	_ = 	snop;
	(pc) =	sbr.ind lr, $3  }
0x3a: {  	_ = 	snop  }
0x3b: {  	_ = 	snop  }
0x3c: {  	p2 =	seq.s32 s10, $0x1;
	s10 =	sld [smem:$0x3FB2]  }
0x3d: {  	_ =	shalt  }
0x3e: {  	_ =	shalt  }
0x3f: {  	_ =	shalt  }
0x40: {  	_ =	shalt  }
0x41: {  	_ =	shalt  }
0x42: {  	_ =	shalt  }
0x43: {  	_ =	shalt  }
0x44: {  	_ =	shalt  }
0x45: {  	_ =	shalt  }
0x46: {  	_ =	shalt  }
0x47: {  	_ =	shalt  }
0x48: {  	_ =	shalt  }
0x49: {  	_ =	shalt  }
0x4a: {  	_ =	shalt  }
0x4b: {  	_ =	shalt  }
0x4c: {  	_ =	shalt  }
0x4d: {  	_ =	shalt  }
0x4e: {  	_ =	shalt  }
0x4f: {  	_ =	shalt  }
0x50: {  	_ =	shalt  }
0x51: {  	_ =	shalt  }
0x52: {  	_ =	shalt  }
0x53: {  	_ =	shalt  }
0x54: {  	_ =	shalt  }
0x55: {  	_ =	shalt  }
0x56: {  	_ =	shalt  }
0x57: {  	_ =	shalt  }
0x58: {  	_ =	shalt  }
0x59: {  	_ =	shalt  }
0x5a: {  	_ =	shalt  }
0x5b: {  	_ =	shalt  }
0x5c: {  	_ =	shalt  }
0x5d: {  	_ =	shalt  }
0x5e: {  	_ =	shalt  }
0x5f: {  	_ =	shalt  }
0x60: {  	_ =	shalt  }
0x61: {  	_ =	shalt  }
0x62: {  	_ =	shalt  }
0x63: {  	_ =	shalt  }
0x64: {  	_ =	shalt  }
0x65: {  	_ =	shalt  }
0x66: {  	_ =	shalt  }
0x67: {  	_ =	shalt  }
0x68: {  	_ =	shalt  }
0x69: {  	_ =	shalt  }
0x6a: {  	_ =	shalt  }
0x6b: {  	_ =	shalt  }
0x6c: {  	_ =	shalt  }
0x6d: {  	_ =	shalt  }
0x6e: {  	_ =	shalt  }
0x6f: {  	_ =	shalt  }
0x70: {  	_ =	shalt  }
0x71: {  	_ =	shalt  }
0x72: {  	_ =	shalt  }
0x73: {  	_ =	shalt  }
0x74: {  	_ =	shalt  }
0x75: {  	_ =	shalt  }
0x76: {  	_ =	shalt  }
0x77: {  	_ =	shalt  }
0x78: {  	_ =	shalt  }
0x79: {  	_ =	shalt  }
0x7a: {  	_ =	shalt  }
0x7b: {  	_ =	shalt  }
0x7c: {  	_ =	shalt  }
0x7d: {  	_ =	shalt  }
0x7e: {  	_ =	shalt  }
0x7f: {  	_ =	shalt  }
0x80: {  	_ =	shalt  }
0x81: {  	_ =	shalt  }
0x82: {  	_ =	shalt  }
0x83: {  	_ =	shalt  }
0x84: {  	_ =	shalt  }
0x85: {  	_ =	shalt  }
0x86: {  	_ =	shalt  }
0x87: {  	_ =	shalt  }
.Lfunc_end0:
.L_simem_size_0:
called_computation.1_lowered:
.L_overlay_start_0:
0x88: {  	s2 =	sld [smem:$0x3FD9]  }
0x89: {  	s3 =	sld [smem:$0x3FFE];
	_ =	sdelay $0x1  }
0x8a: {  	s1 =	srdreg.scid  }
0x8b: {  	s0 =	sand.u32 $0x1, s1  }
0x8c: {  	s17 =	sshll.u32 s0, $0xA;
	s2 =	sadd.s32 s3, s2  }
0x8d: {  	s2 =	sadd.s32 s2, s17  }
0x8e: {  	[smem:$0x3FBE] =	sst s2  }
0x8f: {  	_ = 	snop  }
0x90: {  	s2 =	sld [smem:$0x3FD0];
	(tm) =	ssettm $0x1  }
0x91: {  	s18 =	sld [smem:$0x3FFB];
	_ =	sdelay $0x3  }
0x92: {  	_ =	strace s18  }
0x93: {  	s3 =	sld [smem:$0x3FFC];
	_ =	sdelay $0x3  }
0x94: {  	_ =	strace s3  }
0x95: {  	s3 =	sld [smem:$0x3FFD];
	_ =	sdelay $0x3  }
0x96: {  	_ =	strace s3  }
0x97: {  	_ =	strace $0x8FFFFFFF  }
0x98: {  	s19 =	sld [smem:$0x3FDB];
	_ =	sdelay $0x1  }
0x99: {  	s4 =	simm.s32 $_scs_section_size  }
0x9a: {  	s5 =	simm.s32 $_size__tile_overlayer_lowered;
	s6 =	simm.s32 $_tile_overlayer_lowered  }
0x9b: {  	s22 =	simm.s32 $0x1BFF;
	s21 =	sshll.u32 s6, $0x1;
	s3 =	sadd.s32 s4, s19  }
0x9c: {  	s7 =	simm.s32 $0x0;
	s20 =	sshll.u32 s5, $0x1;
	s5 =	sadd.s32 s21, s3  }
0x9d: {  	[timem:s7], [sflag:s22] =	dma.local [hbm:s5], s20  }
0x9e: {  	_ =	swait.ge [sflag:s22], s20  }
0x9f: {  	s4 =	ssub.s32 $0x0, s20;
	[sflag:s22] =	ssyncset.done $0x0  }
0xa0: {  	[sflag:s22] =	ssyncadd.s32 s4;
	_ =	sdelay $0x1  }
0xa1: {  	s23 =	simm.s32 $0x1B8B  }
0xa2: {  	_ =	swait.ge [sflag:s23], $0x1  }
0xa3: {  	[sflag:s23] =	ssyncset.done $0x0  }
0xa4: {  	s25 =	simm.s32 $0x1B8E;
	s24 =	sld [smem:$0x3FFE];
	[sflag:s23] =	ssyncadd.s32 $0xFFFFFFFF  }
0xa5: {  	s26 =	simm.s32 $execute0_lowered;
	[smem:$0x3FD2] =	sst s25  }
0xa6: {  	s5 =	sshll.u32 s26, $0x1;
	_ =	strace $0x80000049;
	[dreg:$0x1] =	wrdreg $0xFFFFFFFF  }
0xa7: {  	s28 =	simm.s32 $_size_execute0_lowered;
	s3 =	sadd.s32 s3, s5;
	[dreg:$0x0] =	wrdreg $0x0  }
0xa8: {  	s5 =	sshll.u32 s28, $0x1;
	[dreg:$0x2] =	wrdreg s3  }
0xa9: {  	[dreg:$0x3] =	wrdreg s5  }
0xaa: {  	[dreg:$0x4] =	wrdreg $0xC0  }
0xab: {  	_ =	task [dreg:s7], $0x5FFFF  }
0xac: {  	[dreg:$0x1] =	wrdreg $0xFFFFFFFF  }
0xad: {  	[dreg:$0x0] =	wrdreg $0x60  }
0xae: {  	[dreg:$0x2] =	wrdreg s24  }
0xaf: {  	[dreg:$0x3] =	wrdreg s2  }
0xb0: {  	[dreg:$0x4] =	wrdreg $0x0  }
0xb1: {  	[dreg:$0x5] =	wrdreg $0x9  }
0xb2: {  	_ =	task.clear_ibuf [dreg:s7], $0x6FFFF;
	_ =	strace $0x90000049  }
0xb3: {  	s29 =	simm.s32 $0x9;
	_ =	strace $0x8000004B  }
0xb4: {  	_ =	swait.ge [sflag:s29], $0x1  }
0xb5: {  	[sflag:s29] =	ssyncadd.s32 $0xFFFFFFFF  }
0xb6: {  	_ =	strace $0x9000004B  }
0xb7: {  	_ =	sfence  }
0xb8: {  	s30 =	sld [smem:$0x0];
	_ =	sdelay $0x2  }
0xb9: {  	s31 =	sshll.u32 s1, $0xD;
	s1 =	sshrl.u32 s1, $0x2  }
0xba: {  	s3 =	sand.u32 $0x4000, s31;
	s1 =	sadd.s32 s1, s30  }
0xbb: {  	s0 =	sor.u32 s3, s0;
	s1 =	sshll.u32 s1, $0x11  }
0xbc: {  	s0 =	sor.u32 s1, s0  }
0xbd: {  	s0 =	sadd.s32 $0x8F2B, s0  }
0xbe: {  	[sflag:s0] =	ssyncadd.remote.s32 $0x1  }
0xbf: {  	_ =	sfence.sel $0xFFFF  }
0xc0: {  	[dreg:$0x0] =	wrdreg $0xFFFFFFFF;
	(pc) =	sbr.abs _section_cstart, $3  }
0xc1: {  	[dreg:$0x1] =	wrdreg $0xFFFFFFFF  }
0xc2: {  	_ =	task.clear_ibuf [dreg:s7], $0x2FFFF;
	_ =	strace $0x9FFFFFFF  }
0xc3: {  	(tm) =	ssettm $0x7FFFFFFF  }
tec
execute0_lowered:
.L_overlay_start_1:
0x0: {  	(tag) =	ssettag $0x1  }
0x1: {  	s0 =	rddreg [dreg:$0x0]  }
0x2: {  	s2 =	rddreg [dreg:$0x2];
	s1 =	srdreg.scid  }
0x3: {  	s24 =	simm.s32 $0x0;
	s8 =	stileid.u32;
	s28 =	simm.s32 $0x18800  }
0x4: {  	s29 =	simm.s32 $0x14100;
	s30 =	simm.s32 $0x1A800;
	s31 =	simm.s32 $0x14180  }
0x5: {  	s9 =	simm.s32 $0x3;
	s10 =	simm.s32 $0x4;
	s11 =	simm.s32 $0x5  }
0x6: {  	s12 =	simm.s32 $0x6;
	s13 =	simm.s32 $0x7;
	s7 =	smul.u32 $0x50000, s8  }
0x7: {  	s1 =	sand.u32 $0x1, s1;
	[smem:$0x7FF] =	sst s24;
	s4 =	smul.u32 $0x14000, s8  }
0x8: {  	s5 =	sadd.s32 $0x8CA00, s0;
	s6 =	sadd.s32 $0x82A00, s0;
	s7 =	sshrl.u32 s7, $0x2  }
0x9: {  	s3 =	smul.u32 $0x140000, s1;
	_ =	strace $0x8000004A;
	s7 =	sadd.s32 s7, s2  }
0xa: {  	s14 =	ssub.s32 $0x2, s1;
	s16 =	sadd.s32 $0x2000, s7;
	[dreg:$0x5] =	wrdreg s7  }
0xb: {  	s1 =	sshll.u32 s1, $0x4;
	s17 =	sadd.s32 $0x4000, s7;
	[dreg:$0x6] =	wrdreg s16  }
0xc: {  	s15 =	sshrl.u32 s14, $0x1;
	s18 =	sadd.s32 $0x6000, s7;
	[dreg:$0x7] =	wrdreg s17  }
0xd: {  	s1 =	sor.u32 s8, s1;
	s19 =	sadd.s32 $0x8000, s7;
	[dreg:$0x8] =	wrdreg s18  }
0xe: {  	s3 =	sadd.s32 s4, s3;
	s20 =	sadd.s32 $0xA000, s7;
	[dreg:$0x9] =	wrdreg s19  }
0xf: {  	s3 =	sshrl.u32 s3, $0x3;
	s21 =	sadd.s32 $0xC000, s7;
	[dreg:$0xa] =	wrdreg s20  }
0x10: {  	s22 =	sadd.s32 $0xE000, s7;
	s23 =	sadd.s32 $0x10000, s7;
	[dreg:$0xb] =	wrdreg s21  }
0x11: {  	s25 =	sadd.s32 $0x12000, s7;
	s0 =	sadd.s32 s3, s0;
	[dreg:$0xc] =	wrdreg s22  }
0x12: {  	s3 =	ssub.s32 s14, s15;
	[dreg:$0xd] =	wrdreg s23;
	s16 =	smul.u32 $0x5000, s1  }
0x13: {  	[dreg:$0xe] =	wrdreg s25;
	s18 =	smul.u32 $0x5000, s8;
	s21 =	simm.s32 $0x16800  }
0x14: {  	s22 =	simm.s32 $0x9;
	s23 =	simm.s32 $0x14000;
	s25 =	simm.s32 $0x40  }
0x15: {  	s8 =	simm.s32 $0x2;
	s14 =	simm.s32 $0x8;
	s15 =	simm.s32 $0x16600  }
0x16: {  	s17 =	simm.s32 $0x16680;
	s19 =	simm.s32 $0x16700;
	s0 =	sadd.s32 $0x12CA00, s0  }
0x17: {  	s20 =	simm.s32 $0x16780;
	s26 =	smax.u32 s3, $0x1;
	[dreg:$0xf] =	wrdreg s0  }
0x18: {  	v0 =	vimm.f32 $0.0e+00;
	s3 =	simm.s32 $0x1;
	[dreg:$0x10] =	wrdreg s26;
	s0 =	simm.s32 $0x1C800  }
.LBB2_1:
0x19: {  	[dreg:$0x4] =	wrdreg s24;
	s1 =	simm.s32 $0x0;
	s4 =	simm.s32 $0x200  }
.LBB2_2:
0x1a: {  	p0 =	sne.s32 s4, $0x7E00;
	[tilespmem:s1+$0x16870] =	vst v0  }
0x1b: {  	[tilespmem:s1+$0x16800] =	vst v0  }
0x1c: {  	[tilespmem:s1+$0x16810] =	vst v0  }
.Ltmp0:
0x1d: {  	[tilespmem:s1+$0x16820] =	vst v0;
	(pc) =	sbr.rel @p0 .LBB2_2-.Ltmp0, $4  }
0x1e: {  	[tilespmem:s1+$0x16830] =	vst v0  }
0x1f: {  	[tilespmem:s1+$0x16840] =	vst v0  }
0x20: {  	[tilespmem:s1+$0x16850] =	vst v0  }
0x21: {  	[tilespmem:s1+$0x16860] =	vst v0;
	s1 =	sshra.s32 s4, $0x2;
	s4 =	sadd.s32 $0x200, s4  }
0x22: {  	[tilespmem:s1+$0x16870] =	vst v0  }
0x23: {  	[tilespmem:s1+$0x16800] =	vst v0  }
0x24: {  	[tilespmem:s1+$0x16810] =	vst v0  }
0x25: {  	[tilespmem:s1+$0x16820] =	vst v0  }
0x26: {  	[tilespmem:s1+$0x16830] =	vst v0  }
0x27: {  	[tilespmem:s1+$0x16840] =	vst v0  }
0x28: {  	[tilespmem:s1+$0x16850] =	vst v0  }
0x29: {  	[tilespmem:s1+$0x16860] =	vst v0  }
0x2a: {  	[spmem:s7] =	stream.linear.scatter [tilespmem:s21], [sflag:$0x9], $0x2000, $0x38;
	[tilespmem:$0x1E800] =	vst v63  }
0x2b: {  	_ =	swait.ge [sflag:s22], $0x2000  }
0x2c: {  	[sflag:s22] =	ssyncset.done $0x0  }
0x2d: {  	s26 =	rddreg [dreg:$0x6];
	[sflag:s22] =	ssyncadd.s32 $0xFFFFE000  }
0x2e: {  	[spmem:s26] =	stream.linear.scatter [tilespmem:s21], [sflag:$0x9], $0x2000, $0x38;
	[tilespmem:$0x1E800] =	vst v63  }
0x2f: {  	_ =	swait.ge [sflag:s22], $0x2000  }
0x30: {  	[sflag:s22] =	ssyncset.done $0x0  }
0x31: {  	s4 =	rddreg [dreg:$0x7];
	[sflag:s22] =	ssyncadd.s32 $0xFFFFE000  }
0x32: {  	[spmem:s4] =	stream.linear.scatter [tilespmem:s21], [sflag:$0x9], $0x2000, $0x38;
	[tilespmem:$0x1E800] =	vst v63  }
0x33: {  	_ =	swait.ge [sflag:s22], $0x2000  }
0x34: {  	[sflag:s22] =	ssyncset.done $0x0  }
0x35: {  	s7 =	rddreg [dreg:$0x8];
	[sflag:s22] =	ssyncadd.s32 $0xFFFFE000  }
0x36: {  	[spmem:s7] =	stream.linear.scatter [tilespmem:s21], [sflag:$0x9], $0x2000, $0x38;
	[tilespmem:$0x1E800] =	vst v63  }
0x37: {  	_ =	swait.ge [sflag:s22], $0x2000  }
0x38: {  	[sflag:s22] =	ssyncset.done $0x0  }
0x39: {  	s24 =	rddreg [dreg:$0x9];
	[sflag:s22] =	ssyncadd.s32 $0xFFFFE000  }
0x3a: {  	[spmem:s24] =	stream.linear.scatter [tilespmem:s21], [sflag:$0x9], $0x2000, $0x38;
	[tilespmem:$0x1E800] =	vst v63  }
0x3b: {  	_ =	swait.ge [sflag:s22], $0x2000  }
0x3c: {  	[sflag:s22] =	ssyncset.done $0x0  }
0x3d: {  	s26 =	rddreg [dreg:$0xa];
	[sflag:s22] =	ssyncadd.s32 $0xFFFFE000  }
0x3e: {  	[spmem:s26] =	stream.linear.scatter [tilespmem:s21], [sflag:$0x9], $0x2000, $0x38;
	[tilespmem:$0x1E800] =	vst v63  }
0x3f: {  	_ =	swait.ge [sflag:s22], $0x2000  }
0x40: {  	[sflag:s22] =	ssyncset.done $0x0  }
0x41: {  	s4 =	rddreg [dreg:$0xb];
	[sflag:s22] =	ssyncadd.s32 $0xFFFFE000  }
0x42: {  	[spmem:s4] =	stream.linear.scatter [tilespmem:s21], [sflag:$0x9], $0x2000, $0x38;
	[tilespmem:$0x1E800] =	vst v63  }
0x43: {  	_ =	swait.ge [sflag:s22], $0x2000  }
0x44: {  	[sflag:s22] =	ssyncset.done $0x0  }
0x45: {  	s7 =	rddreg [dreg:$0xc];
	[sflag:s22] =	ssyncadd.s32 $0xFFFFE000  }
0x46: {  	[spmem:s7] =	stream.linear.scatter [tilespmem:s21], [sflag:$0x9], $0x2000, $0x38;
	[tilespmem:$0x1E800] =	vst v63  }
0x47: {  	_ =	swait.ge [sflag:s22], $0x2000  }
0x48: {  	[sflag:s22] =	ssyncset.done $0x0  }
0x49: {  	s24 =	rddreg [dreg:$0xd];
	[sflag:s22] =	ssyncadd.s32 $0xFFFFE000  }
0x4a: {  	[spmem:s24] =	stream.linear.scatter [tilespmem:s21], [sflag:$0x9], $0x2000, $0x38;
	[tilespmem:$0x1E800] =	vst v63  }
0x4b: {  	_ =	swait.ge [sflag:s22], $0x2000  }
0x4c: {  	[sflag:s22] =	ssyncset.done $0x0  }
0x4d: {  	s26 =	rddreg [dreg:$0xe];
	[sflag:s22] =	ssyncadd.s32 $0xFFFFE000  }
0x4e: {  	[spmem:s26] =	stream.linear.scatter [tilespmem:s21], [sflag:$0x9], $0x2000, $0x38;
	[tilespmem:$0x1E800] =	vst v63  }
0x4f: {  	_ =	swait.ge [sflag:s22], $0x2000  }
0x50: {  	[sflag:s22] =	ssyncset.done $0x0  }
0x51: {  	[sflag:s22] =	ssyncadd.s32 $0xFFFFE000  }
0x52: {  	s4 =	simm.s32 $0x0;
	s7 =	simm.s32 $0x0;
	[bflag:$0x0] =	sbarrier.arrive $0xFFFF  }
.LBB2_4:
0x53: {  	s1 =	smul.u32 $0x1400, s4;
	_ =	sdelay $0x1  }
0x54: {  	s24 =	sadd.s32 s16, s1  }
0x55: {  	s26 =	rddreg [dreg:$0x1];
	s24 =	sshrl.u32 s24, $0x3  }
0x56: {  	s24 =	sadd.s32 s26, s24  }
0x57: {  	[tilespmem:s23], [sflag:$0x9] =	stream.linear.gather [hbm4b:s24+s7], $0x1400, $0x38;
	[tilespmem:$0x1E800] =	vst v63  }
0x58: {  	s1 =	sadd.s32 s18, s1;
	_ =	swait.ge [sflag:s22], $0x1400  }
0x59: {  	s1 =	sshrl.u32 s1, $0x3;
	[sflag:s22] =	ssyncset.done $0x0  }
0x5a: {  	s1 =	sadd.s32 s6, s1;
	s26 =	simm.s32 $0x15400;
	[sflag:s22] =	ssyncadd.s32 $0xFFFFEC00  }
0x5b: {  	[tilespmem:s26], [sflag:$0x9] =	stream.linear.gather [hbm4b:s1+s7], $0x1400, $0x38;
	[tilespmem:$0x1E800] =	vst v63  }
0x5c: {  	_ =	swait.ge [sflag:s22], $0x1400  }
0x5d: {  	[sflag:s22] =	ssyncset.done $0x0  }
0x5e: {  	[sflag:s22] =	ssyncadd.s32 $0xFFFFEC00  }
0x5f: {  	[tilespmem:s21], [sflag:$0x1] =	stream.indirect.gather [hbm4b:s5+s25], $0x80, s23, s25, $0xb8;
	[tilespmem:$0x1E800] =	vst v63  }
0x60: {  	s24 =	simm.s32 $0x14080  }
0x61: {  	[tilespmem:s28], [sflag:$0x2] =	stream.indirect.gather [hbm4b:s5+s25], $0x80, s24, s25, $0xb8;
	[tilespmem:$0x1E800] =	vst v63  }
0x62: {  	_ = 	snop  }
0x63: {  	[tilespmem:s30], [sflag:$0x3] =	stream.indirect.gather [hbm4b:s5+s25], $0x80, s29, s25, $0xb8;
	[tilespmem:$0x1E800] =	vst v63  }
0x64: {  	_ = 	snop  }
0x65: {  	[tilespmem:s0], [sflag:$0x4] =	stream.indirect.gather [hbm4b:s5+s25], $0x80, s31, s25, $0xb8;
	[tilespmem:$0x1E800] =	vst v63  }
0x66: {  	_ =	swait.ge [sflag:s3], $0x2000  }
0x67: {  	[sflag:s3] =	ssyncset.done $0x0  }
0x68: {  	s26 =	simm.s32 $0x15400;
	[sflag:s3] =	ssyncadd.s32 $0xFFFFE000  }
0x69: {  	[spmem:s2] =	stream.indirect.scatter.add.f32 [tilespmem:s21], [sflag:$0x5], $0x80, s26, s25, $0xb8;
	[tilespmem:$0x1E800] =	vst v63  }
0x6a: {  	_ =	swait.ge [sflag:s8], $0x2000  }
0x6b: {  	[sflag:s8] =	ssyncset.done $0x0  }
0x6c: {  	s24 =	simm.s32 $0x15480;
	[sflag:s8] =	ssyncadd.s32 $0xFFFFE000  }
0x6d: {  	[spmem:s2] =	stream.indirect.scatter.add.f32 [tilespmem:s28], [sflag:$0x6], $0x80, s24, s25, $0xb8;
	[tilespmem:$0x1E800] =	vst v63  }
0x6e: {  	_ =	swait.ge [sflag:s9], $0x2000  }
0x6f: {  	[sflag:s9] =	ssyncset.done $0x0  }
0x70: {  	s26 =	simm.s32 $0x15500;
	[sflag:s9] =	ssyncadd.s32 $0xFFFFE000  }
0x71: {  	[spmem:s2] =	stream.indirect.scatter.add.f32 [tilespmem:s30], [sflag:$0x7], $0x80, s26, s25, $0xb8;
	[tilespmem:$0x1E800] =	vst v63  }
0x72: {  	_ =	swait.ge [sflag:s10], $0x2000  }
0x73: {  	[sflag:s10] =	ssyncset.done $0x0  }
0x74: {  	s24 =	simm.s32 $0x15580;
	[sflag:s10] =	ssyncadd.s32 $0xFFFFE000  }
0x75: {  	[spmem:s2] =	stream.indirect.scatter.add.f32 [tilespmem:s0], [sflag:$0x8], $0x80, s24, s25, $0xb8;
	[tilespmem:$0x1E800] =	vst v63  }
0x76: {  	_ =	swait.ge [sflag:s11], $0x2000  }
0x77: {  	[sflag:s11] =	ssyncset.done $0x0  }
0x78: {  	s26 =	simm.s32 $0x14200;
	[sflag:s11] =	ssyncadd.s32 $0xFFFFE000  }
0x79: {  	[tilespmem:s21], [sflag:$0x1] =	stream.indirect.gather [hbm4b:s5+s25], $0x80, s26, s25, $0xb8;
	[tilespmem:$0x1E800] =	vst v63  }
0x7a: {  	_ =	swait.ge [sflag:s12], $0x2000  }
0x7b: {  	[sflag:s12] =	ssyncset.done $0x0  }
0x7c: {  	s24 =	simm.s32 $0x14280;
	[sflag:s12] =	ssyncadd.s32 $0xFFFFE000  }
0x7d: {  	[tilespmem:s28], [sflag:$0x2] =	stream.indirect.gather [hbm4b:s5+s25], $0x80, s24, s25, $0xb8;
	[tilespmem:$0x1E800] =	vst v63  }
0x7e: {  	_ =	swait.ge [sflag:s13], $0x2000  }
0x7f: {  	[sflag:s13] =	ssyncset.done $0x0  }
0x80: {  	s26 =	simm.s32 $0x14300;
	[sflag:s13] =	ssyncadd.s32 $0xFFFFE000  }
0x81: {  	[tilespmem:s30], [sflag:$0x3] =	stream.indirect.gather [hbm4b:s5+s25], $0x80, s26, s25, $0xb8;
	[tilespmem:$0x1E800] =	vst v63  }
0x82: {  	_ =	swait.ge [sflag:s14], $0x2000  }
0x83: {  	[sflag:s14] =	ssyncset.done $0x0  }
0x84: {  	s1 =	simm.s32 $0x800;
	s24 =	simm.s32 $0x14380;
	[sflag:s14] =	ssyncadd.s32 $0xFFFFE000  }
.LBB2_5:
0x85: {  	[tilespmem:s0], [sflag:$0x4] =	stream.indirect.gather [hbm4b:s5+s25], $0x80, s24, s25, $0xb8;
	[tilespmem:$0x1E800] =	vst v63  }
0x86: {  	s24 =	smov.u32 s1  }
0x87: {  	p0 =	sne.s32 s1, $0x4000;
	s1 =	sadd.s32 $0x800, s1;
	_ =	swait.ge [sflag:s3], $0x2000  }
0x88: {  	s24 =	sshra.s32 s24, $0x2;
	[sflag:s3] =	ssyncset.done $0x0  }
0x89: {  	s26 =	sadd.s32 $0x15400, s24;
	[sflag:s3] =	ssyncadd.s32 $0xFFFFE000  }
0x8a: {  	[spmem:s2] =	stream.indirect.scatter.add.f32 [tilespmem:s21], [sflag:$0x5], $0x80, s26, s25, $0xb8;
	[tilespmem:$0x1E800] =	vst v63  }
0x8b: {  	_ =	swait.ge [sflag:s8], $0x2000  }
0x8c: {  	[sflag:s8] =	ssyncset.done $0x0  }
0x8d: {  	s26 =	sadd.s32 $0x15480, s24;
	[sflag:s8] =	ssyncadd.s32 $0xFFFFE000  }
0x8e: {  	[spmem:s2] =	stream.indirect.scatter.add.f32 [tilespmem:s28], [sflag:$0x6], $0x80, s26, s25, $0xb8;
	[tilespmem:$0x1E800] =	vst v63  }
0x8f: {  	_ =	swait.ge [sflag:s9], $0x2000  }
0x90: {  	[sflag:s9] =	ssyncset.done $0x0  }
0x91: {  	s26 =	sadd.s32 $0x15500, s24;
	[sflag:s9] =	ssyncadd.s32 $0xFFFFE000  }
0x92: {  	[spmem:s2] =	stream.indirect.scatter.add.f32 [tilespmem:s30], [sflag:$0x7], $0x80, s26, s25, $0xb8;
	[tilespmem:$0x1E800] =	vst v63  }
0x93: {  	_ =	swait.ge [sflag:s10], $0x2000  }
0x94: {  	[sflag:s10] =	ssyncset.done $0x0  }
0x95: {  	s26 =	sadd.s32 $0x15580, s24;
	[sflag:s10] =	ssyncadd.s32 $0xFFFFE000  }
0x96: {  	[spmem:s2] =	stream.indirect.scatter.add.f32 [tilespmem:s0], [sflag:$0x8], $0x80, s26, s25, $0xb8;
	[tilespmem:$0x1E800] =	vst v63  }
0x97: {  	_ =	swait.ge [sflag:s11], $0x2000  }
0x98: {  	[sflag:s11] =	ssyncset.done $0x0  }
0x99: {  	s26 =	sadd.s32 $0x14200, s24;
	[sflag:s11] =	ssyncadd.s32 $0xFFFFE000  }
0x9a: {  	[tilespmem:s21], [sflag:$0x1] =	stream.indirect.gather [hbm4b:s5+s25], $0x80, s26, s25, $0xb8;
	[tilespmem:$0x1E800] =	vst v63  }
0x9b: {  	_ =	swait.ge [sflag:s12], $0x2000  }
0x9c: {  	[sflag:s12] =	ssyncset.done $0x0  }
0x9d: {  	s26 =	sadd.s32 $0x14280, s24;
	[sflag:s12] =	ssyncadd.s32 $0xFFFFE000  }
0x9e: {  	[tilespmem:s28], [sflag:$0x2] =	stream.indirect.gather [hbm4b:s5+s25], $0x80, s26, s25, $0xb8;
	[tilespmem:$0x1E800] =	vst v63  }
0x9f: {  	_ =	swait.ge [sflag:s13], $0x2000  }
0xa0: {  	[sflag:s13] =	ssyncset.done $0x0  }
.Ltmp1:
0xa1: {  	s26 =	sadd.s32 $0x14300, s24;
	[sflag:s13] =	ssyncadd.s32 $0xFFFFE000;
	(pc) =	sbr.rel @p0 .LBB2_5-.Ltmp1, $4  }
0xa2: {  	[tilespmem:s30], [sflag:$0x3] =	stream.indirect.gather [hbm4b:s5+s25], $0x80, s26, s25, $0xb8;
	[tilespmem:$0x1E800] =	vst v63  }
0xa3: {  	_ =	swait.ge [sflag:s14], $0x2000  }
0xa4: {  	[sflag:s14] =	ssyncset.done $0x0  }
0xa5: {  	s24 =	sadd.s32 $0x14380, s24;
	[sflag:s14] =	ssyncadd.s32 $0xFFFFE000  }
0xa6: {  	[tilespmem:s0], [sflag:$0x4] =	stream.indirect.gather [hbm4b:s5+s25], $0x80, s24, s25, $0xb8;
	[tilespmem:$0x1E800] =	vst v63  }
0xa7: {  	_ =	swait.ge [sflag:s3], $0x2000  }
0xa8: {  	[sflag:s3] =	ssyncset.done $0x0  }
0xa9: {  	[sflag:s3] =	ssyncadd.s32 $0xFFFFE000  }
0xaa: {  	[spmem:s2] =	stream.indirect.scatter.add.f32 [tilespmem:s21], [sflag:$0x5], $0x80, s15, s25, $0xb8;
	[tilespmem:$0x1E800] =	vst v63  }
0xab: {  	_ =	swait.ge [sflag:s8], $0x2000  }
0xac: {  	[sflag:s8] =	ssyncset.done $0x0  }
0xad: {  	[sflag:s8] =	ssyncadd.s32 $0xFFFFE000  }
0xae: {  	[spmem:s2] =	stream.indirect.scatter.add.f32 [tilespmem:s28], [sflag:$0x6], $0x80, s17, s25, $0xb8;
	[tilespmem:$0x1E800] =	vst v63  }
0xaf: {  	_ =	swait.ge [sflag:s9], $0x2000  }
0xb0: {  	[sflag:s9] =	ssyncset.done $0x0  }
0xb1: {  	[sflag:s9] =	ssyncadd.s32 $0xFFFFE000  }
0xb2: {  	[spmem:s2] =	stream.indirect.scatter.add.f32 [tilespmem:s30], [sflag:$0x7], $0x80, s19, s25, $0xb8;
	[tilespmem:$0x1E800] =	vst v63  }
0xb3: {  	_ =	swait.ge [sflag:s10], $0x2000  }
0xb4: {  	[sflag:s10] =	ssyncset.done $0x0  }
0xb5: {  	[sflag:s10] =	ssyncadd.s32 $0xFFFFE000  }
0xb6: {  	[spmem:s2] =	stream.indirect.scatter.add.f32 [tilespmem:s0], [sflag:$0x8], $0x80, s20, s25, $0xb8;
	[tilespmem:$0x1E800] =	vst v63  }
0xb7: {  	_ =	swait.ge [sflag:s11], $0x2000  }
0xb8: {  	[sflag:s11] =	ssyncset.done $0x0  }
0xb9: {  	[sflag:s11] =	ssyncadd.s32 $0xFFFFE000  }
0xba: {  	_ =	swait.ge [sflag:s12], $0x2000  }
0xbb: {  	[sflag:s12] =	ssyncset.done $0x0  }
0xbc: {  	s4 =	sadd.s32 $0x1, s4;
	[sflag:s12] =	ssyncadd.s32 $0xFFFFE000  }
0xbd: {  	p0 =	sne.s32 s4, $0x4;
	_ =	swait.ge [sflag:s13], $0x2000  }
.Ltmp2:
0xbe: {  	[sflag:s13] =	ssyncset.done $0x0;
	(pc) =	sbr.rel @p0 .LBB2_4-.Ltmp2, $4  }
0xbf: {  	[sflag:s13] =	ssyncadd.s32 $0xFFFFE000  }
0xc0: {  	_ =	swait.ge [sflag:s14], $0x2000  }
0xc1: {  	[sflag:s14] =	ssyncset.done $0x0  }
0xc2: {  	[sflag:s14] =	ssyncadd.s32 $0xFFFFE000  }
0xc3: {  	s1 =	stileid.u32;
	[bflag:$0x0] =	sbarrier.arrive $0xFFFF  }
0xc4: {  	s1 =	sshll.u32 s1, $0x6;
	s7 =	rddreg [dreg:$0x5]  }
0xc5: {  	s24 =	rddreg [dreg:$0xf];
	s1 =	sor.u32 $0x1C09, s1;
	s4 =	sshrl.u32 s7, $0x3  }
0xc6: {  	[hbm:s24], [sflag:s1] =	dma.local [spmem:s4], $0x2800  }
0xc7: {  	_ =	swait.ge [sflag:s22], $0x2800  }
0xc8: {  	s4 =	rddreg [dreg:$0x4]  }
0xc9: {  	s26 =	rddreg [dreg:$0x10];
	s24 =	sadd.s32 $0x1, s4  }
0xca: {  	p0 =	sne.s32 s24, s26  }
.Ltmp3:
0xcb: {  	_ = 	snop;
	(pc) =	sbr.rel @p0 .LBB2_1-.Ltmp3, $3  }
0xcc: {  	_ =	sdelay $0x1  }
0xcd: {  	[sflag:s22] =	ssyncset.done $0x0  }
0xce: {  	[sflag:s22] =	ssyncadd.s32 $0xFFFFD800  }
0xcf: {  	_ =	sfence.sel $0x180000  }
0xd0: {  	[bflag:$0x0] =	sbarrier.arrive $0xFFFF  }
0xd1: {  	_ =	strace $0x9000004A  }
0xd2: {  	s0 =	stileid.u32;
	[bflag:$0x2] =	sbarrier.arrive $0xFFFF  }
0xd3: {  	p0 =	sne.s32 s0, $0x0;
	s0 =	rddreg [dreg:$0x3]  }
0xd4: {  	s0 =	sadd.s32 @!p0 $0x100000, s0  }
0xd5: {  	[sflag:s0] =	ssyncadd.tile.s32 @!p0 $0x1;
	_ =	shalt  }
.Lfunc_end2:
_tile_overlayer_lowered:
.L_overlay_start_2:
0xd6: {  	(tag) =	ssettag $0x2  }
0xd7: {  	s0 =	rddreg [dreg:$0x0];
	s2 =	stileid.u32  }
0xd8: {  	s1 =	rddreg [dreg:$0x1];
	p0 =	sne.s32 s2, $0x0  }
0xd9: {  	s3 =	rddreg [dreg:$0x2];
	[bflag:$0x3] =	sbarrier.arrive $0xFFFF;
	s2 =	simm.s32 @!p0 $0x1C09  }
0xda: {  	[timem:s3], [sflag:s2] =	dma.local @!p0 [hbm:s0], s1  }
0xdb: {  	s0 =	simm.s32 @!p0 $0x9  }
0xdc: {  	_ =	swait.ge @!p0 [sflag:s0], s1  }
0xdd: {  	s1 =	ssub.s32 @!p0 $0x0, s1;
	[sflag:s0] =	ssyncset.done @!p0 $0x0  }
0xde: {  	[sflag:s0] =	ssyncadd.s32 @!p0 s1  }
0xdf: {  	[bflag:$0x3] =	sbarrier.arrive $0xFFFF  }
0xe0: {  	_ =	shalt  }

// kernel: kernel.17.cloned.1.call-start
scs
__scs_entry_jumppad:
0x0: {  	(pc) =	sbr.rel $0x88, $3  }
0x1: {  	(tag) =	ssettag $0x0;
	lr =	simm.s32 $0x1  }
0x2: {  	[smem:$0x3F97] =	sst lr;
	_ =	strace $0xD0000000  }
0x3: {  	_ = 	snop  }
0x4: {  	_ = 	snop  }
0x5: {  	_ = 	snop  }
0x6: {  	_ = 	snop  }
0x7: {  	_ = 	snop  }
__scs_overlays_trampoline_lowered:
0x8: {  	[smem:$0x3FA6] =	sst s0  }
0x9: {  	[smem:$0x3FA7] =	sst s1  }
0xa: {  	[smem:$0x3FA8] =	sst s2  }
0xb: {  	[smem:$0x3FA9] =	sst s3  }
0xc: {  	[smem:$0x3FAA] =	sst s4  }
0xd: {  	[smem:$0x3FAB] =	sst s5  }
0xe: {  	[smem:$0x3FAC] =	sst s6  }
0xf: {  	[smem:$0x3FAD] =	sst s7  }
0x10: {  	[smem:$0x3FAE] =	sst s8  }
0x11: {  	[smem:$0x3FAF] =	sst s9;
	s0 =	simm.s32 @!p0 $0x0  }
0x12: {  	s1 =	sld [smem:$0x3F95];
	s0 =	simm.s32 @p0 $0x1  }
0x13: {  	[smem:$0x3FB0] =	sst s0;
	s0 =	simm.s32 @!p1 $0x0  }
0x14: {  	s2 =	sld [smem:$0x3F94];
	s0 =	simm.s32 @p1 $0x1  }
0x15: {  	[smem:$0x3FB1] =	sst s0;
	s0 =	simm.s32 @!p2 $0x0  }
0x16: {  	s3 =	sld [smem:$0x3FDB];
	s0 =	simm.s32 @p2 $0x1  }
0x17: {  	s4 =	simm.s32 $0x1BF5;
	[smem:$0x3FB3] =	sst s0  }
0x18: {  	s0 =	sld [smem:$0x3F96];
	_ =	swait.ge [sflag:s4], $0x0  }
0x19: {  	s7 =	sld [smem:$0x3F97]  }
0x1a: {  	s8 =	sadd.s32 $0xFFFFE003, lr  }
0x1b: {  	s9 =	sadd.s32 $0xFFFFFEF7, lr;
	s5 =	simm.s32 $0xFFFFFFFF;
	p2 =	slt.u32 s8, $0xFFFFF086  }
0x1c: {  	p1 =	slt.u32 s9, $0xF7A;
	s5 =	simm.s32 @!p2 $0x0  }
0x1d: {  	s5 =	simm.s32 @p1 $0x1;
	p0 =	seq.s32 s7, s2  }
0x1e: {  	s7 =	smul.u32 @!p0 $0xF7A, s2;
	p2 =	seq.s32 @!p0 s5, $0x0  }
0x1f: {  	s9 =	smul.u32 $0xF7A, s1;
	s8 =	simm.s32 @!p0 $0x1BF5;
	p2 =	por !p2, p0  }
0x20: {  	[sflag:s8] =	ssyncset.s32 @!p0 $0xFFFFF086;
	s6 =	sadd.s32 @!p0 s3, s7;
	s7 =	simm.s32 @!p0 $0x108  }
0x21: {  	s3 =	sadd.s32 s3, s9;
	s6 =	sadd.s32 @!p0 $0x88, s6;
	s7 =	simm.s32 @p2 $0x1082  }
0x22: {  	[simem:s7], [sflag:s8] =	dma.local @!p0 [hbm:s6], $0xF7A  }
0x23: {  	s9 =	sor.u32 $0xD0000000, s2;
	s6 =	simm.s32 $0x108;
	_ =	swait.ge @!p0 [sflag:s8], $0x0  }
0x24: {  	s3 =	sadd.s32 $0x88, s3;
	s6 =	simm.s32 @!p1 $0x1082;
	[sflag:s4] =	ssyncset.s32 $0xFFFFF086  }
0x25: {  	[simem:s6], [sflag:s4] =	dma.local [hbm:s3], $0xF7A  }
0x26: {  	[smem:$0x3F97] =	sst s1;
	(tag) =	ssettag s2;
	_ =	strace s9  }
0x27: {  	s1 =	sld [smem:$0x3FA7]  }
0x28: {  	s2 =	sld [smem:$0x3FA8]  }
0x29: {  	s4 =	sld [smem:$0x3FAA]  }
0x2a: {  	p0 =	seq.s32 s5, $0x0;
	s5 =	sld [smem:$0x3FAB]  }
0x2b: {  	s6 =	sld [smem:$0x3FAC]  }
0x2c: {  	s7 =	sld [smem:$0x3FAD]  }
0x2d: {  	s3 =	simm.s32 $0x108;
	s8 =	sld [smem:$0x3FAE]  }
0x2e: {  	s3 =	simm.s32 @!p0 $0x1082;
	s9 =	sld [smem:$0x3FAF]  }
0x2f: {  	lr =	sadd.s32 s0, s3;
	s0 =	sld [smem:$0x3FA6]  }
0x30: {  	s3 =	sld [smem:$0x3FA9]  }
0x31: {  	[smem:$0x3FB2] =	sst s10  }
0x32: {  	s10 =	sld [smem:$0x3FB0];
	_ =	sdelay $0x3  }
0x33: {  	p0 =	seq.s32 s10, $0x1;
	s10 =	sld [smem:$0x3FB2];
	_ =	sdelay $0x3  }
0x34: {  	[smem:$0x3FB2] =	sst s10  }
0x35: {  	s10 =	sld [smem:$0x3FB1];
	_ =	sdelay $0x3  }
0x36: {  	p1 =	seq.s32 s10, $0x1;
	s10 =	sld [smem:$0x3FB2];
	_ =	sdelay $0x3  }
0x37: {  	[smem:$0x3FB2] =	sst s10  }
0x38: {  	s10 =	sld [smem:$0x3FB3]  }
0x39: {  	_ = 	snop;
	(pc) =	sbr.ind lr, $3  }
0x3a: {  	_ = 	snop  }
0x3b: {  	_ = 	snop  }
0x3c: {  	p2 =	seq.s32 s10, $0x1;
	s10 =	sld [smem:$0x3FB2]  }
0x3d: {  	_ =	shalt  }
0x3e: {  	_ =	shalt  }
0x3f: {  	_ =	shalt  }
0x40: {  	_ =	shalt  }
0x41: {  	_ =	shalt  }
0x42: {  	_ =	shalt  }
0x43: {  	_ =	shalt  }
0x44: {  	_ =	shalt  }
0x45: {  	_ =	shalt  }
0x46: {  	_ =	shalt  }
0x47: {  	_ =	shalt  }
0x48: {  	_ =	shalt  }
0x49: {  	_ =	shalt  }
0x4a: {  	_ =	shalt  }
0x4b: {  	_ =	shalt  }
0x4c: {  	_ =	shalt  }
0x4d: {  	_ =	shalt  }
0x4e: {  	_ =	shalt  }
0x4f: {  	_ =	shalt  }
0x50: {  	_ =	shalt  }
0x51: {  	_ =	shalt  }
0x52: {  	_ =	shalt  }
0x53: {  	_ =	shalt  }
0x54: {  	_ =	shalt  }
0x55: {  	_ =	shalt  }
0x56: {  	_ =	shalt  }
0x57: {  	_ =	shalt  }
0x58: {  	_ =	shalt  }
0x59: {  	_ =	shalt  }
0x5a: {  	_ =	shalt  }
0x5b: {  	_ =	shalt  }
0x5c: {  	_ =	shalt  }
0x5d: {  	_ =	shalt  }
0x5e: {  	_ =	shalt  }
0x5f: {  	_ =	shalt  }
0x60: {  	_ =	shalt  }
0x61: {  	_ =	shalt  }
0x62: {  	_ =	shalt  }
0x63: {  	_ =	shalt  }
0x64: {  	_ =	shalt  }
0x65: {  	_ =	shalt  }
0x66: {  	_ =	shalt  }
0x67: {  	_ =	shalt  }
0x68: {  	_ =	shalt  }
0x69: {  	_ =	shalt  }
0x6a: {  	_ =	shalt  }
0x6b: {  	_ =	shalt  }
0x6c: {  	_ =	shalt  }
0x6d: {  	_ =	shalt  }
0x6e: {  	_ =	shalt  }
0x6f: {  	_ =	shalt  }
0x70: {  	_ =	shalt  }
0x71: {  	_ =	shalt  }
0x72: {  	_ =	shalt  }
0x73: {  	_ =	shalt  }
0x74: {  	_ =	shalt  }
0x75: {  	_ =	shalt  }
0x76: {  	_ =	shalt  }
0x77: {  	_ =	shalt  }
0x78: {  	_ =	shalt  }
0x79: {  	_ =	shalt  }
0x7a: {  	_ =	shalt  }
0x7b: {  	_ =	shalt  }
0x7c: {  	_ =	shalt  }
0x7d: {  	_ =	shalt  }
0x7e: {  	_ =	shalt  }
0x7f: {  	_ =	shalt  }
0x80: {  	_ =	shalt  }
0x81: {  	_ =	shalt  }
0x82: {  	_ =	shalt  }
0x83: {  	_ =	shalt  }
0x84: {  	_ =	shalt  }
0x85: {  	_ =	shalt  }
0x86: {  	_ =	shalt  }
0x87: {  	_ =	shalt  }
.Lfunc_end0:
.L_simem_size_0:
called_computation.2_lowered:
.L_overlay_start_0:
0x88: {  	s2 =	sld [smem:$0x3FD9]  }
0x89: {  	s3 =	sld [smem:$0x3FFE];
	_ =	sdelay $0x1  }
0x8a: {  	s1 =	srdreg.scid  }
0x8b: {  	s0 =	sand.u32 $0x1, s1  }
0x8c: {  	s16 =	sshll.u32 s0, $0xA;
	s2 =	sadd.s32 s3, s2  }
0x8d: {  	s2 =	sadd.s32 s2, s16  }
0x8e: {  	[smem:$0x3FBE] =	sst s2  }
0x8f: {  	_ = 	snop  }
0x90: {  	(tm) =	ssettm $0x1  }
0x91: {  	s17 =	sld [smem:$0x3FFB];
	_ =	sdelay $0x3  }
0x92: {  	_ =	strace s17  }
0x93: {  	s2 =	sld [smem:$0x3FFC];
	_ =	sdelay $0x3  }
0x94: {  	_ =	strace s2  }
0x95: {  	s2 =	sld [smem:$0x3FFD];
	_ =	sdelay $0x3  }
0x96: {  	_ =	strace s2  }
0x97: {  	_ =	strace $0x8FFFFFFF  }
0x98: {  	s18 =	sld [smem:$0x3FDB];
	_ =	sdelay $0x1  }
0x99: {  	s19 =	simm.s32 $_scs_section_size  }
0x9a: {  	s4 =	simm.s32 $_size__tile_overlayer_lowered;
	s5 =	simm.s32 $_tile_overlayer_lowered  }
0x9b: {  	s22 =	simm.s32 $0x1BFF;
	s21 =	sshll.u32 s5, $0x1;
	s2 =	sadd.s32 s19, s18  }
0x9c: {  	s6 =	simm.s32 $0x0;
	s20 =	sshll.u32 s4, $0x1;
	s4 =	sadd.s32 s21, s2  }
0x9d: {  	[timem:s6], [sflag:s22] =	dma.local [hbm:s4], s20  }
0x9e: {  	_ =	swait.ge [sflag:s22], s20  }
0x9f: {  	s3 =	ssub.s32 $0x0, s20;
	[sflag:s22] =	ssyncset.done $0x0  }
0xa0: {  	[sflag:s22] =	ssyncadd.s32 s3;
	_ =	sdelay $0x1  }
0xa1: {  	s23 =	simm.s32 $0x1B8B  }
0xa2: {  	_ =	swait.ge [sflag:s23], $0x1  }
0xa3: {  	[sflag:s23] =	ssyncset.done $0x0  }
0xa4: {  	s25 =	simm.s32 $0x1B8E;
	s24 =	sld [smem:$0x3FFE];
	[sflag:s23] =	ssyncadd.s32 $0xFFFFFFFF  }
0xa5: {  	s26 =	simm.s32 $execute0_lowered;
	[smem:$0x3FD2] =	sst s25  }
0xa6: {  	s4 =	sshll.u32 s26, $0x1;
	_ =	strace $0x8000004C;
	[dreg:$0x1] =	wrdreg $0xFFFFFFFF  }
0xa7: {  	s28 =	simm.s32 $_size_execute0_lowered;
	s2 =	sadd.s32 s2, s4;
	[dreg:$0x0] =	wrdreg $0x0  }
0xa8: {  	s4 =	sshll.u32 s28, $0x1;
	[dreg:$0x2] =	wrdreg s2  }
0xa9: {  	[dreg:$0x3] =	wrdreg s4  }
0xaa: {  	[dreg:$0x4] =	wrdreg $0xC0  }
0xab: {  	_ =	task [dreg:s6], $0x5FFFF  }
0xac: {  	[dreg:$0x1] =	wrdreg $0xFFFFFFFF  }
0xad: {  	[dreg:$0x0] =	wrdreg $0x60  }
0xae: {  	[dreg:$0x2] =	wrdreg s24  }
0xaf: {  	[dreg:$0x3] =	wrdreg $0x0  }
0xb0: {  	[dreg:$0x4] =	wrdreg $0x9  }
0xb1: {  	_ =	task.clear_ibuf [dreg:s6], $0x5FFFF;
	_ =	strace $0x9000004C  }
0xb2: {  	s29 =	simm.s32 $0x9;
	_ =	strace $0x8000004E  }
0xb3: {  	_ =	swait.ge [sflag:s29], $0x1  }
0xb4: {  	[sflag:s29] =	ssyncadd.s32 $0xFFFFFFFF  }
0xb5: {  	_ =	strace $0x9000004E  }
0xb6: {  	_ =	sfence  }
0xb7: {  	s30 =	sld [smem:$0x0];
	_ =	sdelay $0x2  }
0xb8: {  	s31 =	sshll.u32 s1, $0xD;
	s1 =	sshrl.u32 s1, $0x2  }
0xb9: {  	s3 =	sand.u32 $0x4000, s31;
	s1 =	sadd.s32 s1, s30  }
0xba: {  	s0 =	sor.u32 s3, s0;
	s1 =	sshll.u32 s1, $0x11  }
0xbb: {  	s0 =	sor.u32 s1, s0  }
0xbc: {  	s0 =	sadd.s32 $0x8F2B, s0  }
0xbd: {  	[sflag:s0] =	ssyncadd.remote.s32 $0x1  }
0xbe: {  	_ =	sfence.sel $0xFFFF  }
0xbf: {  	[dreg:$0x0] =	wrdreg $0xFFFFFFFF;
	(pc) =	sbr.abs _section_cstart, $3  }
0xc0: {  	[dreg:$0x1] =	wrdreg $0xFFFFFFFF  }
0xc1: {  	_ =	task.clear_ibuf [dreg:s6], $0x2FFFF;
	_ =	strace $0x9FFFFFFF  }
0xc2: {  	(tm) =	ssettm $0x7FFFFFFF  }
0xc3: {  	_ =	shalt  }
tec
execute0_lowered:
.L_overlay_start_1:
0x0: {  	(tag) =	ssettag $0x1  }
0x1: {  	s0 =	rddreg [dreg:$0x0]  }
0x2: {  	s1 =	rddreg [dreg:$0x1];
	s2 =	srdreg.scid  }
0x3: {  	s24 =	simm.s32 $0x0;
	s9 =	stileid.u32;
	s28 =	simm.s32 $0x18800  }
0x4: {  	s30 =	simm.s32 $0x1A800;
	s31 =	simm.s32 $0x14180;
	s10 =	simm.s32 $0x4  }
0x5: {  	s11 =	simm.s32 $0x5;
	s12 =	simm.s32 $0x6;
	s13 =	simm.s32 $0x7  }
0x6: {  	s2 =	sand.u32 $0x1, s2;
	[smem:$0x7FF] =	sst s24;
	s8 =	smul.u32 $0x50000, s9  }
0x7: {  	s7 =	smul.u32 $0x14000, s9;
	s4 =	sadd.s32 $0x82A00, s0;
	s5 =	sadd.s32 $0x2A00, s0  }
0x8: {  	s6 =	sadd.s32 $0x16A00, s0;
	s3 =	smul.u32 $0x140000, s2;
	s8 =	sshrl.u32 s8, $0x2  }
0x9: {  	_ =	strace $0x8000004D;
	s14 =	ssub.s32 $0x2, s2;
	s26 =	sadd.s32 s8, s1  }
0xa: {  	s2 =	sshll.u32 s2, $0x4;
	s16 =	sadd.s32 $0x2000, s26;
	[dreg:$0x4] =	wrdreg s26  }
0xb: {  	s15 =	sshrl.u32 s14, $0x1;
	s17 =	sadd.s32 $0x4000, s26;
	[dreg:$0x5] =	wrdreg s16  }
0xc: {  	s2 =	sor.u32 s9, s2;
	s18 =	sadd.s32 $0x6000, s26;
	[dreg:$0x6] =	wrdreg s17  }
0xd: {  	s3 =	sadd.s32 s7, s3;
	s19 =	sadd.s32 $0x8000, s26;
	[dreg:$0x7] =	wrdreg s18  }
0xe: {  	s8 =	simm.s32 $0x2;
	s20 =	sadd.s32 $0xA000, s26;
	[dreg:$0x8] =	wrdreg s19  }
0xf: {  	s3 =	sshrl.u32 s3, $0x3;
	s21 =	sadd.s32 $0xC000, s26;
	[dreg:$0x9] =	wrdreg s20  }
0x10: {  	s22 =	sadd.s32 $0xE000, s26;
	s23 =	sadd.s32 $0x10000, s26;
	[dreg:$0xa] =	wrdreg s21  }
0x11: {  	s25 =	sadd.s32 $0x12000, s26;
	s0 =	sadd.s32 s3, s0;
	[dreg:$0xb] =	wrdreg s22  }
0x12: {  	s3 =	ssub.s32 s14, s15;
	[dreg:$0xc] =	wrdreg s23;
	s16 =	smul.u32 $0x5000, s2  }
0x13: {  	[dreg:$0xd] =	wrdreg s25;
	s18 =	smul.u32 $0x5000, s9;
	s21 =	simm.s32 $0x16800  }
0x14: {  	s22 =	simm.s32 $0x9;
	s23 =	simm.s32 $0x14000;
	s25 =	simm.s32 $0x40  }
0x15: {  	s2 =	simm.s32 $0x1;
	s9 =	simm.s32 $0x3;
	s14 =	simm.s32 $0x8  }
0x16: {  	s15 =	simm.s32 $0x16600;
	s17 =	simm.s32 $0x16680;
	s0 =	sadd.s32 $0x122A00, s0  }
0x17: {  	s19 =	simm.s32 $0x16700;
	s29 =	smax.u32 s3, $0x1;
	[dreg:$0xe] =	wrdreg s0  }
0x18: {  	v0 =	vimm.f32 $0.0e+00;
	s20 =	simm.s32 $0x16780;
	[dreg:$0xf] =	wrdreg s29;
	s0 =	simm.s32 $0x1C800  }
.LBB2_1:
0x19: {  	[dreg:$0x3] =	wrdreg s24;
	s3 =	simm.s32 $0x0;
	s7 =	simm.s32 $0x200  }
.LBB2_2:
0x1a: {  	p0 =	sne.s32 s7, $0x7E00;
	[tilespmem:s3+$0x16870] =	vst v0  }
0x1b: {  	[tilespmem:s3+$0x16800] =	vst v0  }
0x1c: {  	[tilespmem:s3+$0x16810] =	vst v0  }
.Ltmp0:
0x1d: {  	[tilespmem:s3+$0x16820] =	vst v0;
	(pc) =	sbr.rel @p0 .LBB2_2-.Ltmp0, $4  }
0x1e: {  	[tilespmem:s3+$0x16830] =	vst v0  }
0x1f: {  	[tilespmem:s3+$0x16840] =	vst v0  }
0x20: {  	[tilespmem:s3+$0x16850] =	vst v0  }
0x21: {  	[tilespmem:s3+$0x16860] =	vst v0;
	s3 =	sshra.s32 s7, $0x2;
	s7 =	sadd.s32 $0x200, s7  }
0x22: {  	[tilespmem:s3+$0x16870] =	vst v0  }
0x23: {  	[tilespmem:s3+$0x16800] =	vst v0  }
0x24: {  	[tilespmem:s3+$0x16810] =	vst v0  }
0x25: {  	[tilespmem:s3+$0x16820] =	vst v0  }
0x26: {  	[tilespmem:s3+$0x16830] =	vst v0  }
0x27: {  	[tilespmem:s3+$0x16840] =	vst v0  }
0x28: {  	[tilespmem:s3+$0x16850] =	vst v0  }
0x29: {  	[tilespmem:s3+$0x16860] =	vst v0  }
0x2a: {  	[spmem:s26] =	stream.linear.scatter [tilespmem:s21], [sflag:$0x9], $0x2000, $0x38;
	[tilespmem:$0x1E800] =	vst v63  }
0x2b: {  	_ =	swait.ge [sflag:s22], $0x2000  }
0x2c: {  	[sflag:s22] =	ssyncset.done $0x0  }
0x2d: {  	s29 =	rddreg [dreg:$0x5];
	[sflag:s22] =	ssyncadd.s32 $0xFFFFE000  }
0x2e: {  	[spmem:s29] =	stream.linear.scatter [tilespmem:s21], [sflag:$0x9], $0x2000, $0x38;
	[tilespmem:$0x1E800] =	vst v63  }
0x2f: {  	_ =	swait.ge [sflag:s22], $0x2000  }
0x30: {  	[sflag:s22] =	ssyncset.done $0x0  }
0x31: {  	s7 =	rddreg [dreg:$0x6];
	[sflag:s22] =	ssyncadd.s32 $0xFFFFE000  }
0x32: {  	[spmem:s7] =	stream.linear.scatter [tilespmem:s21], [sflag:$0x9], $0x2000, $0x38;
	[tilespmem:$0x1E800] =	vst v63  }
0x33: {  	_ =	swait.ge [sflag:s22], $0x2000  }
0x34: {  	[sflag:s22] =	ssyncset.done $0x0  }
0x35: {  	s24 =	rddreg [dreg:$0x7];
	[sflag:s22] =	ssyncadd.s32 $0xFFFFE000  }
0x36: {  	[spmem:s24] =	stream.linear.scatter [tilespmem:s21], [sflag:$0x9], $0x2000, $0x38;
	[tilespmem:$0x1E800] =	vst v63  }
0x37: {  	_ =	swait.ge [sflag:s22], $0x2000  }
0x38: {  	[sflag:s22] =	ssyncset.done $0x0  }
0x39: {  	s26 =	rddreg [dreg:$0x8];
	[sflag:s22] =	ssyncadd.s32 $0xFFFFE000  }
0x3a: {  	[spmem:s26] =	stream.linear.scatter [tilespmem:s21], [sflag:$0x9], $0x2000, $0x38;
	[tilespmem:$0x1E800] =	vst v63  }
0x3b: {  	_ =	swait.ge [sflag:s22], $0x2000  }
0x3c: {  	[sflag:s22] =	ssyncset.done $0x0  }
0x3d: {  	s29 =	rddreg [dreg:$0x9];
	[sflag:s22] =	ssyncadd.s32 $0xFFFFE000  }
0x3e: {  	[spmem:s29] =	stream.linear.scatter [tilespmem:s21], [sflag:$0x9], $0x2000, $0x38;
	[tilespmem:$0x1E800] =	vst v63  }
0x3f: {  	_ =	swait.ge [sflag:s22], $0x2000  }
0x40: {  	[sflag:s22] =	ssyncset.done $0x0  }
0x41: {  	s7 =	rddreg [dreg:$0xa];
	[sflag:s22] =	ssyncadd.s32 $0xFFFFE000  }
0x42: {  	[spmem:s7] =	stream.linear.scatter [tilespmem:s21], [sflag:$0x9], $0x2000, $0x38;
	[tilespmem:$0x1E800] =	vst v63  }
0x43: {  	_ =	swait.ge [sflag:s22], $0x2000  }
0x44: {  	[sflag:s22] =	ssyncset.done $0x0  }
0x45: {  	s24 =	rddreg [dreg:$0xb];
	[sflag:s22] =	ssyncadd.s32 $0xFFFFE000  }
0x46: {  	[spmem:s24] =	stream.linear.scatter [tilespmem:s21], [sflag:$0x9], $0x2000, $0x38;
	[tilespmem:$0x1E800] =	vst v63  }
0x47: {  	_ =	swait.ge [sflag:s22], $0x2000  }
0x48: {  	[sflag:s22] =	ssyncset.done $0x0  }
0x49: {  	s26 =	rddreg [dreg:$0xc];
	[sflag:s22] =	ssyncadd.s32 $0xFFFFE000  }
0x4a: {  	[spmem:s26] =	stream.linear.scatter [tilespmem:s21], [sflag:$0x9], $0x2000, $0x38;
	[tilespmem:$0x1E800] =	vst v63  }
0x4b: {  	_ =	swait.ge [sflag:s22], $0x2000  }
0x4c: {  	[sflag:s22] =	ssyncset.done $0x0  }
0x4d: {  	s29 =	rddreg [dreg:$0xd];
	[sflag:s22] =	ssyncadd.s32 $0xFFFFE000  }
0x4e: {  	[spmem:s29] =	stream.linear.scatter [tilespmem:s21], [sflag:$0x9], $0x2000, $0x38;
	[tilespmem:$0x1E800] =	vst v63  }
0x4f: {  	_ =	swait.ge [sflag:s22], $0x2000  }
0x50: {  	[sflag:s22] =	ssyncset.done $0x0  }
0x51: {  	[sflag:s22] =	ssyncadd.s32 $0xFFFFE000  }
0x52: {  	s3 =	simm.s32 $0x0;
	s7 =	simm.s32 $0x0;
	[bflag:$0x0] =	sbarrier.arrive $0xFFFF  }
.LBB2_4:
0x53: {  	s24 =	smul.u32 $0x1400, s3;
	_ =	sdelay $0x1  }
0x54: {  	s26 =	sadd.s32 s16, s24  }
0x55: {  	s26 =	sshrl.u32 s26, $0x3  }
0x56: {  	s26 =	sadd.s32 s5, s26  }
0x57: {  	[tilespmem:s23], [sflag:$0x9] =	stream.linear.gather [hbm4b:s26+s7], $0x1400, $0x38;
	[tilespmem:$0x1E800] =	vst v63  }
0x58: {  	s24 =	sadd.s32 s18, s24;
	_ =	swait.ge [sflag:s22], $0x1400  }
0x59: {  	s24 =	sshrl.u32 s24, $0x3;
	[sflag:s22] =	ssyncset.done $0x0  }
0x5a: {  	s29 =	simm.s32 $0x15400;
	s24 =	sadd.s32 s6, s24;
	[sflag:s22] =	ssyncadd.s32 $0xFFFFEC00  }
0x5b: {  	[tilespmem:s29], [sflag:$0x9] =	stream.linear.gather [hbm4b:s24+s7], $0x1400, $0x38;
	[tilespmem:$0x1E800] =	vst v63  }
0x5c: {  	_ =	swait.ge [sflag:s22], $0x1400  }
0x5d: {  	[sflag:s22] =	ssyncset.done $0x0  }
0x5e: {  	[sflag:s22] =	ssyncadd.s32 $0xFFFFEC00  }
0x5f: {  	[tilespmem:s21], [sflag:$0x1] =	stream.indirect.gather [hbm4b:s4+s25], $0x80, s23, s25, $0xb8;
	[tilespmem:$0x1E800] =	vst v63  }
0x60: {  	s29 =	simm.s32 $0x14080  }
0x61: {  	[tilespmem:s28], [sflag:$0x2] =	stream.indirect.gather [hbm4b:s4+s25], $0x80, s29, s25, $0xb8;
	[tilespmem:$0x1E800] =	vst v63  }
0x62: {  	s26 =	simm.s32 $0x14100  }
0x63: {  	[tilespmem:s30], [sflag:$0x3] =	stream.indirect.gather [hbm4b:s4+s25], $0x80, s26, s25, $0xb8;
	[tilespmem:$0x1E800] =	vst v63  }
0x64: {  	_ = 	snop  }
0x65: {  	[tilespmem:s0], [sflag:$0x4] =	stream.indirect.gather [hbm4b:s4+s25], $0x80, s31, s25, $0xb8;
	[tilespmem:$0x1E800] =	vst v63  }
0x66: {  	_ =	swait.ge [sflag:s2], $0x2000  }
0x67: {  	[sflag:s2] =	ssyncset.done $0x0  }
0x68: {  	s29 =	simm.s32 $0x15400;
	[sflag:s2] =	ssyncadd.s32 $0xFFFFE000  }
0x69: {  	[spmem:s1] =	stream.indirect.scatter.add.f32 [tilespmem:s21], [sflag:$0x5], $0x80, s29, s25, $0xb8;
	[tilespmem:$0x1E800] =	vst v63  }
0x6a: {  	_ =	swait.ge [sflag:s8], $0x2000  }
0x6b: {  	[sflag:s8] =	ssyncset.done $0x0  }
0x6c: {  	s26 =	simm.s32 $0x15480;
	[sflag:s8] =	ssyncadd.s32 $0xFFFFE000  }
0x6d: {  	[spmem:s1] =	stream.indirect.scatter.add.f32 [tilespmem:s28], [sflag:$0x6], $0x80, s26, s25, $0xb8;
	[tilespmem:$0x1E800] =	vst v63  }
0x6e: {  	_ =	swait.ge [sflag:s9], $0x2000  }
0x6f: {  	[sflag:s9] =	ssyncset.done $0x0  }
0x70: {  	s29 =	simm.s32 $0x15500;
	[sflag:s9] =	ssyncadd.s32 $0xFFFFE000  }
0x71: {  	[spmem:s1] =	stream.indirect.scatter.add.f32 [tilespmem:s30], [sflag:$0x7], $0x80, s29, s25, $0xb8;
	[tilespmem:$0x1E800] =	vst v63  }
0x72: {  	_ =	swait.ge [sflag:s10], $0x2000  }
0x73: {  	[sflag:s10] =	ssyncset.done $0x0  }
0x74: {  	s26 =	simm.s32 $0x15580;
	[sflag:s10] =	ssyncadd.s32 $0xFFFFE000  }
0x75: {  	[spmem:s1] =	stream.indirect.scatter.add.f32 [tilespmem:s0], [sflag:$0x8], $0x80, s26, s25, $0xb8;
	[tilespmem:$0x1E800] =	vst v63  }
0x76: {  	_ =	swait.ge [sflag:s11], $0x2000  }
0x77: {  	[sflag:s11] =	ssyncset.done $0x0  }
0x78: {  	s29 =	simm.s32 $0x14200;
	[sflag:s11] =	ssyncadd.s32 $0xFFFFE000  }
0x79: {  	[tilespmem:s21], [sflag:$0x1] =	stream.indirect.gather [hbm4b:s4+s25], $0x80, s29, s25, $0xb8;
	[tilespmem:$0x1E800] =	vst v63  }
0x7a: {  	_ =	swait.ge [sflag:s12], $0x2000  }
0x7b: {  	[sflag:s12] =	ssyncset.done $0x0  }
0x7c: {  	s26 =	simm.s32 $0x14280;
	[sflag:s12] =	ssyncadd.s32 $0xFFFFE000  }
0x7d: {  	[tilespmem:s28], [sflag:$0x2] =	stream.indirect.gather [hbm4b:s4+s25], $0x80, s26, s25, $0xb8;
	[tilespmem:$0x1E800] =	vst v63  }
0x7e: {  	_ =	swait.ge [sflag:s13], $0x2000  }
0x7f: {  	[sflag:s13] =	ssyncset.done $0x0  }
0x80: {  	s29 =	simm.s32 $0x14300;
	[sflag:s13] =	ssyncadd.s32 $0xFFFFE000  }
0x81: {  	[tilespmem:s30], [sflag:$0x3] =	stream.indirect.gather [hbm4b:s4+s25], $0x80, s29, s25, $0xb8;
	[tilespmem:$0x1E800] =	vst v63  }
0x82: {  	_ =	swait.ge [sflag:s14], $0x2000  }
0x83: {  	[sflag:s14] =	ssyncset.done $0x0  }
0x84: {  	s24 =	simm.s32 $0x800;
	s26 =	simm.s32 $0x14380;
	[sflag:s14] =	ssyncadd.s32 $0xFFFFE000  }
.LBB2_5:
0x85: {  	[tilespmem:s0], [sflag:$0x4] =	stream.indirect.gather [hbm4b:s4+s25], $0x80, s26, s25, $0xb8;
	[tilespmem:$0x1E800] =	vst v63  }
0x86: {  	s26 =	smov.u32 s24  }
0x87: {  	p0 =	sne.s32 s24, $0x4000;
	s24 =	sadd.s32 $0x800, s24;
	_ =	swait.ge [sflag:s2], $0x2000  }
0x88: {  	s26 =	sshra.s32 s26, $0x2;
	[sflag:s2] =	ssyncset.done $0x0  }
0x89: {  	s29 =	sadd.s32 $0x15400, s26;
	[sflag:s2] =	ssyncadd.s32 $0xFFFFE000  }
0x8a: {  	[spmem:s1] =	stream.indirect.scatter.add.f32 [tilespmem:s21], [sflag:$0x5], $0x80, s29, s25, $0xb8;
	[tilespmem:$0x1E800] =	vst v63  }
0x8b: {  	_ =	swait.ge [sflag:s8], $0x2000  }
0x8c: {  	[sflag:s8] =	ssyncset.done $0x0  }
0x8d: {  	s29 =	sadd.s32 $0x15480, s26;
	[sflag:s8] =	ssyncadd.s32 $0xFFFFE000  }
0x8e: {  	[spmem:s1] =	stream.indirect.scatter.add.f32 [tilespmem:s28], [sflag:$0x6], $0x80, s29, s25, $0xb8;
	[tilespmem:$0x1E800] =	vst v63  }
0x8f: {  	_ =	swait.ge [sflag:s9], $0x2000  }
0x90: {  	[sflag:s9] =	ssyncset.done $0x0  }
0x91: {  	s29 =	sadd.s32 $0x15500, s26;
	[sflag:s9] =	ssyncadd.s32 $0xFFFFE000  }
0x92: {  	[spmem:s1] =	stream.indirect.scatter.add.f32 [tilespmem:s30], [sflag:$0x7], $0x80, s29, s25, $0xb8;
	[tilespmem:$0x1E800] =	vst v63  }
0x93: {  	_ =	swait.ge [sflag:s10], $0x2000  }
0x94: {  	[sflag:s10] =	ssyncset.done $0x0  }
0x95: {  	s29 =	sadd.s32 $0x15580, s26;
	[sflag:s10] =	ssyncadd.s32 $0xFFFFE000  }
0x96: {  	[spmem:s1] =	stream.indirect.scatter.add.f32 [tilespmem:s0], [sflag:$0x8], $0x80, s29, s25, $0xb8;
	[tilespmem:$0x1E800] =	vst v63  }
0x97: {  	_ =	swait.ge [sflag:s11], $0x2000  }
0x98: {  	[sflag:s11] =	ssyncset.done $0x0  }
0x99: {  	s29 =	sadd.s32 $0x14200, s26;
	[sflag:s11] =	ssyncadd.s32 $0xFFFFE000  }
0x9a: {  	[tilespmem:s21], [sflag:$0x1] =	stream.indirect.gather [hbm4b:s4+s25], $0x80, s29, s25, $0xb8;
	[tilespmem:$0x1E800] =	vst v63  }
0x9b: {  	_ =	swait.ge [sflag:s12], $0x2000  }
0x9c: {  	[sflag:s12] =	ssyncset.done $0x0  }
0x9d: {  	s29 =	sadd.s32 $0x14280, s26;
	[sflag:s12] =	ssyncadd.s32 $0xFFFFE000  }
0x9e: {  	[tilespmem:s28], [sflag:$0x2] =	stream.indirect.gather [hbm4b:s4+s25], $0x80, s29, s25, $0xb8;
	[tilespmem:$0x1E800] =	vst v63  }
0x9f: {  	_ =	swait.ge [sflag:s13], $0x2000  }
0xa0: {  	[sflag:s13] =	ssyncset.done $0x0  }
.Ltmp1:
0xa1: {  	s29 =	sadd.s32 $0x14300, s26;
	[sflag:s13] =	ssyncadd.s32 $0xFFFFE000;
	(pc) =	sbr.rel @p0 .LBB2_5-.Ltmp1, $4  }
0xa2: {  	[tilespmem:s30], [sflag:$0x3] =	stream.indirect.gather [hbm4b:s4+s25], $0x80, s29, s25, $0xb8;
	[tilespmem:$0x1E800] =	vst v63  }
0xa3: {  	_ =	swait.ge [sflag:s14], $0x2000  }
0xa4: {  	[sflag:s14] =	ssyncset.done $0x0  }
0xa5: {  	s26 =	sadd.s32 $0x14380, s26;
	[sflag:s14] =	ssyncadd.s32 $0xFFFFE000  }
0xa6: {  	[tilespmem:s0], [sflag:$0x4] =	stream.indirect.gather [hbm4b:s4+s25], $0x80, s26, s25, $0xb8;
	[tilespmem:$0x1E800] =	vst v63  }
0xa7: {  	_ =	swait.ge [sflag:s2], $0x2000  }
0xa8: {  	[sflag:s2] =	ssyncset.done $0x0  }
0xa9: {  	[sflag:s2] =	ssyncadd.s32 $0xFFFFE000  }
0xaa: {  	[spmem:s1] =	stream.indirect.scatter.add.f32 [tilespmem:s21], [sflag:$0x5], $0x80, s15, s25, $0xb8;
	[tilespmem:$0x1E800] =	vst v63  }
0xab: {  	_ =	swait.ge [sflag:s8], $0x2000  }
0xac: {  	[sflag:s8] =	ssyncset.done $0x0  }
0xad: {  	[sflag:s8] =	ssyncadd.s32 $0xFFFFE000  }
0xae: {  	[spmem:s1] =	stream.indirect.scatter.add.f32 [tilespmem:s28], [sflag:$0x6], $0x80, s17, s25, $0xb8;
	[tilespmem:$0x1E800] =	vst v63  }
0xaf: {  	_ =	swait.ge [sflag:s9], $0x2000  }
0xb0: {  	[sflag:s9] =	ssyncset.done $0x0  }
0xb1: {  	[sflag:s9] =	ssyncadd.s32 $0xFFFFE000  }
0xb2: {  	[spmem:s1] =	stream.indirect.scatter.add.f32 [tilespmem:s30], [sflag:$0x7], $0x80, s19, s25, $0xb8;
	[tilespmem:$0x1E800] =	vst v63  }
0xb3: {  	_ =	swait.ge [sflag:s10], $0x2000  }
0xb4: {  	[sflag:s10] =	ssyncset.done $0x0  }
0xb5: {  	[sflag:s10] =	ssyncadd.s32 $0xFFFFE000  }
0xb6: {  	[spmem:s1] =	stream.indirect.scatter.add.f32 [tilespmem:s0], [sflag:$0x8], $0x80, s20, s25, $0xb8;
	[tilespmem:$0x1E800] =	vst v63  }
0xb7: {  	_ =	swait.ge [sflag:s11], $0x2000  }
0xb8: {  	[sflag:s11] =	ssyncset.done $0x0  }
0xb9: {  	[sflag:s11] =	ssyncadd.s32 $0xFFFFE000  }
0xba: {  	_ =	swait.ge [sflag:s12], $0x2000  }
0xbb: {  	[sflag:s12] =	ssyncset.done $0x0  }
0xbc: {  	s3 =	sadd.s32 $0x1, s3;
	[sflag:s12] =	ssyncadd.s32 $0xFFFFE000  }
0xbd: {  	p0 =	sne.s32 s3, $0x4;
	_ =	swait.ge [sflag:s13], $0x2000  }
.Ltmp2:
0xbe: {  	[sflag:s13] =	ssyncset.done $0x0;
	(pc) =	sbr.rel @p0 .LBB2_4-.Ltmp2, $4  }
0xbf: {  	[sflag:s13] =	ssyncadd.s32 $0xFFFFE000  }
0xc0: {  	_ =	swait.ge [sflag:s14], $0x2000  }
0xc1: {  	[sflag:s14] =	ssyncset.done $0x0  }
0xc2: {  	[sflag:s14] =	ssyncadd.s32 $0xFFFFE000  }
0xc3: {  	s3 =	stileid.u32;
	[bflag:$0x0] =	sbarrier.arrive $0xFFFF  }
0xc4: {  	s3 =	sshll.u32 s3, $0x6;
	s26 =	rddreg [dreg:$0x4]  }
0xc5: {  	s24 =	rddreg [dreg:$0xe];
	s3 =	sor.u32 $0x1C09, s3;
	s7 =	sshrl.u32 s26, $0x3  }
0xc6: {  	[hbm:s24], [sflag:s3] =	dma.local [spmem:s7], $0x2800  }
0xc7: {  	_ =	swait.ge [sflag:s22], $0x2800  }
0xc8: {  	s7 =	rddreg [dreg:$0x3]  }
0xc9: {  	s29 =	rddreg [dreg:$0xf];
	s24 =	sadd.s32 $0x1, s7  }
0xca: {  	p0 =	sne.s32 s24, s29  }
.Ltmp3:
0xcb: {  	_ = 	snop;
	(pc) =	sbr.rel @p0 .LBB2_1-.Ltmp3, $3  }
0xcc: {  	_ =	sdelay $0x1  }
0xcd: {  	[sflag:s22] =	ssyncset.done $0x0  }
0xce: {  	[sflag:s22] =	ssyncadd.s32 $0xFFFFD800  }
0xcf: {  	_ =	sfence.sel $0x180000  }
0xd0: {  	[bflag:$0x0] =	sbarrier.arrive $0xFFFF  }
0xd1: {  	_ =	strace $0x9000004D  }
0xd2: {  	s0 =	stileid.u32;
	[bflag:$0x2] =	sbarrier.arrive $0xFFFF  }
0xd3: {  	p0 =	sne.s32 s0, $0x0;
	s0 =	rddreg [dreg:$0x2]  }
0xd4: {  	s0 =	sadd.s32 @!p0 $0x100000, s0  }
0xd5: {  	[sflag:s0] =	ssyncadd.tile.s32 @!p0 $0x1;
	_ =	shalt  }
.Lfunc_end2:
_tile_overlayer_lowered:
.L_overlay_start_2:
0xd6: {  	(tag) =	ssettag $0x2  }
0xd7: {  	s0 =	rddreg [dreg:$0x0];
	s2 =	stileid.u32  }
0xd8: {  	s1 =	rddreg [dreg:$0x1];
	p0 =	sne.s32 s2, $0x0  }
0xd9: {  	s3 =	rddreg [dreg:$0x2];
	[bflag:$0x3] =	sbarrier.arrive $0xFFFF;
	s2 =	simm.s32 @!p0 $0x1C09  }
0xda: {  	[timem:s3], [sflag:s2] =	dma.local @!p0 [hbm:s0], s1  }
0xdb: {  	s0 =	simm.s32 @!p0 $0x9  }
0xdc: {  	_ =	swait.ge @!p0 [sflag:s0], s1  }
0xdd: {  	s1 =	ssub.s32 @!p0 $0x0, s1;
	[sflag:s0] =	ssyncset.done @!p0 $0x0  }
0xde: {  	[sflag:s0] =	ssyncadd.s32 @!p0 s1  }
0xdf: {  	[bflag:$0x3] =	sbarrier.arrive $0xFFFF  }
0xe0: {  	_ =	shalt  }

// kernel: kernel.20.cloned.1.call-start
scs
__scs_entry_jumppad:
0x0: {  	(pc) =	sbr.rel $0x88, $3  }
0x1: {  	(tag) =	ssettag $0x0;
	lr =	simm.s32 $0x1  }
0x2: {  	[smem:$0x3F97] =	sst lr;
	_ =	strace $0xD0000000  }
0x3: {  	_ = 	snop  }
0x4: {  	_ = 	snop  }
0x5: {  	_ = 	snop  }
0x6: {  	_ = 	snop  }
0x7: {  	_ = 	snop  }
__scs_overlays_trampoline_lowered:
0x8: {  	[smem:$0x3FA6] =	sst s0  }
0x9: {  	[smem:$0x3FA7] =	sst s1  }
0xa: {  	[smem:$0x3FA8] =	sst s2  }
0xb: {  	[smem:$0x3FA9] =	sst s3  }
0xc: {  	[smem:$0x3FAA] =	sst s4  }
0xd: {  	[smem:$0x3FAB] =	sst s5  }
0xe: {  	[smem:$0x3FAC] =	sst s6  }
0xf: {  	[smem:$0x3FAD] =	sst s7  }
0x10: {  	[smem:$0x3FAE] =	sst s8  }
0x11: {  	[smem:$0x3FAF] =	sst s9;
	s0 =	simm.s32 @!p0 $0x0  }
0x12: {  	s1 =	sld [smem:$0x3F95];
	s0 =	simm.s32 @p0 $0x1  }
0x13: {  	[smem:$0x3FB0] =	sst s0;
	s0 =	simm.s32 @!p1 $0x0  }
0x14: {  	s2 =	sld [smem:$0x3F94];
	s0 =	simm.s32 @p1 $0x1  }
0x15: {  	[smem:$0x3FB1] =	sst s0;
	s0 =	simm.s32 @!p2 $0x0  }
0x16: {  	s3 =	sld [smem:$0x3FDB];
	s0 =	simm.s32 @p2 $0x1  }
0x17: {  	s4 =	simm.s32 $0x1BF5;
	[smem:$0x3FB3] =	sst s0  }
0x18: {  	s0 =	sld [smem:$0x3F96];
	_ =	swait.ge [sflag:s4], $0x0  }
0x19: {  	s7 =	sld [smem:$0x3F97]  }
0x1a: {  	s8 =	sadd.s32 $0xFFFFE003, lr  }
0x1b: {  	s9 =	sadd.s32 $0xFFFFFEF7, lr;
	s5 =	simm.s32 $0xFFFFFFFF;
	p2 =	slt.u32 s8, $0xFFFFF086  }
0x1c: {  	p1 =	slt.u32 s9, $0xF7A;
	s5 =	simm.s32 @!p2 $0x0  }
0x1d: {  	s5 =	simm.s32 @p1 $0x1;
	p0 =	seq.s32 s7, s2  }
0x1e: {  	s7 =	smul.u32 @!p0 $0xF7A, s2;
	p2 =	seq.s32 @!p0 s5, $0x0  }
0x1f: {  	s9 =	smul.u32 $0xF7A, s1;
	s8 =	simm.s32 @!p0 $0x1BF5;
	p2 =	por !p2, p0  }
0x20: {  	[sflag:s8] =	ssyncset.s32 @!p0 $0xFFFFF086;
	s6 =	sadd.s32 @!p0 s3, s7;
	s7 =	simm.s32 @!p0 $0x108  }
0x21: {  	s3 =	sadd.s32 s3, s9;
	s6 =	sadd.s32 @!p0 $0x88, s6;
	s7 =	simm.s32 @p2 $0x1082  }
0x22: {  	[simem:s7], [sflag:s8] =	dma.local @!p0 [hbm:s6], $0xF7A  }
0x23: {  	s9 =	sor.u32 $0xD0000000, s2;
	s6 =	simm.s32 $0x108;
	_ =	swait.ge @!p0 [sflag:s8], $0x0  }
0x24: {  	s3 =	sadd.s32 $0x88, s3;
	s6 =	simm.s32 @!p1 $0x1082;
	[sflag:s4] =	ssyncset.s32 $0xFFFFF086  }
0x25: {  	[simem:s6], [sflag:s4] =	dma.local [hbm:s3], $0xF7A  }
0x26: {  	[smem:$0x3F97] =	sst s1;
	(tag) =	ssettag s2;
	_ =	strace s9  }
0x27: {  	s1 =	sld [smem:$0x3FA7]  }
0x28: {  	s2 =	sld [smem:$0x3FA8]  }
0x29: {  	s4 =	sld [smem:$0x3FAA]  }
0x2a: {  	p0 =	seq.s32 s5, $0x0;
	s5 =	sld [smem:$0x3FAB]  }
0x2b: {  	s6 =	sld [smem:$0x3FAC]  }
0x2c: {  	s7 =	sld [smem:$0x3FAD]  }
0x2d: {  	s3 =	simm.s32 $0x108;
	s8 =	sld [smem:$0x3FAE]  }
0x2e: {  	s3 =	simm.s32 @!p0 $0x1082;
	s9 =	sld [smem:$0x3FAF]  }
0x2f: {  	lr =	sadd.s32 s0, s3;
	s0 =	sld [smem:$0x3FA6]  }
0x30: {  	s3 =	sld [smem:$0x3FA9]  }
0x31: {  	[smem:$0x3FB2] =	sst s10  }
0x32: {  	s10 =	sld [smem:$0x3FB0];
	_ =	sdelay $0x3  }
0x33: {  	p0 =	seq.s32 s10, $0x1;
	s10 =	sld [smem:$0x3FB2];
	_ =	sdelay $0x3  }
0x34: {  	[smem:$0x3FB2] =	sst s10  }
0x35: {  	s10 =	sld [smem:$0x3FB1];
	_ =	sdelay $0x3  }
0x36: {  	p1 =	seq.s32 s10, $0x1;
	s10 =	sld [smem:$0x3FB2];
	_ =	sdelay $0x3  }
0x37: {  	[smem:$0x3FB2] =	sst s10  }
0x38: {  	s10 =	sld [smem:$0x3FB3]  }
0x39: {  	_ = 	snop;
	(pc) =	sbr.ind lr, $3  }
0x3a: {  	_ = 	snop  }
0x3b: {  	_ = 	snop  }
0x3c: {  	p2 =	seq.s32 s10, $0x1;
	s10 =	sld [smem:$0x3FB2]  }
0x3d: {  	_ =	shalt  }
0x3e: {  	_ =	shalt  }
0x3f: {  	_ =	shalt  }
0x40: {  	_ =	shalt  }
0x41: {  	_ =	shalt  }
0x42: {  	_ =	shalt  }
0x43: {  	_ =	shalt  }
0x44: {  	_ =	shalt  }
0x45: {  	_ =	shalt  }
0x46: {  	_ =	shalt  }
0x47: {  	_ =	shalt  }
0x48: {  	_ =	shalt  }
0x49: {  	_ =	shalt  }
0x4a: {  	_ =	shalt  }
0x4b: {  	_ =	shalt  }
0x4c: {  	_ =	shalt  }
0x4d: {  	_ =	shalt  }
0x4e: {  	_ =	shalt  }
0x4f: {  	_ =	shalt  }
0x50: {  	_ =	shalt  }
0x51: {  	_ =	shalt  }
0x52: {  	_ =	shalt  }
0x53: {  	_ =	shalt  }
0x54: {  	_ =	shalt  }
0x55: {  	_ =	shalt  }
0x56: {  	_ =	shalt  }
0x57: {  	_ =	shalt  }
0x58: {  	_ =	shalt  }
0x59: {  	_ =	shalt  }
0x5a: {  	_ =	shalt  }
0x5b: {  	_ =	shalt  }
0x5c: {  	_ =	shalt  }
0x5d: {  	_ =	shalt  }
0x5e: {  	_ =	shalt  }
0x5f: {  	_ =	shalt  }
0x60: {  	_ =	shalt  }
0x61: {  	_ =	shalt  }
0x62: {  	_ =	shalt  }
0x63: {  	_ =	shalt  }
0x64: {  	_ =	shalt  }
0x65: {  	_ =	shalt  }
0x66: {  	_ =	shalt  }
0x67: {  	_ =	shalt  }
0x68: {  	_ =	shalt  }
0x69: {  	_ =	shalt  }
0x6a: {  	_ =	shalt  }
0x6b: {  	_ =	shalt  }
0x6c: {  	_ =	shalt  }
0x6d: {  	_ =	shalt  }
0x6e: {  	_ =	shalt  }
0x6f: {  	_ =	shalt  }
0x70: {  	_ =	shalt  }
0x71: {  	_ =	shalt  }
0x72: {  	_ =	shalt  }
0x73: {  	_ =	shalt  }
0x74: {  	_ =	shalt  }
0x75: {  	_ =	shalt  }
0x76: {  	_ =	shalt  }
0x77: {  	_ =	shalt  }
0x78: {  	_ =	shalt  }
0x79: {  	_ =	shalt  }
0x7a: {  	_ =	shalt  }
0x7b: {  	_ =	shalt  }
0x7c: {  	_ =	shalt  }
0x7d: {  	_ =	shalt  }
0x7e: {  	_ =	shalt  }
0x7f: {  	_ =	shalt  }
0x80: {  	_ =	shalt  }
0x81: {  	_ =	shalt  }
0x82: {  	_ =	shalt  }
0x83: {  	_ =	shalt  }
0x84: {  	_ =	shalt  }
0x85: {  	_ =	shalt  }
0x86: {  	_ =	shalt  }
0x87: {  	_ =	shalt  }
.Lfunc_end0:
.L_simem_size_0:
called_computation.3_lowered:
.L_overlay_start_0:
0x88: {  	s2 =	sld [smem:$0x3FD9]  }
0x89: {  	s3 =	sld [smem:$0x3FFE];
	_ =	sdelay $0x1  }
0x8a: {  	s1 =	srdreg.scid  }
0x8b: {  	s0 =	sand.u32 $0x1, s1  }
0x8c: {  	s17 =	sshll.u32 s0, $0xA;
	s2 =	sadd.s32 s3, s2  }
0x8d: {  	s2 =	sadd.s32 s2, s17  }
0x8e: {  	[smem:$0x3FBE] =	sst s2  }
0x8f: {  	_ = 	snop  }
0x90: {  	s2 =	sld [smem:$0x3FD0];
	(tm) =	ssettm $0x1  }
0x91: {  	s18 =	sld [smem:$0x3FFB];
	_ =	sdelay $0x3  }
0x92: {  	_ =	strace s18  }
0x93: {  	s3 =	sld [smem:$0x3FFC];
	_ =	sdelay $0x3  }
0x94: {  	_ =	strace s3  }
0x95: {  	s3 =	sld [smem:$0x3FFD];
	_ =	sdelay $0x3  }
0x96: {  	_ =	strace s3  }
0x97: {  	_ =	strace $0x8FFFFFFF  }
0x98: {  	s19 =	sld [smem:$0x3FDB];
	_ =	sdelay $0x1  }
0x99: {  	s4 =	simm.s32 $_scs_section_size  }
0x9a: {  	s5 =	simm.s32 $_size__tile_overlayer_lowered;
	s6 =	simm.s32 $_tile_overlayer_lowered  }
0x9b: {  	s22 =	simm.s32 $0x1BFF;
	s21 =	sshll.u32 s6, $0x1;
	s3 =	sadd.s32 s4, s19  }
0x9c: {  	s7 =	simm.s32 $0x0;
	s20 =	sshll.u32 s5, $0x1;
	s5 =	sadd.s32 s21, s3  }
0x9d: {  	[timem:s7], [sflag:s22] =	dma.local [hbm:s5], s20  }
0x9e: {  	_ =	swait.ge [sflag:s22], s20  }
0x9f: {  	s4 =	ssub.s32 $0x0, s20;
	[sflag:s22] =	ssyncset.done $0x0  }
0xa0: {  	[sflag:s22] =	ssyncadd.s32 s4;
	_ =	sdelay $0x1  }
0xa1: {  	s23 =	simm.s32 $0x1B8B  }
0xa2: {  	_ =	swait.ge [sflag:s23], $0x1  }
0xa3: {  	[sflag:s23] =	ssyncset.done $0x0  }
0xa4: {  	s25 =	simm.s32 $0x1B8E;
	s24 =	sld [smem:$0x3FFE];
	[sflag:s23] =	ssyncadd.s32 $0xFFFFFFFF  }
0xa5: {  	s26 =	simm.s32 $execute0_lowered;
	[smem:$0x3FD2] =	sst s25  }
0xa6: {  	s5 =	sshll.u32 s26, $0x1;
	_ =	strace $0x8000004F;
	[dreg:$0x1] =	wrdreg $0xFFFFFFFF  }
0xa7: {  	s28 =	simm.s32 $_size_execute0_lowered;
	s3 =	sadd.s32 s3, s5;
	[dreg:$0x0] =	wrdreg $0x0  }
0xa8: {  	s5 =	sshll.u32 s28, $0x1;
	[dreg:$0x2] =	wrdreg s3  }
0xa9: {  	[dreg:$0x3] =	wrdreg s5  }
0xaa: {  	[dreg:$0x4] =	wrdreg $0xC0  }
0xab: {  	_ =	task [dreg:s7], $0x5FFFF  }
0xac: {  	[dreg:$0x1] =	wrdreg $0xFFFFFFFF  }
0xad: {  	[dreg:$0x0] =	wrdreg $0x60  }
0xae: {  	[dreg:$0x2] =	wrdreg s24  }
0xaf: {  	[dreg:$0x3] =	wrdreg s2  }
0xb0: {  	[dreg:$0x4] =	wrdreg $0x0  }
0xb1: {  	[dreg:$0x5] =	wrdreg $0x9  }
0xb2: {  	_ =	task.clear_ibuf [dreg:s7], $0x6FFFF;
	_ =	strace $0x9000004F  }
0xb3: {  	s29 =	simm.s32 $0x9;
	_ =	strace $0x80000051  }
0xb4: {  	_ =	swait.ge [sflag:s29], $0x1  }
0xb5: {  	[sflag:s29] =	ssyncadd.s32 $0xFFFFFFFF  }
0xb6: {  	_ =	strace $0x90000051  }
0xb7: {  	_ =	sfence  }
0xb8: {  	s30 =	sld [smem:$0x0];
	_ =	sdelay $0x2  }
0xb9: {  	s31 =	sshll.u32 s1, $0xD;
	s1 =	sshrl.u32 s1, $0x2  }
0xba: {  	s3 =	sand.u32 $0x4000, s31;
	s1 =	sadd.s32 s1, s30  }
0xbb: {  	s0 =	sor.u32 s3, s0;
	s1 =	sshll.u32 s1, $0x11  }
0xbc: {  	s0 =	sor.u32 s1, s0  }
0xbd: {  	s0 =	sadd.s32 $0x8F2B, s0  }
0xbe: {  	[sflag:s0] =	ssyncadd.remote.s32 $0x1  }
0xbf: {  	_ =	sfence.sel $0xFFFF  }
0xc0: {  	[dreg:$0x0] =	wrdreg $0xFFFFFFFF;
	(pc) =	sbr.abs _section_cstart, $3  }
0xc1: {  	[dreg:$0x1] =	wrdreg $0xFFFFFFFF  }
0xc2: {  	_ =	task.clear_ibuf [dreg:s7], $0x2FFFF;
	_ =	strace $0x9FFFFFFF  }
0xc3: {  	(tm) =	ssettm $0x7FFFFFFF  }
tec
execute0_lowered:
.L_overlay_start_1:
0x0: {  	(tag) =	ssettag $0x1  }
0x1: {  	s0 =	rddreg [dreg:$0x0]  }
0x2: {  	s2 =	rddreg [dreg:$0x2];
	s1 =	srdreg.scid  }
0x3: {  	s24 =	simm.s32 $0x0;
	s8 =	stileid.u32;
	s28 =	simm.s32 $0x18800  }
0x4: {  	s29 =	simm.s32 $0x14100;
	s30 =	simm.s32 $0x1A800;
	s31 =	simm.s32 $0x14180  }
0x5: {  	s9 =	simm.s32 $0x3;
	s10 =	simm.s32 $0x4;
	s11 =	simm.s32 $0x5  }
0x6: {  	s12 =	simm.s32 $0x6;
	s13 =	simm.s32 $0x7;
	s7 =	smul.u32 $0x50000, s8  }
0x7: {  	s1 =	sand.u32 $0x1, s1;
	[smem:$0x7FF] =	sst s24;
	s4 =	smul.u32 $0x14000, s8  }
0x8: {  	s5 =	sadd.s32 $0x82A00, s0;
	s6 =	sadd.s32 $0x20A00, s0;
	s7 =	sshrl.u32 s7, $0x2  }
0x9: {  	s3 =	smul.u32 $0x140000, s1;
	_ =	strace $0x80000050;
	s7 =	sadd.s32 s7, s2  }
0xa: {  	s14 =	ssub.s32 $0x2, s1;
	s16 =	sadd.s32 $0x2000, s7;
	[dreg:$0x5] =	wrdreg s7  }
0xb: {  	s1 =	sshll.u32 s1, $0x4;
	s17 =	sadd.s32 $0x4000, s7;
	[dreg:$0x6] =	wrdreg s16  }
0xc: {  	s15 =	sshrl.u32 s14, $0x1;
	s18 =	sadd.s32 $0x6000, s7;
	[dreg:$0x7] =	wrdreg s17  }
0xd: {  	s1 =	sor.u32 s8, s1;
	s19 =	sadd.s32 $0x8000, s7;
	[dreg:$0x8] =	wrdreg s18  }
0xe: {  	s3 =	sadd.s32 s4, s3;
	s20 =	sadd.s32 $0xA000, s7;
	[dreg:$0x9] =	wrdreg s19  }
0xf: {  	s3 =	sshrl.u32 s3, $0x3;
	s21 =	sadd.s32 $0xC000, s7;
	[dreg:$0xa] =	wrdreg s20  }
0x10: {  	s22 =	sadd.s32 $0xE000, s7;
	s23 =	sadd.s32 $0x10000, s7;
	[dreg:$0xb] =	wrdreg s21  }
0x11: {  	s25 =	sadd.s32 $0x12000, s7;
	s0 =	sadd.s32 s3, s0;
	[dreg:$0xc] =	wrdreg s22  }
0x12: {  	s3 =	ssub.s32 s14, s15;
	[dreg:$0xd] =	wrdreg s23;
	s16 =	smul.u32 $0x5000, s1  }
0x13: {  	[dreg:$0xe] =	wrdreg s25;
	s18 =	smul.u32 $0x5000, s8;
	s21 =	simm.s32 $0x16800  }
0x14: {  	s22 =	simm.s32 $0x9;
	s23 =	simm.s32 $0x14000;
	s25 =	simm.s32 $0x40  }
0x15: {  	s8 =	simm.s32 $0x2;
	s14 =	simm.s32 $0x8;
	s15 =	simm.s32 $0x16600  }
0x16: {  	s17 =	simm.s32 $0x16680;
	s19 =	simm.s32 $0x16700;
	s0 =	sadd.s32 $0x122A00, s0  }
0x17: {  	s20 =	simm.s32 $0x16780;
	s26 =	smax.u32 s3, $0x1;
	[dreg:$0xf] =	wrdreg s0  }
0x18: {  	v0 =	vimm.f32 $0.0e+00;
	s3 =	simm.s32 $0x1;
	[dreg:$0x10] =	wrdreg s26;
	s0 =	simm.s32 $0x1C800  }
.LBB2_1:
0x19: {  	[dreg:$0x4] =	wrdreg s24;
	s1 =	simm.s32 $0x0;
	s4 =	simm.s32 $0x200  }
.LBB2_2:
0x1a: {  	p0 =	sne.s32 s4, $0x7E00;
	[tilespmem:s1+$0x16870] =	vst v0  }
0x1b: {  	[tilespmem:s1+$0x16800] =	vst v0  }
0x1c: {  	[tilespmem:s1+$0x16810] =	vst v0  }
.Ltmp0:
0x1d: {  	[tilespmem:s1+$0x16820] =	vst v0;
	(pc) =	sbr.rel @p0 .LBB2_2-.Ltmp0, $4  }
0x1e: {  	[tilespmem:s1+$0x16830] =	vst v0  }
0x1f: {  	[tilespmem:s1+$0x16840] =	vst v0  }
0x20: {  	[tilespmem:s1+$0x16850] =	vst v0  }
0x21: {  	[tilespmem:s1+$0x16860] =	vst v0;
	s1 =	sshra.s32 s4, $0x2;
	s4 =	sadd.s32 $0x200, s4  }
0x22: {  	[tilespmem:s1+$0x16870] =	vst v0  }
0x23: {  	[tilespmem:s1+$0x16800] =	vst v0  }
0x24: {  	[tilespmem:s1+$0x16810] =	vst v0  }
0x25: {  	[tilespmem:s1+$0x16820] =	vst v0  }
0x26: {  	[tilespmem:s1+$0x16830] =	vst v0  }
0x27: {  	[tilespmem:s1+$0x16840] =	vst v0  }
0x28: {  	[tilespmem:s1+$0x16850] =	vst v0  }
0x29: {  	[tilespmem:s1+$0x16860] =	vst v0  }
0x2a: {  	[spmem:s7] =	stream.linear.scatter [tilespmem:s21], [sflag:$0x9], $0x2000, $0x38;
	[tilespmem:$0x1E800] =	vst v63  }
0x2b: {  	_ =	swait.ge [sflag:s22], $0x2000  }
0x2c: {  	[sflag:s22] =	ssyncset.done $0x0  }
0x2d: {  	s26 =	rddreg [dreg:$0x6];
	[sflag:s22] =	ssyncadd.s32 $0xFFFFE000  }
0x2e: {  	[spmem:s26] =	stream.linear.scatter [tilespmem:s21], [sflag:$0x9], $0x2000, $0x38;
	[tilespmem:$0x1E800] =	vst v63  }
0x2f: {  	_ =	swait.ge [sflag:s22], $0x2000  }
0x30: {  	[sflag:s22] =	ssyncset.done $0x0  }
0x31: {  	s4 =	rddreg [dreg:$0x7];
	[sflag:s22] =	ssyncadd.s32 $0xFFFFE000  }
0x32: {  	[spmem:s4] =	stream.linear.scatter [tilespmem:s21], [sflag:$0x9], $0x2000, $0x38;
	[tilespmem:$0x1E800] =	vst v63  }
0x33: {  	_ =	swait.ge [sflag:s22], $0x2000  }
0x34: {  	[sflag:s22] =	ssyncset.done $0x0  }
0x35: {  	s7 =	rddreg [dreg:$0x8];
	[sflag:s22] =	ssyncadd.s32 $0xFFFFE000  }
0x36: {  	[spmem:s7] =	stream.linear.scatter [tilespmem:s21], [sflag:$0x9], $0x2000, $0x38;
	[tilespmem:$0x1E800] =	vst v63  }
0x37: {  	_ =	swait.ge [sflag:s22], $0x2000  }
0x38: {  	[sflag:s22] =	ssyncset.done $0x0  }
0x39: {  	s24 =	rddreg [dreg:$0x9];
	[sflag:s22] =	ssyncadd.s32 $0xFFFFE000  }
0x3a: {  	[spmem:s24] =	stream.linear.scatter [tilespmem:s21], [sflag:$0x9], $0x2000, $0x38;
	[tilespmem:$0x1E800] =	vst v63  }
0x3b: {  	_ =	swait.ge [sflag:s22], $0x2000  }
0x3c: {  	[sflag:s22] =	ssyncset.done $0x0  }
0x3d: {  	s26 =	rddreg [dreg:$0xa];
	[sflag:s22] =	ssyncadd.s32 $0xFFFFE000  }
0x3e: {  	[spmem:s26] =	stream.linear.scatter [tilespmem:s21], [sflag:$0x9], $0x2000, $0x38;
	[tilespmem:$0x1E800] =	vst v63  }
0x3f: {  	_ =	swait.ge [sflag:s22], $0x2000  }
0x40: {  	[sflag:s22] =	ssyncset.done $0x0  }
0x41: {  	s4 =	rddreg [dreg:$0xb];
	[sflag:s22] =	ssyncadd.s32 $0xFFFFE000  }
0x42: {  	[spmem:s4] =	stream.linear.scatter [tilespmem:s21], [sflag:$0x9], $0x2000, $0x38;
	[tilespmem:$0x1E800] =	vst v63  }
0x43: {  	_ =	swait.ge [sflag:s22], $0x2000  }
0x44: {  	[sflag:s22] =	ssyncset.done $0x0  }
0x45: {  	s7 =	rddreg [dreg:$0xc];
	[sflag:s22] =	ssyncadd.s32 $0xFFFFE000  }
0x46: {  	[spmem:s7] =	stream.linear.scatter [tilespmem:s21], [sflag:$0x9], $0x2000, $0x38;
	[tilespmem:$0x1E800] =	vst v63  }
0x47: {  	_ =	swait.ge [sflag:s22], $0x2000  }
0x48: {  	[sflag:s22] =	ssyncset.done $0x0  }
0x49: {  	s24 =	rddreg [dreg:$0xd];
	[sflag:s22] =	ssyncadd.s32 $0xFFFFE000  }
0x4a: {  	[spmem:s24] =	stream.linear.scatter [tilespmem:s21], [sflag:$0x9], $0x2000, $0x38;
	[tilespmem:$0x1E800] =	vst v63  }
0x4b: {  	_ =	swait.ge [sflag:s22], $0x2000  }
0x4c: {  	[sflag:s22] =	ssyncset.done $0x0  }
0x4d: {  	s26 =	rddreg [dreg:$0xe];
	[sflag:s22] =	ssyncadd.s32 $0xFFFFE000  }
0x4e: {  	[spmem:s26] =	stream.linear.scatter [tilespmem:s21], [sflag:$0x9], $0x2000, $0x38;
	[tilespmem:$0x1E800] =	vst v63  }
0x4f: {  	_ =	swait.ge [sflag:s22], $0x2000  }
0x50: {  	[sflag:s22] =	ssyncset.done $0x0  }
0x51: {  	[sflag:s22] =	ssyncadd.s32 $0xFFFFE000  }
0x52: {  	s4 =	simm.s32 $0x0;
	s7 =	simm.s32 $0x0;
	[bflag:$0x0] =	sbarrier.arrive $0xFFFF  }
.LBB2_4:
0x53: {  	s1 =	smul.u32 $0x1400, s4;
	_ =	sdelay $0x1  }
0x54: {  	s24 =	sadd.s32 s16, s1  }
0x55: {  	s26 =	rddreg [dreg:$0x1];
	s24 =	sshrl.u32 s24, $0x3  }
0x56: {  	s24 =	sadd.s32 s26, s24  }
0x57: {  	[tilespmem:s23], [sflag:$0x9] =	stream.linear.gather [hbm4b:s24+s7], $0x1400, $0x38;
	[tilespmem:$0x1E800] =	vst v63  }
0x58: {  	s1 =	sadd.s32 s18, s1;
	_ =	swait.ge [sflag:s22], $0x1400  }
0x59: {  	s1 =	sshrl.u32 s1, $0x3;
	[sflag:s22] =	ssyncset.done $0x0  }
0x5a: {  	s1 =	sadd.s32 s6, s1;
	s26 =	simm.s32 $0x15400;
	[sflag:s22] =	ssyncadd.s32 $0xFFFFEC00  }
0x5b: {  	[tilespmem:s26], [sflag:$0x9] =	stream.linear.gather [hbm4b:s1+s7], $0x1400, $0x38;
	[tilespmem:$0x1E800] =	vst v63  }
0x5c: {  	_ =	swait.ge [sflag:s22], $0x1400  }
0x5d: {  	[sflag:s22] =	ssyncset.done $0x0  }
0x5e: {  	[sflag:s22] =	ssyncadd.s32 $0xFFFFEC00  }
0x5f: {  	[tilespmem:s21], [sflag:$0x1] =	stream.indirect.gather [hbm4b:s5+s25], $0x80, s23, s25, $0xb8;
	[tilespmem:$0x1E800] =	vst v63  }
0x60: {  	s24 =	simm.s32 $0x14080  }
0x61: {  	[tilespmem:s28], [sflag:$0x2] =	stream.indirect.gather [hbm4b:s5+s25], $0x80, s24, s25, $0xb8;
	[tilespmem:$0x1E800] =	vst v63  }
0x62: {  	_ = 	snop  }
0x63: {  	[tilespmem:s30], [sflag:$0x3] =	stream.indirect.gather [hbm4b:s5+s25], $0x80, s29, s25, $0xb8;
	[tilespmem:$0x1E800] =	vst v63  }
0x64: {  	_ = 	snop  }
0x65: {  	[tilespmem:s0], [sflag:$0x4] =	stream.indirect.gather [hbm4b:s5+s25], $0x80, s31, s25, $0xb8;
	[tilespmem:$0x1E800] =	vst v63  }
0x66: {  	_ =	swait.ge [sflag:s3], $0x2000  }
0x67: {  	[sflag:s3] =	ssyncset.done $0x0  }
0x68: {  	s26 =	simm.s32 $0x15400;
	[sflag:s3] =	ssyncadd.s32 $0xFFFFE000  }
0x69: {  	[spmem:s2] =	stream.indirect.scatter.add.f32 [tilespmem:s21], [sflag:$0x5], $0x80, s26, s25, $0xb8;
	[tilespmem:$0x1E800] =	vst v63  }
0x6a: {  	_ =	swait.ge [sflag:s8], $0x2000  }
0x6b: {  	[sflag:s8] =	ssyncset.done $0x0  }
0x6c: {  	s24 =	simm.s32 $0x15480;
	[sflag:s8] =	ssyncadd.s32 $0xFFFFE000  }
0x6d: {  	[spmem:s2] =	stream.indirect.scatter.add.f32 [tilespmem:s28], [sflag:$0x6], $0x80, s24, s25, $0xb8;
	[tilespmem:$0x1E800] =	vst v63  }
0x6e: {  	_ =	swait.ge [sflag:s9], $0x2000  }
0x6f: {  	[sflag:s9] =	ssyncset.done $0x0  }
0x70: {  	s26 =	simm.s32 $0x15500;
	[sflag:s9] =	ssyncadd.s32 $0xFFFFE000  }
0x71: {  	[spmem:s2] =	stream.indirect.scatter.add.f32 [tilespmem:s30], [sflag:$0x7], $0x80, s26, s25, $0xb8;
	[tilespmem:$0x1E800] =	vst v63  }
0x72: {  	_ =	swait.ge [sflag:s10], $0x2000  }
0x73: {  	[sflag:s10] =	ssyncset.done $0x0  }
0x74: {  	s24 =	simm.s32 $0x15580;
	[sflag:s10] =	ssyncadd.s32 $0xFFFFE000  }
0x75: {  	[spmem:s2] =	stream.indirect.scatter.add.f32 [tilespmem:s0], [sflag:$0x8], $0x80, s24, s25, $0xb8;
	[tilespmem:$0x1E800] =	vst v63  }
0x76: {  	_ =	swait.ge [sflag:s11], $0x2000  }
0x77: {  	[sflag:s11] =	ssyncset.done $0x0  }
0x78: {  	s26 =	simm.s32 $0x14200;
	[sflag:s11] =	ssyncadd.s32 $0xFFFFE000  }
0x79: {  	[tilespmem:s21], [sflag:$0x1] =	stream.indirect.gather [hbm4b:s5+s25], $0x80, s26, s25, $0xb8;
	[tilespmem:$0x1E800] =	vst v63  }
0x7a: {  	_ =	swait.ge [sflag:s12], $0x2000  }
0x7b: {  	[sflag:s12] =	ssyncset.done $0x0  }
0x7c: {  	s24 =	simm.s32 $0x14280;
	[sflag:s12] =	ssyncadd.s32 $0xFFFFE000  }
0x7d: {  	[tilespmem:s28], [sflag:$0x2] =	stream.indirect.gather [hbm4b:s5+s25], $0x80, s24, s25, $0xb8;
	[tilespmem:$0x1E800] =	vst v63  }
0x7e: {  	_ =	swait.ge [sflag:s13], $0x2000  }
0x7f: {  	[sflag:s13] =	ssyncset.done $0x0  }
0x80: {  	s26 =	simm.s32 $0x14300;
	[sflag:s13] =	ssyncadd.s32 $0xFFFFE000  }
0x81: {  	[tilespmem:s30], [sflag:$0x3] =	stream.indirect.gather [hbm4b:s5+s25], $0x80, s26, s25, $0xb8;
	[tilespmem:$0x1E800] =	vst v63  }
0x82: {  	_ =	swait.ge [sflag:s14], $0x2000  }
0x83: {  	[sflag:s14] =	ssyncset.done $0x0  }
0x84: {  	s1 =	simm.s32 $0x800;
	s24 =	simm.s32 $0x14380;
	[sflag:s14] =	ssyncadd.s32 $0xFFFFE000  }
.LBB2_5:
0x85: {  	[tilespmem:s0], [sflag:$0x4] =	stream.indirect.gather [hbm4b:s5+s25], $0x80, s24, s25, $0xb8;
	[tilespmem:$0x1E800] =	vst v63  }
0x86: {  	s24 =	smov.u32 s1  }
0x87: {  	p0 =	sne.s32 s1, $0x4000;
	s1 =	sadd.s32 $0x800, s1;
	_ =	swait.ge [sflag:s3], $0x2000  }
0x88: {  	s24 =	sshra.s32 s24, $0x2;
	[sflag:s3] =	ssyncset.done $0x0  }
0x89: {  	s26 =	sadd.s32 $0x15400, s24;
	[sflag:s3] =	ssyncadd.s32 $0xFFFFE000  }
0x8a: {  	[spmem:s2] =	stream.indirect.scatter.add.f32 [tilespmem:s21], [sflag:$0x5], $0x80, s26, s25, $0xb8;
	[tilespmem:$0x1E800] =	vst v63  }
0x8b: {  	_ =	swait.ge [sflag:s8], $0x2000  }
0x8c: {  	[sflag:s8] =	ssyncset.done $0x0  }
0x8d: {  	s26 =	sadd.s32 $0x15480, s24;
	[sflag:s8] =	ssyncadd.s32 $0xFFFFE000  }
0x8e: {  	[spmem:s2] =	stream.indirect.scatter.add.f32 [tilespmem:s28], [sflag:$0x6], $0x80, s26, s25, $0xb8;
	[tilespmem:$0x1E800] =	vst v63  }
0x8f: {  	_ =	swait.ge [sflag:s9], $0x2000  }
0x90: {  	[sflag:s9] =	ssyncset.done $0x0  }
0x91: {  	s26 =	sadd.s32 $0x15500, s24;
	[sflag:s9] =	ssyncadd.s32 $0xFFFFE000  }
0x92: {  	[spmem:s2] =	stream.indirect.scatter.add.f32 [tilespmem:s30], [sflag:$0x7], $0x80, s26, s25, $0xb8;
	[tilespmem:$0x1E800] =	vst v63  }
0x93: {  	_ =	swait.ge [sflag:s10], $0x2000  }
0x94: {  	[sflag:s10] =	ssyncset.done $0x0  }
0x95: {  	s26 =	sadd.s32 $0x15580, s24;
	[sflag:s10] =	ssyncadd.s32 $0xFFFFE000  }
0x96: {  	[spmem:s2] =	stream.indirect.scatter.add.f32 [tilespmem:s0], [sflag:$0x8], $0x80, s26, s25, $0xb8;
	[tilespmem:$0x1E800] =	vst v63  }
0x97: {  	_ =	swait.ge [sflag:s11], $0x2000  }
0x98: {  	[sflag:s11] =	ssyncset.done $0x0  }
0x99: {  	s26 =	sadd.s32 $0x14200, s24;
	[sflag:s11] =	ssyncadd.s32 $0xFFFFE000  }
0x9a: {  	[tilespmem:s21], [sflag:$0x1] =	stream.indirect.gather [hbm4b:s5+s25], $0x80, s26, s25, $0xb8;
	[tilespmem:$0x1E800] =	vst v63  }
0x9b: {  	_ =	swait.ge [sflag:s12], $0x2000  }
0x9c: {  	[sflag:s12] =	ssyncset.done $0x0  }
0x9d: {  	s26 =	sadd.s32 $0x14280, s24;
	[sflag:s12] =	ssyncadd.s32 $0xFFFFE000  }
0x9e: {  	[tilespmem:s28], [sflag:$0x2] =	stream.indirect.gather [hbm4b:s5+s25], $0x80, s26, s25, $0xb8;
	[tilespmem:$0x1E800] =	vst v63  }
0x9f: {  	_ =	swait.ge [sflag:s13], $0x2000  }
0xa0: {  	[sflag:s13] =	ssyncset.done $0x0  }
.Ltmp1:
0xa1: {  	s26 =	sadd.s32 $0x14300, s24;
	[sflag:s13] =	ssyncadd.s32 $0xFFFFE000;
	(pc) =	sbr.rel @p0 .LBB2_5-.Ltmp1, $4  }
0xa2: {  	[tilespmem:s30], [sflag:$0x3] =	stream.indirect.gather [hbm4b:s5+s25], $0x80, s26, s25, $0xb8;
	[tilespmem:$0x1E800] =	vst v63  }
0xa3: {  	_ =	swait.ge [sflag:s14], $0x2000  }
0xa4: {  	[sflag:s14] =	ssyncset.done $0x0  }
0xa5: {  	s24 =	sadd.s32 $0x14380, s24;
	[sflag:s14] =	ssyncadd.s32 $0xFFFFE000  }
0xa6: {  	[tilespmem:s0], [sflag:$0x4] =	stream.indirect.gather [hbm4b:s5+s25], $0x80, s24, s25, $0xb8;
	[tilespmem:$0x1E800] =	vst v63  }
0xa7: {  	_ =	swait.ge [sflag:s3], $0x2000  }
0xa8: {  	[sflag:s3] =	ssyncset.done $0x0  }
0xa9: {  	[sflag:s3] =	ssyncadd.s32 $0xFFFFE000  }
0xaa: {  	[spmem:s2] =	stream.indirect.scatter.add.f32 [tilespmem:s21], [sflag:$0x5], $0x80, s15, s25, $0xb8;
	[tilespmem:$0x1E800] =	vst v63  }
0xab: {  	_ =	swait.ge [sflag:s8], $0x2000  }
0xac: {  	[sflag:s8] =	ssyncset.done $0x0  }
0xad: {  	[sflag:s8] =	ssyncadd.s32 $0xFFFFE000  }
0xae: {  	[spmem:s2] =	stream.indirect.scatter.add.f32 [tilespmem:s28], [sflag:$0x6], $0x80, s17, s25, $0xb8;
	[tilespmem:$0x1E800] =	vst v63  }
0xaf: {  	_ =	swait.ge [sflag:s9], $0x2000  }
0xb0: {  	[sflag:s9] =	ssyncset.done $0x0  }
0xb1: {  	[sflag:s9] =	ssyncadd.s32 $0xFFFFE000  }
0xb2: {  	[spmem:s2] =	stream.indirect.scatter.add.f32 [tilespmem:s30], [sflag:$0x7], $0x80, s19, s25, $0xb8;
	[tilespmem:$0x1E800] =	vst v63  }
0xb3: {  	_ =	swait.ge [sflag:s10], $0x2000  }
0xb4: {  	[sflag:s10] =	ssyncset.done $0x0  }
0xb5: {  	[sflag:s10] =	ssyncadd.s32 $0xFFFFE000  }
0xb6: {  	[spmem:s2] =	stream.indirect.scatter.add.f32 [tilespmem:s0], [sflag:$0x8], $0x80, s20, s25, $0xb8;
	[tilespmem:$0x1E800] =	vst v63  }
0xb7: {  	_ =	swait.ge [sflag:s11], $0x2000  }
0xb8: {  	[sflag:s11] =	ssyncset.done $0x0  }
0xb9: {  	[sflag:s11] =	ssyncadd.s32 $0xFFFFE000  }
0xba: {  	_ =	swait.ge [sflag:s12], $0x2000  }
0xbb: {  	[sflag:s12] =	ssyncset.done $0x0  }
0xbc: {  	s4 =	sadd.s32 $0x1, s4;
	[sflag:s12] =	ssyncadd.s32 $0xFFFFE000  }
0xbd: {  	p0 =	sne.s32 s4, $0x4;
	_ =	swait.ge [sflag:s13], $0x2000  }
.Ltmp2:
0xbe: {  	[sflag:s13] =	ssyncset.done $0x0;
	(pc) =	sbr.rel @p0 .LBB2_4-.Ltmp2, $4  }
0xbf: {  	[sflag:s13] =	ssyncadd.s32 $0xFFFFE000  }
0xc0: {  	_ =	swait.ge [sflag:s14], $0x2000  }
0xc1: {  	[sflag:s14] =	ssyncset.done $0x0  }
0xc2: {  	[sflag:s14] =	ssyncadd.s32 $0xFFFFE000  }
0xc3: {  	s1 =	stileid.u32;
	[bflag:$0x0] =	sbarrier.arrive $0xFFFF  }
0xc4: {  	s1 =	sshll.u32 s1, $0x6;
	s7 =	rddreg [dreg:$0x5]  }
0xc5: {  	s24 =	rddreg [dreg:$0xf];
	s1 =	sor.u32 $0x1C09, s1;
	s4 =	sshrl.u32 s7, $0x3  }
0xc6: {  	[hbm:s24], [sflag:s1] =	dma.local [spmem:s4], $0x2800  }
0xc7: {  	_ =	swait.ge [sflag:s22], $0x2800  }
0xc8: {  	s4 =	rddreg [dreg:$0x4]  }
0xc9: {  	s26 =	rddreg [dreg:$0x10];
	s24 =	sadd.s32 $0x1, s4  }
0xca: {  	p0 =	sne.s32 s24, s26  }
.Ltmp3:
0xcb: {  	_ = 	snop;
	(pc) =	sbr.rel @p0 .LBB2_1-.Ltmp3, $3  }
0xcc: {  	_ =	sdelay $0x1  }
0xcd: {  	[sflag:s22] =	ssyncset.done $0x0  }
0xce: {  	[sflag:s22] =	ssyncadd.s32 $0xFFFFD800  }
0xcf: {  	_ =	sfence.sel $0x180000  }
0xd0: {  	[bflag:$0x0] =	sbarrier.arrive $0xFFFF  }
0xd1: {  	_ =	strace $0x90000050  }
0xd2: {  	s0 =	stileid.u32;
	[bflag:$0x2] =	sbarrier.arrive $0xFFFF  }
0xd3: {  	p0 =	sne.s32 s0, $0x0;
	s0 =	rddreg [dreg:$0x3]  }
0xd4: {  	s0 =	sadd.s32 @!p0 $0x100000, s0  }
0xd5: {  	[sflag:s0] =	ssyncadd.tile.s32 @!p0 $0x1;
	_ =	shalt  }
.Lfunc_end2:
_tile_overlayer_lowered:
.L_overlay_start_2:
0xd6: {  	(tag) =	ssettag $0x2  }
0xd7: {  	s0 =	rddreg [dreg:$0x0];
	s2 =	stileid.u32  }
0xd8: {  	s1 =	rddreg [dreg:$0x1];
	p0 =	sne.s32 s2, $0x0  }
0xd9: {  	s3 =	rddreg [dreg:$0x2];
	[bflag:$0x3] =	sbarrier.arrive $0xFFFF;
	s2 =	simm.s32 @!p0 $0x1C09  }
0xda: {  	[timem:s3], [sflag:s2] =	dma.local @!p0 [hbm:s0], s1  }
0xdb: {  	s0 =	simm.s32 @!p0 $0x9  }
0xdc: {  	_ =	swait.ge @!p0 [sflag:s0], s1  }
0xdd: {  	s1 =	ssub.s32 @!p0 $0x0, s1;
	[sflag:s0] =	ssyncset.done @!p0 $0x0  }
0xde: {  	[sflag:s0] =	ssyncadd.s32 @!p0 s1  }
0xdf: {  	[bflag:$0x3] =	sbarrier.arrive $0xFFFF  }
0xe0: {  	_ =	shalt  }

</sc_bundles>
